<compile_context>
chip_gen: v7x
topology: tpu7x:2x2x1
jax: 0.10.2.dev20260603
libtpu: 0.0.44.dev20260713+nightly
codegen_flags: <defaults>
</compile_context>

<pallas_src>
import functools

import jax
import jax.numpy as jnp
import numpy as np
from jax import lax
from jax.experimental import pallas as pl
from jax.experimental.pallas import tpu as pltpu
from jax.experimental.pallas import tpu_sc as plsc

N = 10000
E = 320000
D = 128
H = 8
DH = 16
HC = H // 2
ACC_W = 72

C = 64
IW = 128
EROWS = E // IW
SLAB = 160
RPT = 1000

ROWS = 1000
GRID = N // ROWS

_NCH = [157 if t < 4 else 156 for t in range(16)]
_RS = [157 * t if t < 4 else 628 + 156 * (t - 4) for t in range(16)]
_ROWMAP = np.array(
    [[_RS[t] + r if r < _NCH[t] else EROWS for r in range(SLAB)] for t in range(16)],
    dtype=np.int32,
)


def _qkv_body(h_ref, wq_ref, wk_ref, wv_ref, q_ref, kvh_ref):
    x = h_ref[...]
    q = jnp.dot(x, wq_ref[...], preferred_element_type=jnp.float32)
    k = jnp.dot(x, wk_ref[...], preferred_element_type=jnp.float32)
    v = jnp.dot(x, wv_ref[...], preferred_element_type=jnp.float32)
    half = HC * DH
    q_ref[...] = q
    kvh_ref[0] = jnp.concatenate([k[:, :half], v[:, :half]], axis=1)
    kvh_ref[1] = jnp.concatenate([k[:, half:], v[:, half:]], axis=1)


def _qkv(h, WQ, WK, WV):
    return pl.pallas_call(
        _qkv_body,
        grid=(GRID,),
        in_specs=[
            pl.BlockSpec((ROWS, D), lambda i: (i, 0)),
            pl.BlockSpec((D, D), lambda i: (0, 0)),
            pl.BlockSpec((D, D), lambda i: (0, 0)),
            pl.BlockSpec((D, D), lambda i: (0, 0)),
        ],
        out_specs=[
            pl.BlockSpec((ROWS, D), lambda i: (i, 0)),
            pl.BlockSpec((2, ROWS, D), lambda i: (0, i, 0)),
        ],
        out_shape=[
            jax.ShapeDtypeStruct((N, D), jnp.float32),
            jax.ShapeDtypeStruct((2, N, D), jnp.float32),
        ],
    )(h, WQ, WK, WV)


def _edge_body(srcg_ref, dst_ref, q_ref, kvh_ref, out_ref,
               src_t, dst_t, dstl_row, kv0, kv1, q0, q1, out_b, acc_sh,
               sem_kv0, sem_kv1, sem_q0, sem_q1):
    cid = lax.axis_index("c")
    sid = lax.axis_index("s")

    nch = jnp.where(sid < 4, 2 * 157, 2 * 156)

    pltpu.sync_copy(srcg_ref.at[cid * 16 + sid], src_t)
    pltpu.sync_copy(dst_ref.at[sid], dst_t)

    @pl.loop(0, C)
    def _(ee):
        for j in range(4):
            out_b[ee, pl.ds(j * 16, 16)] = jnp.zeros((16,), jnp.float32)
        out_b[ee, pl.ds(ACC_W - 16, 16)] = jnp.zeros((16,), jnp.float32)

    @pl.when(sid < N // RPT)
    def _():
        @pl.loop(0, RPT // 40)
        def _(j):
            pltpu.sync_copy(out_b.at[pl.ds(0, 40)],
                            acc_sh.at[pl.ds(sid * RPT + j * 40, 40)])

    plsc.subcore_barrier()

    kvbufs = (kv0, kv1)
    qbufs = (q0, q1)
    semkv = (sem_kv0, sem_kv1)
    semq = (sem_q0, sem_q1)

    def issue(g, b):
        r = g // 2
        hf = (g % 2) * C
        pltpu.async_copy(kvh_ref.at[src_t.at[r, pl.ds(hf, C)]], kvbufs[b], semkv[b])
        pltpu.async_copy(q_ref.at[dst_t.at[r, pl.ds(hf, C)]], qbufs[b], semq[b])

    def wait(b):
        pltpu.make_async_copy(kvh_ref.at[src_t.at[0, pl.ds(0, C)]], kvbufs[b], semkv[b]).wait()
        pltpu.make_async_copy(q_ref.at[dst_t.at[0, pl.ds(0, C)]], qbufs[b], semq[b]).wait()

    def compute(g, b):
        kvb = kvbufs[b]
        qb = qbufs[b]

        @pl.loop(0, C // 16)
        def _(e16):
            lane = lax.broadcasted_iota(jnp.int32, (16,), 0)
            eidx = e16 * 16 + lane
            rots = [(lane + t) & 15 for t in range(DH)]
            qoff = cid * (HC * DH)
            for hh in range(HC):
                base = hh * DH
                colvs = [rots[t] + base for t in range(DH)]
                a0 = jnp.zeros((16,), jnp.float32)
                a1 = jnp.zeros((16,), jnp.float32)
                a2 = jnp.zeros((16,), jnp.float32)
                a3 = jnp.zeros((16,), jnp.float32)
                for t in range(DH):
                    colv = colvs[t]
                    kvals = plsc.load_gather(kvb, [eidx, colv])
                    qvals = plsc.load_gather(qb, [eidx, colv + qoff])
                    prod = kvals * qvals
                    if t % 4 == 0:
                        a0 = a0 + prod
                    elif t % 4 == 1:
                        a1 = a1 + prod
                    elif t % 4 == 2:
                        a2 = a2 + prod
                    else:
                        a3 = a3 + prod
                s = (a0 + a1) + (a2 + a3)
                w = jnp.exp(jnp.clip(s * 0.25, -5.0, 5.0))
                plsc.store_scatter(out_b, [eidx, jnp.full((16,), HC * DH + hh, jnp.int32)], w)
                for t in range(DH):
                    colv = colvs[t]
                    vvals = plsc.load_gather(kvb, [eidx, colv + (HC * DH)])
                    plsc.store_scatter(out_b, [eidx, colv], w * vvals)

        r = g // 2
        hf = (g % 2) * C

        @pl.loop(0, C // 16)
        def _(jj):
            dstl_row[pl.ds(jj * 16, 16)] = dst_t[r, pl.ds(hf + jj * 16, 16)]

        pltpu.sync_copy(out_b, acc_sh.at[dstl_row], add=True)

    issue(0, 0)

    @pl.loop(0, 314, step=2)
    def _(g):
        for b in range(2):
            gi = g + b

            @pl.when(gi < nch)
            def _():
                @pl.when(gi + 1 < nch)
                def _():
                    issue(gi + 1, 1 - b)

                wait(b)
                compute(gi, b)

    plsc.subcore_barrier()

    @pl.when(sid < N // RPT)
    def _():
        @pl.loop(0, RPT // 40)
        def _(j):
            pltpu.sync_copy(acc_sh.at[pl.ds(sid * RPT + j * 40, 40)],
                            out_ref.at[pl.ds(cid * N + sid * RPT + j * 40, 40),
                                       pl.ds(0, ACC_W)])


@functools.partial(
    pl.kernel,
    out_type=jax.ShapeDtypeStruct((2 * N, D), jnp.float32),
    mesh=plsc.VectorSubcoreMesh(core_axis_name="c", subcore_axis_name="s"),
    compiler_params=pltpu.CompilerParams(use_tc_tiling_on_sc=False, needs_layout_passes=False),
    scratch_types=[
        pltpu.VMEM((SLAB, IW), jnp.int32),
        pltpu.VMEM((SLAB, IW), jnp.int32),
        pltpu.VMEM((C,), jnp.int32),
        pltpu.VMEM((C, D), jnp.float32),
        pltpu.VMEM((C, D), jnp.float32),
        pltpu.VMEM((C, D), jnp.float32),
        pltpu.VMEM((C, D), jnp.float32),
        pltpu.VMEM((C, ACC_W), jnp.float32),
        pltpu.VMEM_SHARED((N, ACC_W), jnp.float32),
        pltpu.SemaphoreType.DMA,
        pltpu.SemaphoreType.DMA,
        pltpu.SemaphoreType.DMA,
        pltpu.SemaphoreType.DMA,
    ],
)
def _edge_sc(srcg_ref, dst_ref, q_ref, kvh_ref, out_ref,
             src_t, dst_t, dstl_row, kv0, kv1, q0, q1, out_b, acc_sh,
             sem_kv0, sem_kv1, sem_q0, sem_q1):
    _edge_body(srcg_ref, dst_ref, q_ref, kvh_ref, out_ref,
               src_t, dst_t, dstl_row, kv0, kv1, q0, q1, out_b, acc_sh,
               sem_kv0, sem_kv1, sem_q0, sem_q1)


def _attnout_body(acca_ref, accb_ref, h_ref, wo_ref, bo_ref, h1_ref, stats_ref):
    acca = acca_ref[...]
    accb = accb_ref[...]
    zcol = HC * DH
    z = jnp.concatenate([acca[:, zcol:zcol + HC], accb[:, zcol:zcol + HC]], axis=1)
    zr = 1.0 / (z + 1e-6)
    hsel = lax.broadcasted_iota(jnp.int32, (H, D), 0)
    dsel = lax.broadcasted_iota(jnp.int32, (H, D), 1) // DH
    expand = (hsel == dsel).astype(jnp.float32)
    zfull = jnp.dot(zr, expand, preferred_element_type=jnp.float32)
    accv = jnp.concatenate([acca[:, :zcol], accb[:, :zcol]], axis=1)
    h_attn = accv * zfull
    h_out = jnp.dot(h_attn, wo_ref[...], preferred_element_type=jnp.float32)
    h1 = h_ref[...] + h_out + bo_ref[...]
    h1_ref[...] = h1
    s = jnp.concatenate(
        [jnp.sum(h1, axis=0, keepdims=True), jnp.sum(h1 * h1, axis=0, keepdims=True)], axis=0
    )

    @pl.when(pl.program_id(0) == 0)
    def _():
        stats_ref[...] = jnp.zeros_like(stats_ref)

    stats_ref[...] += s


def _attnout(acc2, h, WO, bO):
    return pl.pallas_call(
        _attnout_body,
        grid=(GRID,),
        in_specs=[
            pl.BlockSpec((ROWS, D), lambda i: (i, 0)),
            pl.BlockSpec((ROWS, D), lambda i: (GRID + i, 0)),
            pl.BlockSpec((ROWS, D), lambda i: (i, 0)),
            pl.BlockSpec((D, D), lambda i: (0, 0)),
            pl.BlockSpec((1, D), lambda i: (0, 0)),
        ],
        out_specs=[
            pl.BlockSpec((ROWS, D), lambda i: (i, 0)),
            pl.BlockSpec((2, D), lambda i: (0, 0)),
        ],
        out_shape=[
            jax.ShapeDtypeStruct((N, D), jnp.float32),
            jax.ShapeDtypeStruct((2, D), jnp.float32),
        ],
    )(acc2, acc2, h, WO, bO.reshape(1, D))


def _bn_ffn_body(h1_ref, stats_ref, g_ref, b_ref, w1_ref, b1_ref, w2_ref, b2_ref,
                 h3_ref, stats2_ref):
    s = stats_ref[...]
    mu = s[0:1, :] / N
    var = s[1:2, :] / N - mu * mu
    scale = g_ref[...] * lax.rsqrt(var + 1e-5)
    hn = (h1_ref[...] - mu) * scale + b_ref[...]
    a = jnp.dot(hn, w1_ref[...], preferred_element_type=jnp.float32) + b1_ref[...]
    a = jnp.maximum(a, 0.0)
    h2 = jnp.dot(a, w2_ref[...], preferred_element_type=jnp.float32) + b2_ref[...]
    h3 = hn + h2
    h3_ref[...] = h3
    s2 = jnp.concatenate(
        [jnp.sum(h3, axis=0, keepdims=True), jnp.sum(h3 * h3, axis=0, keepdims=True)], axis=0
    )

    @pl.when(pl.program_id(0) == 0)
    def _():
        stats2_ref[...] = jnp.zeros_like(stats2_ref)

    stats2_ref[...] += s2


def _bn_ffn(h1, stats, bn1_g, bn1_b, W1, b1, W2, b2):
    return pl.pallas_call(
        _bn_ffn_body,
        grid=(GRID,),
        in_specs=[
            pl.BlockSpec((ROWS, D), lambda i: (i, 0)),
            pl.BlockSpec((2, D), lambda i: (0, 0)),
            pl.BlockSpec((1, D), lambda i: (0, 0)),
            pl.BlockSpec((1, D), lambda i: (0, 0)),
            pl.BlockSpec((D, 2 * D), lambda i: (0, 0)),
            pl.BlockSpec((1, 2 * D), lambda i: (0, 0)),
            pl.BlockSpec((2 * D, D), lambda i: (0, 0)),
            pl.BlockSpec((1, D), lambda i: (0, 0)),
        ],
        out_specs=[
            pl.BlockSpec((ROWS, D), lambda i: (i, 0)),
            pl.BlockSpec((2, D), lambda i: (0, 0)),
        ],
        out_shape=[
            jax.ShapeDtypeStruct((N, D), jnp.float32),
            jax.ShapeDtypeStruct((2, D), jnp.float32),
        ],
    )(h1, stats, bn1_g.reshape(1, D), bn1_b.reshape(1, D), W1, b1.reshape(1, 2 * D),
      W2, b2.reshape(1, D))


def _bn2_body(h3_ref, stats_ref, g_ref, b_ref, out_ref):
    s = stats_ref[...]
    mu = s[0:1, :] / N
    var = s[1:2, :] / N - mu * mu
    scale = g_ref[...] * lax.rsqrt(var + 1e-5)
    out_ref[...] = (h3_ref[...] - mu) * scale + b_ref[...]


def _bn2(h3, stats2, bn2_g, bn2_b):
    return pl.pallas_call(
        _bn2_body,
        grid=(GRID,),
        in_specs=[
            pl.BlockSpec((ROWS, D), lambda i: (i, 0)),
            pl.BlockSpec((2, D), lambda i: (0, 0)),
            pl.BlockSpec((1, D), lambda i: (0, 0)),
            pl.BlockSpec((1, D), lambda i: (0, 0)),
        ],
        out_specs=pl.BlockSpec((ROWS, D), lambda i: (i, 0)),
        out_shape=jax.ShapeDtypeStruct((N, D), jnp.float32),
    )(h3, stats2, bn2_g.reshape(1, D), bn2_b.reshape(1, D))


def kernel(h, p, e, edge_index, WQ, WK, WE, WV, WO, bO, bn1_g, bn1_b, W1, b1, W2, b2,
           bn2_g, bn2_b):
    q, kvh3 = _qkv(h, WQ, WK, WV)
    kvh2 = kvh3.reshape(2 * N, D)
    rowmap = jnp.asarray(_ROWMAP)
    src2d = jnp.concatenate(
        [edge_index[0].reshape(EROWS, IW), jnp.zeros((1, IW), jnp.int32)], axis=0
    )
    dst2d = jnp.concatenate(
        [edge_index[1].reshape(EROWS, IW), jnp.zeros((1, IW), jnp.int32)], axis=0
    )
    src_slabs = jnp.take(src2d, rowmap, axis=0)
    dst_slabs = jnp.take(dst2d, rowmap, axis=0)
    srcg = jnp.concatenate([src_slabs, src_slabs + N], axis=0)
    acc2 = _edge_sc(srcg, dst_slabs, q, kvh2)
    h1, stats = _attnout(acc2, h, WO, bO)
    h3, stats2 = _bn_ffn(h1, stats, bn1_g, bn1_b, W1, b1, W2, b2)
    return _bn2(h3, stats2, bn2_g, bn2_b)

# --- scband reference (transcript-rebuilt; emitter-appended) ---
"""Pipeline reference for scband-batched-transformer-layer-68332929679619 (READ-ONLY COPY).

The authoritative reference and input builder live on the scoring server;
editing this copy changes nothing except your own understanding.
"""

import jax, jax.numpy as jnp
import numpy as np

N = 10000
E = 320000
D = 128
H = 8
DH = D // H  # 16


def setup_inputs(seed: int = 0) -> dict:
    key = jax.random.key(seed)
    ks = jax.random.split(key, 20)
    inp = {}
    inp["h"] = jax.random.normal(ks[0], (N, D), dtype=jnp.float32)
    inp["p"] = jax.random.normal(ks[1], (N, D), dtype=jnp.float32)
    inp["e"] = jax.random.normal(ks[2], (E, D), dtype=jnp.float32)
    inp["edge_index"] = jax.random.randint(ks[3], (2, E), 0, N, dtype=jnp.int32)
    # learned parameters (use_bias=False for Q/K/E/V; O_h and FFN have bias)
    s = 0.05
    inp["WQ"] = jax.random.normal(ks[4], (D, D), dtype=jnp.float32) * s
    inp["WK"] = jax.random.normal(ks[5], (D, D), dtype=jnp.float32) * s
    inp["WE"] = jax.random.normal(ks[6], (D, D), dtype=jnp.float32) * s
    inp["WV"] = jax.random.normal(ks[7], (D, D), dtype=jnp.float32) * s
    inp["WO"] = jax.random.normal(ks[8], (D, D), dtype=jnp.float32) * s
    inp["bO"] = jnp.zeros((D,), dtype=jnp.float32)
    inp["bn1_g"] = jnp.ones((D,), dtype=jnp.float32)
    inp["bn1_b"] = jnp.zeros((D,), dtype=jnp.float32)
    inp["W1"] = jax.random.normal(ks[9], (D, 2 * D), dtype=jnp.float32) * s
    inp["b1"] = jnp.zeros((2 * D,), dtype=jnp.float32)
    inp["W2"] = jax.random.normal(ks[10], (2 * D, D), dtype=jnp.float32) * s
    inp["b2"] = jnp.zeros((D,), dtype=jnp.float32)
    inp["bn2_g"] = jnp.ones((D,), dtype=jnp.float32)
    inp["bn2_b"] = jnp.zeros((D,), dtype=jnp.float32)
    return inp


def reference(h, p, e, edge_index, WQ, WK, WE, WV, WO, bO, bn1_g, bn1_b, W1, b1, W2, b2, bn2_g, bn2_b):
    n = h.shape[0]
    src = edge_index[0]
    dst = edge_index[1]
    # BatchedAttentionLayer (use_edge=False): Q/K/V projections, E computed but unused in score
    Q_h = (h @ WQ).reshape(n, H, DH)
    K_h = (h @ WK).reshape(n, H, DH)
    V_h = (h @ WV).reshape(n, H, DH)
    E_e = (e @ WE).reshape(-1, H, DH)  # computed for faithfulness; not used in score path
    # score = K_h[src] * Q_h[dst], scaled by sqrt(out_dim)
    score = (K_h[src] * Q_h[dst]) / np.sqrt(DH)
    score_soft = jnp.exp(jnp.clip(jnp.sum(score, axis=-1, keepdims=True), -5.0, 5.0))  # [E, H, 1]
    # wV[dst] += V_h[src] * score_soft ; z[dst] += score_soft
    wV = jax.ops.segment_sum(V_h[src] * score_soft, dst, num_segments=n)  # [N, H, DH]
    z = jax.ops.segment_sum(score_soft, dst, num_segments=n)  # [N, H, 1]
    h_attn = wV / (z + 1e-6)
    h_out = h_attn.reshape(n, D)
    # dropout p=0.0 -> identity
    h_out = h_out @ WO + bO
    # residual
    h1 = h + h_out
    # BatchNorm1d (training mode: batch statistics, biased var, eps=1e-5)
    mu1 = jnp.mean(h1, axis=0)
    var1 = jnp.var(h1, axis=0)
    h1 = (h1 - mu1) / jnp.sqrt(var1 + 1e-5) * bn1_g + bn1_b
    # FFN
    h2 = jnp.maximum(h1 @ W1 + b1, 0.0)
    h2 = h2 @ W2 + b2
    # residual
    h3 = h1 + h2
    mu2 = jnp.mean(h3, axis=0)
    var2 = jnp.var(h3, axis=0)
    h3 = (h3 - mu2) / jnp.sqrt(var2 + 1e-5) * bn2_g + bn2_b
    return h3

if __name__ == "__main__":
    import jax
    _d = setup_inputs()
    print(jax.jit(kernel)(*tuple(_d.values())))

</pallas_src>

<mosaic_0001>
#map = affine_map<(d0, d1) -> (0, 0, 0)>
#map1 = affine_map<(d0, d1) -> (0, 0)>
module attributes {stable_mosaic.version = 14 : i64} {
  func.func @_edge_sc(%arg0: i32, %arg1: i32, %arg2: memref<32x160x128xi32, #tpu.memory_space<hbm>>, %arg3: memref<16x160x128xi32, #tpu.memory_space<hbm>>, %arg4: memref<10000x128xf32, #tpu.memory_space<hbm>>, %arg5: memref<20000x128xf32, #tpu.memory_space<hbm>>, %arg6: memref<20000x128xf32, #tpu.memory_space<hbm>>, %arg7: memref<160x128xi32, #tpu.memory_space<vmem>>, %arg8: memref<160x128xi32, #tpu.memory_space<vmem>>, %arg9: memref<64xi32, #tpu.memory_space<vmem>>, %arg10: memref<64x128xf32, #tpu.memory_space<vmem>>, %arg11: memref<64x128xf32, #tpu.memory_space<vmem>>, %arg12: memref<64x128xf32, #tpu.memory_space<vmem>>, %arg13: memref<64x128xf32, #tpu.memory_space<vmem>>, %arg14: memref<64x72xf32, #tpu.memory_space<vmem>>, %arg15: memref<10000x72xf32, #tpu.memory_space<vmem_shared>>, %arg16: memref<!tpu.dma_semaphore, #tpu.memory_space<semaphore_mem>>, %arg17: memref<!tpu.dma_semaphore, #tpu.memory_space<semaphore_mem>>, %arg18: memref<!tpu.dma_semaphore, #tpu.memory_space<semaphore_mem>>, %arg19: memref<!tpu.dma_semaphore, #tpu.memory_space<semaphore_mem>>) attributes {dimension_semantics = [#tpu.dimension_semantics<core_parallel>, #tpu.dimension_semantics<subcore_parallel>], iteration_bounds = array<i64: 2, 16>, scalar_prefetch = 0 : i64, scratch_operands = 13 : i64, tpu.core_type = #tpu.core_type<sc_vector_subcore>, window_params = [{transform_indices = #map}, {transform_indices = #map}, {transform_indices = #map1}, {transform_indices = #map1}, {transform_indices = #map1}]} {
    %lt3A = arith.constant 4 : i32
    %lt3A_0 = arith.cmpi slt, %arg1, %lt3A : i32
    %jit3A = arith.constant 314 : i32
    %jit3A_1 = arith.constant 312 : i32
    %select_n3A = arith.select %lt3A_0, %jit3A, %jit3A_1 : i32
    %mul3A = arith.constant 16 : i32
    %mul3A_2 = arith.muli %arg0, %mul3A : i32
    %add3A = arith.addi %mul3A_2, %arg1 : i32
    "tpu.region"() ({
      %run_scoped3A = tpu.sem_alloc : memref<!tpu.dma_semaphore, #tpu.memory_space<semaphore_mem>>
      %dma_start3A_34 = arith.constant 0 : i32
      %dma_start3A_35 = arith.constant 0 : i32
      %dma_start3A_36 = tpu.memref_slice %arg2[%add3A, %dma_start3A_34, %dma_start3A_35] : memref<32x160x128xi32, #tpu.memory_space<hbm>> -> memref<1x160x128xi32, #tpu.memory_space<hbm>>
      %dma_start3A_37 = tpu.memref_squeeze %dma_start3A_36 : memref<1x160x128xi32, #tpu.memory_space<hbm>> -> memref<160x128xi32, #tpu.memory_space<hbm>>
      %dma_start3A_38 = arith.constant 0 : i32
      %dma_start3A_39 = arith.constant 0 : i32
      %dma_start3A_40 = tpu.memref_slice %arg2[%add3A, %dma_start3A_38, %dma_start3A_39] : memref<32x160x128xi32, #tpu.memory_space<hbm>> -> memref<1x160x128xi32, #tpu.memory_space<hbm>>
      %dma_start3A_41 = tpu.memref_squeeze %dma_start3A_40 : memref<1x160x128xi32, #tpu.memory_space<hbm>> -> memref<160x128xi32, #tpu.memory_space<hbm>>
      tpu.enqueue_dma source(%dma_start3A_41 : memref<160x128xi32, #tpu.memory_space<hbm>>) target(%arg7 : memref<160x128xi32, #tpu.memory_space<vmem>>) target_semaphore(%run_scoped3A : memref<!tpu.dma_semaphore, #tpu.memory_space<semaphore_mem>>)
      %dma_wait3A = arith.constant 0 : i32
      %dma_wait3A_42 = arith.constant 0 : i32
      %dma_wait3A_43 = tpu.memref_slice %arg2[%add3A, %dma_wait3A, %dma_wait3A_42] : memref<32x160x128xi32, #tpu.memory_space<hbm>> -> memref<1x160x128xi32, #tpu.memory_space<hbm>>
      %dma_wait3A_44 = tpu.memref_squeeze %dma_wait3A_43 : memref<1x160x128xi32, #tpu.memory_space<hbm>> -> memref<160x128xi32, #tpu.memory_space<hbm>>
      %dma_wait3A_45 = arith.constant 0 : i32
      %dma_wait3A_46 = arith.constant 0 : i32
      %dma_wait3A_47 = tpu.memref_slice %arg2[%add3A, %dma_wait3A_45, %dma_wait3A_46] : memref<32x160x128xi32, #tpu.memory_space<hbm>> -> memref<1x160x128xi32, #tpu.memory_space<hbm>>
      %dma_wait3A_48 = tpu.memref_squeeze %dma_wait3A_47 : memref<1x160x128xi32, #tpu.memory_space<hbm>> -> memref<160x128xi32, #tpu.memory_space<hbm>>
      tpu.wait_dma2 semaphore(%run_scoped3A : memref<!tpu.dma_semaphore, #tpu.memory_space<semaphore_mem>>) src(%dma_wait3A_48 : memref<160x128xi32, #tpu.memory_space<hbm>>) dst(%arg7 : memref<160x128xi32, #tpu.memory_space<vmem>>)
      tpu.yield
    }) : () -> ()
    "tpu.region"() ({
      %run_scoped3A = tpu.sem_alloc : memref<!tpu.dma_semaphore, #tpu.memory_space<semaphore_mem>>
      %dma_start3A_34 = arith.constant 0 : i32
      %dma_start3A_35 = arith.constant 0 : i32
      %dma_start3A_36 = tpu.memref_slice %arg3[%arg1, %dma_start3A_34, %dma_start3A_35] : memref<16x160x128xi32, #tpu.memory_space<hbm>> -> memref<1x160x128xi32, #tpu.memory_space<hbm>>
      %dma_start3A_37 = tpu.memref_squeeze %dma_start3A_36 : memref<1x160x128xi32, #tpu.memory_space<hbm>> -> memref<160x128xi32, #tpu.memory_space<hbm>>
      %dma_start3A_38 = arith.constant 0 : i32
      %dma_start3A_39 = arith.constant 0 : i32
      %dma_start3A_40 = tpu.memref_slice %arg3[%arg1, %dma_start3A_38, %dma_start3A_39] : memref<16x160x128xi32, #tpu.memory_space<hbm>> -> memref<1x160x128xi32, #tpu.memory_space<hbm>>
      %dma_start3A_41 = tpu.memref_squeeze %dma_start3A_40 : memref<1x160x128xi32, #tpu.memory_space<hbm>> -> memref<160x128xi32, #tpu.memory_space<hbm>>
      tpu.enqueue_dma source(%dma_start3A_41 : memref<160x128xi32, #tpu.memory_space<hbm>>) target(%arg8 : memref<160x128xi32, #tpu.memory_space<vmem>>) target_semaphore(%run_scoped3A : memref<!tpu.dma_semaphore, #tpu.memory_space<semaphore_mem>>)
      %dma_wait3A = arith.constant 0 : i32
      %dma_wait3A_42 = arith.constant 0 : i32
      %dma_wait3A_43 = tpu.memref_slice %arg3[%arg1, %dma_wait3A, %dma_wait3A_42] : memref<16x160x128xi32, #tpu.memory_space<hbm>> -> memref<1x160x128xi32, #tpu.memory_space<hbm>>
      %dma_wait3A_44 = tpu.memref_squeeze %dma_wait3A_43 : memref<1x160x128xi32, #tpu.memory_space<hbm>> -> memref<160x128xi32, #tpu.memory_space<hbm>>
      %dma_wait3A_45 = arith.constant 0 : i32
      %dma_wait3A_46 = arith.constant 0 : i32
      %dma_wait3A_47 = tpu.memref_slice %arg3[%arg1, %dma_wait3A_45, %dma_wait3A_46] : memref<16x160x128xi32, #tpu.memory_space<hbm>> -> memref<1x160x128xi32, #tpu.memory_space<hbm>>
      %dma_wait3A_48 = tpu.memref_squeeze %dma_wait3A_47 : memref<1x160x128xi32, #tpu.memory_space<hbm>> -> memref<160x128xi32, #tpu.memory_space<hbm>>
      tpu.wait_dma2 semaphore(%run_scoped3A : memref<!tpu.dma_semaphore, #tpu.memory_space<semaphore_mem>>) src(%dma_wait3A_48 : memref<160x128xi32, #tpu.memory_space<hbm>>) dst(%arg8 : memref<160x128xi32, #tpu.memory_space<vmem>>)
      tpu.yield
    }) : () -> ()
    %scan3A = arith.constant 0 : i32
    %scan3A_3 = arith.constant 64 : i32
    %scan3A_4 = arith.addi %scan3A, %scan3A_3 : i32
    %scan3A_5 = arith.constant 1 : i32
    scf.for %scan3A_34 = %scan3A to %scan3A_4 step %scan3A_5  : i32 {
      %mul3A_35 = arith.constant 1 : i32
      %mul3A_36 = arith.muli %scan3A_34, %mul3A_35 : i32
      %add3A_37 = arith.constant 0 : i32
      %add3A_38 = arith.addi %add3A_37, %mul3A_36 : i32
      %broadcast_in_dim3A = arith.constant 0.000000e+00 : f32
      %broadcast_in_dim3A_39 = vector.broadcast %broadcast_in_dim3A : f32 to vector<16xf32>
      %swap3A = arith.index_cast %add3A_38 : i32 to index
      %swap3A_40 = arith.constant 0 : index
      %swap3A_41 = tpu.vector_load %arg14[%swap3A, %swap3A_40] {strides = array<i32>} : memref<64x72xf32, #tpu.memory_space<vmem>>, vector<16xf32>,
      tpu.vector_store %arg14[%swap3A, %swap3A_40], %broadcast_in_dim3A_39 {strides = array<i32>} : memref<64x72xf32, #tpu.memory_space<vmem>>, vector<16xf32>,
      %broadcast_in_dim3A_42 = arith.constant 0.000000e+00 : f32
      %broadcast_in_dim3A_43 = vector.broadcast %broadcast_in_dim3A_42 : f32 to vector<16xf32>
      %swap3A_44 = arith.index_cast %add3A_38 : i32 to index
      %swap3A_45 = arith.constant 16 : index
      %swap3A_46 = tpu.vector_load %arg14[%swap3A_44, %swap3A_45] {strides = array<i32>} : memref<64x72xf32, #tpu.memory_space<vmem>>, vector<16xf32>,
      tpu.vector_store %arg14[%swap3A_44, %swap3A_45], %broadcast_in_dim3A_43 {strides = array<i32>} : memref<64x72xf32, #tpu.memory_space<vmem>>, vector<16xf32>,
      %broadcast_in_dim3A_47 = arith.constant 0.000000e+00 : f32
      %broadcast_in_dim3A_48 = vector.broadcast %broadcast_in_dim3A_47 : f32 to vector<16xf32>
      %swap3A_49 = arith.index_cast %add3A_38 : i32 to index
      %swap3A_50 = arith.constant 32 : index
      %swap3A_51 = tpu.vector_load %arg14[%swap3A_49, %swap3A_50] {strides = array<i32>} : memref<64x72xf32, #tpu.memory_space<vmem>>, vector<16xf32>,
      tpu.vector_store %arg14[%swap3A_49, %swap3A_50], %broadcast_in_dim3A_48 {strides = array<i32>} : memref<64x72xf32, #tpu.memory_space<vmem>>, vector<16xf32>,
      %broadcast_in_dim3A_52 = arith.constant 0.000000e+00 : f32
      %broadcast_in_dim3A_53 = vector.broadcast %broadcast_in_dim3A_52 : f32 to vector<16xf32>
      %swap3A_54 = arith.index_cast %add3A_38 : i32 to index
      %swap3A_55 = arith.constant 48 : index
      %swap3A_56 = tpu.vector_load %arg14[%swap3A_54, %swap3A_55] {strides = array<i32>} : memref<64x72xf32, #tpu.memory_space<vmem>>, vector<16xf32>,
      tpu.vector_store %arg14[%swap3A_54, %swap3A_55], %broadcast_in_dim3A_53 {strides = array<i32>} : memref<64x72xf32, #tpu.memory_space<vmem>>, vector<16xf32>,
      %broadcast_in_dim3A_57 = arith.constant 0.000000e+00 : f32
      %broadcast_in_dim3A_58 = vector.broadcast %broadcast_in_dim3A_57 : f32 to vector<16xf32>
      %swap3A_59 = arith.index_cast %add3A_38 : i32 to index
      %swap3A_60 = arith.constant 56 : index
      %swap3A_61 = tpu.vector_load %arg14[%swap3A_59, %swap3A_60] {strides = array<i32>} : memref<64x72xf32, #tpu.memory_space<vmem>>, vector<16xf32>,
      tpu.vector_store %arg14[%swap3A_59, %swap3A_60], %broadcast_in_dim3A_58 {strides = array<i32>} : memref<64x72xf32, #tpu.memory_space<vmem>>, vector<16xf32>,
    }
    %scan3A_6 = arith.constant 64 : i32
    %lt3A_7 = arith.constant 10 : i32
    %lt3A_8 = arith.cmpi slt, %arg1, %lt3A_7 : i32
    %convert_element_type3A = arith.extui %lt3A_8 : i1 to i32
    %cond3A = arith.constant 0 : i32
    %cond3A_9 = arith.cmpi ne, %convert_element_type3A, %cond3A : i32
    scf.if %cond3A_9 {
      %scan3A_34 = arith.constant 0 : i32
      %scan3A_35 = arith.constant 25 : i32
      %scan3A_36 = arith.addi %scan3A_34, %scan3A_35 : i32
      %scan3A_37 = arith.constant 1 : i32
      scf.for %scan3A_39 = %scan3A_34 to %scan3A_36 step %scan3A_37  : i32 {
        %mul3A_40 = arith.constant 1 : i32
        %mul3A_41 = arith.muli %scan3A_39, %mul3A_40 : i32
        %add3A_42 = arith.constant 0 : i32
        %add3A_43 = arith.addi %add3A_42, %mul3A_41 : i32
        %mul3A_44 = arith.constant 1000 : i32
        %mul3A_45 = arith.muli %arg1, %mul3A_44 : i32
        %mul3A_46 = arith.constant 40 : i32
        %mul3A_47 = arith.muli %add3A_43, %mul3A_46 : i32
        %add3A_48 = arith.addi %mul3A_45, %mul3A_47 : i32
        "tpu.region"() ({
          %run_scoped3A = tpu.sem_alloc : memref<!tpu.dma_semaphore, #tpu.memory_space<semaphore_mem>>
          %dma_start3A_49 = arith.constant 0 : i32
          %dma_start3A_50 = arith.constant 0 : i32
          %dma_start3A_51 = tpu.memref_slice %arg14[%dma_start3A_49, %dma_start3A_50] : memref<64x72xf32, #tpu.memory_space<vmem>> -> memref<40x72xf32, #tpu.memory_space<vmem>>
          %dma_start3A_52 = arith.constant 0 : i32
          %dma_start3A_53 = tpu.memref_slice %arg15[%add3A_48, %dma_start3A_52] : memref<10000x72xf32, #tpu.memory_space<vmem_shared>> -> memref<40x72xf32, #tpu.memory_space<vmem_shared>>
          %dma_start3A_54 = arith.constant 0 : i32
          %dma_start3A_55 = tpu.memref_slice %arg15[%add3A_48, %dma_start3A_54] : memref<10000x72xf32, #tpu.memory_space<vmem_shared>> -> memref<40x72xf32, #tpu.memory_space<vmem_shared>>
          %dma_start3A_56 = arith.constant 0 : i32
          %dma_start3A_57 = arith.constant 0 : i32
          %dma_start3A_58 = tpu.memref_slice %arg14[%dma_start3A_56, %dma_start3A_57] : memref<64x72xf32, #tpu.memory_space<vmem>> -> memref<40x72xf32, #tpu.memory_space<vmem>>
          tpu.enqueue_dma source(%dma_start3A_58 : memref<40x72xf32, #tpu.memory_space<vmem>>) target(%dma_start3A_55 : memref<40x72xf32, #tpu.memory_space<vmem_shared>>) target_semaphore(%run_scoped3A : memref<!tpu.dma_semaphore, #tpu.memory_space<semaphore_mem>>)
          %dma_wait3A = arith.constant 0 : i32
          %dma_wait3A_59 = arith.constant 0 : i32
          %dma_wait3A_60 = tpu.memref_slice %arg14[%dma_wait3A, %dma_wait3A_59] : memref<64x72xf32, #tpu.memory_space<vmem>> -> memref<40x72xf32, #tpu.memory_space<vmem>>
          %dma_wait3A_61 = arith.constant 0 : i32
          %dma_wait3A_62 = tpu.memref_slice %arg15[%add3A_48, %dma_wait3A_61] : memref<10000x72xf32, #tpu.memory_space<vmem_shared>> -> memref<40x72xf32, #tpu.memory_space<vmem_shared>>
          %dma_wait3A_63 = arith.constant 0 : i32
          %dma_wait3A_64 = tpu.memref_slice %arg15[%add3A_48, %dma_wait3A_63] : memref<10000x72xf32, #tpu.memory_space<vmem_shared>> -> memref<40x72xf32, #tpu.memory_space<vmem_shared>>
          %dma_wait3A_65 = arith.constant 0 : i32
          %dma_wait3A_66 = arith.constant 0 : i32
          %dma_wait3A_67 = tpu.memref_slice %arg14[%dma_wait3A_65, %dma_wait3A_66] : memref<64x72xf32, #tpu.memory_space<vmem>> -> memref<40x72xf32, #tpu.memory_space<vmem>>
          tpu.wait_dma2 semaphore(%run_scoped3A : memref<!tpu.dma_semaphore, #tpu.memory_space<semaphore_mem>>) src(%dma_wait3A_67 : memref<40x72xf32, #tpu.memory_space<vmem>>) dst(%dma_wait3A_64 : memref<40x72xf32, #tpu.memory_space<vmem_shared>>)
          tpu.yield
        }) : () -> ()
      }
      %scan3A_38 = arith.constant 25 : i32
    } else {
    }
    %barrier3A = arith.constant 0 : index
    tpu.barrier barrier_id(%barrier3A)
    %dma_start3A = arith.constant 0 : i32
    %dma_start3A_10 = arith.constant 0 : i32
    %dma_start3A_11 = tpu.memref_slice %arg7[%dma_start3A, %dma_start3A_10] : memref<160x128xi32, #tpu.memory_space<vmem>> -> memref<1x64xi32, #tpu.memory_space<vmem>>
    %dma_start3A_12 = tpu.memref_squeeze %dma_start3A_11 : memref<1x64xi32, #tpu.memory_space<vmem>> -> memref<64xi32, #tpu.memory_space<vmem>>
    %dma_start3A_13 = arith.constant 0 : i32
    %dma_start3A_14 = arith.constant 0 : i32
    %dma_start3A_15 = tpu.memref_slice %arg5[%dma_start3A_13, %dma_start3A_14] : memref<20000x128xf32, #tpu.memory_space<hbm>> -> memref<20000x128xf32, #tpu.memory_space<hbm>>
    tpu.enqueue_indirect_dma source(%dma_start3A_15 : memref<20000x128xf32, #tpu.memory_space<hbm>>) target(%arg10 : memref<64x128xf32, #tpu.memory_space<vmem>>) offsets(%dma_start3A_12 : memref<64xi32, #tpu.memory_space<vmem>>) semaphore(%arg16 : memref<!tpu.dma_semaphore, #tpu.memory_space<semaphore_mem>>)
    %dma_start3A_16 = arith.constant 0 : i32
    %dma_start3A_17 = arith.constant 0 : i32
    %dma_start3A_18 = tpu.memref_slice %arg8[%dma_start3A_16, %dma_start3A_17] : memref<160x128xi32, #tpu.memory_space<vmem>> -> memref<1x64xi32, #tpu.memory_space<vmem>>
    %dma_start3A_19 = tpu.memref_squeeze %dma_start3A_18 : memref<1x64xi32, #tpu.memory_space<vmem>> -> memref<64xi32, #tpu.memory_space<vmem>>
    %dma_start3A_20 = arith.constant 0 : i32
    %dma_start3A_21 = arith.constant 0 : i32
    %dma_start3A_22 = tpu.memref_slice %arg4[%dma_start3A_20, %dma_start3A_21] : memref<10000x128xf32, #tpu.memory_space<hbm>> -> memref<10000x128xf32, #tpu.memory_space<hbm>>
    tpu.enqueue_indirect_dma source(%dma_start3A_22 : memref<10000x128xf32, #tpu.memory_space<hbm>>) target(%arg12 : memref<64x128xf32, #tpu.memory_space<vmem>>) offsets(%dma_start3A_19 : memref<64xi32, #tpu.memory_space<vmem>>) semaphore(%arg18 : memref<!tpu.dma_semaphore, #tpu.memory_space<semaphore_mem>>)
    %scan3A_23 = arith.constant 0 : i32
    %scan3A_24 = arith.constant 157 : i32
    %scan3A_25 = arith.addi %scan3A_23, %scan3A_24 : i32
    %scan3A_26 = arith.constant 1 : i32
    scf.for %scan3A_34 = %scan3A_23 to %scan3A_25 step %scan3A_26  : i32 {
      %mul3A_35 = arith.constant 2 : i32
      %mul3A_36 = arith.muli %scan3A_34, %mul3A_35 : i32
      %add3A_37 = arith.constant 0 : i32
      %add3A_38 = arith.addi %add3A_37, %mul3A_36 : i32
      %add3A_39 = arith.constant 0 : i32
      %add3A_40 = arith.addi %add3A_38, %add3A_39 : i32
      %lt3A_41 = arith.cmpi slt, %add3A_40, %select_n3A : i32
      %convert_element_type3A_42 = arith.extui %lt3A_41 : i1 to i32
      %cond3A_43 = arith.constant 0 : i32
      %cond3A_44 = arith.cmpi ne, %convert_element_type3A_42, %cond3A_43 : i32
      scf.if %cond3A_44 {
        %add3A_51 = arith.constant 1 : i32
        %add3A_52 = arith.addi %add3A_40, %add3A_51 : i32
        %lt3A_53 = arith.cmpi slt, %add3A_52, %select_n3A : i32
        %convert_element_type3A_54 = arith.extui %lt3A_53 : i1 to i32
        %cond3A_55 = arith.constant 0 : i32
        %cond3A_56 = arith.cmpi ne, %convert_element_type3A_54, %cond3A_55 : i32
        scf.if %cond3A_56 {
          %add3A_115 = arith.constant 1 : i32
          %add3A_116 = arith.addi %add3A_40, %add3A_115 : i32
          %jit3A_117 = arith.constant 2 : i32
          %div3A_118 = arith.divsi %add3A_116, %jit3A_117 : i32
          %sign3A_119 = arith.constant 0 : i32
          %sign3A_120 = arith.cmpi sgt, %add3A_116, %sign3A_119 : i32
          %sign3A_121 = arith.extui %sign3A_120 : i1 to i32
          %sign3A_122 = arith.constant 0 : i32
          %sign3A_123 = arith.cmpi slt, %add3A_116, %sign3A_122 : i32
          %sign3A_124 = arith.extui %sign3A_123 : i1 to i32
          %sign3A_125 = arith.subi %sign3A_121, %sign3A_124 : i32
          %sign3A_126 = arith.constant 0 : i32
          %sign3A_127 = arith.cmpi sgt, %jit3A_117, %sign3A_126 : i32
          %sign3A_128 = arith.extui %sign3A_127 : i1 to i32
          %sign3A_129 = arith.constant 0 : i32
          %sign3A_130 = arith.cmpi slt, %jit3A_117, %sign3A_129 : i32
          %sign3A_131 = arith.extui %sign3A_130 : i1 to i32
          %sign3A_132 = arith.subi %sign3A_128, %sign3A_131 : i32
          %ne3A_133 = arith.cmpi ne, %sign3A_125, %sign3A_132 : i32
          %rem3A_134 = arith.remsi %add3A_116, %jit3A_117 : i32
          %ne3A_135 = arith.constant 0 : i32
          %ne3A_136 = arith.cmpi ne, %rem3A_134, %ne3A_135 : i32
          %and3A_137 = arith.andi %ne3A_133, %ne3A_136 : i1
          %sub3A_138 = arith.constant 1 : i32
          %sub3A_139 = arith.subi %div3A_118, %sub3A_138 : i32
          %select_n3A_140 = arith.select %and3A_137, %sub3A_139, %div3A_118 : i32
          %jit3A_141 = arith.constant 2 : i32
          %eq3A_142 = arith.constant 0 : i32
          %eq3A_143 = arith.cmpi eq, %jit3A_141, %eq3A_142 : i32
          %jit3A_144 = arith.constant 1 : i32
          %select_n3A_145 = arith.select %eq3A_143, %jit3A_144, %jit3A_141 : i32
          %rem3A_146 = arith.remsi %add3A_116, %select_n3A_145 : i32
          %ne3A_147 = arith.constant 0 : i32
          %ne3A_148 = arith.cmpi ne, %rem3A_146, %ne3A_147 : i32
          %lt3A_149 = arith.constant 0 : i32
          %lt3A_150 = arith.cmpi slt, %rem3A_146, %lt3A_149 : i32
          %lt3A_151 = arith.constant 0 : i32
          %lt3A_152 = arith.cmpi slt, %select_n3A_145, %lt3A_151 : i32
          %ne3A_153 = arith.xori %lt3A_150, %lt3A_152 : i1
          %and3A_154 = arith.andi %ne3A_153, %ne3A_148 : i1
          %add3A_155 = arith.addi %rem3A_146, %select_n3A_145 : i32
          %select_n3A_156 = arith.select %and3A_154, %add3A_155, %rem3A_146 : i32
          %mul3A_157 = arith.constant 64 : i32
          %mul3A_158 = arith.muli %select_n3A_156, %mul3A_157 : i32
          %dma_start3A_159 = tpu.memref_slice %arg7[%select_n3A_140, %mul3A_158] : memref<160x128xi32, #tpu.memory_space<vmem>> -> memref<1x64xi32, #tpu.memory_space<vmem>>
          %dma_start3A_160 = tpu.memref_squeeze %dma_start3A_159 : memref<1x64xi32, #tpu.memory_space<vmem>> -> memref<64xi32, #tpu.memory_space<vmem>>
          %dma_start3A_161 = arith.constant 0 : i32
          %dma_start3A_162 = arith.constant 0 : i32
          %dma_start3A_163 = tpu.memref_slice %arg5[%dma_start3A_161, %dma_start3A_162] : memref<20000x128xf32, #tpu.memory_space<hbm>> -> memref<20000x128xf32, #tpu.memory_space<hbm>>
          tpu.enqueue_indirect_dma source(%dma_start3A_163 : memref<20000x128xf32, #tpu.memory_space<hbm>>) target(%arg11 : memref<64x128xf32, #tpu.memory_space<vmem>>) offsets(%dma_start3A_160 : memref<64xi32, #tpu.memory_space<vmem>>) semaphore(%arg17 : memref<!tpu.dma_semaphore, #tpu.memory_space<semaphore_mem>>)
          %dma_start3A_164 = tpu.memref_slice %arg8[%select_n3A_140, %mul3A_158] : memref<160x128xi32, #tpu.memory_space<vmem>> -> memref<1x64xi32, #tpu.memory_space<vmem>>
          %dma_start3A_165 = tpu.memref_squeeze %dma_start3A_164 : memref<1x64xi32, #tpu.memory_space<vmem>> -> memref<64xi32, #tpu.memory_space<vmem>>
          %dma_start3A_166 = arith.constant 0 : i32
          %dma_start3A_167 = arith.constant 0 : i32
          %dma_start3A_168 = tpu.memref_slice %arg4[%dma_start3A_166, %dma_start3A_167] : memref<10000x128xf32, #tpu.memory_space<hbm>> -> memref<10000x128xf32, #tpu.memory_space<hbm>>
          tpu.enqueue_indirect_dma source(%dma_start3A_168 : memref<10000x128xf32, #tpu.memory_space<hbm>>) target(%arg13 : memref<64x128xf32, #tpu.memory_space<vmem>>) offsets(%dma_start3A_165 : memref<64xi32, #tpu.memory_space<vmem>>) semaphore(%arg19 : memref<!tpu.dma_semaphore, #tpu.memory_space<semaphore_mem>>)
        } else {
        }
        %dma_wait3A = arith.constant 0 : i32
        %dma_wait3A_57 = arith.constant 0 : i32
        %dma_wait3A_58 = tpu.memref_slice %arg7[%dma_wait3A, %dma_wait3A_57] : memref<160x128xi32, #tpu.memory_space<vmem>> -> memref<1x64xi32, #tpu.memory_space<vmem>>
        %dma_wait3A_59 = tpu.memref_squeeze %dma_wait3A_58 : memref<1x64xi32, #tpu.memory_space<vmem>> -> memref<64xi32, #tpu.memory_space<vmem>>
        %dma_wait3A_60 = arith.constant 0 : i32
        %dma_wait3A_61 = arith.constant 0 : i32
        %dma_wait3A_62 = tpu.memref_slice %arg5[%dma_wait3A_60, %dma_wait3A_61] : memref<20000x128xf32, #tpu.memory_space<hbm>> -> memref<20000x128xf32, #tpu.memory_space<hbm>>
        tpu.wait_indirect_dma semaphore(%arg16 : memref<!tpu.dma_semaphore, #tpu.memory_space<semaphore_mem>>) src(%dma_wait3A_62 : memref<20000x128xf32, #tpu.memory_space<hbm>>) dst(%arg10 : memref<64x128xf32, #tpu.memory_space<vmem>>)
        %dma_wait3A_63 = arith.constant 0 : i32
        %dma_wait3A_64 = arith.constant 0 : i32
        %dma_wait3A_65 = tpu.memref_slice %arg8[%dma_wait3A_63, %dma_wait3A_64] : memref<160x128xi32, #tpu.memory_space<vmem>> -> memref<1x64xi32, #tpu.memory_space<vmem>>
        %dma_wait3A_66 = tpu.memref_squeeze %dma_wait3A_65 : memref<1x64xi32, #tpu.memory_space<vmem>> -> memref<64xi32, #tpu.memory_space<vmem>>
        %dma_wait3A_67 = arith.constant 0 : i32
        %dma_wait3A_68 = arith.constant 0 : i32
        %dma_wait3A_69 = tpu.memref_slice %arg4[%dma_wait3A_67, %dma_wait3A_68] : memref<10000x128xf32, #tpu.memory_space<hbm>> -> memref<10000x128xf32, #tpu.memory_space<hbm>>
        tpu.wait_indirect_dma semaphore(%arg18 : memref<!tpu.dma_semaphore, #tpu.memory_space<semaphore_mem>>) src(%dma_wait3A_69 : memref<10000x128xf32, #tpu.memory_space<hbm>>) dst(%arg12 : memref<64x128xf32, #tpu.memory_space<vmem>>)
        %scan3A_70 = arith.constant 0 : i32
        %scan3A_71 = arith.constant 4 : i32
        %scan3A_72 = arith.addi %scan3A_70, %scan3A_71 : i32
        %scan3A_73 = arith.constant 1 : i32
        scf.for %scan3A_115 = %scan3A_70 to %scan3A_72 step %scan3A_73  : i32 {
          %mul3A_116 = arith.constant 1 : i32
          %mul3A_117 = arith.muli %scan3A_115, %mul3A_116 : i32
          %add3A_118 = arith.constant 0 : i32
          %add3A_119 = arith.addi %add3A_118, %mul3A_117 : i32
          %iota3A = tpu.iota {dimensions = array<i32: 0>} : vector<16xi32>
          %mul3A_120 = arith.constant 16 : i32
          %mul3A_121 = arith.muli %add3A_119, %mul3A_120 : i32
          %add3A_122 = vector.broadcast %mul3A_121 : i32 to vector<16xi32>
          %add3A_123 = arith.addi %add3A_122, %iota3A : vector<16xi32>
          %add3A_124 = arith.constant 0 : i32
          %add3A_125 = vector.broadcast %add3A_124 : i32 to vector<16xi32>
          %add3A_126 = arith.addi %iota3A, %add3A_125 : vector<16xi32>
          %and3A_127 = arith.constant 15 : i32
          %and3A_128 = vector.broadcast %and3A_127 : i32 to vector<16xi32>
          %and3A_129 = arith.andi %add3A_126, %and3A_128 : vector<16xi32>
          %add3A_130 = arith.constant 1 : i32
          %add3A_131 = vector.broadcast %add3A_130 : i32 to vector<16xi32>
          %add3A_132 = arith.addi %iota3A, %add3A_131 : vector<16xi32>
          %and3A_133 = arith.constant 15 : i32
          %and3A_134 = vector.broadcast %and3A_133 : i32 to vector<16xi32>
          %and3A_135 = arith.andi %add3A_132, %and3A_134 : vector<16xi32>
          %add3A_136 = arith.constant 2 : i32
          %add3A_137 = vector.broadcast %add3A_136 : i32 to vector<16xi32>
          %add3A_138 = arith.addi %iota3A, %add3A_137 : vector<16xi32>
          %and3A_139 = arith.constant 15 : i32
          %and3A_140 = vector.broadcast %and3A_139 : i32 to vector<16xi32>
          %and3A_141 = arith.andi %add3A_138, %and3A_140 : vector<16xi32>
          %add3A_142 = arith.constant 3 : i32
          %add3A_143 = vector.broadcast %add3A_142 : i32 to vector<16xi32>
          %add3A_144 = arith.addi %iota3A, %add3A_143 : vector<16xi32>
          %and3A_145 = arith.constant 15 : i32
          %and3A_146 = vector.broadcast %and3A_145 : i32 to vector<16xi32>
          %and3A_147 = arith.andi %add3A_144, %and3A_146 : vector<16xi32>
          %add3A_148 = arith.constant 4 : i32
          %add3A_149 = vector.broadcast %add3A_148 : i32 to vector<16xi32>
          %add3A_150 = arith.addi %iota3A, %add3A_149 : vector<16xi32>
          %and3A_151 = arith.constant 15 : i32
          %and3A_152 = vector.broadcast %and3A_151 : i32 to vector<16xi32>
          %and3A_153 = arith.andi %add3A_150, %and3A_152 : vector<16xi32>
          %add3A_154 = arith.constant 5 : i32
          %add3A_155 = vector.broadcast %add3A_154 : i32 to vector<16xi32>
          %add3A_156 = arith.addi %iota3A, %add3A_155 : vector<16xi32>
          %and3A_157 = arith.constant 15 : i32
          %and3A_158 = vector.broadcast %and3A_157 : i32 to vector<16xi32>
          %and3A_159 = arith.andi %add3A_156, %and3A_158 : vector<16xi32>
          %add3A_160 = arith.constant 6 : i32
          %add3A_161 = vector.broadcast %add3A_160 : i32 to vector<16xi32>
          %add3A_162 = arith.addi %iota3A, %add3A_161 : vector<16xi32>
          %and3A_163 = arith.constant 15 : i32
          %and3A_164 = vector.broadcast %and3A_163 : i32 to vector<16xi32>
          %and3A_165 = arith.andi %add3A_162, %and3A_164 : vector<16xi32>
          %add3A_166 = arith.constant 7 : i32
          %add3A_167 = vector.broadcast %add3A_166 : i32 to vector<16xi32>
          %add3A_168 = arith.addi %iota3A, %add3A_167 : vector<16xi32>
          %and3A_169 = arith.constant 15 : i32
          %and3A_170 = vector.broadcast %and3A_169 : i32 to vector<16xi32>
          %and3A_171 = arith.andi %add3A_168, %and3A_170 : vector<16xi32>
          %add3A_172 = arith.constant 8 : i32
          %add3A_173 = vector.broadcast %add3A_172 : i32 to vector<16xi32>
          %add3A_174 = arith.addi %iota3A, %add3A_173 : vector<16xi32>
          %and3A_175 = arith.constant 15 : i32
          %and3A_176 = vector.broadcast %and3A_175 : i32 to vector<16xi32>
          %and3A_177 = arith.andi %add3A_174, %and3A_176 : vector<16xi32>
          %add3A_178 = arith.constant 9 : i32
          %add3A_179 = vector.broadcast %add3A_178 : i32 to vector<16xi32>
          %add3A_180 = arith.addi %iota3A, %add3A_179 : vector<16xi32>
          %and3A_181 = arith.constant 15 : i32
          %and3A_182 = vector.broadcast %and3A_181 : i32 to vector<16xi32>
          %and3A_183 = arith.andi %add3A_180, %and3A_182 : vector<16xi32>
          %add3A_184 = arith.constant 10 : i32
          %add3A_185 = vector.broadcast %add3A_184 : i32 to vector<16xi32>
          %add3A_186 = arith.addi %iota3A, %add3A_185 : vector<16xi32>
          %and3A_187 = arith.constant 15 : i32
          %and3A_188 = vector.broadcast %and3A_187 : i32 to vector<16xi32>
          %and3A_189 = arith.andi %add3A_186, %and3A_188 : vector<16xi32>
          %add3A_190 = arith.constant 11 : i32
          %add3A_191 = vector.broadcast %add3A_190 : i32 to vector<16xi32>
          %add3A_192 = arith.addi %iota3A, %add3A_191 : vector<16xi32>
          %and3A_193 = arith.constant 15 : i32
          %and3A_194 = vector.broadcast %and3A_193 : i32 to vector<16xi32>
          %and3A_195 = arith.andi %add3A_192, %and3A_194 : vector<16xi32>
          %add3A_196 = arith.constant 12 : i32
          %add3A_197 = vector.broadcast %add3A_196 : i32 to vector<16xi32>
          %add3A_198 = arith.addi %iota3A, %add3A_197 : vector<16xi32>
          %and3A_199 = arith.constant 15 : i32
          %and3A_200 = vector.broadcast %and3A_199 : i32 to vector<16xi32>
          %and3A_201 = arith.andi %add3A_198, %and3A_200 : vector<16xi32>
          %add3A_202 = arith.constant 13 : i32
          %add3A_203 = vector.broadcast %add3A_202 : i32 to vector<16xi32>
          %add3A_204 = arith.addi %iota3A, %add3A_203 : vector<16xi32>
          %and3A_205 = arith.constant 15 : i32
          %and3A_206 = vector.broadcast %and3A_205 : i32 to vector<16xi32>
          %and3A_207 = arith.andi %add3A_204, %and3A_206 : vector<16xi32>
          %add3A_208 = arith.constant 14 : i32
          %add3A_209 = vector.broadcast %add3A_208 : i32 to vector<16xi32>
          %add3A_210 = arith.addi %iota3A, %add3A_209 : vector<16xi32>
          %and3A_211 = arith.constant 15 : i32
          %and3A_212 = vector.broadcast %and3A_211 : i32 to vector<16xi32>
          %and3A_213 = arith.andi %add3A_210, %and3A_212 : vector<16xi32>
          %add3A_214 = arith.constant 15 : i32
          %add3A_215 = vector.broadcast %add3A_214 : i32 to vector<16xi32>
          %add3A_216 = arith.addi %iota3A, %add3A_215 : vector<16xi32>
          %and3A_217 = arith.constant 15 : i32
          %and3A_218 = vector.broadcast %and3A_217 : i32 to vector<16xi32>
          %and3A_219 = arith.andi %add3A_216, %and3A_218 : vector<16xi32>
          %mul3A_220 = arith.constant 64 : i32
          %mul3A_221 = arith.muli %arg0, %mul3A_220 : i32
          %add3A_222 = arith.constant 0 : i32
          %add3A_223 = vector.broadcast %add3A_222 : i32 to vector<16xi32>
          %add3A_224 = arith.addi %and3A_129, %add3A_223 : vector<16xi32>
          %add3A_225 = arith.constant 0 : i32
          %add3A_226 = vector.broadcast %add3A_225 : i32 to vector<16xi32>
          %add3A_227 = arith.addi %and3A_135, %add3A_226 : vector<16xi32>
          %add3A_228 = arith.constant 0 : i32
          %add3A_229 = vector.broadcast %add3A_228 : i32 to vector<16xi32>
          %add3A_230 = arith.addi %and3A_141, %add3A_229 : vector<16xi32>
          %add3A_231 = arith.constant 0 : i32
          %add3A_232 = vector.broadcast %add3A_231 : i32 to vector<16xi32>
          %add3A_233 = arith.addi %and3A_147, %add3A_232 : vector<16xi32>
          %add3A_234 = arith.constant 0 : i32
          %add3A_235 = vector.broadcast %add3A_234 : i32 to vector<16xi32>
          %add3A_236 = arith.addi %and3A_153, %add3A_235 : vector<16xi32>
          %add3A_237 = arith.constant 0 : i32
          %add3A_238 = vector.broadcast %add3A_237 : i32 to vector<16xi32>
          %add3A_239 = arith.addi %and3A_159, %add3A_238 : vector<16xi32>
          %add3A_240 = arith.constant 0 : i32
          %add3A_241 = vector.broadcast %add3A_240 : i32 to vector<16xi32>
          %add3A_242 = arith.addi %and3A_165, %add3A_241 : vector<16xi32>
          %add3A_243 = arith.constant 0 : i32
          %add3A_244 = vector.broadcast %add3A_243 : i32 to vector<16xi32>
          %add3A_245 = arith.addi %and3A_171, %add3A_244 : vector<16xi32>
          %add3A_246 = arith.constant 0 : i32
          %add3A_247 = vector.broadcast %add3A_246 : i32 to vector<16xi32>
          %add3A_248 = arith.addi %and3A_177, %add3A_247 : vector<16xi32>
          %add3A_249 = arith.constant 0 : i32
          %add3A_250 = vector.broadcast %add3A_249 : i32 to vector<16xi32>
          %add3A_251 = arith.addi %and3A_183, %add3A_250 : vector<16xi32>
          %add3A_252 = arith.constant 0 : i32
          %add3A_253 = vector.broadcast %add3A_252 : i32 to vector<16xi32>
          %add3A_254 = arith.addi %and3A_189, %add3A_253 : vector<16xi32>
          %add3A_255 = arith.constant 0 : i32
          %add3A_256 = vector.broadcast %add3A_255 : i32 to vector<16xi32>
          %add3A_257 = arith.addi %and3A_195, %add3A_256 : vector<16xi32>
          %add3A_258 = arith.constant 0 : i32
          %add3A_259 = vector.broadcast %add3A_258 : i32 to vector<16xi32>
          %add3A_260 = arith.addi %and3A_201, %add3A_259 : vector<16xi32>
          %add3A_261 = arith.constant 0 : i32
          %add3A_262 = vector.broadcast %add3A_261 : i32 to vector<16xi32>
          %add3A_263 = arith.addi %and3A_207, %add3A_262 : vector<16xi32>
          %add3A_264 = arith.constant 0 : i32
          %add3A_265 = vector.broadcast %add3A_264 : i32 to vector<16xi32>
          %add3A_266 = arith.addi %and3A_213, %add3A_265 : vector<16xi32>
          %add3A_267 = arith.constant 0 : i32
          %add3A_268 = vector.broadcast %add3A_267 : i32 to vector<16xi32>
          %add3A_269 = arith.addi %and3A_219, %add3A_268 : vector<16xi32>
          %broadcast_in_dim3A = arith.constant 0.000000e+00 : f32
          %broadcast_in_dim3A_270 = vector.broadcast %broadcast_in_dim3A : f32 to vector<16xf32>
          %broadcast_in_dim3A_271 = arith.constant 0.000000e+00 : f32
          %broadcast_in_dim3A_272 = vector.broadcast %broadcast_in_dim3A_271 : f32 to vector<16xf32>
          %broadcast_in_dim3A_273 = arith.constant 0.000000e+00 : f32
          %broadcast_in_dim3A_274 = vector.broadcast %broadcast_in_dim3A_273 : f32 to vector<16xf32>
          %broadcast_in_dim3A_275 = arith.constant 0.000000e+00 : f32
          %broadcast_in_dim3A_276 = vector.broadcast %broadcast_in_dim3A_275 : f32 to vector<16xf32>
          %gather3A = tpu.vector_load_idx %arg10[%add3A_123, %add3A_224] : memref<64x128xf32, #tpu.memory_space<vmem>>[vector<16xi32>, vector<16xi32>], vector<16xf32>,
          %add3A_277 = vector.broadcast %mul3A_221 : i32 to vector<16xi32>
          %add3A_278 = arith.addi %add3A_224, %add3A_277 : vector<16xi32>
          %gather3A_279 = tpu.vector_load_idx %arg12[%add3A_123, %add3A_278] : memref<64x128xf32, #tpu.memory_space<vmem>>[vector<16xi32>, vector<16xi32>], vector<16xf32>,
          %mul3A_280 = arith.mulf %gather3A, %gather3A_279 : vector<16xf32>
          %add3A_281 = arith.addf %broadcast_in_dim3A_270, %mul3A_280 : vector<16xf32>
          %gather3A_282 = tpu.vector_load_idx %arg10[%add3A_123, %add3A_227] : memref<64x128xf32, #tpu.memory_space<vmem>>[vector<16xi32>, vector<16xi32>], vector<16xf32>,
          %add3A_283 = vector.broadcast %mul3A_221 : i32 to vector<16xi32>
          %add3A_284 = arith.addi %add3A_227, %add3A_283 : vector<16xi32>
          %gather3A_285 = tpu.vector_load_idx %arg12[%add3A_123, %add3A_284] : memref<64x128xf32, #tpu.memory_space<vmem>>[vector<16xi32>, vector<16xi32>], vector<16xf32>,
          %mul3A_286 = arith.mulf %gather3A_282, %gather3A_285 : vector<16xf32>
          %add3A_287 = arith.addf %broadcast_in_dim3A_272, %mul3A_286 : vector<16xf32>
          %gather3A_288 = tpu.vector_load_idx %arg10[%add3A_123, %add3A_230] : memref<64x128xf32, #tpu.memory_space<vmem>>[vector<16xi32>, vector<16xi32>], vector<16xf32>,
          %add3A_289 = vector.broadcast %mul3A_221 : i32 to vector<16xi32>
          %add3A_290 = arith.addi %add3A_230, %add3A_289 : vector<16xi32>
          %gather3A_291 = tpu.vector_load_idx %arg12[%add3A_123, %add3A_290] : memref<64x128xf32, #tpu.memory_space<vmem>>[vector<16xi32>, vector<16xi32>], vector<16xf32>,
          %mul3A_292 = arith.mulf %gather3A_288, %gather3A_291 : vector<16xf32>
          %add3A_293 = arith.addf %broadcast_in_dim3A_274, %mul3A_292 : vector<16xf32>
          %gather3A_294 = tpu.vector_load_idx %arg10[%add3A_123, %add3A_233] : memref<64x128xf32, #tpu.memory_space<vmem>>[vector<16xi32>, vector<16xi32>], vector<16xf32>,
          %add3A_295 = vector.broadcast %mul3A_221 : i32 to vector<16xi32>
          %add3A_296 = arith.addi %add3A_233, %add3A_295 : vector<16xi32>
          %gather3A_297 = tpu.vector_load_idx %arg12[%add3A_123, %add3A_296] : memref<64x128xf32, #tpu.memory_space<vmem>>[vector<16xi32>, vector<16xi32>], vector<16xf32>,
          %mul3A_298 = arith.mulf %gather3A_294, %gather3A_297 : vector<16xf32>
          %add3A_299 = arith.addf %broadcast_in_dim3A_276, %mul3A_298 : vector<16xf32>
          %gather3A_300 = tpu.vector_load_idx %arg10[%add3A_123, %add3A_236] : memref<64x128xf32, #tpu.memory_space<vmem>>[vector<16xi32>, vector<16xi32>], vector<16xf32>,
          %add3A_301 = vector.broadcast %mul3A_221 : i32 to vector<16xi32>
          %add3A_302 = arith.addi %add3A_236, %add3A_301 : vector<16xi32>
          %gather3A_303 = tpu.vector_load_idx %arg12[%add3A_123, %add3A_302] : memref<64x128xf32, #tpu.memory_space<vmem>>[vector<16xi32>, vector<16xi32>], vector<16xf32>,
          %mul3A_304 = arith.mulf %gather3A_300, %gather3A_303 : vector<16xf32>
          %add3A_305 = arith.addf %add3A_281, %mul3A_304 : vector<16xf32>
          %gather3A_306 = tpu.vector_load_idx %arg10[%add3A_123, %add3A_239] : memref<64x128xf32, #tpu.memory_space<vmem>>[vector<16xi32>, vector<16xi32>], vector<16xf32>,
          %add3A_307 = vector.broadcast %mul3A_221 : i32 to vector<16xi32>
          %add3A_308 = arith.addi %add3A_239, %add3A_307 : vector<16xi32>
          %gather3A_309 = tpu.vector_load_idx %arg12[%add3A_123, %add3A_308] : memref<64x128xf32, #tpu.memory_space<vmem>>[vector<16xi32>, vector<16xi32>], vector<16xf32>,
          %mul3A_310 = arith.mulf %gather3A_306, %gather3A_309 : vector<16xf32>
          %add3A_311 = arith.addf %add3A_287, %mul3A_310 : vector<16xf32>
          %gather3A_312 = tpu.vector_load_idx %arg10[%add3A_123, %add3A_242] : memref<64x128xf32, #tpu.memory_space<vmem>>[vector<16xi32>, vector<16xi32>], vector<16xf32>,
          %add3A_313 = vector.broadcast %mul3A_221 : i32 to vector<16xi32>
          %add3A_314 = arith.addi %add3A_242, %add3A_313 : vector<16xi32>
          %gather3A_315 = tpu.vector_load_idx %arg12[%add3A_123, %add3A_314] : memref<64x128xf32, #tpu.memory_space<vmem>>[vector<16xi32>, vector<16xi32>], vector<16xf32>,
          %mul3A_316 = arith.mulf %gather3A_312, %gather3A_315 : vector<16xf32>
          %add3A_317 = arith.addf %add3A_293, %mul3A_316 : vector<16xf32>
          %gather3A_318 = tpu.vector_load_idx %arg10[%add3A_123, %add3A_245] : memref<64x128xf32, #tpu.memory_space<vmem>>[vector<16xi32>, vector<16xi32>], vector<16xf32>,
          %add3A_319 = vector.broadcast %mul3A_221 : i32 to vector<16xi32>
          %add3A_320 = arith.addi %add3A_245, %add3A_319 : vector<16xi32>
          %gather3A_321 = tpu.vector_load_idx %arg12[%add3A_123, %add3A_320] : memref<64x128xf32, #tpu.memory_space<vmem>>[vector<16xi32>, vector<16xi32>], vector<16xf32>,
          %mul3A_322 = arith.mulf %gather3A_318, %gather3A_321 : vector<16xf32>
          %add3A_323 = arith.addf %add3A_299, %mul3A_322 : vector<16xf32>
          %gather3A_324 = tpu.vector_load_idx %arg10[%add3A_123, %add3A_248] : memref<64x128xf32, #tpu.memory_space<vmem>>[vector<16xi32>, vector<16xi32>], vector<16xf32>,
          %add3A_325 = vector.broadcast %mul3A_221 : i32 to vector<16xi32>
          %add3A_326 = arith.addi %add3A_248, %add3A_325 : vector<16xi32>
          %gather3A_327 = tpu.vector_load_idx %arg12[%add3A_123, %add3A_326] : memref<64x128xf32, #tpu.memory_space<vmem>>[vector<16xi32>, vector<16xi32>], vector<16xf32>,
          %mul3A_328 = arith.mulf %gather3A_324, %gather3A_327 : vector<16xf32>
          %add3A_329 = arith.addf %add3A_305, %mul3A_328 : vector<16xf32>
          %gather3A_330 = tpu.vector_load_idx %arg10[%add3A_123, %add3A_251] : memref<64x128xf32, #tpu.memory_space<vmem>>[vector<16xi32>, vector<16xi32>], vector<16xf32>,
          %add3A_331 = vector.broadcast %mul3A_221 : i32 to vector<16xi32>
          %add3A_332 = arith.addi %add3A_251, %add3A_331 : vector<16xi32>
          %gather3A_333 = tpu.vector_load_idx %arg12[%add3A_123, %add3A_332] : memref<64x128xf32, #tpu.memory_space<vmem>>[vector<16xi32>, vector<16xi32>], vector<16xf32>,
          %mul3A_334 = arith.mulf %gather3A_330, %gather3A_333 : vector<16xf32>
          %add3A_335 = arith.addf %add3A_311, %mul3A_334 : vector<16xf32>
          %gather3A_336 = tpu.vector_load_idx %arg10[%add3A_123, %add3A_254] : memref<64x128xf32, #tpu.memory_space<vmem>>[vector<16xi32>, vector<16xi32>], vector<16xf32>,
          %add3A_337 = vector.broadcast %mul3A_221 : i32 to vector<16xi32>
          %add3A_338 = arith.addi %add3A_254, %add3A_337 : vector<16xi32>
          %gather3A_339 = tpu.vector_load_idx %arg12[%add3A_123, %add3A_338] : memref<64x128xf32, #tpu.memory_space<vmem>>[vector<16xi32>, vector<16xi32>], vector<16xf32>,
          %mul3A_340 = arith.mulf %gather3A_336, %gather3A_339 : vector<16xf32>
          %add3A_341 = arith.addf %add3A_317, %mul3A_340 : vector<16xf32>
          %gather3A_342 = tpu.vector_load_idx %arg10[%add3A_123, %add3A_257] : memref<64x128xf32, #tpu.memory_space<vmem>>[vector<16xi32>, vector<16xi32>], vector<16xf32>,
          %add3A_343 = vector.broadcast %mul3A_221 : i32 to vector<16xi32>
          %add3A_344 = arith.addi %add3A_257, %add3A_343 : vector<16xi32>
          %gather3A_345 = tpu.vector_load_idx %arg12[%add3A_123, %add3A_344] : memref<64x128xf32, #tpu.memory_space<vmem>>[vector<16xi32>, vector<16xi32>], vector<16xf32>,
          %mul3A_346 = arith.mulf %gather3A_342, %gather3A_345 : vector<16xf32>
          %add3A_347 = arith.addf %add3A_323, %mul3A_346 : vector<16xf32>
          %gather3A_348 = tpu.vector_load_idx %arg10[%add3A_123, %add3A_260] : memref<64x128xf32, #tpu.memory_space<vmem>>[vector<16xi32>, vector<16xi32>], vector<16xf32>,
          %add3A_349 = vector.broadcast %mul3A_221 : i32 to vector<16xi32>
          %add3A_350 = arith.addi %add3A_260, %add3A_349 : vector<16xi32>
          %gather3A_351 = tpu.vector_load_idx %arg12[%add3A_123, %add3A_350] : memref<64x128xf32, #tpu.memory_space<vmem>>[vector<16xi32>, vector<16xi32>], vector<16xf32>,
          %mul3A_352 = arith.mulf %gather3A_348, %gather3A_351 : vector<16xf32>
          %add3A_353 = arith.addf %add3A_329, %mul3A_352 : vector<16xf32>
          %gather3A_354 = tpu.vector_load_idx %arg10[%add3A_123, %add3A_263] : memref<64x128xf32, #tpu.memory_space<vmem>>[vector<16xi32>, vector<16xi32>], vector<16xf32>,
          %add3A_355 = vector.broadcast %mul3A_221 : i32 to vector<16xi32>
          %add3A_356 = arith.addi %add3A_263, %add3A_355 : vector<16xi32>
          %gather3A_357 = tpu.vector_load_idx %arg12[%add3A_123, %add3A_356] : memref<64x128xf32, #tpu.memory_space<vmem>>[vector<16xi32>, vector<16xi32>], vector<16xf32>,
          %mul3A_358 = arith.mulf %gather3A_354, %gather3A_357 : vector<16xf32>
          %add3A_359 = arith.addf %add3A_335, %mul3A_358 : vector<16xf32>
          %gather3A_360 = tpu.vector_load_idx %arg10[%add3A_123, %add3A_266] : memref<64x128xf32, #tpu.memory_space<vmem>>[vector<16xi32>, vector<16xi32>], vector<16xf32>,
          %add3A_361 = vector.broadcast %mul3A_221 : i32 to vector<16xi32>
          %add3A_362 = arith.addi %add3A_266, %add3A_361 : vector<16xi32>
          %gather3A_363 = tpu.vector_load_idx %arg12[%add3A_123, %add3A_362] : memref<64x128xf32, #tpu.memory_space<vmem>>[vector<16xi32>, vector<16xi32>], vector<16xf32>,
          %mul3A_364 = arith.mulf %gather3A_360, %gather3A_363 : vector<16xf32>
          %add3A_365 = arith.addf %add3A_341, %mul3A_364 : vector<16xf32>
          %gather3A_366 = tpu.vector_load_idx %arg10[%add3A_123, %add3A_269] : memref<64x128xf32, #tpu.memory_space<vmem>>[vector<16xi32>, vector<16xi32>], vector<16xf32>,
          %add3A_367 = vector.broadcast %mul3A_221 : i32 to vector<16xi32>
          %add3A_368 = arith.addi %add3A_269, %add3A_367 : vector<16xi32>
          %gather3A_369 = tpu.vector_load_idx %arg12[%add3A_123, %add3A_368] : memref<64x128xf32, #tpu.memory_space<vmem>>[vector<16xi32>, vector<16xi32>], vector<16xf32>,
          %mul3A_370 = arith.mulf %gather3A_366, %gather3A_369 : vector<16xf32>
          %add3A_371 = arith.addf %add3A_347, %mul3A_370 : vector<16xf32>
          %add3A_372 = arith.addf %add3A_353, %add3A_359 : vector<16xf32>
          %add3A_373 = arith.addf %add3A_365, %add3A_371 : vector<16xf32>
          %add3A_374 = arith.addf %add3A_372, %add3A_373 : vector<16xf32>
          %mul3A_375 = arith.constant 2.500000e-01 : f32
          %mul3A_376 = vector.broadcast %mul3A_375 : f32 to vector<16xf32>
          %mul3A_377 = arith.mulf %add3A_374, %mul3A_376 : vector<16xf32>
          %jit3A_378 = arith.constant -5.000000e+00 : f32
          %jit3A_379 = arith.constant 5.000000e+00 : f32
          %max3A = vector.broadcast %jit3A_378 : f32 to vector<16xf32>
          %max3A_380 = arith.maximumf %max3A, %mul3A_377 : vector<16xf32>
          %min3A = vector.broadcast %jit3A_379 : f32 to vector<16xf32>
          %min3A_381 = arith.minimumf %min3A, %max3A_380 : vector<16xf32>
          %exp3A = math.exp %min3A_381 : vector<16xf32>
          %broadcast_in_dim3A_382 = arith.constant 64 : i32
          %broadcast_in_dim3A_383 = vector.broadcast %broadcast_in_dim3A_382 : i32 to vector<16xi32>
          tpu.vector_store_idx %arg14[%add3A_123, %broadcast_in_dim3A_383], %exp3A : memref<64x72xf32, #tpu.memory_space<vmem>>[vector<16xi32>, vector<16xi32>], vector<16xf32>,
          %add3A_384 = arith.constant 64 : i32
          %add3A_385 = vector.broadcast %add3A_384 : i32 to vector<16xi32>
          %add3A_386 = arith.addi %add3A_224, %add3A_385 : vector<16xi32>
          %gather3A_387 = tpu.vector_load_idx %arg10[%add3A_123, %add3A_386] : memref<64x128xf32, #tpu.memory_space<vmem>>[vector<16xi32>, vector<16xi32>], vector<16xf32>,
          %mul3A_388 = arith.mulf %exp3A, %gather3A_387 : vector<16xf32>
          tpu.vector_store_idx %arg14[%add3A_123, %add3A_224], %mul3A_388 : memref<64x72xf32, #tpu.memory_space<vmem>>[vector<16xi32>, vector<16xi32>], vector<16xf32>,
          %add3A_389 = arith.constant 64 : i32
          %add3A_390 = vector.broadcast %add3A_389 : i32 to vector<16xi32>
          %add3A_391 = arith.addi %add3A_227, %add3A_390 : vector<16xi32>
          %gather3A_392 = tpu.vector_load_idx %arg10[%add3A_123, %add3A_391] : memref<64x128xf32, #tpu.memory_space<vmem>>[vector<16xi32>, vector<16xi32>], vector<16xf32>,
          %mul3A_393 = arith.mulf %exp3A, %gather3A_392 : vector<16xf32>
          tpu.vector_store_idx %arg14[%add3A_123, %add3A_227], %mul3A_393 : memref<64x72xf32, #tpu.memory_space<vmem>>[vector<16xi32>, vector<16xi32>], vector<16xf32>,
          %add3A_394 = arith.constant 64 : i32
          %add3A_395 = vector.broadcast %add3A_394 : i32 to vector<16xi32>
          %add3A_396 = arith.addi %add3A_230, %add3A_395 : vector<16xi32>
          %gather3A_397 = tpu.vector_load_idx %arg10[%add3A_123, %add3A_396] : memref<64x128xf32, #tpu.memory_space<vmem>>[vector<16xi32>, vector<16xi32>], vector<16xf32>,
          %mul3A_398 = arith.mulf %exp3A, %gather3A_397 : vector<16xf32>
          tpu.vector_store_idx %arg14[%add3A_123, %add3A_230], %mul3A_398 : memref<64x72xf32, #tpu.memory_space<vmem>>[vector<16xi32>, vector<16xi32>], vector<16xf32>,
          %add3A_399 = arith.constant 64 : i32
          %add3A_400 = vector.broadcast %add3A_399 : i32 to vector<16xi32>
          %add3A_401 = arith.addi %add3A_233, %add3A_400 : vector<16xi32>
          %gather3A_402 = tpu.vector_load_idx %arg10[%add3A_123, %add3A_401] : memref<64x128xf32, #tpu.memory_space<vmem>>[vector<16xi32>, vector<16xi32>], vector<16xf32>,
          %mul3A_403 = arith.mulf %exp3A, %gather3A_402 : vector<16xf32>
          tpu.vector_store_idx %arg14[%add3A_123, %add3A_233], %mul3A_403 : memref<64x72xf32, #tpu.memory_space<vmem>>[vector<16xi32>, vector<16xi32>], vector<16xf32>,
          %add3A_404 = arith.constant 64 : i32
          %add3A_405 = vector.broadcast %add3A_404 : i32 to vector<16xi32>
          %add3A_406 = arith.addi %add3A_236, %add3A_405 : vector<16xi32>
          %gather3A_407 = tpu.vector_load_idx %arg10[%add3A_123, %add3A_406] : memref<64x128xf32, #tpu.memory_space<vmem>>[vector<16xi32>, vector<16xi32>], vector<16xf32>,
          %mul3A_408 = arith.mulf %exp3A, %gather3A_407 : vector<16xf32>
          tpu.vector_store_idx %arg14[%add3A_123, %add3A_236], %mul3A_408 : memref<64x72xf32, #tpu.memory_space<vmem>>[vector<16xi32>, vector<16xi32>], vector<16xf32>,
          %add3A_409 = arith.constant 64 : i32
          %add3A_410 = vector.broadcast %add3A_409 : i32 to vector<16xi32>
          %add3A_411 = arith.addi %add3A_239, %add3A_410 : vector<16xi32>
          %gather3A_412 = tpu.vector_load_idx %arg10[%add3A_123, %add3A_411] : memref<64x128xf32, #tpu.memory_space<vmem>>[vector<16xi32>, vector<16xi32>], vector<16xf32>,
          %mul3A_413 = arith.mulf %exp3A, %gather3A_412 : vector<16xf32>
          tpu.vector_store_idx %arg14[%add3A_123, %add3A_239], %mul3A_413 : memref<64x72xf32, #tpu.memory_space<vmem>>[vector<16xi32>, vector<16xi32>], vector<16xf32>,
          %add3A_414 = arith.constant 64 : i32
          %add3A_415 = vector.broadcast %add3A_414 : i32 to vector<16xi32>
          %add3A_416 = arith.addi %add3A_242, %add3A_415 : vector<16xi32>
          %gather3A_417 = tpu.vector_load_idx %arg10[%add3A_123, %add3A_416] : memref<64x128xf32, #tpu.memory_space<vmem>>[vector<16xi32>, vector<16xi32>], vector<16xf32>,
          %mul3A_418 = arith.mulf %exp3A, %gather3A_417 : vector<16xf32>
          tpu.vector_store_idx %arg14[%add3A_123, %add3A_242], %mul3A_418 : memref<64x72xf32, #tpu.memory_space<vmem>>[vector<16xi32>, vector<16xi32>], vector<16xf32>,
          %add3A_419 = arith.constant 64 : i32
          %add3A_420 = vector.broadcast %add3A_419 : i32 to vector<16xi32>
          %add3A_421 = arith.addi %add3A_245, %add3A_420 : vector<16xi32>
          %gather3A_422 = tpu.vector_load_idx %arg10[%add3A_123, %add3A_421] : memref<64x128xf32, #tpu.memory_space<vmem>>[vector<16xi32>, vector<16xi32>], vector<16xf32>,
          %mul3A_423 = arith.mulf %exp3A, %gather3A_422 : vector<16xf32>
          tpu.vector_store_idx %arg14[%add3A_123, %add3A_245], %mul3A_423 : memref<64x72xf32, #tpu.memory_space<vmem>>[vector<16xi32>, vector<16xi32>], vector<16xf32>,
          %add3A_424 = arith.constant 64 : i32
          %add3A_425 = vector.broadcast %add3A_424 : i32 to vector<16xi32>
          %add3A_426 = arith.addi %add3A_248, %add3A_425 : vector<16xi32>
          %gather3A_427 = tpu.vector_load_idx %arg10[%add3A_123, %add3A_426] : memref<64x128xf32, #tpu.memory_space<vmem>>[vector<16xi32>, vector<16xi32>], vector<16xf32>,
          %mul3A_428 = arith.mulf %exp3A, %gather3A_427 : vector<16xf32>
          tpu.vector_store_idx %arg14[%add3A_123, %add3A_248], %mul3A_428 : memref<64x72xf32, #tpu.memory_space<vmem>>[vector<16xi32>, vector<16xi32>], vector<16xf32>,
          %add3A_429 = arith.constant 64 : i32
          %add3A_430 = vector.broadcast %add3A_429 : i32 to vector<16xi32>
          %add3A_431 = arith.addi %add3A_251, %add3A_430 : vector<16xi32>
          %gather3A_432 = tpu.vector_load_idx %arg10[%add3A_123, %add3A_431] : memref<64x128xf32, #tpu.memory_space<vmem>>[vector<16xi32>, vector<16xi32>], vector<16xf32>,
          %mul3A_433 = arith.mulf %exp3A, %gather3A_432 : vector<16xf32>
          tpu.vector_store_idx %arg14[%add3A_123, %add3A_251], %mul3A_433 : memref<64x72xf32, #tpu.memory_space<vmem>>[vector<16xi32>, vector<16xi32>], vector<16xf32>,
          %add3A_434 = arith.constant 64 : i32
          %add3A_435 = vector.broadcast %add3A_434 : i32 to vector<16xi32>
          %add3A_436 = arith.addi %add3A_254, %add3A_435 : vector<16xi32>
          %gather3A_437 = tpu.vector_load_idx %arg10[%add3A_123, %add3A_436] : memref<64x128xf32, #tpu.memory_space<vmem>>[vector<16xi32>, vector<16xi32>], vector<16xf32>,
          %mul3A_438 = arith.mulf %exp3A, %gather3A_437 : vector<16xf32>
          tpu.vector_store_idx %arg14[%add3A_123, %add3A_254], %mul3A_438 : memref<64x72xf32, #tpu.memory_space<vmem>>[vector<16xi32>, vector<16xi32>], vector<16xf32>,
          %add3A_439 = arith.constant 64 : i32
          %add3A_440 = vector.broadcast %add3A_439 : i32 to vector<16xi32>
          %add3A_441 = arith.addi %add3A_257, %add3A_440 : vector<16xi32>
          %gather3A_442 = tpu.vector_load_idx %arg10[%add3A_123, %add3A_441] : memref<64x128xf32, #tpu.memory_space<vmem>>[vector<16xi32>, vector<16xi32>], vector<16xf32>,
          %mul3A_443 = arith.mulf %exp3A, %gather3A_442 : vector<16xf32>
          tpu.vector_store_idx %arg14[%add3A_123, %add3A_257], %mul3A_443 : memref<64x72xf32, #tpu.memory_space<vmem>>[vector<16xi32>, vector<16xi32>], vector<16xf32>,
          %add3A_444 = arith.constant 64 : i32
          %add3A_445 = vector.broadcast %add3A_444 : i32 to vector<16xi32>
          %add3A_446 = arith.addi %add3A_260, %add3A_445 : vector<16xi32>
          %gather3A_447 = tpu.vector_load_idx %arg10[%add3A_123, %add3A_446] : memref<64x128xf32, #tpu.memory_space<vmem>>[vector<16xi32>, vector<16xi32>], vector<16xf32>,
          %mul3A_448 = arith.mulf %exp3A, %gather3A_447 : vector<16xf32>
          tpu.vector_store_idx %arg14[%add3A_123, %add3A_260], %mul3A_448 : memref<64x72xf32, #tpu.memory_space<vmem>>[vector<16xi32>, vector<16xi32>], vector<16xf32>,
          %add3A_449 = arith.constant 64 : i32
          %add3A_450 = vector.broadcast %add3A_449 : i32 to vector<16xi32>
          %add3A_451 = arith.addi %add3A_263, %add3A_450 : vector<16xi32>
          %gather3A_452 = tpu.vector_load_idx %arg10[%add3A_123, %add3A_451] : memref<64x128xf32, #tpu.memory_space<vmem>>[vector<16xi32>, vector<16xi32>], vector<16xf32>,
          %mul3A_453 = arith.mulf %exp3A, %gather3A_452 : vector<16xf32>
          tpu.vector_store_idx %arg14[%add3A_123, %add3A_263], %mul3A_453 : memref<64x72xf32, #tpu.memory_space<vmem>>[vector<16xi32>, vector<16xi32>], vector<16xf32>,
          %add3A_454 = arith.constant 64 : i32
          %add3A_455 = vector.broadcast %add3A_454 : i32 to vector<16xi32>
          %add3A_456 = arith.addi %add3A_266, %add3A_455 : vector<16xi32>
          %gather3A_457 = tpu.vector_load_idx %arg10[%add3A_123, %add3A_456] : memref<64x128xf32, #tpu.memory_space<vmem>>[vector<16xi32>, vector<16xi32>], vector<16xf32>,
          %mul3A_458 = arith.mulf %exp3A, %gather3A_457 : vector<16xf32>
          tpu.vector_store_idx %arg14[%add3A_123, %add3A_266], %mul3A_458 : memref<64x72xf32, #tpu.memory_space<vmem>>[vector<16xi32>, vector<16xi32>], vector<16xf32>,
          %add3A_459 = arith.constant 64 : i32
          %add3A_460 = vector.broadcast %add3A_459 : i32 to vector<16xi32>
          %add3A_461 = arith.addi %add3A_269, %add3A_460 : vector<16xi32>
          %gather3A_462 = tpu.vector_load_idx %arg10[%add3A_123, %add3A_461] : memref<64x128xf32, #tpu.memory_space<vmem>>[vector<16xi32>, vector<16xi32>], vector<16xf32>,
          %mul3A_463 = arith.mulf %exp3A, %gather3A_462 : vector<16xf32>
          tpu.vector_store_idx %arg14[%add3A_123, %add3A_269], %mul3A_463 : memref<64x72xf32, #tpu.memory_space<vmem>>[vector<16xi32>, vector<16xi32>], vector<16xf32>,
          %add3A_464 = arith.constant 16 : i32
          %add3A_465 = vector.broadcast %add3A_464 : i32 to vector<16xi32>
          %add3A_466 = arith.addi %and3A_129, %add3A_465 : vector<16xi32>
          %add3A_467 = arith.constant 16 : i32
          %add3A_468 = vector.broadcast %add3A_467 : i32 to vector<16xi32>
          %add3A_469 = arith.addi %and3A_135, %add3A_468 : vector<16xi32>
          %add3A_470 = arith.constant 16 : i32
          %add3A_471 = vector.broadcast %add3A_470 : i32 to vector<16xi32>
          %add3A_472 = arith.addi %and3A_141, %add3A_471 : vector<16xi32>
          %add3A_473 = arith.constant 16 : i32
          %add3A_474 = vector.broadcast %add3A_473 : i32 to vector<16xi32>
          %add3A_475 = arith.addi %and3A_147, %add3A_474 : vector<16xi32>
          %add3A_476 = arith.constant 16 : i32
          %add3A_477 = vector.broadcast %add3A_476 : i32 to vector<16xi32>
          %add3A_478 = arith.addi %and3A_153, %add3A_477 : vector<16xi32>
          %add3A_479 = arith.constant 16 : i32
          %add3A_480 = vector.broadcast %add3A_479 : i32 to vector<16xi32>
          %add3A_481 = arith.addi %and3A_159, %add3A_480 : vector<16xi32>
          %add3A_482 = arith.constant 16 : i32
          %add3A_483 = vector.broadcast %add3A_482 : i32 to vector<16xi32>
          %add3A_484 = arith.addi %and3A_165, %add3A_483 : vector<16xi32>
          %add3A_485 = arith.constant 16 : i32
          %add3A_486 = vector.broadcast %add3A_485 : i32 to vector<16xi32>
          %add3A_487 = arith.addi %and3A_171, %add3A_486 : vector<16xi32>
          %add3A_488 = arith.constant 16 : i32
          %add3A_489 = vector.broadcast %add3A_488 : i32 to vector<16xi32>
          %add3A_490 = arith.addi %and3A_177, %add3A_489 : vector<16xi32>
          %add3A_491 = arith.constant 16 : i32
          %add3A_492 = vector.broadcast %add3A_491 : i32 to vector<16xi32>
          %add3A_493 = arith.addi %and3A_183, %add3A_492 : vector<16xi32>
          %add3A_494 = arith.constant 16 : i32
          %add3A_495 = vector.broadcast %add3A_494 : i32 to vector<16xi32>
          %add3A_496 = arith.addi %and3A_189, %add3A_495 : vector<16xi32>
          %add3A_497 = arith.constant 16 : i32
          %add3A_498 = vector.broadcast %add3A_497 : i32 to vector<16xi32>
          %add3A_499 = arith.addi %and3A_195, %add3A_498 : vector<16xi32>
          %add3A_500 = arith.constant 16 : i32
          %add3A_501 = vector.broadcast %add3A_500 : i32 to vector<16xi32>
          %add3A_502 = arith.addi %and3A_201, %add3A_501 : vector<16xi32>
          %add3A_503 = arith.constant 16 : i32
          %add3A_504 = vector.broadcast %add3A_503 : i32 to vector<16xi32>
          %add3A_505 = arith.addi %and3A_207, %add3A_504 : vector<16xi32>
          %add3A_506 = arith.constant 16 : i32
          %add3A_507 = vector.broadcast %add3A_506 : i32 to vector<16xi32>
          %add3A_508 = arith.addi %and3A_213, %add3A_507 : vector<16xi32>
          %add3A_509 = arith.constant 16 : i32
          %add3A_510 = vector.broadcast %add3A_509 : i32 to vector<16xi32>
          %add3A_511 = arith.addi %and3A_219, %add3A_510 : vector<16xi32>
          %broadcast_in_dim3A_512 = arith.constant 0.000000e+00 : f32
          %broadcast_in_dim3A_513 = vector.broadcast %broadcast_in_dim3A_512 : f32 to vector<16xf32>
          %broadcast_in_dim3A_514 = arith.constant 0.000000e+00 : f32
          %broadcast_in_dim3A_515 = vector.broadcast %broadcast_in_dim3A_514 : f32 to vector<16xf32>
          %broadcast_in_dim3A_516 = arith.constant 0.000000e+00 : f32
          %broadcast_in_dim3A_517 = vector.broadcast %broadcast_in_dim3A_516 : f32 to vector<16xf32>
          %broadcast_in_dim3A_518 = arith.constant 0.000000e+00 : f32
          %broadcast_in_dim3A_519 = vector.broadcast %broadcast_in_dim3A_518 : f32 to vector<16xf32>
          %gather3A_520 = tpu.vector_load_idx %arg10[%add3A_123, %add3A_466] : memref<64x128xf32, #tpu.memory_space<vmem>>[vector<16xi32>, vector<16xi32>], vector<16xf32>,
          %add3A_521 = vector.broadcast %mul3A_221 : i32 to vector<16xi32>
          %add3A_522 = arith.addi %add3A_466, %add3A_521 : vector<16xi32>
          %gather3A_523 = tpu.vector_load_idx %arg12[%add3A_123, %add3A_522] : memref<64x128xf32, #tpu.memory_space<vmem>>[vector<16xi32>, vector<16xi32>], vector<16xf32>,
          %mul3A_524 = arith.mulf %gather3A_520, %gather3A_523 : vector<16xf32>
          %add3A_525 = arith.addf %broadcast_in_dim3A_513, %mul3A_524 : vector<16xf32>
          %gather3A_526 = tpu.vector_load_idx %arg10[%add3A_123, %add3A_469] : memref<64x128xf32, #tpu.memory_space<vmem>>[vector<16xi32>, vector<16xi32>], vector<16xf32>,
          %add3A_527 = vector.broadcast %mul3A_221 : i32 to vector<16xi32>
          %add3A_528 = arith.addi %add3A_469, %add3A_527 : vector<16xi32>
          %gather3A_529 = tpu.vector_load_idx %arg12[%add3A_123, %add3A_528] : memref<64x128xf32, #tpu.memory_space<vmem>>[vector<16xi32>, vector<16xi32>], vector<16xf32>,
          %mul3A_530 = arith.mulf %gather3A_526, %gather3A_529 : vector<16xf32>
          %add3A_531 = arith.addf %broadcast_in_dim3A_515, %mul3A_530 : vector<16xf32>
          %gather3A_532 = tpu.vector_load_idx %arg10[%add3A_123, %add3A_472] : memref<64x128xf32, #tpu.memory_space<vmem>>[vector<16xi32>, vector<16xi32>], vector<16xf32>,
          %add3A_533 = vector.broadcast %mul3A_221 : i32 to vector<16xi32>
          %add3A_534 = arith.addi %add3A_472, %add3A_533 : vector<16xi32>
          %gather3A_535 = tpu.vector_load_idx %arg12[%add3A_123, %add3A_534] : memref<64x128xf32, #tpu.memory_space<vmem>>[vector<16xi32>, vector<16xi32>], vector<16xf32>,
          %mul3A_536 = arith.mulf %gather3A_532, %gather3A_535 : vector<16xf32>
          %add3A_537 = arith.addf %broadcast_in_dim3A_517, %mul3A_536 : vector<16xf32>
          %gather3A_538 = tpu.vector_load_idx %arg10[%add3A_123, %add3A_475] : memref<64x128xf32, #tpu.memory_space<vmem>>[vector<16xi32>, vector<16xi32>], vector<16xf32>,
          %add3A_539 = vector.broadcast %mul3A_221 : i32 to vector<16xi32>
          %add3A_540 = arith.addi %add3A_475, %add3A_539 : vector<16xi32>
          %gather3A_541 = tpu.vector_load_idx %arg12[%add3A_123, %add3A_540] : memref<64x128xf32, #tpu.memory_space<vmem>>[vector<16xi32>, vector<16xi32>], vector<16xf32>,
          %mul3A_542 = arith.mulf %gather3A_538, %gather3A_541 : vector<16xf32>
          %add3A_543 = arith.addf %broadcast_in_dim3A_519, %mul3A_542 : vector<16xf32>
          %gather3A_544 = tpu.vector_load_idx %arg10[%add3A_123, %add3A_478] : memref<64x128xf32, #tpu.memory_space<vmem>>[vector<16xi32>, vector<16xi32>], vector<16xf32>,
          %add3A_545 = vector.broadcast %mul3A_221 : i32 to vector<16xi32>
          %add3A_546 = arith.addi %add3A_478, %add3A_545 : vector<16xi32>
          %gather3A_547 = tpu.vector_load_idx %arg12[%add3A_123, %add3A_546] : memref<64x128xf32, #tpu.memory_space<vmem>>[vector<16xi32>, vector<16xi32>], vector<16xf32>,
          %mul3A_548 = arith.mulf %gather3A_544, %gather3A_547 : vector<16xf32>
          %add3A_549 = arith.addf %add3A_525, %mul3A_548 : vector<16xf32>
          %gather3A_550 = tpu.vector_load_idx %arg10[%add3A_123, %add3A_481] : memref<64x128xf32, #tpu.memory_space<vmem>>[vector<16xi32>, vector<16xi32>], vector<16xf32>,
          %add3A_551 = vector.broadcast %mul3A_221 : i32 to vector<16xi32>
          %add3A_552 = arith.addi %add3A_481, %add3A_551 : vector<16xi32>
          %gather3A_553 = tpu.vector_load_idx %arg12[%add3A_123, %add3A_552] : memref<64x128xf32, #tpu.memory_space<vmem>>[vector<16xi32>, vector<16xi32>], vector<16xf32>,
          %mul3A_554 = arith.mulf %gather3A_550, %gather3A_553 : vector<16xf32>
          %add3A_555 = arith.addf %add3A_531, %mul3A_554 : vector<16xf32>
          %gather3A_556 = tpu.vector_load_idx %arg10[%add3A_123, %add3A_484] : memref<64x128xf32, #tpu.memory_space<vmem>>[vector<16xi32>, vector<16xi32>], vector<16xf32>,
          %add3A_557 = vector.broadcast %mul3A_221 : i32 to vector<16xi32>
          %add3A_558 = arith.addi %add3A_484, %add3A_557 : vector<16xi32>
          %gather3A_559 = tpu.vector_load_idx %arg12[%add3A_123, %add3A_558] : memref<64x128xf32, #tpu.memory_space<vmem>>[vector<16xi32>, vector<16xi32>], vector<16xf32>,
          %mul3A_560 = arith.mulf %gather3A_556, %gather3A_559 : vector<16xf32>
          %add3A_561 = arith.addf %add3A_537, %mul3A_560 : vector<16xf32>
          %gather3A_562 = tpu.vector_load_idx %arg10[%add3A_123, %add3A_487] : memref<64x128xf32, #tpu.memory_space<vmem>>[vector<16xi32>, vector<16xi32>], vector<16xf32>,
          %add3A_563 = vector.broadcast %mul3A_221 : i32 to vector<16xi32>
          %add3A_564 = arith.addi %add3A_487, %add3A_563 : vector<16xi32>
          %gather3A_565 = tpu.vector_load_idx %arg12[%add3A_123, %add3A_564] : memref<64x128xf32, #tpu.memory_space<vmem>>[vector<16xi32>, vector<16xi32>], vector<16xf32>,
          %mul3A_566 = arith.mulf %gather3A_562, %gather3A_565 : vector<16xf32>
          %add3A_567 = arith.addf %add3A_543, %mul3A_566 : vector<16xf32>
          %gather3A_568 = tpu.vector_load_idx %arg10[%add3A_123, %add3A_490] : memref<64x128xf32, #tpu.memory_space<vmem>>[vector<16xi32>, vector<16xi32>], vector<16xf32>,
          %add3A_569 = vector.broadcast %mul3A_221 : i32 to vector<16xi32>
          %add3A_570 = arith.addi %add3A_490, %add3A_569 : vector<16xi32>
          %gather3A_571 = tpu.vector_load_idx %arg12[%add3A_123, %add3A_570] : memref<64x128xf32, #tpu.memory_space<vmem>>[vector<16xi32>, vector<16xi32>], vector<16xf32>,
          %mul3A_572 = arith.mulf %gather3A_568, %gather3A_571 : vector<16xf32>
          %add3A_573 = arith.addf %add3A_549, %mul3A_572 : vector<16xf32>
          %gather3A_574 = tpu.vector_load_idx %arg10[%add3A_123, %add3A_493] : memref<64x128xf32, #tpu.memory_space<vmem>>[vector<16xi32>, vector<16xi32>], vector<16xf32>,
          %add3A_575 = vector.broadcast %mul3A_221 : i32 to vector<16xi32>
          %add3A_576 = arith.addi %add3A_493, %add3A_575 : vector<16xi32>
          %gather3A_577 = tpu.vector_load_idx %arg12[%add3A_123, %add3A_576] : memref<64x128xf32, #tpu.memory_space<vmem>>[vector<16xi32>, vector<16xi32>], vector<16xf32>,
          %mul3A_578 = arith.mulf %gather3A_574, %gather3A_577 : vector<16xf32>
          %add3A_579 = arith.addf %add3A_555, %mul3A_578 : vector<16xf32>
          %gather3A_580 = tpu.vector_load_idx %arg10[%add3A_123, %add3A_496] : memref<64x128xf32, #tpu.memory_space<vmem>>[vector<16xi32>, vector<16xi32>], vector<16xf32>,
          %add3A_581 = vector.broadcast %mul3A_221 : i32 to vector<16xi32>
          %add3A_582 = arith.addi %add3A_496, %add3A_581 : vector<16xi32>
          %gather3A_583 = tpu.vector_load_idx %arg12[%add3A_123, %add3A_582] : memref<64x128xf32, #tpu.memory_space<vmem>>[vector<16xi32>, vector<16xi32>], vector<16xf32>,
          %mul3A_584 = arith.mulf %gather3A_580, %gather3A_583 : vector<16xf32>
          %add3A_585 = arith.addf %add3A_561, %mul3A_584 : vector<16xf32>
          %gather3A_586 = tpu.vector_load_idx %arg10[%add3A_123, %add3A_499] : memref<64x128xf32, #tpu.memory_space<vmem>>[vector<16xi32>, vector<16xi32>], vector<16xf32>,
          %add3A_587 = vector.broadcast %mul3A_221 : i32 to vector<16xi32>
          %add3A_588 = arith.addi %add3A_499, %add3A_587 : vector<16xi32>
          %gather3A_589 = tpu.vector_load_idx %arg12[%add3A_123, %add3A_588] : memref<64x128xf32, #tpu.memory_space<vmem>>[vector<16xi32>, vector<16xi32>], vector<16xf32>,
          %mul3A_590 = arith.mulf %gather3A_586, %gather3A_589 : vector<16xf32>
          %add3A_591 = arith.addf %add3A_567, %mul3A_590 : vector<16xf32>
          %gather3A_592 = tpu.vector_load_idx %arg10[%add3A_123, %add3A_502] : memref<64x128xf32, #tpu.memory_space<vmem>>[vector<16xi32>, vector<16xi32>], vector<16xf32>,
          %add3A_593 = vector.broadcast %mul3A_221 : i32 to vector<16xi32>
          %add3A_594 = arith.addi %add3A_502, %add3A_593 : vector<16xi32>
          %gather3A_595 = tpu.vector_load_idx %arg12[%add3A_123, %add3A_594] : memref<64x128xf32, #tpu.memory_space<vmem>>[vector<16xi32>, vector<16xi32>], vector<16xf32>,
          %mul3A_596 = arith.mulf %gather3A_592, %gather3A_595 : vector<16xf32>
          %add3A_597 = arith.addf %add3A_573, %mul3A_596 : vector<16xf32>
          %gather3A_598 = tpu.vector_load_idx %arg10[%add3A_123, %add3A_505] : memref<64x128xf32, #tpu.memory_space<vmem>>[vector<16xi32>, vector<16xi32>], vector<16xf32>,
          %add3A_599 = vector.broadcast %mul3A_221 : i32 to vector<16xi32>
          %add3A_600 = arith.addi %add3A_505, %add3A_599 : vector<16xi32>
          %gather3A_601 = tpu.vector_load_idx %arg12[%add3A_123, %add3A_600] : memref<64x128xf32, #tpu.memory_space<vmem>>[vector<16xi32>, vector<16xi32>], vector<16xf32>,
          %mul3A_602 = arith.mulf %gather3A_598, %gather3A_601 : vector<16xf32>
          %add3A_603 = arith.addf %add3A_579, %mul3A_602 : vector<16xf32>
          %gather3A_604 = tpu.vector_load_idx %arg10[%add3A_123, %add3A_508] : memref<64x128xf32, #tpu.memory_space<vmem>>[vector<16xi32>, vector<16xi32>], vector<16xf32>,
          %add3A_605 = vector.broadcast %mul3A_221 : i32 to vector<16xi32>
          %add3A_606 = arith.addi %add3A_508, %add3A_605 : vector<16xi32>
          %gather3A_607 = tpu.vector_load_idx %arg12[%add3A_123, %add3A_606] : memref<64x128xf32, #tpu.memory_space<vmem>>[vector<16xi32>, vector<16xi32>], vector<16xf32>,
          %mul3A_608 = arith.mulf %gather3A_604, %gather3A_607 : vector<16xf32>
          %add3A_609 = arith.addf %add3A_585, %mul3A_608 : vector<16xf32>
          %gather3A_610 = tpu.vector_load_idx %arg10[%add3A_123, %add3A_511] : memref<64x128xf32, #tpu.memory_space<vmem>>[vector<16xi32>, vector<16xi32>], vector<16xf32>,
          %add3A_611 = vector.broadcast %mul3A_221 : i32 to vector<16xi32>
          %add3A_612 = arith.addi %add3A_511, %add3A_611 : vector<16xi32>
          %gather3A_613 = tpu.vector_load_idx %arg12[%add3A_123, %add3A_612] : memref<64x128xf32, #tpu.memory_space<vmem>>[vector<16xi32>, vector<16xi32>], vector<16xf32>,
          %mul3A_614 = arith.mulf %gather3A_610, %gather3A_613 : vector<16xf32>
          %add3A_615 = arith.addf %add3A_591, %mul3A_614 : vector<16xf32>
          %add3A_616 = arith.addf %add3A_597, %add3A_603 : vector<16xf32>
          %add3A_617 = arith.addf %add3A_609, %add3A_615 : vector<16xf32>
          %add3A_618 = arith.addf %add3A_616, %add3A_617 : vector<16xf32>
          %mul3A_619 = arith.constant 2.500000e-01 : f32
          %mul3A_620 = vector.broadcast %mul3A_619 : f32 to vector<16xf32>
          %mul3A_621 = arith.mulf %add3A_618, %mul3A_620 : vector<16xf32>
          %jit3A_622 = arith.constant -5.000000e+00 : f32
          %jit3A_623 = arith.constant 5.000000e+00 : f32
          %max3A_624 = vector.broadcast %jit3A_622 : f32 to vector<16xf32>
          %max3A_625 = arith.maximumf %max3A_624, %mul3A_621 : vector<16xf32>
          %min3A_626 = vector.broadcast %jit3A_623 : f32 to vector<16xf32>
          %min3A_627 = arith.minimumf %min3A_626, %max3A_625 : vector<16xf32>
          %exp3A_628 = math.exp %min3A_627 : vector<16xf32>
          %broadcast_in_dim3A_629 = arith.constant 65 : i32
          %broadcast_in_dim3A_630 = vector.broadcast %broadcast_in_dim3A_629 : i32 to vector<16xi32>
          tpu.vector_store_idx %arg14[%add3A_123, %broadcast_in_dim3A_630], %exp3A_628 : memref<64x72xf32, #tpu.memory_space<vmem>>[vector<16xi32>, vector<16xi32>], vector<16xf32>,
          %add3A_631 = arith.constant 64 : i32
          %add3A_632 = vector.broadcast %add3A_631 : i32 to vector<16xi32>
          %add3A_633 = arith.addi %add3A_466, %add3A_632 : vector<16xi32>
          %gather3A_634 = tpu.vector_load_idx %arg10[%add3A_123, %add3A_633] : memref<64x128xf32, #tpu.memory_space<vmem>>[vector<16xi32>, vector<16xi32>], vector<16xf32>,
          %mul3A_635 = arith.mulf %exp3A_628, %gather3A_634 : vector<16xf32>
          tpu.vector_store_idx %arg14[%add3A_123, %add3A_466], %mul3A_635 : memref<64x72xf32, #tpu.memory_space<vmem>>[vector<16xi32>, vector<16xi32>], vector<16xf32>,
          %add3A_636 = arith.constant 64 : i32
          %add3A_637 = vector.broadcast %add3A_636 : i32 to vector<16xi32>
          %add3A_638 = arith.addi %add3A_469, %add3A_637 : vector<16xi32>
          %gather3A_639 = tpu.vector_load_idx %arg10[%add3A_123, %add3A_638] : memref<64x128xf32, #tpu.memory_space<vmem>>[vector<16xi32>, vector<16xi32>], vector<16xf32>,
          %mul3A_640 = arith.mulf %exp3A_628, %gather3A_639 : vector<16xf32>
          tpu.vector_store_idx %arg14[%add3A_123, %add3A_469], %mul3A_640 : memref<64x72xf32, #tpu.memory_space<vmem>>[vector<16xi32>, vector<16xi32>], vector<16xf32>,
          %add3A_641 = arith.constant 64 : i32
          %add3A_642 = vector.broadcast %add3A_641 : i32 to vector<16xi32>
          %add3A_643 = arith.addi %add3A_472, %add3A_642 : vector<16xi32>
          %gather3A_644 = tpu.vector_load_idx %arg10[%add3A_123, %add3A_643] : memref<64x128xf32, #tpu.memory_space<vmem>>[vector<16xi32>, vector<16xi32>], vector<16xf32>,
          %mul3A_645 = arith.mulf %exp3A_628, %gather3A_644 : vector<16xf32>
          tpu.vector_store_idx %arg14[%add3A_123, %add3A_472], %mul3A_645 : memref<64x72xf32, #tpu.memory_space<vmem>>[vector<16xi32>, vector<16xi32>], vector<16xf32>,
          %add3A_646 = arith.constant 64 : i32
          %add3A_647 = vector.broadcast %add3A_646 : i32 to vector<16xi32>
          %add3A_648 = arith.addi %add3A_475, %add3A_647 : vector<16xi32>
          %gather3A_649 = tpu.vector_load_idx %arg10[%add3A_123, %add3A_648] : memref<64x128xf32, #tpu.memory_space<vmem>>[vector<16xi32>, vector<16xi32>], vector<16xf32>,
          %mul3A_650 = arith.mulf %exp3A_628, %gather3A_649 : vector<16xf32>
          tpu.vector_store_idx %arg14[%add3A_123, %add3A_475], %mul3A_650 : memref<64x72xf32, #tpu.memory_space<vmem>>[vector<16xi32>, vector<16xi32>], vector<16xf32>,
          %add3A_651 = arith.constant 64 : i32
          %add3A_652 = vector.broadcast %add3A_651 : i32 to vector<16xi32>
          %add3A_653 = arith.addi %add3A_478, %add3A_652 : vector<16xi32>
          %gather3A_654 = tpu.vector_load_idx %arg10[%add3A_123, %add3A_653] : memref<64x128xf32, #tpu.memory_space<vmem>>[vector<16xi32>, vector<16xi32>], vector<16xf32>,
          %mul3A_655 = arith.mulf %exp3A_628, %gather3A_654 : vector<16xf32>
          tpu.vector_store_idx %arg14[%add3A_123, %add3A_478], %mul3A_655 : memref<64x72xf32, #tpu.memory_space<vmem>>[vector<16xi32>, vector<16xi32>], vector<16xf32>,
          %add3A_656 = arith.constant 64 : i32
          %add3A_657 = vector.broadcast %add3A_656 : i32 to vector<16xi32>
          %add3A_658 = arith.addi %add3A_481, %add3A_657 : vector<16xi32>
          %gather3A_659 = tpu.vector_load_idx %arg10[%add3A_123, %add3A_658] : memref<64x128xf32, #tpu.memory_space<vmem>>[vector<16xi32>, vector<16xi32>], vector<16xf32>,
          %mul3A_660 = arith.mulf %exp3A_628, %gather3A_659 : vector<16xf32>
          tpu.vector_store_idx %arg14[%add3A_123, %add3A_481], %mul3A_660 : memref<64x72xf32, #tpu.memory_space<vmem>>[vector<16xi32>, vector<16xi32>], vector<16xf32>,
          %add3A_661 = arith.constant 64 : i32
          %add3A_662 = vector.broadcast %add3A_661 : i32 to vector<16xi32>
          %add3A_663 = arith.addi %add3A_484, %add3A_662 : vector<16xi32>
          %gather3A_664 = tpu.vector_load_idx %arg10[%add3A_123, %add3A_663] : memref<64x128xf32, #tpu.memory_space<vmem>>[vector<16xi32>, vector<16xi32>], vector<16xf32>,
          %mul3A_665 = arith.mulf %exp3A_628, %gather3A_664 : vector<16xf32>
          tpu.vector_store_idx %arg14[%add3A_123, %add3A_484], %mul3A_665 : memref<64x72xf32, #tpu.memory_space<vmem>>[vector<16xi32>, vector<16xi32>], vector<16xf32>,
          %add3A_666 = arith.constant 64 : i32
          %add3A_667 = vector.broadcast %add3A_666 : i32 to vector<16xi32>
          %add3A_668 = arith.addi %add3A_487, %add3A_667 : vector<16xi32>
          %gather3A_669 = tpu.vector_load_idx %arg10[%add3A_123, %add3A_668] : memref<64x128xf32, #tpu.memory_space<vmem>>[vector<16xi32>, vector<16xi32>], vector<16xf32>,
          %mul3A_670 = arith.mulf %exp3A_628, %gather3A_669 : vector<16xf32>
          tpu.vector_store_idx %arg14[%add3A_123, %add3A_487], %mul3A_670 : memref<64x72xf32, #tpu.memory_space<vmem>>[vector<16xi32>, vector<16xi32>], vector<16xf32>,
          %add3A_671 = arith.constant 64 : i32
          %add3A_672 = vector.broadcast %add3A_671 : i32 to vector<16xi32>
          %add3A_673 = arith.addi %add3A_490, %add3A_672 : vector<16xi32>
          %gather3A_674 = tpu.vector_load_idx %arg10[%add3A_123, %add3A_673] : memref<64x128xf32, #tpu.memory_space<vmem>>[vector<16xi32>, vector<16xi32>], vector<16xf32>,
          %mul3A_675 = arith.mulf %exp3A_628, %gather3A_674 : vector<16xf32>
          tpu.vector_store_idx %arg14[%add3A_123, %add3A_490], %mul3A_675 : memref<64x72xf32, #tpu.memory_space<vmem>>[vector<16xi32>, vector<16xi32>], vector<16xf32>,
          %add3A_676 = arith.constant 64 : i32
          %add3A_677 = vector.broadcast %add3A_676 : i32 to vector<16xi32>
          %add3A_678 = arith.addi %add3A_493, %add3A_677 : vector<16xi32>
          %gather3A_679 = tpu.vector_load_idx %arg10[%add3A_123, %add3A_678] : memref<64x128xf32, #tpu.memory_space<vmem>>[vector<16xi32>, vector<16xi32>], vector<16xf32>,
          %mul3A_680 = arith.mulf %exp3A_628, %gather3A_679 : vector<16xf32>
          tpu.vector_store_idx %arg14[%add3A_123, %add3A_493], %mul3A_680 : memref<64x72xf32, #tpu.memory_space<vmem>>[vector<16xi32>, vector<16xi32>], vector<16xf32>,
          %add3A_681 = arith.constant 64 : i32
          %add3A_682 = vector.broadcast %add3A_681 : i32 to vector<16xi32>
          %add3A_683 = arith.addi %add3A_496, %add3A_682 : vector<16xi32>
          %gather3A_684 = tpu.vector_load_idx %arg10[%add3A_123, %add3A_683] : memref<64x128xf32, #tpu.memory_space<vmem>>[vector<16xi32>, vector<16xi32>], vector<16xf32>,
          %mul3A_685 = arith.mulf %exp3A_628, %gather3A_684 : vector<16xf32>
          tpu.vector_store_idx %arg14[%add3A_123, %add3A_496], %mul3A_685 : memref<64x72xf32, #tpu.memory_space<vmem>>[vector<16xi32>, vector<16xi32>], vector<16xf32>,
          %add3A_686 = arith.constant 64 : i32
          %add3A_687 = vector.broadcast %add3A_686 : i32 to vector<16xi32>
          %add3A_688 = arith.addi %add3A_499, %add3A_687 : vector<16xi32>
          %gather3A_689 = tpu.vector_load_idx %arg10[%add3A_123, %add3A_688] : memref<64x128xf32, #tpu.memory_space<vmem>>[vector<16xi32>, vector<16xi32>], vector<16xf32>,
          %mul3A_690 = arith.mulf %exp3A_628, %gather3A_689 : vector<16xf32>
          tpu.vector_store_idx %arg14[%add3A_123, %add3A_499], %mul3A_690 : memref<64x72xf32, #tpu.memory_space<vmem>>[vector<16xi32>, vector<16xi32>], vector<16xf32>,
          %add3A_691 = arith.constant 64 : i32
          %add3A_692 = vector.broadcast %add3A_691 : i32 to vector<16xi32>
          %add3A_693 = arith.addi %add3A_502, %add3A_692 : vector<16xi32>
          %gather3A_694 = tpu.vector_load_idx %arg10[%add3A_123, %add3A_693] : memref<64x128xf32, #tpu.memory_space<vmem>>[vector<16xi32>, vector<16xi32>], vector<16xf32>,
          %mul3A_695 = arith.mulf %exp3A_628, %gather3A_694 : vector<16xf32>
          tpu.vector_store_idx %arg14[%add3A_123, %add3A_502], %mul3A_695 : memref<64x72xf32, #tpu.memory_space<vmem>>[vector<16xi32>, vector<16xi32>], vector<16xf32>,
          %add3A_696 = arith.constant 64 : i32
          %add3A_697 = vector.broadcast %add3A_696 : i32 to vector<16xi32>
          %add3A_698 = arith.addi %add3A_505, %add3A_697 : vector<16xi32>
          %gather3A_699 = tpu.vector_load_idx %arg10[%add3A_123, %add3A_698] : memref<64x128xf32, #tpu.memory_space<vmem>>[vector<16xi32>, vector<16xi32>], vector<16xf32>,
          %mul3A_700 = arith.mulf %exp3A_628, %gather3A_699 : vector<16xf32>
          tpu.vector_store_idx %arg14[%add3A_123, %add3A_505], %mul3A_700 : memref<64x72xf32, #tpu.memory_space<vmem>>[vector<16xi32>, vector<16xi32>], vector<16xf32>,
          %add3A_701 = arith.constant 64 : i32
          %add3A_702 = vector.broadcast %add3A_701 : i32 to vector<16xi32>
          %add3A_703 = arith.addi %add3A_508, %add3A_702 : vector<16xi32>
          %gather3A_704 = tpu.vector_load_idx %arg10[%add3A_123, %add3A_703] : memref<64x128xf32, #tpu.memory_space<vmem>>[vector<16xi32>, vector<16xi32>], vector<16xf32>,
          %mul3A_705 = arith.mulf %exp3A_628, %gather3A_704 : vector<16xf32>
          tpu.vector_store_idx %arg14[%add3A_123, %add3A_508], %mul3A_705 : memref<64x72xf32, #tpu.memory_space<vmem>>[vector<16xi32>, vector<16xi32>], vector<16xf32>,
          %add3A_706 = arith.constant 64 : i32
          %add3A_707 = vector.broadcast %add3A_706 : i32 to vector<16xi32>
          %add3A_708 = arith.addi %add3A_511, %add3A_707 : vector<16xi32>
          %gather3A_709 = tpu.vector_load_idx %arg10[%add3A_123, %add3A_708] : memref<64x128xf32, #tpu.memory_space<vmem>>[vector<16xi32>, vector<16xi32>], vector<16xf32>,
          %mul3A_710 = arith.mulf %exp3A_628, %gather3A_709 : vector<16xf32>
          tpu.vector_store_idx %arg14[%add3A_123, %add3A_511], %mul3A_710 : memref<64x72xf32, #tpu.memory_space<vmem>>[vector<16xi32>, vector<16xi32>], vector<16xf32>,
          %add3A_711 = arith.constant 32 : i32
          %add3A_712 = vector.broadcast %add3A_711 : i32 to vector<16xi32>
          %add3A_713 = arith.addi %and3A_129, %add3A_712 : vector<16xi32>
          %add3A_714 = arith.constant 32 : i32
          %add3A_715 = vector.broadcast %add3A_714 : i32 to vector<16xi32>
          %add3A_716 = arith.addi %and3A_135, %add3A_715 : vector<16xi32>
          %add3A_717 = arith.constant 32 : i32
          %add3A_718 = vector.broadcast %add3A_717 : i32 to vector<16xi32>
          %add3A_719 = arith.addi %and3A_141, %add3A_718 : vector<16xi32>
          %add3A_720 = arith.constant 32 : i32
          %add3A_721 = vector.broadcast %add3A_720 : i32 to vector<16xi32>
          %add3A_722 = arith.addi %and3A_147, %add3A_721 : vector<16xi32>
          %add3A_723 = arith.constant 32 : i32
          %add3A_724 = vector.broadcast %add3A_723 : i32 to vector<16xi32>
          %add3A_725 = arith.addi %and3A_153, %add3A_724 : vector<16xi32>
          %add3A_726 = arith.constant 32 : i32
          %add3A_727 = vector.broadcast %add3A_726 : i32 to vector<16xi32>
          %add3A_728 = arith.addi %and3A_159, %add3A_727 : vector<16xi32>
          %add3A_729 = arith.constant 32 : i32
          %add3A_730 = vector.broadcast %add3A_729 : i32 to vector<16xi32>
          %add3A_731 = arith.addi %and3A_165, %add3A_730 : vector<16xi32>
          %add3A_732 = arith.constant 32 : i32
          %add3A_733 = vector.broadcast %add3A_732 : i32 to vector<16xi32>
          %add3A_734 = arith.addi %and3A_171, %add3A_733 : vector<16xi32>
          %add3A_735 = arith.constant 32 : i32
          %add3A_736 = vector.broadcast %add3A_735 : i32 to vector<16xi32>
          %add3A_737 = arith.addi %and3A_177, %add3A_736 : vector<16xi32>
          %add3A_738 = arith.constant 32 : i32
          %add3A_739 = vector.broadcast %add3A_738 : i32 to vector<16xi32>
          %add3A_740 = arith.addi %and3A_183, %add3A_739 : vector<16xi32>
          %add3A_741 = arith.constant 32 : i32
          %add3A_742 = vector.broadcast %add3A_741 : i32 to vector<16xi32>
          %add3A_743 = arith.addi %and3A_189, %add3A_742 : vector<16xi32>
          %add3A_744 = arith.constant 32 : i32
          %add3A_745 = vector.broadcast %add3A_744 : i32 to vector<16xi32>
          %add3A_746 = arith.addi %and3A_195, %add3A_745 : vector<16xi32>
          %add3A_747 = arith.constant 32 : i32
          %add3A_748 = vector.broadcast %add3A_747 : i32 to vector<16xi32>
          %add3A_749 = arith.addi %and3A_201, %add3A_748 : vector<16xi32>
          %add3A_750 = arith.constant 32 : i32
          %add3A_751 = vector.broadcast %add3A_750 : i32 to vector<16xi32>
          %add3A_752 = arith.addi %and3A_207, %add3A_751 : vector<16xi32>
          %add3A_753 = arith.constant 32 : i32
          %add3A_754 = vector.broadcast %add3A_753 : i32 to vector<16xi32>
          %add3A_755 = arith.addi %and3A_213, %add3A_754 : vector<16xi32>
          %add3A_756 = arith.constant 32 : i32
          %add3A_757 = vector.broadcast %add3A_756 : i32 to vector<16xi32>
          %add3A_758 = arith.addi %and3A_219, %add3A_757 : vector<16xi32>
          %broadcast_in_dim3A_759 = arith.constant 0.000000e+00 : f32
          %broadcast_in_dim3A_760 = vector.broadcast %broadcast_in_dim3A_759 : f32 to vector<16xf32>
          %broadcast_in_dim3A_761 = arith.constant 0.000000e+00 : f32
          %broadcast_in_dim3A_762 = vector.broadcast %broadcast_in_dim3A_761 : f32 to vector<16xf32>
          %broadcast_in_dim3A_763 = arith.constant 0.000000e+00 : f32
          %broadcast_in_dim3A_764 = vector.broadcast %broadcast_in_dim3A_763 : f32 to vector<16xf32>
          %broadcast_in_dim3A_765 = arith.constant 0.000000e+00 : f32
          %broadcast_in_dim3A_766 = vector.broadcast %broadcast_in_dim3A_765 : f32 to vector<16xf32>
          %gather3A_767 = tpu.vector_load_idx %arg10[%add3A_123, %add3A_713] : memref<64x128xf32, #tpu.memory_space<vmem>>[vector<16xi32>, vector<16xi32>], vector<16xf32>,
          %add3A_768 = vector.broadcast %mul3A_221 : i32 to vector<16xi32>
          %add3A_769 = arith.addi %add3A_713, %add3A_768 : vector<16xi32>
          %gather3A_770 = tpu.vector_load_idx %arg12[%add3A_123, %add3A_769] : memref<64x128xf32, #tpu.memory_space<vmem>>[vector<16xi32>, vector<16xi32>], vector<16xf32>,
          %mul3A_771 = arith.mulf %gather3A_767, %gather3A_770 : vector<16xf32>
          %add3A_772 = arith.addf %broadcast_in_dim3A_760, %mul3A_771 : vector<16xf32>
          %gather3A_773 = tpu.vector_load_idx %arg10[%add3A_123, %add3A_716] : memref<64x128xf32, #tpu.memory_space<vmem>>[vector<16xi32>, vector<16xi32>], vector<16xf32>,
          %add3A_774 = vector.broadcast %mul3A_221 : i32 to vector<16xi32>
          %add3A_775 = arith.addi %add3A_716, %add3A_774 : vector<16xi32>
          %gather3A_776 = tpu.vector_load_idx %arg12[%add3A_123, %add3A_775] : memref<64x128xf32, #tpu.memory_space<vmem>>[vector<16xi32>, vector<16xi32>], vector<16xf32>,
          %mul3A_777 = arith.mulf %gather3A_773, %gather3A_776 : vector<16xf32>
          %add3A_778 = arith.addf %broadcast_in_dim3A_762, %mul3A_777 : vector<16xf32>
          %gather3A_779 = tpu.vector_load_idx %arg10[%add3A_123, %add3A_719] : memref<64x128xf32, #tpu.memory_space<vmem>>[vector<16xi32>, vector<16xi32>], vector<16xf32>,
          %add3A_780 = vector.broadcast %mul3A_221 : i32 to vector<16xi32>
          %add3A_781 = arith.addi %add3A_719, %add3A_780 : vector<16xi32>
          %gather3A_782 = tpu.vector_load_idx %arg12[%add3A_123, %add3A_781] : memref<64x128xf32, #tpu.memory_space<vmem>>[vector<16xi32>, vector<16xi32>], vector<16xf32>,
          %mul3A_783 = arith.mulf %gather3A_779, %gather3A_782 : vector<16xf32>
          %add3A_784 = arith.addf %broadcast_in_dim3A_764, %mul3A_783 : vector<16xf32>
          %gather3A_785 = tpu.vector_load_idx %arg10[%add3A_123, %add3A_722] : memref<64x128xf32, #tpu.memory_space<vmem>>[vector<16xi32>, vector<16xi32>], vector<16xf32>,
          %add3A_786 = vector.broadcast %mul3A_221 : i32 to vector<16xi32>
          %add3A_787 = arith.addi %add3A_722, %add3A_786 : vector<16xi32>
          %gather3A_788 = tpu.vector_load_idx %arg12[%add3A_123, %add3A_787] : memref<64x128xf32, #tpu.memory_space<vmem>>[vector<16xi32>, vector<16xi32>], vector<16xf32>,
          %mul3A_789 = arith.mulf %gather3A_785, %gather3A_788 : vector<16xf32>
          %add3A_790 = arith.addf %broadcast_in_dim3A_766, %mul3A_789 : vector<16xf32>
          %gather3A_791 = tpu.vector_load_idx %arg10[%add3A_123, %add3A_725] : memref<64x128xf32, #tpu.memory_space<vmem>>[vector<16xi32>, vector<16xi32>], vector<16xf32>,
          %add3A_792 = vector.broadcast %mul3A_221 : i32 to vector<16xi32>
          %add3A_793 = arith.addi %add3A_725, %add3A_792 : vector<16xi32>
          %gather3A_794 = tpu.vector_load_idx %arg12[%add3A_123, %add3A_793] : memref<64x128xf32, #tpu.memory_space<vmem>>[vector<16xi32>, vector<16xi32>], vector<16xf32>,
          %mul3A_795 = arith.mulf %gather3A_791, %gather3A_794 : vector<16xf32>
          %add3A_796 = arith.addf %add3A_772, %mul3A_795 : vector<16xf32>
          %gather3A_797 = tpu.vector_load_idx %arg10[%add3A_123, %add3A_728] : memref<64x128xf32, #tpu.memory_space<vmem>>[vector<16xi32>, vector<16xi32>], vector<16xf32>,
          %add3A_798 = vector.broadcast %mul3A_221 : i32 to vector<16xi32>
          %add3A_799 = arith.addi %add3A_728, %add3A_798 : vector<16xi32>
          %gather3A_800 = tpu.vector_load_idx %arg12[%add3A_123, %add3A_799] : memref<64x128xf32, #tpu.memory_space<vmem>>[vector<16xi32>, vector<16xi32>], vector<16xf32>,
          %mul3A_801 = arith.mulf %gather3A_797, %gather3A_800 : vector<16xf32>
          %add3A_802 = arith.addf %add3A_778, %mul3A_801 : vector<16xf32>
          %gather3A_803 = tpu.vector_load_idx %arg10[%add3A_123, %add3A_731] : memref<64x128xf32, #tpu.memory_space<vmem>>[vector<16xi32>, vector<16xi32>], vector<16xf32>,
          %add3A_804 = vector.broadcast %mul3A_221 : i32 to vector<16xi32>
          %add3A_805 = arith.addi %add3A_731, %add3A_804 : vector<16xi32>
          %gather3A_806 = tpu.vector_load_idx %arg12[%add3A_123, %add3A_805] : memref<64x128xf32, #tpu.memory_space<vmem>>[vector<16xi32>, vector<16xi32>], vector<16xf32>,
          %mul3A_807 = arith.mulf %gather3A_803, %gather3A_806 : vector<16xf32>
          %add3A_808 = arith.addf %add3A_784, %mul3A_807 : vector<16xf32>
          %gather3A_809 = tpu.vector_load_idx %arg10[%add3A_123, %add3A_734] : memref<64x128xf32, #tpu.memory_space<vmem>>[vector<16xi32>, vector<16xi32>], vector<16xf32>,
          %add3A_810 = vector.broadcast %mul3A_221 : i32 to vector<16xi32>
          %add3A_811 = arith.addi %add3A_734, %add3A_810 : vector<16xi32>
          %gather3A_812 = tpu.vector_load_idx %arg12[%add3A_123, %add3A_811] : memref<64x128xf32, #tpu.memory_space<vmem>>[vector<16xi32>, vector<16xi32>], vector<16xf32>,
          %mul3A_813 = arith.mulf %gather3A_809, %gather3A_812 : vector<16xf32>
          %add3A_814 = arith.addf %add3A_790, %mul3A_813 : vector<16xf32>
          %gather3A_815 = tpu.vector_load_idx %arg10[%add3A_123, %add3A_737] : memref<64x128xf32, #tpu.memory_space<vmem>>[vector<16xi32>, vector<16xi32>], vector<16xf32>,
          %add3A_816 = vector.broadcast %mul3A_221 : i32 to vector<16xi32>
          %add3A_817 = arith.addi %add3A_737, %add3A_816 : vector<16xi32>
          %gather3A_818 = tpu.vector_load_idx %arg12[%add3A_123, %add3A_817] : memref<64x128xf32, #tpu.memory_space<vmem>>[vector<16xi32>, vector<16xi32>], vector<16xf32>,
          %mul3A_819 = arith.mulf %gather3A_815, %gather3A_818 : vector<16xf32>
          %add3A_820 = arith.addf %add3A_796, %mul3A_819 : vector<16xf32>
          %gather3A_821 = tpu.vector_load_idx %arg10[%add3A_123, %add3A_740] : memref<64x128xf32, #tpu.memory_space<vmem>>[vector<16xi32>, vector<16xi32>], vector<16xf32>,
          %add3A_822 = vector.broadcast %mul3A_221 : i32 to vector<16xi32>
          %add3A_823 = arith.addi %add3A_740, %add3A_822 : vector<16xi32>
          %gather3A_824 = tpu.vector_load_idx %arg12[%add3A_123, %add3A_823] : memref<64x128xf32, #tpu.memory_space<vmem>>[vector<16xi32>, vector<16xi32>], vector<16xf32>,
          %mul3A_825 = arith.mulf %gather3A_821, %gather3A_824 : vector<16xf32>
          %add3A_826 = arith.addf %add3A_802, %mul3A_825 : vector<16xf32>
          %gather3A_827 = tpu.vector_load_idx %arg10[%add3A_123, %add3A_743] : memref<64x128xf32, #tpu.memory_space<vmem>>[vector<16xi32>, vector<16xi32>], vector<16xf32>,
          %add3A_828 = vector.broadcast %mul3A_221 : i32 to vector<16xi32>
          %add3A_829 = arith.addi %add3A_743, %add3A_828 : vector<16xi32>
          %gather3A_830 = tpu.vector_load_idx %arg12[%add3A_123, %add3A_829] : memref<64x128xf32, #tpu.memory_space<vmem>>[vector<16xi32>, vector<16xi32>], vector<16xf32>,
          %mul3A_831 = arith.mulf %gather3A_827, %gather3A_830 : vector<16xf32>
          %add3A_832 = arith.addf %add3A_808, %mul3A_831 : vector<16xf32>
          %gather3A_833 = tpu.vector_load_idx %arg10[%add3A_123, %add3A_746] : memref<64x128xf32, #tpu.memory_space<vmem>>[vector<16xi32>, vector<16xi32>], vector<16xf32>,
          %add3A_834 = vector.broadcast %mul3A_221 : i32 to vector<16xi32>
          %add3A_835 = arith.addi %add3A_746, %add3A_834 : vector<16xi32>
          %gather3A_836 = tpu.vector_load_idx %arg12[%add3A_123, %add3A_835] : memref<64x128xf32, #tpu.memory_space<vmem>>[vector<16xi32>, vector<16xi32>], vector<16xf32>,
          %mul3A_837 = arith.mulf %gather3A_833, %gather3A_836 : vector<16xf32>
          %add3A_838 = arith.addf %add3A_814, %mul3A_837 : vector<16xf32>
          %gather3A_839 = tpu.vector_load_idx %arg10[%add3A_123, %add3A_749] : memref<64x128xf32, #tpu.memory_space<vmem>>[vector<16xi32>, vector<16xi32>], vector<16xf32>,
          %add3A_840 = vector.broadcast %mul3A_221 : i32 to vector<16xi32>
          %add3A_841 = arith.addi %add3A_749, %add3A_840 : vector<16xi32>
          %gather3A_842 = tpu.vector_load_idx %arg12[%add3A_123, %add3A_841] : memref<64x128xf32, #tpu.memory_space<vmem>>[vector<16xi32>, vector<16xi32>], vector<16xf32>,
          %mul3A_843 = arith.mulf %gather3A_839, %gather3A_842 : vector<16xf32>
          %add3A_844 = arith.addf %add3A_820, %mul3A_843 : vector<16xf32>
          %gather3A_845 = tpu.vector_load_idx %arg10[%add3A_123, %add3A_752] : memref<64x128xf32, #tpu.memory_space<vmem>>[vector<16xi32>, vector<16xi32>], vector<16xf32>,
          %add3A_846 = vector.broadcast %mul3A_221 : i32 to vector<16xi32>
          %add3A_847 = arith.addi %add3A_752, %add3A_846 : vector<16xi32>
          %gather3A_848 = tpu.vector_load_idx %arg12[%add3A_123, %add3A_847] : memref<64x128xf32, #tpu.memory_space<vmem>>[vector<16xi32>, vector<16xi32>], vector<16xf32>,
          %mul3A_849 = arith.mulf %gather3A_845, %gather3A_848 : vector<16xf32>
          %add3A_850 = arith.addf %add3A_826, %mul3A_849 : vector<16xf32>
          %gather3A_851 = tpu.vector_load_idx %arg10[%add3A_123, %add3A_755] : memref<64x128xf32, #tpu.memory_space<vmem>>[vector<16xi32>, vector<16xi32>], vector<16xf32>,
          %add3A_852 = vector.broadcast %mul3A_221 : i32 to vector<16xi32>
          %add3A_853 = arith.addi %add3A_755, %add3A_852 : vector<16xi32>
          %gather3A_854 = tpu.vector_load_idx %arg12[%add3A_123, %add3A_853] : memref<64x128xf32, #tpu.memory_space<vmem>>[vector<16xi32>, vector<16xi32>], vector<16xf32>,
          %mul3A_855 = arith.mulf %gather3A_851, %gather3A_854 : vector<16xf32>
          %add3A_856 = arith.addf %add3A_832, %mul3A_855 : vector<16xf32>
          %gather3A_857 = tpu.vector_load_idx %arg10[%add3A_123, %add3A_758] : memref<64x128xf32, #tpu.memory_space<vmem>>[vector<16xi32>, vector<16xi32>], vector<16xf32>,
          %add3A_858 = vector.broadcast %mul3A_221 : i32 to vector<16xi32>
          %add3A_859 = arith.addi %add3A_758, %add3A_858 : vector<16xi32>
          %gather3A_860 = tpu.vector_load_idx %arg12[%add3A_123, %add3A_859] : memref<64x128xf32, #tpu.memory_space<vmem>>[vector<16xi32>, vector<16xi32>], vector<16xf32>,
          %mul3A_861 = arith.mulf %gather3A_857, %gather3A_860 : vector<16xf32>
          %add3A_862 = arith.addf %add3A_838, %mul3A_861 : vector<16xf32>
          %add3A_863 = arith.addf %add3A_844, %add3A_850 : vector<16xf32>
          %add3A_864 = arith.addf %add3A_856, %add3A_862 : vector<16xf32>
          %add3A_865 = arith.addf %add3A_863, %add3A_864 : vector<16xf32>
          %mul3A_866 = arith.constant 2.500000e-01 : f32
          %mul3A_867 = vector.broadcast %mul3A_866 : f32 to vector<16xf32>
          %mul3A_868 = arith.mulf %add3A_865, %mul3A_867 : vector<16xf32>
          %jit3A_869 = arith.constant -5.000000e+00 : f32
          %jit3A_870 = arith.constant 5.000000e+00 : f32
          %max3A_871 = vector.broadcast %jit3A_869 : f32 to vector<16xf32>
          %max3A_872 = arith.maximumf %max3A_871, %mul3A_868 : vector<16xf32>
          %min3A_873 = vector.broadcast %jit3A_870 : f32 to vector<16xf32>
          %min3A_874 = arith.minimumf %min3A_873, %max3A_872 : vector<16xf32>
          %exp3A_875 = math.exp %min3A_874 : vector<16xf32>
          %broadcast_in_dim3A_876 = arith.constant 66 : i32
          %broadcast_in_dim3A_877 = vector.broadcast %broadcast_in_dim3A_876 : i32 to vector<16xi32>
          tpu.vector_store_idx %arg14[%add3A_123, %broadcast_in_dim3A_877], %exp3A_875 : memref<64x72xf32, #tpu.memory_space<vmem>>[vector<16xi32>, vector<16xi32>], vector<16xf32>,
          %add3A_878 = arith.constant 64 : i32
          %add3A_879 = vector.broadcast %add3A_878 : i32 to vector<16xi32>
          %add3A_880 = arith.addi %add3A_713, %add3A_879 : vector<16xi32>
          %gather3A_881 = tpu.vector_load_idx %arg10[%add3A_123, %add3A_880] : memref<64x128xf32, #tpu.memory_space<vmem>>[vector<16xi32>, vector<16xi32>], vector<16xf32>,
          %mul3A_882 = arith.mulf %exp3A_875, %gather3A_881 : vector<16xf32>
          tpu.vector_store_idx %arg14[%add3A_123, %add3A_713], %mul3A_882 : memref<64x72xf32, #tpu.memory_space<vmem>>[vector<16xi32>, vector<16xi32>], vector<16xf32>,
          %add3A_883 = arith.constant 64 : i32
          %add3A_884 = vector.broadcast %add3A_883 : i32 to vector<16xi32>
          %add3A_885 = arith.addi %add3A_716, %add3A_884 : vector<16xi32>
          %gather3A_886 = tpu.vector_load_idx %arg10[%add3A_123, %add3A_885] : memref<64x128xf32, #tpu.memory_space<vmem>>[vector<16xi32>, vector<16xi32>], vector<16xf32>,
          %mul3A_887 = arith.mulf %exp3A_875, %gather3A_886 : vector<16xf32>
          tpu.vector_store_idx %arg14[%add3A_123, %add3A_716], %mul3A_887 : memref<64x72xf32, #tpu.memory_space<vmem>>[vector<16xi32>, vector<16xi32>], vector<16xf32>,
          %add3A_888 = arith.constant 64 : i32
          %add3A_889 = vector.broadcast %add3A_888 : i32 to vector<16xi32>
          %add3A_890 = arith.addi %add3A_719, %add3A_889 : vector<16xi32>
          %gather3A_891 = tpu.vector_load_idx %arg10[%add3A_123, %add3A_890] : memref<64x128xf32, #tpu.memory_space<vmem>>[vector<16xi32>, vector<16xi32>], vector<16xf32>,
          %mul3A_892 = arith.mulf %exp3A_875, %gather3A_891 : vector<16xf32>
          tpu.vector_store_idx %arg14[%add3A_123, %add3A_719], %mul3A_892 : memref<64x72xf32, #tpu.memory_space<vmem>>[vector<16xi32>, vector<16xi32>], vector<16xf32>,
          %add3A_893 = arith.constant 64 : i32
          %add3A_894 = vector.broadcast %add3A_893 : i32 to vector<16xi32>
          %add3A_895 = arith.addi %add3A_722, %add3A_894 : vector<16xi32>
          %gather3A_896 = tpu.vector_load_idx %arg10[%add3A_123, %add3A_895] : memref<64x128xf32, #tpu.memory_space<vmem>>[vector<16xi32>, vector<16xi32>], vector<16xf32>,
          %mul3A_897 = arith.mulf %exp3A_875, %gather3A_896 : vector<16xf32>
          tpu.vector_store_idx %arg14[%add3A_123, %add3A_722], %mul3A_897 : memref<64x72xf32, #tpu.memory_space<vmem>>[vector<16xi32>, vector<16xi32>], vector<16xf32>,
          %add3A_898 = arith.constant 64 : i32
          %add3A_899 = vector.broadcast %add3A_898 : i32 to vector<16xi32>
          %add3A_900 = arith.addi %add3A_725, %add3A_899 : vector<16xi32>
          %gather3A_901 = tpu.vector_load_idx %arg10[%add3A_123, %add3A_900] : memref<64x128xf32, #tpu.memory_space<vmem>>[vector<16xi32>, vector<16xi32>], vector<16xf32>,
          %mul3A_902 = arith.mulf %exp3A_875, %gather3A_901 : vector<16xf32>
          tpu.vector_store_idx %arg14[%add3A_123, %add3A_725], %mul3A_902 : memref<64x72xf32, #tpu.memory_space<vmem>>[vector<16xi32>, vector<16xi32>], vector<16xf32>,
          %add3A_903 = arith.constant 64 : i32
          %add3A_904 = vector.broadcast %add3A_903 : i32 to vector<16xi32>
          %add3A_905 = arith.addi %add3A_728, %add3A_904 : vector<16xi32>
          %gather3A_906 = tpu.vector_load_idx %arg10[%add3A_123, %add3A_905] : memref<64x128xf32, #tpu.memory_space<vmem>>[vector<16xi32>, vector<16xi32>], vector<16xf32>,
          %mul3A_907 = arith.mulf %exp3A_875, %gather3A_906 : vector<16xf32>
          tpu.vector_store_idx %arg14[%add3A_123, %add3A_728], %mul3A_907 : memref<64x72xf32, #tpu.memory_space<vmem>>[vector<16xi32>, vector<16xi32>], vector<16xf32>,
          %add3A_908 = arith.constant 64 : i32
          %add3A_909 = vector.broadcast %add3A_908 : i32 to vector<16xi32>
          %add3A_910 = arith.addi %add3A_731, %add3A_909 : vector<16xi32>
          %gather3A_911 = tpu.vector_load_idx %arg10[%add3A_123, %add3A_910] : memref<64x128xf32, #tpu.memory_space<vmem>>[vector<16xi32>, vector<16xi32>], vector<16xf32>,
          %mul3A_912 = arith.mulf %exp3A_875, %gather3A_911 : vector<16xf32>
          tpu.vector_store_idx %arg14[%add3A_123, %add3A_731], %mul3A_912 : memref<64x72xf32, #tpu.memory_space<vmem>>[vector<16xi32>, vector<16xi32>], vector<16xf32>,
          %add3A_913 = arith.constant 64 : i32
          %add3A_914 = vector.broadcast %add3A_913 : i32 to vector<16xi32>
          %add3A_915 = arith.addi %add3A_734, %add3A_914 : vector<16xi32>
          %gather3A_916 = tpu.vector_load_idx %arg10[%add3A_123, %add3A_915] : memref<64x128xf32, #tpu.memory_space<vmem>>[vector<16xi32>, vector<16xi32>], vector<16xf32>,
          %mul3A_917 = arith.mulf %exp3A_875, %gather3A_916 : vector<16xf32>
          tpu.vector_store_idx %arg14[%add3A_123, %add3A_734], %mul3A_917 : memref<64x72xf32, #tpu.memory_space<vmem>>[vector<16xi32>, vector<16xi32>], vector<16xf32>,
          %add3A_918 = arith.constant 64 : i32
          %add3A_919 = vector.broadcast %add3A_918 : i32 to vector<16xi32>
          %add3A_920 = arith.addi %add3A_737, %add3A_919 : vector<16xi32>
          %gather3A_921 = tpu.vector_load_idx %arg10[%add3A_123, %add3A_920] : memref<64x128xf32, #tpu.memory_space<vmem>>[vector<16xi32>, vector<16xi32>], vector<16xf32>,
          %mul3A_922 = arith.mulf %exp3A_875, %gather3A_921 : vector<16xf32>
          tpu.vector_store_idx %arg14[%add3A_123, %add3A_737], %mul3A_922 : memref<64x72xf32, #tpu.memory_space<vmem>>[vector<16xi32>, vector<16xi32>], vector<16xf32>,
          %add3A_923 = arith.constant 64 : i32
          %add3A_924 = vector.broadcast %add3A_923 : i32 to vector<16xi32>
          %add3A_925 = arith.addi %add3A_740, %add3A_924 : vector<16xi32>
          %gather3A_926 = tpu.vector_load_idx %arg10[%add3A_123, %add3A_925] : memref<64x128xf32, #tpu.memory_space<vmem>>[vector<16xi32>, vector<16xi32>], vector<16xf32>,
          %mul3A_927 = arith.mulf %exp3A_875, %gather3A_926 : vector<16xf32>
          tpu.vector_store_idx %arg14[%add3A_123, %add3A_740], %mul3A_927 : memref<64x72xf32, #tpu.memory_space<vmem>>[vector<16xi32>, vector<16xi32>], vector<16xf32>,
          %add3A_928 = arith.constant 64 : i32
          %add3A_929 = vector.broadcast %add3A_928 : i32 to vector<16xi32>
          %add3A_930 = arith.addi %add3A_743, %add3A_929 : vector<16xi32>
          %gather3A_931 = tpu.vector_load_idx %arg10[%add3A_123, %add3A_930] : memref<64x128xf32, #tpu.memory_space<vmem>>[vector<16xi32>, vector<16xi32>], vector<16xf32>,
          %mul3A_932 = arith.mulf %exp3A_875, %gather3A_931 : vector<16xf32>
          tpu.vector_store_idx %arg14[%add3A_123, %add3A_743], %mul3A_932 : memref<64x72xf32, #tpu.memory_space<vmem>>[vector<16xi32>, vector<16xi32>], vector<16xf32>,
          %add3A_933 = arith.constant 64 : i32
          %add3A_934 = vector.broadcast %add3A_933 : i32 to vector<16xi32>
          %add3A_935 = arith.addi %add3A_746, %add3A_934 : vector<16xi32>
          %gather3A_936 = tpu.vector_load_idx %arg10[%add3A_123, %add3A_935] : memref<64x128xf32, #tpu.memory_space<vmem>>[vector<16xi32>, vector<16xi32>], vector<16xf32>,
          %mul3A_937 = arith.mulf %exp3A_875, %gather3A_936 : vector<16xf32>
          tpu.vector_store_idx %arg14[%add3A_123, %add3A_746], %mul3A_937 : memref<64x72xf32, #tpu.memory_space<vmem>>[vector<16xi32>, vector<16xi32>], vector<16xf32>,
          %add3A_938 = arith.constant 64 : i32
          %add3A_939 = vector.broadcast %add3A_938 : i32 to vector<16xi32>
          %add3A_940 = arith.addi %add3A_749, %add3A_939 : vector<16xi32>
          %gather3A_941 = tpu.vector_load_idx %arg10[%add3A_123, %add3A_940] : memref<64x128xf32, #tpu.memory_space<vmem>>[vector<16xi32>, vector<16xi32>], vector<16xf32>,
          %mul3A_942 = arith.mulf %exp3A_875, %gather3A_941 : vector<16xf32>
          tpu.vector_store_idx %arg14[%add3A_123, %add3A_749], %mul3A_942 : memref<64x72xf32, #tpu.memory_space<vmem>>[vector<16xi32>, vector<16xi32>], vector<16xf32>,
          %add3A_943 = arith.constant 64 : i32
          %add3A_944 = vector.broadcast %add3A_943 : i32 to vector<16xi32>
          %add3A_945 = arith.addi %add3A_752, %add3A_944 : vector<16xi32>
          %gather3A_946 = tpu.vector_load_idx %arg10[%add3A_123, %add3A_945] : memref<64x128xf32, #tpu.memory_space<vmem>>[vector<16xi32>, vector<16xi32>], vector<16xf32>,
          %mul3A_947 = arith.mulf %exp3A_875, %gather3A_946 : vector<16xf32>
          tpu.vector_store_idx %arg14[%add3A_123, %add3A_752], %mul3A_947 : memref<64x72xf32, #tpu.memory_space<vmem>>[vector<16xi32>, vector<16xi32>], vector<16xf32>,
          %add3A_948 = arith.constant 64 : i32
          %add3A_949 = vector.broadcast %add3A_948 : i32 to vector<16xi32>
          %add3A_950 = arith.addi %add3A_755, %add3A_949 : vector<16xi32>
          %gather3A_951 = tpu.vector_load_idx %arg10[%add3A_123, %add3A_950] : memref<64x128xf32, #tpu.memory_space<vmem>>[vector<16xi32>, vector<16xi32>], vector<16xf32>,
          %mul3A_952 = arith.mulf %exp3A_875, %gather3A_951 : vector<16xf32>
          tpu.vector_store_idx %arg14[%add3A_123, %add3A_755], %mul3A_952 : memref<64x72xf32, #tpu.memory_space<vmem>>[vector<16xi32>, vector<16xi32>], vector<16xf32>,
          %add3A_953 = arith.constant 64 : i32
          %add3A_954 = vector.broadcast %add3A_953 : i32 to vector<16xi32>
          %add3A_955 = arith.addi %add3A_758, %add3A_954 : vector<16xi32>
          %gather3A_956 = tpu.vector_load_idx %arg10[%add3A_123, %add3A_955] : memref<64x128xf32, #tpu.memory_space<vmem>>[vector<16xi32>, vector<16xi32>], vector<16xf32>,
          %mul3A_957 = arith.mulf %exp3A_875, %gather3A_956 : vector<16xf32>
          tpu.vector_store_idx %arg14[%add3A_123, %add3A_758], %mul3A_957 : memref<64x72xf32, #tpu.memory_space<vmem>>[vector<16xi32>, vector<16xi32>], vector<16xf32>,
          %add3A_958 = arith.constant 48 : i32
          %add3A_959 = vector.broadcast %add3A_958 : i32 to vector<16xi32>
          %add3A_960 = arith.addi %and3A_129, %add3A_959 : vector<16xi32>
          %add3A_961 = arith.constant 48 : i32
          %add3A_962 = vector.broadcast %add3A_961 : i32 to vector<16xi32>
          %add3A_963 = arith.addi %and3A_135, %add3A_962 : vector<16xi32>
          %add3A_964 = arith.constant 48 : i32
          %add3A_965 = vector.broadcast %add3A_964 : i32 to vector<16xi32>
          %add3A_966 = arith.addi %and3A_141, %add3A_965 : vector<16xi32>
          %add3A_967 = arith.constant 48 : i32
          %add3A_968 = vector.broadcast %add3A_967 : i32 to vector<16xi32>
          %add3A_969 = arith.addi %and3A_147, %add3A_968 : vector<16xi32>
          %add3A_970 = arith.constant 48 : i32
          %add3A_971 = vector.broadcast %add3A_970 : i32 to vector<16xi32>
          %add3A_972 = arith.addi %and3A_153, %add3A_971 : vector<16xi32>
          %add3A_973 = arith.constant 48 : i32
          %add3A_974 = vector.broadcast %add3A_973 : i32 to vector<16xi32>
          %add3A_975 = arith.addi %and3A_159, %add3A_974 : vector<16xi32>
          %add3A_976 = arith.constant 48 : i32
          %add3A_977 = vector.broadcast %add3A_976 : i32 to vector<16xi32>
          %add3A_978 = arith.addi %and3A_165, %add3A_977 : vector<16xi32>
          %add3A_979 = arith.constant 48 : i32
          %add3A_980 = vector.broadcast %add3A_979 : i32 to vector<16xi32>
          %add3A_981 = arith.addi %and3A_171, %add3A_980 : vector<16xi32>
          %add3A_982 = arith.constant 48 : i32
          %add3A_983 = vector.broadcast %add3A_982 : i32 to vector<16xi32>
          %add3A_984 = arith.addi %and3A_177, %add3A_983 : vector<16xi32>
          %add3A_985 = arith.constant 48 : i32
          %add3A_986 = vector.broadcast %add3A_985 : i32 to vector<16xi32>
          %add3A_987 = arith.addi %and3A_183, %add3A_986 : vector<16xi32>
          %add3A_988 = arith.constant 48 : i32
          %add3A_989 = vector.broadcast %add3A_988 : i32 to vector<16xi32>
          %add3A_990 = arith.addi %and3A_189, %add3A_989 : vector<16xi32>
          %add3A_991 = arith.constant 48 : i32
          %add3A_992 = vector.broadcast %add3A_991 : i32 to vector<16xi32>
          %add3A_993 = arith.addi %and3A_195, %add3A_992 : vector<16xi32>
          %add3A_994 = arith.constant 48 : i32
          %add3A_995 = vector.broadcast %add3A_994 : i32 to vector<16xi32>
          %add3A_996 = arith.addi %and3A_201, %add3A_995 : vector<16xi32>
          %add3A_997 = arith.constant 48 : i32
          %add3A_998 = vector.broadcast %add3A_997 : i32 to vector<16xi32>
          %add3A_999 = arith.addi %and3A_207, %add3A_998 : vector<16xi32>
          %add3A_1000 = arith.constant 48 : i32
          %add3A_1001 = vector.broadcast %add3A_1000 : i32 to vector<16xi32>
          %add3A_1002 = arith.addi %and3A_213, %add3A_1001 : vector<16xi32>
          %add3A_1003 = arith.constant 48 : i32
          %add3A_1004 = vector.broadcast %add3A_1003 : i32 to vector<16xi32>
          %add3A_1005 = arith.addi %and3A_219, %add3A_1004 : vector<16xi32>
          %broadcast_in_dim3A_1006 = arith.constant 0.000000e+00 : f32
          %broadcast_in_dim3A_1007 = vector.broadcast %broadcast_in_dim3A_1006 : f32 to vector<16xf32>
          %broadcast_in_dim3A_1008 = arith.constant 0.000000e+00 : f32
          %broadcast_in_dim3A_1009 = vector.broadcast %broadcast_in_dim3A_1008 : f32 to vector<16xf32>
          %broadcast_in_dim3A_1010 = arith.constant 0.000000e+00 : f32
          %broadcast_in_dim3A_1011 = vector.broadcast %broadcast_in_dim3A_1010 : f32 to vector<16xf32>
          %broadcast_in_dim3A_1012 = arith.constant 0.000000e+00 : f32
          %broadcast_in_dim3A_1013 = vector.broadcast %broadcast_in_dim3A_1012 : f32 to vector<16xf32>
          %gather3A_1014 = tpu.vector_load_idx %arg10[%add3A_123, %add3A_960] : memref<64x128xf32, #tpu.memory_space<vmem>>[vector<16xi32>, vector<16xi32>], vector<16xf32>,
          %add3A_1015 = vector.broadcast %mul3A_221 : i32 to vector<16xi32>
          %add3A_1016 = arith.addi %add3A_960, %add3A_1015 : vector<16xi32>
          %gather3A_1017 = tpu.vector_load_idx %arg12[%add3A_123, %add3A_1016] : memref<64x128xf32, #tpu.memory_space<vmem>>[vector<16xi32>, vector<16xi32>], vector<16xf32>,
          %mul3A_1018 = arith.mulf %gather3A_1014, %gather3A_1017 : vector<16xf32>
          %add3A_1019 = arith.addf %broadcast_in_dim3A_1007, %mul3A_1018 : vector<16xf32>
          %gather3A_1020 = tpu.vector_load_idx %arg10[%add3A_123, %add3A_963] : memref<64x128xf32, #tpu.memory_space<vmem>>[vector<16xi32>, vector<16xi32>], vector<16xf32>,
          %add3A_1021 = vector.broadcast %mul3A_221 : i32 to vector<16xi32>
          %add3A_1022 = arith.addi %add3A_963, %add3A_1021 : vector<16xi32>
          %gather3A_1023 = tpu.vector_load_idx %arg12[%add3A_123, %add3A_1022] : memref<64x128xf32, #tpu.memory_space<vmem>>[vector<16xi32>, vector<16xi32>], vector<16xf32>,
          %mul3A_1024 = arith.mulf %gather3A_1020, %gather3A_1023 : vector<16xf32>
          %add3A_1025 = arith.addf %broadcast_in_dim3A_1009, %mul3A_1024 : vector<16xf32>
          %gather3A_1026 = tpu.vector_load_idx %arg10[%add3A_123, %add3A_966] : memref<64x128xf32, #tpu.memory_space<vmem>>[vector<16xi32>, vector<16xi32>], vector<16xf32>,
          %add3A_1027 = vector.broadcast %mul3A_221 : i32 to vector<16xi32>
          %add3A_1028 = arith.addi %add3A_966, %add3A_1027 : vector<16xi32>
          %gather3A_1029 = tpu.vector_load_idx %arg12[%add3A_123, %add3A_1028] : memref<64x128xf32, #tpu.memory_space<vmem>>[vector<16xi32>, vector<16xi32>], vector<16xf32>,
          %mul3A_1030 = arith.mulf %gather3A_1026, %gather3A_1029 : vector<16xf32>
          %add3A_1031 = arith.addf %broadcast_in_dim3A_1011, %mul3A_1030 : vector<16xf32>
          %gather3A_1032 = tpu.vector_load_idx %arg10[%add3A_123, %add3A_969] : memref<64x128xf32, #tpu.memory_space<vmem>>[vector<16xi32>, vector<16xi32>], vector<16xf32>,
          %add3A_1033 = vector.broadcast %mul3A_221 : i32 to vector<16xi32>
          %add3A_1034 = arith.addi %add3A_969, %add3A_1033 : vector<16xi32>
          %gather3A_1035 = tpu.vector_load_idx %arg12[%add3A_123, %add3A_1034] : memref<64x128xf32, #tpu.memory_space<vmem>>[vector<16xi32>, vector<16xi32>], vector<16xf32>,
          %mul3A_1036 = arith.mulf %gather3A_1032, %gather3A_1035 : vector<16xf32>
          %add3A_1037 = arith.addf %broadcast_in_dim3A_1013, %mul3A_1036 : vector<16xf32>
          %gather3A_1038 = tpu.vector_load_idx %arg10[%add3A_123, %add3A_972] : memref<64x128xf32, #tpu.memory_space<vmem>>[vector<16xi32>, vector<16xi32>], vector<16xf32>,
          %add3A_1039 = vector.broadcast %mul3A_221 : i32 to vector<16xi32>
          %add3A_1040 = arith.addi %add3A_972, %add3A_1039 : vector<16xi32>
          %gather3A_1041 = tpu.vector_load_idx %arg12[%add3A_123, %add3A_1040] : memref<64x128xf32, #tpu.memory_space<vmem>>[vector<16xi32>, vector<16xi32>], vector<16xf32>,
          %mul3A_1042 = arith.mulf %gather3A_1038, %gather3A_1041 : vector<16xf32>
          %add3A_1043 = arith.addf %add3A_1019, %mul3A_1042 : vector<16xf32>
          %gather3A_1044 = tpu.vector_load_idx %arg10[%add3A_123, %add3A_975] : memref<64x128xf32, #tpu.memory_space<vmem>>[vector<16xi32>, vector<16xi32>], vector<16xf32>,
          %add3A_1045 = vector.broadcast %mul3A_221 : i32 to vector<16xi32>
          %add3A_1046 = arith.addi %add3A_975, %add3A_1045 : vector<16xi32>
          %gather3A_1047 = tpu.vector_load_idx %arg12[%add3A_123, %add3A_1046] : memref<64x128xf32, #tpu.memory_space<vmem>>[vector<16xi32>, vector<16xi32>], vector<16xf32>,
          %mul3A_1048 = arith.mulf %gather3A_1044, %gather3A_1047 : vector<16xf32>
          %add3A_1049 = arith.addf %add3A_1025, %mul3A_1048 : vector<16xf32>
          %gather3A_1050 = tpu.vector_load_idx %arg10[%add3A_123, %add3A_978] : memref<64x128xf32, #tpu.memory_space<vmem>>[vector<16xi32>, vector<16xi32>], vector<16xf32>,
          %add3A_1051 = vector.broadcast %mul3A_221 : i32 to vector<16xi32>
          %add3A_1052 = arith.addi %add3A_978, %add3A_1051 : vector<16xi32>
          %gather3A_1053 = tpu.vector_load_idx %arg12[%add3A_123, %add3A_1052] : memref<64x128xf32, #tpu.memory_space<vmem>>[vector<16xi32>, vector<16xi32>], vector<16xf32>,
          %mul3A_1054 = arith.mulf %gather3A_1050, %gather3A_1053 : vector<16xf32>
          %add3A_1055 = arith.addf %add3A_1031, %mul3A_1054 : vector<16xf32>
          %gather3A_1056 = tpu.vector_load_idx %arg10[%add3A_123, %add3A_981] : memref<64x128xf32, #tpu.memory_space<vmem>>[vector<16xi32>, vector<16xi32>], vector<16xf32>,
          %add3A_1057 = vector.broadcast %mul3A_221 : i32 to vector<16xi32>
          %add3A_1058 = arith.addi %add3A_981, %add3A_1057 : vector<16xi32>
          %gather3A_1059 = tpu.vector_load_idx %arg12[%add3A_123, %add3A_1058] : memref<64x128xf32, #tpu.memory_space<vmem>>[vector<16xi32>, vector<16xi32>], vector<16xf32>,
          %mul3A_1060 = arith.mulf %gather3A_1056, %gather3A_1059 : vector<16xf32>
          %add3A_1061 = arith.addf %add3A_1037, %mul3A_1060 : vector<16xf32>
          %gather3A_1062 = tpu.vector_load_idx %arg10[%add3A_123, %add3A_984] : memref<64x128xf32, #tpu.memory_space<vmem>>[vector<16xi32>, vector<16xi32>], vector<16xf32>,
          %add3A_1063 = vector.broadcast %mul3A_221 : i32 to vector<16xi32>
          %add3A_1064 = arith.addi %add3A_984, %add3A_1063 : vector<16xi32>
          %gather3A_1065 = tpu.vector_load_idx %arg12[%add3A_123, %add3A_1064] : memref<64x128xf32, #tpu.memory_space<vmem>>[vector<16xi32>, vector<16xi32>], vector<16xf32>,
          %mul3A_1066 = arith.mulf %gather3A_1062, %gather3A_1065 : vector<16xf32>
          %add3A_1067 = arith.addf %add3A_1043, %mul3A_1066 : vector<16xf32>
          %gather3A_1068 = tpu.vector_load_idx %arg10[%add3A_123, %add3A_987] : memref<64x128xf32, #tpu.memory_space<vmem>>[vector<16xi32>, vector<16xi32>], vector<16xf32>,
          %add3A_1069 = vector.broadcast %mul3A_221 : i32 to vector<16xi32>
          %add3A_1070 = arith.addi %add3A_987, %add3A_1069 : vector<16xi32>
          %gather3A_1071 = tpu.vector_load_idx %arg12[%add3A_123, %add3A_1070] : memref<64x128xf32, #tpu.memory_space<vmem>>[vector<16xi32>, vector<16xi32>], vector<16xf32>,
          %mul3A_1072 = arith.mulf %gather3A_1068, %gather3A_1071 : vector<16xf32>
          %add3A_1073 = arith.addf %add3A_1049, %mul3A_1072 : vector<16xf32>
          %gather3A_1074 = tpu.vector_load_idx %arg10[%add3A_123, %add3A_990] : memref<64x128xf32, #tpu.memory_space<vmem>>[vector<16xi32>, vector<16xi32>], vector<16xf32>,
          %add3A_1075 = vector.broadcast %mul3A_221 : i32 to vector<16xi32>
          %add3A_1076 = arith.addi %add3A_990, %add3A_1075 : vector<16xi32>
          %gather3A_1077 = tpu.vector_load_idx %arg12[%add3A_123, %add3A_1076] : memref<64x128xf32, #tpu.memory_space<vmem>>[vector<16xi32>, vector<16xi32>], vector<16xf32>,
          %mul3A_1078 = arith.mulf %gather3A_1074, %gather3A_1077 : vector<16xf32>
          %add3A_1079 = arith.addf %add3A_1055, %mul3A_1078 : vector<16xf32>
          %gather3A_1080 = tpu.vector_load_idx %arg10[%add3A_123, %add3A_993] : memref<64x128xf32, #tpu.memory_space<vmem>>[vector<16xi32>, vector<16xi32>], vector<16xf32>,
          %add3A_1081 = vector.broadcast %mul3A_221 : i32 to vector<16xi32>
          %add3A_1082 = arith.addi %add3A_993, %add3A_1081 : vector<16xi32>
          %gather3A_1083 = tpu.vector_load_idx %arg12[%add3A_123, %add3A_1082] : memref<64x128xf32, #tpu.memory_space<vmem>>[vector<16xi32>, vector<16xi32>], vector<16xf32>,
          %mul3A_1084 = arith.mulf %gather3A_1080, %gather3A_1083 : vector<16xf32>
          %add3A_1085 = arith.addf %add3A_1061, %mul3A_1084 : vector<16xf32>
          %gather3A_1086 = tpu.vector_load_idx %arg10[%add3A_123, %add3A_996] : memref<64x128xf32, #tpu.memory_space<vmem>>[vector<16xi32>, vector<16xi32>], vector<16xf32>,
          %add3A_1087 = vector.broadcast %mul3A_221 : i32 to vector<16xi32>
          %add3A_1088 = arith.addi %add3A_996, %add3A_1087 : vector<16xi32>
          %gather3A_1089 = tpu.vector_load_idx %arg12[%add3A_123, %add3A_1088] : memref<64x128xf32, #tpu.memory_space<vmem>>[vector<16xi32>, vector<16xi32>], vector<16xf32>,
          %mul3A_1090 = arith.mulf %gather3A_1086, %gather3A_1089 : vector<16xf32>
          %add3A_1091 = arith.addf %add3A_1067, %mul3A_1090 : vector<16xf32>
          %gather3A_1092 = tpu.vector_load_idx %arg10[%add3A_123, %add3A_999] : memref<64x128xf32, #tpu.memory_space<vmem>>[vector<16xi32>, vector<16xi32>], vector<16xf32>,
          %add3A_1093 = vector.broadcast %mul3A_221 : i32 to vector<16xi32>
          %add3A_1094 = arith.addi %add3A_999, %add3A_1093 : vector<16xi32>
          %gather3A_1095 = tpu.vector_load_idx %arg12[%add3A_123, %add3A_1094] : memref<64x128xf32, #tpu.memory_space<vmem>>[vector<16xi32>, vector<16xi32>], vector<16xf32>,
          %mul3A_1096 = arith.mulf %gather3A_1092, %gather3A_1095 : vector<16xf32>
          %add3A_1097 = arith.addf %add3A_1073, %mul3A_1096 : vector<16xf32>
          %gather3A_1098 = tpu.vector_load_idx %arg10[%add3A_123, %add3A_1002] : memref<64x128xf32, #tpu.memory_space<vmem>>[vector<16xi32>, vector<16xi32>], vector<16xf32>,
          %add3A_1099 = vector.broadcast %mul3A_221 : i32 to vector<16xi32>
          %add3A_1100 = arith.addi %add3A_1002, %add3A_1099 : vector<16xi32>
          %gather3A_1101 = tpu.vector_load_idx %arg12[%add3A_123, %add3A_1100] : memref<64x128xf32, #tpu.memory_space<vmem>>[vector<16xi32>, vector<16xi32>], vector<16xf32>,
          %mul3A_1102 = arith.mulf %gather3A_1098, %gather3A_1101 : vector<16xf32>
          %add3A_1103 = arith.addf %add3A_1079, %mul3A_1102 : vector<16xf32>
          %gather3A_1104 = tpu.vector_load_idx %arg10[%add3A_123, %add3A_1005] : memref<64x128xf32, #tpu.memory_space<vmem>>[vector<16xi32>, vector<16xi32>], vector<16xf32>,
          %add3A_1105 = vector.broadcast %mul3A_221 : i32 to vector<16xi32>
          %add3A_1106 = arith.addi %add3A_1005, %add3A_1105 : vector<16xi32>
          %gather3A_1107 = tpu.vector_load_idx %arg12[%add3A_123, %add3A_1106] : memref<64x128xf32, #tpu.memory_space<vmem>>[vector<16xi32>, vector<16xi32>], vector<16xf32>,
          %mul3A_1108 = arith.mulf %gather3A_1104, %gather3A_1107 : vector<16xf32>
          %add3A_1109 = arith.addf %add3A_1085, %mul3A_1108 : vector<16xf32>
          %add3A_1110 = arith.addf %add3A_1091, %add3A_1097 : vector<16xf32>
          %add3A_1111 = arith.addf %add3A_1103, %add3A_1109 : vector<16xf32>
          %add3A_1112 = arith.addf %add3A_1110, %add3A_1111 : vector<16xf32>
          %mul3A_1113 = arith.constant 2.500000e-01 : f32
          %mul3A_1114 = vector.broadcast %mul3A_1113 : f32 to vector<16xf32>
          %mul3A_1115 = arith.mulf %add3A_1112, %mul3A_1114 : vector<16xf32>
          %jit3A_1116 = arith.constant -5.000000e+00 : f32
          %jit3A_1117 = arith.constant 5.000000e+00 : f32
          %max3A_1118 = vector.broadcast %jit3A_1116 : f32 to vector<16xf32>
          %max3A_1119 = arith.maximumf %max3A_1118, %mul3A_1115 : vector<16xf32>
          %min3A_1120 = vector.broadcast %jit3A_1117 : f32 to vector<16xf32>
          %min3A_1121 = arith.minimumf %min3A_1120, %max3A_1119 : vector<16xf32>
          %exp3A_1122 = math.exp %min3A_1121 : vector<16xf32>
          %broadcast_in_dim3A_1123 = arith.constant 67 : i32
          %broadcast_in_dim3A_1124 = vector.broadcast %broadcast_in_dim3A_1123 : i32 to vector<16xi32>
          tpu.vector_store_idx %arg14[%add3A_123, %broadcast_in_dim3A_1124], %exp3A_1122 : memref<64x72xf32, #tpu.memory_space<vmem>>[vector<16xi32>, vector<16xi32>], vector<16xf32>,
          %add3A_1125 = arith.constant 64 : i32
          %add3A_1126 = vector.broadcast %add3A_1125 : i32 to vector<16xi32>
          %add3A_1127 = arith.addi %add3A_960, %add3A_1126 : vector<16xi32>
          %gather3A_1128 = tpu.vector_load_idx %arg10[%add3A_123, %add3A_1127] : memref<64x128xf32, #tpu.memory_space<vmem>>[vector<16xi32>, vector<16xi32>], vector<16xf32>,
          %mul3A_1129 = arith.mulf %exp3A_1122, %gather3A_1128 : vector<16xf32>
          tpu.vector_store_idx %arg14[%add3A_123, %add3A_960], %mul3A_1129 : memref<64x72xf32, #tpu.memory_space<vmem>>[vector<16xi32>, vector<16xi32>], vector<16xf32>,
          %add3A_1130 = arith.constant 64 : i32
          %add3A_1131 = vector.broadcast %add3A_1130 : i32 to vector<16xi32>
          %add3A_1132 = arith.addi %add3A_963, %add3A_1131 : vector<16xi32>
          %gather3A_1133 = tpu.vector_load_idx %arg10[%add3A_123, %add3A_1132] : memref<64x128xf32, #tpu.memory_space<vmem>>[vector<16xi32>, vector<16xi32>], vector<16xf32>,
          %mul3A_1134 = arith.mulf %exp3A_1122, %gather3A_1133 : vector<16xf32>
          tpu.vector_store_idx %arg14[%add3A_123, %add3A_963], %mul3A_1134 : memref<64x72xf32, #tpu.memory_space<vmem>>[vector<16xi32>, vector<16xi32>], vector<16xf32>,
          %add3A_1135 = arith.constant 64 : i32
          %add3A_1136 = vector.broadcast %add3A_1135 : i32 to vector<16xi32>
          %add3A_1137 = arith.addi %add3A_966, %add3A_1136 : vector<16xi32>
          %gather3A_1138 = tpu.vector_load_idx %arg10[%add3A_123, %add3A_1137] : memref<64x128xf32, #tpu.memory_space<vmem>>[vector<16xi32>, vector<16xi32>], vector<16xf32>,
          %mul3A_1139 = arith.mulf %exp3A_1122, %gather3A_1138 : vector<16xf32>
          tpu.vector_store_idx %arg14[%add3A_123, %add3A_966], %mul3A_1139 : memref<64x72xf32, #tpu.memory_space<vmem>>[vector<16xi32>, vector<16xi32>], vector<16xf32>,
          %add3A_1140 = arith.constant 64 : i32
          %add3A_1141 = vector.broadcast %add3A_1140 : i32 to vector<16xi32>
          %add3A_1142 = arith.addi %add3A_969, %add3A_1141 : vector<16xi32>
          %gather3A_1143 = tpu.vector_load_idx %arg10[%add3A_123, %add3A_1142] : memref<64x128xf32, #tpu.memory_space<vmem>>[vector<16xi32>, vector<16xi32>], vector<16xf32>,
          %mul3A_1144 = arith.mulf %exp3A_1122, %gather3A_1143 : vector<16xf32>
          tpu.vector_store_idx %arg14[%add3A_123, %add3A_969], %mul3A_1144 : memref<64x72xf32, #tpu.memory_space<vmem>>[vector<16xi32>, vector<16xi32>], vector<16xf32>,
          %add3A_1145 = arith.constant 64 : i32
          %add3A_1146 = vector.broadcast %add3A_1145 : i32 to vector<16xi32>
          %add3A_1147 = arith.addi %add3A_972, %add3A_1146 : vector<16xi32>
          %gather3A_1148 = tpu.vector_load_idx %arg10[%add3A_123, %add3A_1147] : memref<64x128xf32, #tpu.memory_space<vmem>>[vector<16xi32>, vector<16xi32>], vector<16xf32>,
          %mul3A_1149 = arith.mulf %exp3A_1122, %gather3A_1148 : vector<16xf32>
          tpu.vector_store_idx %arg14[%add3A_123, %add3A_972], %mul3A_1149 : memref<64x72xf32, #tpu.memory_space<vmem>>[vector<16xi32>, vector<16xi32>], vector<16xf32>,
          %add3A_1150 = arith.constant 64 : i32
          %add3A_1151 = vector.broadcast %add3A_1150 : i32 to vector<16xi32>
          %add3A_1152 = arith.addi %add3A_975, %add3A_1151 : vector<16xi32>
          %gather3A_1153 = tpu.vector_load_idx %arg10[%add3A_123, %add3A_1152] : memref<64x128xf32, #tpu.memory_space<vmem>>[vector<16xi32>, vector<16xi32>], vector<16xf32>,
          %mul3A_1154 = arith.mulf %exp3A_1122, %gather3A_1153 : vector<16xf32>
          tpu.vector_store_idx %arg14[%add3A_123, %add3A_975], %mul3A_1154 : memref<64x72xf32, #tpu.memory_space<vmem>>[vector<16xi32>, vector<16xi32>], vector<16xf32>,
          %add3A_1155 = arith.constant 64 : i32
          %add3A_1156 = vector.broadcast %add3A_1155 : i32 to vector<16xi32>
          %add3A_1157 = arith.addi %add3A_978, %add3A_1156 : vector<16xi32>
          %gather3A_1158 = tpu.vector_load_idx %arg10[%add3A_123, %add3A_1157] : memref<64x128xf32, #tpu.memory_space<vmem>>[vector<16xi32>, vector<16xi32>], vector<16xf32>,
          %mul3A_1159 = arith.mulf %exp3A_1122, %gather3A_1158 : vector<16xf32>
          tpu.vector_store_idx %arg14[%add3A_123, %add3A_978], %mul3A_1159 : memref<64x72xf32, #tpu.memory_space<vmem>>[vector<16xi32>, vector<16xi32>], vector<16xf32>,
          %add3A_1160 = arith.constant 64 : i32
          %add3A_1161 = vector.broadcast %add3A_1160 : i32 to vector<16xi32>
          %add3A_1162 = arith.addi %add3A_981, %add3A_1161 : vector<16xi32>
          %gather3A_1163 = tpu.vector_load_idx %arg10[%add3A_123, %add3A_1162] : memref<64x128xf32, #tpu.memory_space<vmem>>[vector<16xi32>, vector<16xi32>], vector<16xf32>,
          %mul3A_1164 = arith.mulf %exp3A_1122, %gather3A_1163 : vector<16xf32>
          tpu.vector_store_idx %arg14[%add3A_123, %add3A_981], %mul3A_1164 : memref<64x72xf32, #tpu.memory_space<vmem>>[vector<16xi32>, vector<16xi32>], vector<16xf32>,
          %add3A_1165 = arith.constant 64 : i32
          %add3A_1166 = vector.broadcast %add3A_1165 : i32 to vector<16xi32>
          %add3A_1167 = arith.addi %add3A_984, %add3A_1166 : vector<16xi32>
          %gather3A_1168 = tpu.vector_load_idx %arg10[%add3A_123, %add3A_1167] : memref<64x128xf32, #tpu.memory_space<vmem>>[vector<16xi32>, vector<16xi32>], vector<16xf32>,
          %mul3A_1169 = arith.mulf %exp3A_1122, %gather3A_1168 : vector<16xf32>
          tpu.vector_store_idx %arg14[%add3A_123, %add3A_984], %mul3A_1169 : memref<64x72xf32, #tpu.memory_space<vmem>>[vector<16xi32>, vector<16xi32>], vector<16xf32>,
          %add3A_1170 = arith.constant 64 : i32
          %add3A_1171 = vector.broadcast %add3A_1170 : i32 to vector<16xi32>
          %add3A_1172 = arith.addi %add3A_987, %add3A_1171 : vector<16xi32>
          %gather3A_1173 = tpu.vector_load_idx %arg10[%add3A_123, %add3A_1172] : memref<64x128xf32, #tpu.memory_space<vmem>>[vector<16xi32>, vector<16xi32>], vector<16xf32>,
          %mul3A_1174 = arith.mulf %exp3A_1122, %gather3A_1173 : vector<16xf32>
          tpu.vector_store_idx %arg14[%add3A_123, %add3A_987], %mul3A_1174 : memref<64x72xf32, #tpu.memory_space<vmem>>[vector<16xi32>, vector<16xi32>], vector<16xf32>,
          %add3A_1175 = arith.constant 64 : i32
          %add3A_1176 = vector.broadcast %add3A_1175 : i32 to vector<16xi32>
          %add3A_1177 = arith.addi %add3A_990, %add3A_1176 : vector<16xi32>
          %gather3A_1178 = tpu.vector_load_idx %arg10[%add3A_123, %add3A_1177] : memref<64x128xf32, #tpu.memory_space<vmem>>[vector<16xi32>, vector<16xi32>], vector<16xf32>,
          %mul3A_1179 = arith.mulf %exp3A_1122, %gather3A_1178 : vector<16xf32>
          tpu.vector_store_idx %arg14[%add3A_123, %add3A_990], %mul3A_1179 : memref<64x72xf32, #tpu.memory_space<vmem>>[vector<16xi32>, vector<16xi32>], vector<16xf32>,
          %add3A_1180 = arith.constant 64 : i32
          %add3A_1181 = vector.broadcast %add3A_1180 : i32 to vector<16xi32>
          %add3A_1182 = arith.addi %add3A_993, %add3A_1181 : vector<16xi32>
          %gather3A_1183 = tpu.vector_load_idx %arg10[%add3A_123, %add3A_1182] : memref<64x128xf32, #tpu.memory_space<vmem>>[vector<16xi32>, vector<16xi32>], vector<16xf32>,
          %mul3A_1184 = arith.mulf %exp3A_1122, %gather3A_1183 : vector<16xf32>
          tpu.vector_store_idx %arg14[%add3A_123, %add3A_993], %mul3A_1184 : memref<64x72xf32, #tpu.memory_space<vmem>>[vector<16xi32>, vector<16xi32>], vector<16xf32>,
          %add3A_1185 = arith.constant 64 : i32
          %add3A_1186 = vector.broadcast %add3A_1185 : i32 to vector<16xi32>
          %add3A_1187 = arith.addi %add3A_996, %add3A_1186 : vector<16xi32>
          %gather3A_1188 = tpu.vector_load_idx %arg10[%add3A_123, %add3A_1187] : memref<64x128xf32, #tpu.memory_space<vmem>>[vector<16xi32>, vector<16xi32>], vector<16xf32>,
          %mul3A_1189 = arith.mulf %exp3A_1122, %gather3A_1188 : vector<16xf32>
          tpu.vector_store_idx %arg14[%add3A_123, %add3A_996], %mul3A_1189 : memref<64x72xf32, #tpu.memory_space<vmem>>[vector<16xi32>, vector<16xi32>], vector<16xf32>,
          %add3A_1190 = arith.constant 64 : i32
          %add3A_1191 = vector.broadcast %add3A_1190 : i32 to vector<16xi32>
          %add3A_1192 = arith.addi %add3A_999, %add3A_1191 : vector<16xi32>
          %gather3A_1193 = tpu.vector_load_idx %arg10[%add3A_123, %add3A_1192] : memref<64x128xf32, #tpu.memory_space<vmem>>[vector<16xi32>, vector<16xi32>], vector<16xf32>,
          %mul3A_1194 = arith.mulf %exp3A_1122, %gather3A_1193 : vector<16xf32>
          tpu.vector_store_idx %arg14[%add3A_123, %add3A_999], %mul3A_1194 : memref<64x72xf32, #tpu.memory_space<vmem>>[vector<16xi32>, vector<16xi32>], vector<16xf32>,
          %add3A_1195 = arith.constant 64 : i32
          %add3A_1196 = vector.broadcast %add3A_1195 : i32 to vector<16xi32>
          %add3A_1197 = arith.addi %add3A_1002, %add3A_1196 : vector<16xi32>
          %gather3A_1198 = tpu.vector_load_idx %arg10[%add3A_123, %add3A_1197] : memref<64x128xf32, #tpu.memory_space<vmem>>[vector<16xi32>, vector<16xi32>], vector<16xf32>,
          %mul3A_1199 = arith.mulf %exp3A_1122, %gather3A_1198 : vector<16xf32>
          tpu.vector_store_idx %arg14[%add3A_123, %add3A_1002], %mul3A_1199 : memref<64x72xf32, #tpu.memory_space<vmem>>[vector<16xi32>, vector<16xi32>], vector<16xf32>,
          %add3A_1200 = arith.constant 64 : i32
          %add3A_1201 = vector.broadcast %add3A_1200 : i32 to vector<16xi32>
          %add3A_1202 = arith.addi %add3A_1005, %add3A_1201 : vector<16xi32>
          %gather3A_1203 = tpu.vector_load_idx %arg10[%add3A_123, %add3A_1202] : memref<64x128xf32, #tpu.memory_space<vmem>>[vector<16xi32>, vector<16xi32>], vector<16xf32>,
          %mul3A_1204 = arith.mulf %exp3A_1122, %gather3A_1203 : vector<16xf32>
          tpu.vector_store_idx %arg14[%add3A_123, %add3A_1005], %mul3A_1204 : memref<64x72xf32, #tpu.memory_space<vmem>>[vector<16xi32>, vector<16xi32>], vector<16xf32>,
        }
        %scan3A_74 = arith.constant 4 : i32
        %jit3A_75 = arith.constant 2 : i32
        %div3A = arith.divsi %add3A_40, %jit3A_75 : i32
        %sign3A = arith.constant 0 : i32
        %sign3A_76 = arith.cmpi sgt, %add3A_40, %sign3A : i32
        %sign3A_77 = arith.extui %sign3A_76 : i1 to i32
        %sign3A_78 = arith.constant 0 : i32
        %sign3A_79 = arith.cmpi slt, %add3A_40, %sign3A_78 : i32
        %sign3A_80 = arith.extui %sign3A_79 : i1 to i32
        %sign3A_81 = arith.subi %sign3A_77, %sign3A_80 : i32
        %sign3A_82 = arith.constant 0 : i32
        %sign3A_83 = arith.cmpi sgt, %jit3A_75, %sign3A_82 : i32
        %sign3A_84 = arith.extui %sign3A_83 : i1 to i32
        %sign3A_85 = arith.constant 0 : i32
        %sign3A_86 = arith.cmpi slt, %jit3A_75, %sign3A_85 : i32
        %sign3A_87 = arith.extui %sign3A_86 : i1 to i32
        %sign3A_88 = arith.subi %sign3A_84, %sign3A_87 : i32
        %ne3A = arith.cmpi ne, %sign3A_81, %sign3A_88 : i32
        %rem3A = arith.remsi %add3A_40, %jit3A_75 : i32
        %ne3A_89 = arith.constant 0 : i32
        %ne3A_90 = arith.cmpi ne, %rem3A, %ne3A_89 : i32
        %and3A = arith.andi %ne3A, %ne3A_90 : i1
        %sub3A = arith.constant 1 : i32
        %sub3A_91 = arith.subi %div3A, %sub3A : i32
        %select_n3A_92 = arith.select %and3A, %sub3A_91, %div3A : i32
        %jit3A_93 = arith.constant 2 : i32
        %eq3A = arith.constant 0 : i32
        %eq3A_94 = arith.cmpi eq, %jit3A_93, %eq3A : i32
        %jit3A_95 = arith.constant 1 : i32
        %select_n3A_96 = arith.select %eq3A_94, %jit3A_95, %jit3A_93 : i32
        %rem3A_97 = arith.remsi %add3A_40, %select_n3A_96 : i32
        %ne3A_98 = arith.constant 0 : i32
        %ne3A_99 = arith.cmpi ne, %rem3A_97, %ne3A_98 : i32
        %lt3A_100 = arith.constant 0 : i32
        %lt3A_101 = arith.cmpi slt, %rem3A_97, %lt3A_100 : i32
        %lt3A_102 = arith.constant 0 : i32
        %lt3A_103 = arith.cmpi slt, %select_n3A_96, %lt3A_102 : i32
        %ne3A_104 = arith.xori %lt3A_101, %lt3A_103 : i1
        %and3A_105 = arith.andi %ne3A_104, %ne3A_99 : i1
        %add3A_106 = arith.addi %rem3A_97, %select_n3A_96 : i32
        %select_n3A_107 = arith.select %and3A_105, %add3A_106, %rem3A_97 : i32
        %mul3A_108 = arith.constant 64 : i32
        %mul3A_109 = arith.muli %select_n3A_107, %mul3A_108 : i32
        %scan3A_110 = arith.constant 0 : i32
        %scan3A_111 = arith.constant 4 : i32
        %scan3A_112 = arith.addi %scan3A_110, %scan3A_111 : i32
        %scan3A_113 = arith.constant 1 : i32
        scf.for %scan3A_115 = %scan3A_110 to %scan3A_112 step %scan3A_113  : i32 {
          %mul3A_116 = arith.constant 1 : i32
          %mul3A_117 = arith.muli %scan3A_115, %mul3A_116 : i32
          %add3A_118 = arith.constant 0 : i32
          %add3A_119 = arith.addi %add3A_118, %mul3A_117 : i32
          %mul3A_120 = arith.constant 16 : i32
          %mul3A_121 = arith.muli %add3A_119, %mul3A_120 : i32
          %add3A_122 = arith.addi %mul3A_109, %mul3A_121 : i32
          %get3A = arith.index_cast %select_n3A_92 : i32 to index
          %get3A_123 = arith.index_cast %add3A_122 : i32 to index
          %get3A_124 = tpu.vector_load %arg8[%get3A, %get3A_123] {strides = array<i32>} : memref<160x128xi32, #tpu.memory_space<vmem>>, vector<16xi32>,
          %mul3A_125 = arith.constant 16 : i32
          %mul3A_126 = arith.muli %add3A_119, %mul3A_125 : i32
          %swap3A = arith.index_cast %mul3A_126 : i32 to index
          %swap3A_127 = tpu.vector_load %arg9[%swap3A] {strides = array<i32>} : memref<64xi32, #tpu.memory_space<vmem>>, vector<16xi32>,
          tpu.vector_store %arg9[%swap3A], %get3A_124 {strides = array<i32>} : memref<64xi32, #tpu.memory_space<vmem>>, vector<16xi32>,
        }
        %scan3A_114 = arith.constant 4 : i32
        "tpu.region"() ({
          %run_scoped3A = tpu.sem_alloc : memref<!tpu.dma_semaphore, #tpu.memory_space<semaphore_mem>>
          %dma_start3A_115 = arith.constant 0 : i32
          %dma_start3A_116 = arith.constant 0 : i32
          %dma_start3A_117 = tpu.memref_slice %arg15[%dma_start3A_115, %dma_start3A_116] : memref<10000x72xf32, #tpu.memory_space<vmem_shared>> -> memref<10000x72xf32, #tpu.memory_space<vmem_shared>>
          tpu.enqueue_indirect_dma source(%arg14 : memref<64x72xf32, #tpu.memory_space<vmem>>) target(%dma_start3A_117 : memref<10000x72xf32, #tpu.memory_space<vmem_shared>>) offsets(%arg9 : memref<64xi32, #tpu.memory_space<vmem>>) semaphore(%run_scoped3A : memref<!tpu.dma_semaphore, #tpu.memory_space<semaphore_mem>>) {add = true}
          %dma_wait3A_118 = arith.constant 0 : i32
          %dma_wait3A_119 = arith.constant 0 : i32
          %dma_wait3A_120 = tpu.memref_slice %arg15[%dma_wait3A_118, %dma_wait3A_119] : memref<10000x72xf32, #tpu.memory_space<vmem_shared>> -> memref<10000x72xf32, #tpu.memory_space<vmem_shared>>
          tpu.wait_indirect_dma semaphore(%run_scoped3A : memref<!tpu.dma_semaphore, #tpu.memory_space<semaphore_mem>>) src(%arg14 : memref<64x72xf32, #tpu.memory_space<vmem>>) dst(%dma_wait3A_120 : memref<10000x72xf32, #tpu.memory_space<vmem_shared>>)
          tpu.yield
        }) : () -> ()
      } else {
      }
      %add3A_45 = arith.constant 1 : i32
      %add3A_46 = arith.addi %add3A_38, %add3A_45 : i32
      %lt3A_47 = arith.cmpi slt, %add3A_46, %select_n3A : i32
      %convert_element_type3A_48 = arith.extui %lt3A_47 : i1 to i32
      %cond3A_49 = arith.constant 0 : i32
      %cond3A_50 = arith.cmpi ne, %convert_element_type3A_48, %cond3A_49 : i32
      scf.if %cond3A_50 {
        %add3A_51 = arith.constant 1 : i32
        %add3A_52 = arith.addi %add3A_46, %add3A_51 : i32
        %lt3A_53 = arith.cmpi slt, %add3A_52, %select_n3A : i32
        %convert_element_type3A_54 = arith.extui %lt3A_53 : i1 to i32
        %cond3A_55 = arith.constant 0 : i32
        %cond3A_56 = arith.cmpi ne, %convert_element_type3A_54, %cond3A_55 : i32
        scf.if %cond3A_56 {
          %add3A_115 = arith.constant 1 : i32
          %add3A_116 = arith.addi %add3A_46, %add3A_115 : i32
          %jit3A_117 = arith.constant 2 : i32
          %div3A_118 = arith.divsi %add3A_116, %jit3A_117 : i32
          %sign3A_119 = arith.constant 0 : i32
          %sign3A_120 = arith.cmpi sgt, %add3A_116, %sign3A_119 : i32
          %sign3A_121 = arith.extui %sign3A_120 : i1 to i32
          %sign3A_122 = arith.constant 0 : i32
          %sign3A_123 = arith.cmpi slt, %add3A_116, %sign3A_122 : i32
          %sign3A_124 = arith.extui %sign3A_123 : i1 to i32
          %sign3A_125 = arith.subi %sign3A_121, %sign3A_124 : i32
          %sign3A_126 = arith.constant 0 : i32
          %sign3A_127 = arith.cmpi sgt, %jit3A_117, %sign3A_126 : i32
          %sign3A_128 = arith.extui %sign3A_127 : i1 to i32
          %sign3A_129 = arith.constant 0 : i32
          %sign3A_130 = arith.cmpi slt, %jit3A_117, %sign3A_129 : i32
          %sign3A_131 = arith.extui %sign3A_130 : i1 to i32
          %sign3A_132 = arith.subi %sign3A_128, %sign3A_131 : i32
          %ne3A_133 = arith.cmpi ne, %sign3A_125, %sign3A_132 : i32
          %rem3A_134 = arith.remsi %add3A_116, %jit3A_117 : i32
          %ne3A_135 = arith.constant 0 : i32
          %ne3A_136 = arith.cmpi ne, %rem3A_134, %ne3A_135 : i32
          %and3A_137 = arith.andi %ne3A_133, %ne3A_136 : i1
          %sub3A_138 = arith.constant 1 : i32
          %sub3A_139 = arith.subi %div3A_118, %sub3A_138 : i32
          %select_n3A_140 = arith.select %and3A_137, %sub3A_139, %div3A_118 : i32
          %jit3A_141 = arith.constant 2 : i32
          %eq3A_142 = arith.constant 0 : i32
          %eq3A_143 = arith.cmpi eq, %jit3A_141, %eq3A_142 : i32
          %jit3A_144 = arith.constant 1 : i32
          %select_n3A_145 = arith.select %eq3A_143, %jit3A_144, %jit3A_141 : i32
          %rem3A_146 = arith.remsi %add3A_116, %select_n3A_145 : i32
          %ne3A_147 = arith.constant 0 : i32
          %ne3A_148 = arith.cmpi ne, %rem3A_146, %ne3A_147 : i32
          %lt3A_149 = arith.constant 0 : i32
          %lt3A_150 = arith.cmpi slt, %rem3A_146, %lt3A_149 : i32
          %lt3A_151 = arith.constant 0 : i32
          %lt3A_152 = arith.cmpi slt, %select_n3A_145, %lt3A_151 : i32
          %ne3A_153 = arith.xori %lt3A_150, %lt3A_152 : i1
          %and3A_154 = arith.andi %ne3A_153, %ne3A_148 : i1
          %add3A_155 = arith.addi %rem3A_146, %select_n3A_145 : i32
          %select_n3A_156 = arith.select %and3A_154, %add3A_155, %rem3A_146 : i32
          %mul3A_157 = arith.constant 64 : i32
          %mul3A_158 = arith.muli %select_n3A_156, %mul3A_157 : i32
          %dma_start3A_159 = tpu.memref_slice %arg7[%select_n3A_140, %mul3A_158] : memref<160x128xi32, #tpu.memory_space<vmem>> -> memref<1x64xi32, #tpu.memory_space<vmem>>
          %dma_start3A_160 = tpu.memref_squeeze %dma_start3A_159 : memref<1x64xi32, #tpu.memory_space<vmem>> -> memref<64xi32, #tpu.memory_space<vmem>>
          %dma_start3A_161 = arith.constant 0 : i32
          %dma_start3A_162 = arith.constant 0 : i32
          %dma_start3A_163 = tpu.memref_slice %arg5[%dma_start3A_161, %dma_start3A_162] : memref<20000x128xf32, #tpu.memory_space<hbm>> -> memref<20000x128xf32, #tpu.memory_space<hbm>>
          tpu.enqueue_indirect_dma source(%dma_start3A_163 : memref<20000x128xf32, #tpu.memory_space<hbm>>) target(%arg10 : memref<64x128xf32, #tpu.memory_space<vmem>>) offsets(%dma_start3A_160 : memref<64xi32, #tpu.memory_space<vmem>>) semaphore(%arg16 : memref<!tpu.dma_semaphore, #tpu.memory_space<semaphore_mem>>)
          %dma_start3A_164 = tpu.memref_slice %arg8[%select_n3A_140, %mul3A_158] : memref<160x128xi32, #tpu.memory_space<vmem>> -> memref<1x64xi32, #tpu.memory_space<vmem>>
          %dma_start3A_165 = tpu.memref_squeeze %dma_start3A_164 : memref<1x64xi32, #tpu.memory_space<vmem>> -> memref<64xi32, #tpu.memory_space<vmem>>
          %dma_start3A_166 = arith.constant 0 : i32
          %dma_start3A_167 = arith.constant 0 : i32
          %dma_start3A_168 = tpu.memref_slice %arg4[%dma_start3A_166, %dma_start3A_167] : memref<10000x128xf32, #tpu.memory_space<hbm>> -> memref<10000x128xf32, #tpu.memory_space<hbm>>
          tpu.enqueue_indirect_dma source(%dma_start3A_168 : memref<10000x128xf32, #tpu.memory_space<hbm>>) target(%arg12 : memref<64x128xf32, #tpu.memory_space<vmem>>) offsets(%dma_start3A_165 : memref<64xi32, #tpu.memory_space<vmem>>) semaphore(%arg18 : memref<!tpu.dma_semaphore, #tpu.memory_space<semaphore_mem>>)
        } else {
        }
        %dma_wait3A = arith.constant 0 : i32
        %dma_wait3A_57 = arith.constant 0 : i32
        %dma_wait3A_58 = tpu.memref_slice %arg7[%dma_wait3A, %dma_wait3A_57] : memref<160x128xi32, #tpu.memory_space<vmem>> -> memref<1x64xi32, #tpu.memory_space<vmem>>
        %dma_wait3A_59 = tpu.memref_squeeze %dma_wait3A_58 : memref<1x64xi32, #tpu.memory_space<vmem>> -> memref<64xi32, #tpu.memory_space<vmem>>
        %dma_wait3A_60 = arith.constant 0 : i32
        %dma_wait3A_61 = arith.constant 0 : i32
        %dma_wait3A_62 = tpu.memref_slice %arg5[%dma_wait3A_60, %dma_wait3A_61] : memref<20000x128xf32, #tpu.memory_space<hbm>> -> memref<20000x128xf32, #tpu.memory_space<hbm>>
        tpu.wait_indirect_dma semaphore(%arg17 : memref<!tpu.dma_semaphore, #tpu.memory_space<semaphore_mem>>) src(%dma_wait3A_62 : memref<20000x128xf32, #tpu.memory_space<hbm>>) dst(%arg11 : memref<64x128xf32, #tpu.memory_space<vmem>>)
        %dma_wait3A_63 = arith.constant 0 : i32
        %dma_wait3A_64 = arith.constant 0 : i32
        %dma_wait3A_65 = tpu.memref_slice %arg8[%dma_wait3A_63, %dma_wait3A_64] : memref<160x128xi32, #tpu.memory_space<vmem>> -> memref<1x64xi32, #tpu.memory_space<vmem>>
        %dma_wait3A_66 = tpu.memref_squeeze %dma_wait3A_65 : memref<1x64xi32, #tpu.memory_space<vmem>> -> memref<64xi32, #tpu.memory_space<vmem>>
        %dma_wait3A_67 = arith.constant 0 : i32
        %dma_wait3A_68 = arith.constant 0 : i32
        %dma_wait3A_69 = tpu.memref_slice %arg4[%dma_wait3A_67, %dma_wait3A_68] : memref<10000x128xf32, #tpu.memory_space<hbm>> -> memref<10000x128xf32, #tpu.memory_space<hbm>>
        tpu.wait_indirect_dma semaphore(%arg19 : memref<!tpu.dma_semaphore, #tpu.memory_space<semaphore_mem>>) src(%dma_wait3A_69 : memref<10000x128xf32, #tpu.memory_space<hbm>>) dst(%arg13 : memref<64x128xf32, #tpu.memory_space<vmem>>)
        %scan3A_70 = arith.constant 0 : i32
        %scan3A_71 = arith.constant 4 : i32
        %scan3A_72 = arith.addi %scan3A_70, %scan3A_71 : i32
        %scan3A_73 = arith.constant 1 : i32
        scf.for %scan3A_115 = %scan3A_70 to %scan3A_72 step %scan3A_73  : i32 {
          %mul3A_116 = arith.constant 1 : i32
          %mul3A_117 = arith.muli %scan3A_115, %mul3A_116 : i32
          %add3A_118 = arith.constant 0 : i32
          %add3A_119 = arith.addi %add3A_118, %mul3A_117 : i32
          %iota3A = tpu.iota {dimensions = array<i32: 0>} : vector<16xi32>
          %mul3A_120 = arith.constant 16 : i32
          %mul3A_121 = arith.muli %add3A_119, %mul3A_120 : i32
          %add3A_122 = vector.broadcast %mul3A_121 : i32 to vector<16xi32>
          %add3A_123 = arith.addi %add3A_122, %iota3A : vector<16xi32>
          %add3A_124 = arith.constant 0 : i32
          %add3A_125 = vector.broadcast %add3A_124 : i32 to vector<16xi32>
          %add3A_126 = arith.addi %iota3A, %add3A_125 : vector<16xi32>
          %and3A_127 = arith.constant 15 : i32
          %and3A_128 = vector.broadcast %and3A_127 : i32 to vector<16xi32>
          %and3A_129 = arith.andi %add3A_126, %and3A_128 : vector<16xi32>
          %add3A_130 = arith.constant 1 : i32
          %add3A_131 = vector.broadcast %add3A_130 : i32 to vector<16xi32>
          %add3A_132 = arith.addi %iota3A, %add3A_131 : vector<16xi32>
          %and3A_133 = arith.constant 15 : i32
          %and3A_134 = vector.broadcast %and3A_133 : i32 to vector<16xi32>
          %and3A_135 = arith.andi %add3A_132, %and3A_134 : vector<16xi32>
          %add3A_136 = arith.constant 2 : i32
          %add3A_137 = vector.broadcast %add3A_136 : i32 to vector<16xi32>
          %add3A_138 = arith.addi %iota3A, %add3A_137 : vector<16xi32>
          %and3A_139 = arith.constant 15 : i32
          %and3A_140 = vector.broadcast %and3A_139 : i32 to vector<16xi32>
          %and3A_141 = arith.andi %add3A_138, %and3A_140 : vector<16xi32>
          %add3A_142 = arith.constant 3 : i32
          %add3A_143 = vector.broadcast %add3A_142 : i32 to vector<16xi32>
          %add3A_144 = arith.addi %iota3A, %add3A_143 : vector<16xi32>
          %and3A_145 = arith.constant 15 : i32
          %and3A_146 = vector.broadcast %and3A_145 : i32 to vector<16xi32>
          %and3A_147 = arith.andi %add3A_144, %and3A_146 : vector<16xi32>
          %add3A_148 = arith.constant 4 : i32
          %add3A_149 = vector.broadcast %add3A_148 : i32 to vector<16xi32>
          %add3A_150 = arith.addi %iota3A, %add3A_149 : vector<16xi32>
          %and3A_151 = arith.constant 15 : i32
          %and3A_152 = vector.broadcast %and3A_151 : i32 to vector<16xi32>
          %and3A_153 = arith.andi %add3A_150, %and3A_152 : vector<16xi32>
          %add3A_154 = arith.constant 5 : i32
          %add3A_155 = vector.broadcast %add3A_154 : i32 to vector<16xi32>
          %add3A_156 = arith.addi %iota3A, %add3A_155 : vector<16xi32>
          %and3A_157 = arith.constant 15 : i32
          %and3A_158 = vector.broadcast %and3A_157 : i32 to vector<16xi32>
          %and3A_159 = arith.andi %add3A_156, %and3A_158 : vector<16xi32>
          %add3A_160 = arith.constant 6 : i32
          %add3A_161 = vector.broadcast %add3A_160 : i32 to vector<16xi32>
          %add3A_162 = arith.addi %iota3A, %add3A_161 : vector<16xi32>
          %and3A_163 = arith.constant 15 : i32
          %and3A_164 = vector.broadcast %and3A_163 : i32 to vector<16xi32>
          %and3A_165 = arith.andi %add3A_162, %and3A_164 : vector<16xi32>
          %add3A_166 = arith.constant 7 : i32
          %add3A_167 = vector.broadcast %add3A_166 : i32 to vector<16xi32>
          %add3A_168 = arith.addi %iota3A, %add3A_167 : vector<16xi32>
          %and3A_169 = arith.constant 15 : i32
          %and3A_170 = vector.broadcast %and3A_169 : i32 to vector<16xi32>
          %and3A_171 = arith.andi %add3A_168, %and3A_170 : vector<16xi32>
          %add3A_172 = arith.constant 8 : i32
          %add3A_173 = vector.broadcast %add3A_172 : i32 to vector<16xi32>
          %add3A_174 = arith.addi %iota3A, %add3A_173 : vector<16xi32>
          %and3A_175 = arith.constant 15 : i32
          %and3A_176 = vector.broadcast %and3A_175 : i32 to vector<16xi32>
          %and3A_177 = arith.andi %add3A_174, %and3A_176 : vector<16xi32>
          %add3A_178 = arith.constant 9 : i32
          %add3A_179 = vector.broadcast %add3A_178 : i32 to vector<16xi32>
          %add3A_180 = arith.addi %iota3A, %add3A_179 : vector<16xi32>
          %and3A_181 = arith.constant 15 : i32
          %and3A_182 = vector.broadcast %and3A_181 : i32 to vector<16xi32>
          %and3A_183 = arith.andi %add3A_180, %and3A_182 : vector<16xi32>
          %add3A_184 = arith.constant 10 : i32
          %add3A_185 = vector.broadcast %add3A_184 : i32 to vector<16xi32>
          %add3A_186 = arith.addi %iota3A, %add3A_185 : vector<16xi32>
          %and3A_187 = arith.constant 15 : i32
          %and3A_188 = vector.broadcast %and3A_187 : i32 to vector<16xi32>
          %and3A_189 = arith.andi %add3A_186, %and3A_188 : vector<16xi32>
          %add3A_190 = arith.constant 11 : i32
          %add3A_191 = vector.broadcast %add3A_190 : i32 to vector<16xi32>
          %add3A_192 = arith.addi %iota3A, %add3A_191 : vector<16xi32>
          %and3A_193 = arith.constant 15 : i32
          %and3A_194 = vector.broadcast %and3A_193 : i32 to vector<16xi32>
          %and3A_195 = arith.andi %add3A_192, %and3A_194 : vector<16xi32>
          %add3A_196 = arith.constant 12 : i32
          %add3A_197 = vector.broadcast %add3A_196 : i32 to vector<16xi32>
          %add3A_198 = arith.addi %iota3A, %add3A_197 : vector<16xi32>
          %and3A_199 = arith.constant 15 : i32
          %and3A_200 = vector.broadcast %and3A_199 : i32 to vector<16xi32>
          %and3A_201 = arith.andi %add3A_198, %and3A_200 : vector<16xi32>
          %add3A_202 = arith.constant 13 : i32
          %add3A_203 = vector.broadcast %add3A_202 : i32 to vector<16xi32>
          %add3A_204 = arith.addi %iota3A, %add3A_203 : vector<16xi32>
          %and3A_205 = arith.constant 15 : i32
          %and3A_206 = vector.broadcast %and3A_205 : i32 to vector<16xi32>
          %and3A_207 = arith.andi %add3A_204, %and3A_206 : vector<16xi32>
          %add3A_208 = arith.constant 14 : i32
          %add3A_209 = vector.broadcast %add3A_208 : i32 to vector<16xi32>
          %add3A_210 = arith.addi %iota3A, %add3A_209 : vector<16xi32>
          %and3A_211 = arith.constant 15 : i32
          %and3A_212 = vector.broadcast %and3A_211 : i32 to vector<16xi32>
          %and3A_213 = arith.andi %add3A_210, %and3A_212 : vector<16xi32>
          %add3A_214 = arith.constant 15 : i32
          %add3A_215 = vector.broadcast %add3A_214 : i32 to vector<16xi32>
          %add3A_216 = arith.addi %iota3A, %add3A_215 : vector<16xi32>
          %and3A_217 = arith.constant 15 : i32
          %and3A_218 = vector.broadcast %and3A_217 : i32 to vector<16xi32>
          %and3A_219 = arith.andi %add3A_216, %and3A_218 : vector<16xi32>
          %mul3A_220 = arith.constant 64 : i32
          %mul3A_221 = arith.muli %arg0, %mul3A_220 : i32
          %add3A_222 = arith.constant 0 : i32
          %add3A_223 = vector.broadcast %add3A_222 : i32 to vector<16xi32>
          %add3A_224 = arith.addi %and3A_129, %add3A_223 : vector<16xi32>
          %add3A_225 = arith.constant 0 : i32
          %add3A_226 = vector.broadcast %add3A_225 : i32 to vector<16xi32>
          %add3A_227 = arith.addi %and3A_135, %add3A_226 : vector<16xi32>
          %add3A_228 = arith.constant 0 : i32
          %add3A_229 = vector.broadcast %add3A_228 : i32 to vector<16xi32>
          %add3A_230 = arith.addi %and3A_141, %add3A_229 : vector<16xi32>
          %add3A_231 = arith.constant 0 : i32
          %add3A_232 = vector.broadcast %add3A_231 : i32 to vector<16xi32>
          %add3A_233 = arith.addi %and3A_147, %add3A_232 : vector<16xi32>
          %add3A_234 = arith.constant 0 : i32
          %add3A_235 = vector.broadcast %add3A_234 : i32 to vector<16xi32>
          %add3A_236 = arith.addi %and3A_153, %add3A_235 : vector<16xi32>
          %add3A_237 = arith.constant 0 : i32
          %add3A_238 = vector.broadcast %add3A_237 : i32 to vector<16xi32>
          %add3A_239 = arith.addi %and3A_159, %add3A_238 : vector<16xi32>
          %add3A_240 = arith.constant 0 : i32
          %add3A_241 = vector.broadcast %add3A_240 : i32 to vector<16xi32>
          %add3A_242 = arith.addi %and3A_165, %add3A_241 : vector<16xi32>
          %add3A_243 = arith.constant 0 : i32
          %add3A_244 = vector.broadcast %add3A_243 : i32 to vector<16xi32>
          %add3A_245 = arith.addi %and3A_171, %add3A_244 : vector<16xi32>
          %add3A_246 = arith.constant 0 : i32
          %add3A_247 = vector.broadcast %add3A_246 : i32 to vector<16xi32>
          %add3A_248 = arith.addi %and3A_177, %add3A_247 : vector<16xi32>
          %add3A_249 = arith.constant 0 : i32
          %add3A_250 = vector.broadcast %add3A_249 : i32 to vector<16xi32>
          %add3A_251 = arith.addi %and3A_183, %add3A_250 : vector<16xi32>
          %add3A_252 = arith.constant 0 : i32
          %add3A_253 = vector.broadcast %add3A_252 : i32 to vector<16xi32>
          %add3A_254 = arith.addi %and3A_189, %add3A_253 : vector<16xi32>
          %add3A_255 = arith.constant 0 : i32
          %add3A_256 = vector.broadcast %add3A_255 : i32 to vector<16xi32>
          %add3A_257 = arith.addi %and3A_195, %add3A_256 : vector<16xi32>
          %add3A_258 = arith.constant 0 : i32
          %add3A_259 = vector.broadcast %add3A_258 : i32 to vector<16xi32>
          %add3A_260 = arith.addi %and3A_201, %add3A_259 : vector<16xi32>
          %add3A_261 = arith.constant 0 : i32
          %add3A_262 = vector.broadcast %add3A_261 : i32 to vector<16xi32>
          %add3A_263 = arith.addi %and3A_207, %add3A_262 : vector<16xi32>
          %add3A_264 = arith.constant 0 : i32
          %add3A_265 = vector.broadcast %add3A_264 : i32 to vector<16xi32>
          %add3A_266 = arith.addi %and3A_213, %add3A_265 : vector<16xi32>
          %add3A_267 = arith.constant 0 : i32
          %add3A_268 = vector.broadcast %add3A_267 : i32 to vector<16xi32>
          %add3A_269 = arith.addi %and3A_219, %add3A_268 : vector<16xi32>
          %broadcast_in_dim3A = arith.constant 0.000000e+00 : f32
          %broadcast_in_dim3A_270 = vector.broadcast %broadcast_in_dim3A : f32 to vector<16xf32>
          %broadcast_in_dim3A_271 = arith.constant 0.000000e+00 : f32
          %broadcast_in_dim3A_272 = vector.broadcast %broadcast_in_dim3A_271 : f32 to vector<16xf32>
          %broadcast_in_dim3A_273 = arith.constant 0.000000e+00 : f32
          %broadcast_in_dim3A_274 = vector.broadcast %broadcast_in_dim3A_273 : f32 to vector<16xf32>
          %broadcast_in_dim3A_275 = arith.constant 0.000000e+00 : f32
          %broadcast_in_dim3A_276 = vector.broadcast %broadcast_in_dim3A_275 : f32 to vector<16xf32>
          %gather3A = tpu.vector_load_idx %arg11[%add3A_123, %add3A_224] : memref<64x128xf32, #tpu.memory_space<vmem>>[vector<16xi32>, vector<16xi32>], vector<16xf32>,
          %add3A_277 = vector.broadcast %mul3A_221 : i32 to vector<16xi32>
          %add3A_278 = arith.addi %add3A_224, %add3A_277 : vector<16xi32>
          %gather3A_279 = tpu.vector_load_idx %arg13[%add3A_123, %add3A_278] : memref<64x128xf32, #tpu.memory_space<vmem>>[vector<16xi32>, vector<16xi32>], vector<16xf32>,
          %mul3A_280 = arith.mulf %gather3A, %gather3A_279 : vector<16xf32>
          %add3A_281 = arith.addf %broadcast_in_dim3A_270, %mul3A_280 : vector<16xf32>
          %gather3A_282 = tpu.vector_load_idx %arg11[%add3A_123, %add3A_227] : memref<64x128xf32, #tpu.memory_space<vmem>>[vector<16xi32>, vector<16xi32>], vector<16xf32>,
          %add3A_283 = vector.broadcast %mul3A_221 : i32 to vector<16xi32>
          %add3A_284 = arith.addi %add3A_227, %add3A_283 : vector<16xi32>
          %gather3A_285 = tpu.vector_load_idx %arg13[%add3A_123, %add3A_284] : memref<64x128xf32, #tpu.memory_space<vmem>>[vector<16xi32>, vector<16xi32>], vector<16xf32>,
          %mul3A_286 = arith.mulf %gather3A_282, %gather3A_285 : vector<16xf32>
          %add3A_287 = arith.addf %broadcast_in_dim3A_272, %mul3A_286 : vector<16xf32>
          %gather3A_288 = tpu.vector_load_idx %arg11[%add3A_123, %add3A_230] : memref<64x128xf32, #tpu.memory_space<vmem>>[vector<16xi32>, vector<16xi32>], vector<16xf32>,
          %add3A_289 = vector.broadcast %mul3A_221 : i32 to vector<16xi32>
          %add3A_290 = arith.addi %add3A_230, %add3A_289 : vector<16xi32>
          %gather3A_291 = tpu.vector_load_idx %arg13[%add3A_123, %add3A_290] : memref<64x128xf32, #tpu.memory_space<vmem>>[vector<16xi32>, vector<16xi32>], vector<16xf32>,
          %mul3A_292 = arith.mulf %gather3A_288, %gather3A_291 : vector<16xf32>
          %add3A_293 = arith.addf %broadcast_in_dim3A_274, %mul3A_292 : vector<16xf32>
          %gather3A_294 = tpu.vector_load_idx %arg11[%add3A_123, %add3A_233] : memref<64x128xf32, #tpu.memory_space<vmem>>[vector<16xi32>, vector<16xi32>], vector<16xf32>,
          %add3A_295 = vector.broadcast %mul3A_221 : i32 to vector<16xi32>
          %add3A_296 = arith.addi %add3A_233, %add3A_295 : vector<16xi32>
          %gather3A_297 = tpu.vector_load_idx %arg13[%add3A_123, %add3A_296] : memref<64x128xf32, #tpu.memory_space<vmem>>[vector<16xi32>, vector<16xi32>], vector<16xf32>,
          %mul3A_298 = arith.mulf %gather3A_294, %gather3A_297 : vector<16xf32>
          %add3A_299 = arith.addf %broadcast_in_dim3A_276, %mul3A_298 : vector<16xf32>
          %gather3A_300 = tpu.vector_load_idx %arg11[%add3A_123, %add3A_236] : memref<64x128xf32, #tpu.memory_space<vmem>>[vector<16xi32>, vector<16xi32>], vector<16xf32>,
          %add3A_301 = vector.broadcast %mul3A_221 : i32 to vector<16xi32>
          %add3A_302 = arith.addi %add3A_236, %add3A_301 : vector<16xi32>
          %gather3A_303 = tpu.vector_load_idx %arg13[%add3A_123, %add3A_302] : memref<64x128xf32, #tpu.memory_space<vmem>>[vector<16xi32>, vector<16xi32>], vector<16xf32>,
          %mul3A_304 = arith.mulf %gather3A_300, %gather3A_303 : vector<16xf32>
          %add3A_305 = arith.addf %add3A_281, %mul3A_304 : vector<16xf32>
          %gather3A_306 = tpu.vector_load_idx %arg11[%add3A_123, %add3A_239] : memref<64x128xf32, #tpu.memory_space<vmem>>[vector<16xi32>, vector<16xi32>], vector<16xf32>,
          %add3A_307 = vector.broadcast %mul3A_221 : i32 to vector<16xi32>
          %add3A_308 = arith.addi %add3A_239, %add3A_307 : vector<16xi32>
          %gather3A_309 = tpu.vector_load_idx %arg13[%add3A_123, %add3A_308] : memref<64x128xf32, #tpu.memory_space<vmem>>[vector<16xi32>, vector<16xi32>], vector<16xf32>,
          %mul3A_310 = arith.mulf %gather3A_306, %gather3A_309 : vector<16xf32>
          %add3A_311 = arith.addf %add3A_287, %mul3A_310 : vector<16xf32>
          %gather3A_312 = tpu.vector_load_idx %arg11[%add3A_123, %add3A_242] : memref<64x128xf32, #tpu.memory_space<vmem>>[vector<16xi32>, vector<16xi32>], vector<16xf32>,
          %add3A_313 = vector.broadcast %mul3A_221 : i32 to vector<16xi32>
          %add3A_314 = arith.addi %add3A_242, %add3A_313 : vector<16xi32>
          %gather3A_315 = tpu.vector_load_idx %arg13[%add3A_123, %add3A_314] : memref<64x128xf32, #tpu.memory_space<vmem>>[vector<16xi32>, vector<16xi32>], vector<16xf32>,
          %mul3A_316 = arith.mulf %gather3A_312, %gather3A_315 : vector<16xf32>
          %add3A_317 = arith.addf %add3A_293, %mul3A_316 : vector<16xf32>
          %gather3A_318 = tpu.vector_load_idx %arg11[%add3A_123, %add3A_245] : memref<64x128xf32, #tpu.memory_space<vmem>>[vector<16xi32>, vector<16xi32>], vector<16xf32>,
          %add3A_319 = vector.broadcast %mul3A_221 : i32 to vector<16xi32>
          %add3A_320 = arith.addi %add3A_245, %add3A_319 : vector<16xi32>
          %gather3A_321 = tpu.vector_load_idx %arg13[%add3A_123, %add3A_320] : memref<64x128xf32, #tpu.memory_space<vmem>>[vector<16xi32>, vector<16xi32>], vector<16xf32>,
          %mul3A_322 = arith.mulf %gather3A_318, %gather3A_321 : vector<16xf32>
          %add3A_323 = arith.addf %add3A_299, %mul3A_322 : vector<16xf32>
          %gather3A_324 = tpu.vector_load_idx %arg11[%add3A_123, %add3A_248] : memref<64x128xf32, #tpu.memory_space<vmem>>[vector<16xi32>, vector<16xi32>], vector<16xf32>,
          %add3A_325 = vector.broadcast %mul3A_221 : i32 to vector<16xi32>
          %add3A_326 = arith.addi %add3A_248, %add3A_325 : vector<16xi32>
          %gather3A_327 = tpu.vector_load_idx %arg13[%add3A_123, %add3A_326] : memref<64x128xf32, #tpu.memory_space<vmem>>[vector<16xi32>, vector<16xi32>], vector<16xf32>,
          %mul3A_328 = arith.mulf %gather3A_324, %gather3A_327 : vector<16xf32>
          %add3A_329 = arith.addf %add3A_305, %mul3A_328 : vector<16xf32>
          %gather3A_330 = tpu.vector_load_idx %arg11[%add3A_123, %add3A_251] : memref<64x128xf32, #tpu.memory_space<vmem>>[vector<16xi32>, vector<16xi32>], vector<16xf32>,
          %add3A_331 = vector.broadcast %mul3A_221 : i32 to vector<16xi32>
          %add3A_332 = arith.addi %add3A_251, %add3A_331 : vector<16xi32>
          %gather3A_333 = tpu.vector_load_idx %arg13[%add3A_123, %add3A_332] : memref<64x128xf32, #tpu.memory_space<vmem>>[vector<16xi32>, vector<16xi32>], vector<16xf32>,
          %mul3A_334 = arith.mulf %gather3A_330, %gather3A_333 : vector<16xf32>
          %add3A_335 = arith.addf %add3A_311, %mul3A_334 : vector<16xf32>
          %gather3A_336 = tpu.vector_load_idx %arg11[%add3A_123, %add3A_254] : memref<64x128xf32, #tpu.memory_space<vmem>>[vector<16xi32>, vector<16xi32>], vector<16xf32>,
          %add3A_337 = vector.broadcast %mul3A_221 : i32 to vector<16xi32>
          %add3A_338 = arith.addi %add3A_254, %add3A_337 : vector<16xi32>
          %gather3A_339 = tpu.vector_load_idx %arg13[%add3A_123, %add3A_338] : memref<64x128xf32, #tpu.memory_space<vmem>>[vector<16xi32>, vector<16xi32>], vector<16xf32>,
          %mul3A_340 = arith.mulf %gather3A_336, %gather3A_339 : vector<16xf32>
          %add3A_341 = arith.addf %add3A_317, %mul3A_340 : vector<16xf32>
          %gather3A_342 = tpu.vector_load_idx %arg11[%add3A_123, %add3A_257] : memref<64x128xf32, #tpu.memory_space<vmem>>[vector<16xi32>, vector<16xi32>], vector<16xf32>,
          %add3A_343 = vector.broadcast %mul3A_221 : i32 to vector<16xi32>
          %add3A_344 = arith.addi %add3A_257, %add3A_343 : vector<16xi32>
          %gather3A_345 = tpu.vector_load_idx %arg13[%add3A_123, %add3A_344] : memref<64x128xf32, #tpu.memory_space<vmem>>[vector<16xi32>, vector<16xi32>], vector<16xf32>,
          %mul3A_346 = arith.mulf %gather3A_342, %gather3A_345 : vector<16xf32>
          %add3A_347 = arith.addf %add3A_323, %mul3A_346 : vector<16xf32>
          %gather3A_348 = tpu.vector_load_idx %arg11[%add3A_123, %add3A_260] : memref<64x128xf32, #tpu.memory_space<vmem>>[vector<16xi32>, vector<16xi32>], vector<16xf32>,
          %add3A_349 = vector.broadcast %mul3A_221 : i32 to vector<16xi32>
          %add3A_350 = arith.addi %add3A_260, %add3A_349 : vector<16xi32>
          %gather3A_351 = tpu.vector_load_idx %arg13[%add3A_123, %add3A_350] : memref<64x128xf32, #tpu.memory_space<vmem>>[vector<16xi32>, vector<16xi32>], vector<16xf32>,
          %mul3A_352 = arith.mulf %gather3A_348, %gather3A_351 : vector<16xf32>
          %add3A_353 = arith.addf %add3A_329, %mul3A_352 : vector<16xf32>
          %gather3A_354 = tpu.vector_load_idx %arg11[%add3A_123, %add3A_263] : memref<64x128xf32, #tpu.memory_space<vmem>>[vector<16xi32>, vector<16xi32>], vector<16xf32>,
          %add3A_355 = vector.broadcast %mul3A_221 : i32 to vector<16xi32>
          %add3A_356 = arith.addi %add3A_263, %add3A_355 : vector<16xi32>
          %gather3A_357 = tpu.vector_load_idx %arg13[%add3A_123, %add3A_356] : memref<64x128xf32, #tpu.memory_space<vmem>>[vector<16xi32>, vector<16xi32>], vector<16xf32>,
          %mul3A_358 = arith.mulf %gather3A_354, %gather3A_357 : vector<16xf32>
          %add3A_359 = arith.addf %add3A_335, %mul3A_358 : vector<16xf32>
          %gather3A_360 = tpu.vector_load_idx %arg11[%add3A_123, %add3A_266] : memref<64x128xf32, #tpu.memory_space<vmem>>[vector<16xi32>, vector<16xi32>], vector<16xf32>,
          %add3A_361 = vector.broadcast %mul3A_221 : i32 to vector<16xi32>
          %add3A_362 = arith.addi %add3A_266, %add3A_361 : vector<16xi32>
          %gather3A_363 = tpu.vector_load_idx %arg13[%add3A_123, %add3A_362] : memref<64x128xf32, #tpu.memory_space<vmem>>[vector<16xi32>, vector<16xi32>], vector<16xf32>,
          %mul3A_364 = arith.mulf %gather3A_360, %gather3A_363 : vector<16xf32>
          %add3A_365 = arith.addf %add3A_341, %mul3A_364 : vector<16xf32>
          %gather3A_366 = tpu.vector_load_idx %arg11[%add3A_123, %add3A_269] : memref<64x128xf32, #tpu.memory_space<vmem>>[vector<16xi32>, vector<16xi32>], vector<16xf32>,
          %add3A_367 = vector.broadcast %mul3A_221 : i32 to vector<16xi32>
          %add3A_368 = arith.addi %add3A_269, %add3A_367 : vector<16xi32>
          %gather3A_369 = tpu.vector_load_idx %arg13[%add3A_123, %add3A_368] : memref<64x128xf32, #tpu.memory_space<vmem>>[vector<16xi32>, vector<16xi32>], vector<16xf32>,
          %mul3A_370 = arith.mulf %gather3A_366, %gather3A_369 : vector<16xf32>
          %add3A_371 = arith.addf %add3A_347, %mul3A_370 : vector<16xf32>
          %add3A_372 = arith.addf %add3A_353, %add3A_359 : vector<16xf32>
          %add3A_373 = arith.addf %add3A_365, %add3A_371 : vector<16xf32>
          %add3A_374 = arith.addf %add3A_372, %add3A_373 : vector<16xf32>
          %mul3A_375 = arith.constant 2.500000e-01 : f32
          %mul3A_376 = vector.broadcast %mul3A_375 : f32 to vector<16xf32>
          %mul3A_377 = arith.mulf %add3A_374, %mul3A_376 : vector<16xf32>
          %jit3A_378 = arith.constant -5.000000e+00 : f32
          %jit3A_379 = arith.constant 5.000000e+00 : f32
          %max3A = vector.broadcast %jit3A_378 : f32 to vector<16xf32>
          %max3A_380 = arith.maximumf %max3A, %mul3A_377 : vector<16xf32>
          %min3A = vector.broadcast %jit3A_379 : f32 to vector<16xf32>
          %min3A_381 = arith.minimumf %min3A, %max3A_380 : vector<16xf32>
          %exp3A = math.exp %min3A_381 : vector<16xf32>
          %broadcast_in_dim3A_382 = arith.constant 64 : i32
          %broadcast_in_dim3A_383 = vector.broadcast %broadcast_in_dim3A_382 : i32 to vector<16xi32>
          tpu.vector_store_idx %arg14[%add3A_123, %broadcast_in_dim3A_383], %exp3A : memref<64x72xf32, #tpu.memory_space<vmem>>[vector<16xi32>, vector<16xi32>], vector<16xf32>,
          %add3A_384 = arith.constant 64 : i32
          %add3A_385 = vector.broadcast %add3A_384 : i32 to vector<16xi32>
          %add3A_386 = arith.addi %add3A_224, %add3A_385 : vector<16xi32>
          %gather3A_387 = tpu.vector_load_idx %arg11[%add3A_123, %add3A_386] : memref<64x128xf32, #tpu.memory_space<vmem>>[vector<16xi32>, vector<16xi32>], vector<16xf32>,
          %mul3A_388 = arith.mulf %exp3A, %gather3A_387 : vector<16xf32>
          tpu.vector_store_idx %arg14[%add3A_123, %add3A_224], %mul3A_388 : memref<64x72xf32, #tpu.memory_space<vmem>>[vector<16xi32>, vector<16xi32>], vector<16xf32>,
          %add3A_389 = arith.constant 64 : i32
          %add3A_390 = vector.broadcast %add3A_389 : i32 to vector<16xi32>
          %add3A_391 = arith.addi %add3A_227, %add3A_390 : vector<16xi32>
          %gather3A_392 = tpu.vector_load_idx %arg11[%add3A_123, %add3A_391] : memref<64x128xf32, #tpu.memory_space<vmem>>[vector<16xi32>, vector<16xi32>], vector<16xf32>,
          %mul3A_393 = arith.mulf %exp3A, %gather3A_392 : vector<16xf32>
          tpu.vector_store_idx %arg14[%add3A_123, %add3A_227], %mul3A_393 : memref<64x72xf32, #tpu.memory_space<vmem>>[vector<16xi32>, vector<16xi32>], vector<16xf32>,
          %add3A_394 = arith.constant 64 : i32
          %add3A_395 = vector.broadcast %add3A_394 : i32 to vector<16xi32>
          %add3A_396 = arith.addi %add3A_230, %add3A_395 : vector<16xi32>
          %gather3A_397 = tpu.vector_load_idx %arg11[%add3A_123, %add3A_396] : memref<64x128xf32, #tpu.memory_space<vmem>>[vector<16xi32>, vector<16xi32>], vector<16xf32>,
          %mul3A_398 = arith.mulf %exp3A, %gather3A_397 : vector<16xf32>
          tpu.vector_store_idx %arg14[%add3A_123, %add3A_230], %mul3A_398 : memref<64x72xf32, #tpu.memory_space<vmem>>[vector<16xi32>, vector<16xi32>], vector<16xf32>,
          %add3A_399 = arith.constant 64 : i32
          %add3A_400 = vector.broadcast %add3A_399 : i32 to vector<16xi32>
          %add3A_401 = arith.addi %add3A_233, %add3A_400 : vector<16xi32>
          %gather3A_402 = tpu.vector_load_idx %arg11[%add3A_123, %add3A_401] : memref<64x128xf32, #tpu.memory_space<vmem>>[vector<16xi32>, vector<16xi32>], vector<16xf32>,
          %mul3A_403 = arith.mulf %exp3A, %gather3A_402 : vector<16xf32>
          tpu.vector_store_idx %arg14[%add3A_123, %add3A_233], %mul3A_403 : memref<64x72xf32, #tpu.memory_space<vmem>>[vector<16xi32>, vector<16xi32>], vector<16xf32>,
          %add3A_404 = arith.constant 64 : i32
          %add3A_405 = vector.broadcast %add3A_404 : i32 to vector<16xi32>
          %add3A_406 = arith.addi %add3A_236, %add3A_405 : vector<16xi32>
          %gather3A_407 = tpu.vector_load_idx %arg11[%add3A_123, %add3A_406] : memref<64x128xf32, #tpu.memory_space<vmem>>[vector<16xi32>, vector<16xi32>], vector<16xf32>,
          %mul3A_408 = arith.mulf %exp3A, %gather3A_407 : vector<16xf32>
          tpu.vector_store_idx %arg14[%add3A_123, %add3A_236], %mul3A_408 : memref<64x72xf32, #tpu.memory_space<vmem>>[vector<16xi32>, vector<16xi32>], vector<16xf32>,
          %add3A_409 = arith.constant 64 : i32
          %add3A_410 = vector.broadcast %add3A_409 : i32 to vector<16xi32>
          %add3A_411 = arith.addi %add3A_239, %add3A_410 : vector<16xi32>
          %gather3A_412 = tpu.vector_load_idx %arg11[%add3A_123, %add3A_411] : memref<64x128xf32, #tpu.memory_space<vmem>>[vector<16xi32>, vector<16xi32>], vector<16xf32>,
          %mul3A_413 = arith.mulf %exp3A, %gather3A_412 : vector<16xf32>
          tpu.vector_store_idx %arg14[%add3A_123, %add3A_239], %mul3A_413 : memref<64x72xf32, #tpu.memory_space<vmem>>[vector<16xi32>, vector<16xi32>], vector<16xf32>,
          %add3A_414 = arith.constant 64 : i32
          %add3A_415 = vector.broadcast %add3A_414 : i32 to vector<16xi32>
          %add3A_416 = arith.addi %add3A_242, %add3A_415 : vector<16xi32>
          %gather3A_417 = tpu.vector_load_idx %arg11[%add3A_123, %add3A_416] : memref<64x128xf32, #tpu.memory_space<vmem>>[vector<16xi32>, vector<16xi32>], vector<16xf32>,
          %mul3A_418 = arith.mulf %exp3A, %gather3A_417 : vector<16xf32>
          tpu.vector_store_idx %arg14[%add3A_123, %add3A_242], %mul3A_418 : memref<64x72xf32, #tpu.memory_space<vmem>>[vector<16xi32>, vector<16xi32>], vector<16xf32>,
          %add3A_419 = arith.constant 64 : i32
          %add3A_420 = vector.broadcast %add3A_419 : i32 to vector<16xi32>
          %add3A_421 = arith.addi %add3A_245, %add3A_420 : vector<16xi32>
          %gather3A_422 = tpu.vector_load_idx %arg11[%add3A_123, %add3A_421] : memref<64x128xf32, #tpu.memory_space<vmem>>[vector<16xi32>, vector<16xi32>], vector<16xf32>,
          %mul3A_423 = arith.mulf %exp3A, %gather3A_422 : vector<16xf32>
          tpu.vector_store_idx %arg14[%add3A_123, %add3A_245], %mul3A_423 : memref<64x72xf32, #tpu.memory_space<vmem>>[vector<16xi32>, vector<16xi32>], vector<16xf32>,
          %add3A_424 = arith.constant 64 : i32
          %add3A_425 = vector.broadcast %add3A_424 : i32 to vector<16xi32>
          %add3A_426 = arith.addi %add3A_248, %add3A_425 : vector<16xi32>
          %gather3A_427 = tpu.vector_load_idx %arg11[%add3A_123, %add3A_426] : memref<64x128xf32, #tpu.memory_space<vmem>>[vector<16xi32>, vector<16xi32>], vector<16xf32>,
          %mul3A_428 = arith.mulf %exp3A, %gather3A_427 : vector<16xf32>
          tpu.vector_store_idx %arg14[%add3A_123, %add3A_248], %mul3A_428 : memref<64x72xf32, #tpu.memory_space<vmem>>[vector<16xi32>, vector<16xi32>], vector<16xf32>,
          %add3A_429 = arith.constant 64 : i32
          %add3A_430 = vector.broadcast %add3A_429 : i32 to vector<16xi32>
          %add3A_431 = arith.addi %add3A_251, %add3A_430 : vector<16xi32>
          %gather3A_432 = tpu.vector_load_idx %arg11[%add3A_123, %add3A_431] : memref<64x128xf32, #tpu.memory_space<vmem>>[vector<16xi32>, vector<16xi32>], vector<16xf32>,
          %mul3A_433 = arith.mulf %exp3A, %gather3A_432 : vector<16xf32>
          tpu.vector_store_idx %arg14[%add3A_123, %add3A_251], %mul3A_433 : memref<64x72xf32, #tpu.memory_space<vmem>>[vector<16xi32>, vector<16xi32>], vector<16xf32>,
          %add3A_434 = arith.constant 64 : i32
          %add3A_435 = vector.broadcast %add3A_434 : i32 to vector<16xi32>
          %add3A_436 = arith.addi %add3A_254, %add3A_435 : vector<16xi32>
          %gather3A_437 = tpu.vector_load_idx %arg11[%add3A_123, %add3A_436] : memref<64x128xf32, #tpu.memory_space<vmem>>[vector<16xi32>, vector<16xi32>], vector<16xf32>,
          %mul3A_438 = arith.mulf %exp3A, %gather3A_437 : vector<16xf32>
          tpu.vector_store_idx %arg14[%add3A_123, %add3A_254], %mul3A_438 : memref<64x72xf32, #tpu.memory_space<vmem>>[vector<16xi32>, vector<16xi32>], vector<16xf32>,
          %add3A_439 = arith.constant 64 : i32
          %add3A_440 = vector.broadcast %add3A_439 : i32 to vector<16xi32>
          %add3A_441 = arith.addi %add3A_257, %add3A_440 : vector<16xi32>
          %gather3A_442 = tpu.vector_load_idx %arg11[%add3A_123, %add3A_441] : memref<64x128xf32, #tpu.memory_space<vmem>>[vector<16xi32>, vector<16xi32>], vector<16xf32>,
          %mul3A_443 = arith.mulf %exp3A, %gather3A_442 : vector<16xf32>
          tpu.vector_store_idx %arg14[%add3A_123, %add3A_257], %mul3A_443 : memref<64x72xf32, #tpu.memory_space<vmem>>[vector<16xi32>, vector<16xi32>], vector<16xf32>,
          %add3A_444 = arith.constant 64 : i32
          %add3A_445 = vector.broadcast %add3A_444 : i32 to vector<16xi32>
          %add3A_446 = arith.addi %add3A_260, %add3A_445 : vector<16xi32>
          %gather3A_447 = tpu.vector_load_idx %arg11[%add3A_123, %add3A_446] : memref<64x128xf32, #tpu.memory_space<vmem>>[vector<16xi32>, vector<16xi32>], vector<16xf32>,
          %mul3A_448 = arith.mulf %exp3A, %gather3A_447 : vector<16xf32>
          tpu.vector_store_idx %arg14[%add3A_123, %add3A_260], %mul3A_448 : memref<64x72xf32, #tpu.memory_space<vmem>>[vector<16xi32>, vector<16xi32>], vector<16xf32>,
          %add3A_449 = arith.constant 64 : i32
          %add3A_450 = vector.broadcast %add3A_449 : i32 to vector<16xi32>
          %add3A_451 = arith.addi %add3A_263, %add3A_450 : vector<16xi32>
          %gather3A_452 = tpu.vector_load_idx %arg11[%add3A_123, %add3A_451] : memref<64x128xf32, #tpu.memory_space<vmem>>[vector<16xi32>, vector<16xi32>], vector<16xf32>,
          %mul3A_453 = arith.mulf %exp3A, %gather3A_452 : vector<16xf32>
          tpu.vector_store_idx %arg14[%add3A_123, %add3A_263], %mul3A_453 : memref<64x72xf32, #tpu.memory_space<vmem>>[vector<16xi32>, vector<16xi32>], vector<16xf32>,
          %add3A_454 = arith.constant 64 : i32
          %add3A_455 = vector.broadcast %add3A_454 : i32 to vector<16xi32>
          %add3A_456 = arith.addi %add3A_266, %add3A_455 : vector<16xi32>
          %gather3A_457 = tpu.vector_load_idx %arg11[%add3A_123, %add3A_456] : memref<64x128xf32, #tpu.memory_space<vmem>>[vector<16xi32>, vector<16xi32>], vector<16xf32>,
          %mul3A_458 = arith.mulf %exp3A, %gather3A_457 : vector<16xf32>
          tpu.vector_store_idx %arg14[%add3A_123, %add3A_266], %mul3A_458 : memref<64x72xf32, #tpu.memory_space<vmem>>[vector<16xi32>, vector<16xi32>], vector<16xf32>,
          %add3A_459 = arith.constant 64 : i32
          %add3A_460 = vector.broadcast %add3A_459 : i32 to vector<16xi32>
          %add3A_461 = arith.addi %add3A_269, %add3A_460 : vector<16xi32>
          %gather3A_462 = tpu.vector_load_idx %arg11[%add3A_123, %add3A_461] : memref<64x128xf32, #tpu.memory_space<vmem>>[vector<16xi32>, vector<16xi32>], vector<16xf32>,
          %mul3A_463 = arith.mulf %exp3A, %gather3A_462 : vector<16xf32>
          tpu.vector_store_idx %arg14[%add3A_123, %add3A_269], %mul3A_463 : memref<64x72xf32, #tpu.memory_space<vmem>>[vector<16xi32>, vector<16xi32>], vector<16xf32>,
          %add3A_464 = arith.constant 16 : i32
          %add3A_465 = vector.broadcast %add3A_464 : i32 to vector<16xi32>
          %add3A_466 = arith.addi %and3A_129, %add3A_465 : vector<16xi32>
          %add3A_467 = arith.constant 16 : i32
          %add3A_468 = vector.broadcast %add3A_467 : i32 to vector<16xi32>
          %add3A_469 = arith.addi %and3A_135, %add3A_468 : vector<16xi32>
          %add3A_470 = arith.constant 16 : i32
          %add3A_471 = vector.broadcast %add3A_470 : i32 to vector<16xi32>
          %add3A_472 = arith.addi %and3A_141, %add3A_471 : vector<16xi32>
          %add3A_473 = arith.constant 16 : i32
          %add3A_474 = vector.broadcast %add3A_473 : i32 to vector<16xi32>
          %add3A_475 = arith.addi %and3A_147, %add3A_474 : vector<16xi32>
          %add3A_476 = arith.constant 16 : i32
          %add3A_477 = vector.broadcast %add3A_476 : i32 to vector<16xi32>
          %add3A_478 = arith.addi %and3A_153, %add3A_477 : vector<16xi32>
          %add3A_479 = arith.constant 16 : i32
          %add3A_480 = vector.broadcast %add3A_479 : i32 to vector<16xi32>
          %add3A_481 = arith.addi %and3A_159, %add3A_480 : vector<16xi32>
          %add3A_482 = arith.constant 16 : i32
          %add3A_483 = vector.broadcast %add3A_482 : i32 to vector<16xi32>
          %add3A_484 = arith.addi %and3A_165, %add3A_483 : vector<16xi32>
          %add3A_485 = arith.constant 16 : i32
          %add3A_486 = vector.broadcast %add3A_485 : i32 to vector<16xi32>
          %add3A_487 = arith.addi %and3A_171, %add3A_486 : vector<16xi32>
          %add3A_488 = arith.constant 16 : i32
          %add3A_489 = vector.broadcast %add3A_488 : i32 to vector<16xi32>
          %add3A_490 = arith.addi %and3A_177, %add3A_489 : vector<16xi32>
          %add3A_491 = arith.constant 16 : i32
          %add3A_492 = vector.broadcast %add3A_491 : i32 to vector<16xi32>
          %add3A_493 = arith.addi %and3A_183, %add3A_492 : vector<16xi32>
          %add3A_494 = arith.constant 16 : i32
          %add3A_495 = vector.broadcast %add3A_494 : i32 to vector<16xi32>
          %add3A_496 = arith.addi %and3A_189, %add3A_495 : vector<16xi32>
          %add3A_497 = arith.constant 16 : i32
          %add3A_498 = vector.broadcast %add3A_497 : i32 to vector<16xi32>
          %add3A_499 = arith.addi %and3A_195, %add3A_498 : vector<16xi32>
          %add3A_500 = arith.constant 16 : i32
          %add3A_501 = vector.broadcast %add3A_500 : i32 to vector<16xi32>
          %add3A_502 = arith.addi %and3A_201, %add3A_501 : vector<16xi32>
          %add3A_503 = arith.constant 16 : i32
          %add3A_504 = vector.broadcast %add3A_503 : i32 to vector<16xi32>
          %add3A_505 = arith.addi %and3A_207, %add3A_504 : vector<16xi32>
          %add3A_506 = arith.constant 16 : i32
          %add3A_507 = vector.broadcast %add3A_506 : i32 to vector<16xi32>
          %add3A_508 = arith.addi %and3A_213, %add3A_507 : vector<16xi32>
          %add3A_509 = arith.constant 16 : i32
          %add3A_510 = vector.broadcast %add3A_509 : i32 to vector<16xi32>
          %add3A_511 = arith.addi %and3A_219, %add3A_510 : vector<16xi32>
          %broadcast_in_dim3A_512 = arith.constant 0.000000e+00 : f32
          %broadcast_in_dim3A_513 = vector.broadcast %broadcast_in_dim3A_512 : f32 to vector<16xf32>
          %broadcast_in_dim3A_514 = arith.constant 0.000000e+00 : f32
          %broadcast_in_dim3A_515 = vector.broadcast %broadcast_in_dim3A_514 : f32 to vector<16xf32>
          %broadcast_in_dim3A_516 = arith.constant 0.000000e+00 : f32
          %broadcast_in_dim3A_517 = vector.broadcast %broadcast_in_dim3A_516 : f32 to vector<16xf32>
          %broadcast_in_dim3A_518 = arith.constant 0.000000e+00 : f32
          %broadcast_in_dim3A_519 = vector.broadcast %broadcast_in_dim3A_518 : f32 to vector<16xf32>
          %gather3A_520 = tpu.vector_load_idx %arg11[%add3A_123, %add3A_466] : memref<64x128xf32, #tpu.memory_space<vmem>>[vector<16xi32>, vector<16xi32>], vector<16xf32>,
          %add3A_521 = vector.broadcast %mul3A_221 : i32 to vector<16xi32>
          %add3A_522 = arith.addi %add3A_466, %add3A_521 : vector<16xi32>
          %gather3A_523 = tpu.vector_load_idx %arg13[%add3A_123, %add3A_522] : memref<64x128xf32, #tpu.memory_space<vmem>>[vector<16xi32>, vector<16xi32>], vector<16xf32>,
          %mul3A_524 = arith.mulf %gather3A_520, %gather3A_523 : vector<16xf32>
          %add3A_525 = arith.addf %broadcast_in_dim3A_513, %mul3A_524 : vector<16xf32>
          %gather3A_526 = tpu.vector_load_idx %arg11[%add3A_123, %add3A_469] : memref<64x128xf32, #tpu.memory_space<vmem>>[vector<16xi32>, vector<16xi32>], vector<16xf32>,
          %add3A_527 = vector.broadcast %mul3A_221 : i32 to vector<16xi32>
          %add3A_528 = arith.addi %add3A_469, %add3A_527 : vector<16xi32>
          %gather3A_529 = tpu.vector_load_idx %arg13[%add3A_123, %add3A_528] : memref<64x128xf32, #tpu.memory_space<vmem>>[vector<16xi32>, vector<16xi32>], vector<16xf32>,
          %mul3A_530 = arith.mulf %gather3A_526, %gather3A_529 : vector<16xf32>
          %add3A_531 = arith.addf %broadcast_in_dim3A_515, %mul3A_530 : vector<16xf32>
          %gather3A_532 = tpu.vector_load_idx %arg11[%add3A_123, %add3A_472] : memref<64x128xf32, #tpu.memory_space<vmem>>[vector<16xi32>, vector<16xi32>], vector<16xf32>,
          %add3A_533 = vector.broadcast %mul3A_221 : i32 to vector<16xi32>
          %add3A_534 = arith.addi %add3A_472, %add3A_533 : vector<16xi32>
          %gather3A_535 = tpu.vector_load_idx %arg13[%add3A_123, %add3A_534] : memref<64x128xf32, #tpu.memory_space<vmem>>[vector<16xi32>, vector<16xi32>], vector<16xf32>,
          %mul3A_536 = arith.mulf %gather3A_532, %gather3A_535 : vector<16xf32>
          %add3A_537 = arith.addf %broadcast_in_dim3A_517, %mul3A_536 : vector<16xf32>
          %gather3A_538 = tpu.vector_load_idx %arg11[%add3A_123, %add3A_475] : memref<64x128xf32, #tpu.memory_space<vmem>>[vector<16xi32>, vector<16xi32>], vector<16xf32>,
          %add3A_539 = vector.broadcast %mul3A_221 : i32 to vector<16xi32>
          %add3A_540 = arith.addi %add3A_475, %add3A_539 : vector<16xi32>
          %gather3A_541 = tpu.vector_load_idx %arg13[%add3A_123, %add3A_540] : memref<64x128xf32, #tpu.memory_space<vmem>>[vector<16xi32>, vector<16xi32>], vector<16xf32>,
          %mul3A_542 = arith.mulf %gather3A_538, %gather3A_541 : vector<16xf32>
          %add3A_543 = arith.addf %broadcast_in_dim3A_519, %mul3A_542 : vector<16xf32>
          %gather3A_544 = tpu.vector_load_idx %arg11[%add3A_123, %add3A_478] : memref<64x128xf32, #tpu.memory_space<vmem>>[vector<16xi32>, vector<16xi32>], vector<16xf32>,
          %add3A_545 = vector.broadcast %mul3A_221 : i32 to vector<16xi32>
          %add3A_546 = arith.addi %add3A_478, %add3A_545 : vector<16xi32>
          %gather3A_547 = tpu.vector_load_idx %arg13[%add3A_123, %add3A_546] : memref<64x128xf32, #tpu.memory_space<vmem>>[vector<16xi32>, vector<16xi32>], vector<16xf32>,
          %mul3A_548 = arith.mulf %gather3A_544, %gather3A_547 : vector<16xf32>
          %add3A_549 = arith.addf %add3A_525, %mul3A_548 : vector<16xf32>
          %gather3A_550 = tpu.vector_load_idx %arg11[%add3A_123, %add3A_481] : memref<64x128xf32, #tpu.memory_space<vmem>>[vector<16xi32>, vector<16xi32>], vector<16xf32>,
          %add3A_551 = vector.broadcast %mul3A_221 : i32 to vector<16xi32>
          %add3A_552 = arith.addi %add3A_481, %add3A_551 : vector<16xi32>
          %gather3A_553 = tpu.vector_load_idx %arg13[%add3A_123, %add3A_552] : memref<64x128xf32, #tpu.memory_space<vmem>>[vector<16xi32>, vector<16xi32>], vector<16xf32>,
          %mul3A_554 = arith.mulf %gather3A_550, %gather3A_553 : vector<16xf32>
          %add3A_555 = arith.addf %add3A_531, %mul3A_554 : vector<16xf32>
          %gather3A_556 = tpu.vector_load_idx %arg11[%add3A_123, %add3A_484] : memref<64x128xf32, #tpu.memory_space<vmem>>[vector<16xi32>, vector<16xi32>], vector<16xf32>,
          %add3A_557 = vector.broadcast %mul3A_221 : i32 to vector<16xi32>
          %add3A_558 = arith.addi %add3A_484, %add3A_557 : vector<16xi32>
          %gather3A_559 = tpu.vector_load_idx %arg13[%add3A_123, %add3A_558] : memref<64x128xf32, #tpu.memory_space<vmem>>[vector<16xi32>, vector<16xi32>], vector<16xf32>,
          %mul3A_560 = arith.mulf %gather3A_556, %gather3A_559 : vector<16xf32>
          %add3A_561 = arith.addf %add3A_537, %mul3A_560 : vector<16xf32>
          %gather3A_562 = tpu.vector_load_idx %arg11[%add3A_123, %add3A_487] : memref<64x128xf32, #tpu.memory_space<vmem>>[vector<16xi32>, vector<16xi32>], vector<16xf32>,
          %add3A_563 = vector.broadcast %mul3A_221 : i32 to vector<16xi32>
          %add3A_564 = arith.addi %add3A_487, %add3A_563 : vector<16xi32>
          %gather3A_565 = tpu.vector_load_idx %arg13[%add3A_123, %add3A_564] : memref<64x128xf32, #tpu.memory_space<vmem>>[vector<16xi32>, vector<16xi32>], vector<16xf32>,
          %mul3A_566 = arith.mulf %gather3A_562, %gather3A_565 : vector<16xf32>
          %add3A_567 = arith.addf %add3A_543, %mul3A_566 : vector<16xf32>
          %gather3A_568 = tpu.vector_load_idx %arg11[%add3A_123, %add3A_490] : memref<64x128xf32, #tpu.memory_space<vmem>>[vector<16xi32>, vector<16xi32>], vector<16xf32>,
          %add3A_569 = vector.broadcast %mul3A_221 : i32 to vector<16xi32>
          %add3A_570 = arith.addi %add3A_490, %add3A_569 : vector<16xi32>
          %gather3A_571 = tpu.vector_load_idx %arg13[%add3A_123, %add3A_570] : memref<64x128xf32, #tpu.memory_space<vmem>>[vector<16xi32>, vector<16xi32>], vector<16xf32>,
          %mul3A_572 = arith.mulf %gather3A_568, %gather3A_571 : vector<16xf32>
          %add3A_573 = arith.addf %add3A_549, %mul3A_572 : vector<16xf32>
          %gather3A_574 = tpu.vector_load_idx %arg11[%add3A_123, %add3A_493] : memref<64x128xf32, #tpu.memory_space<vmem>>[vector<16xi32>, vector<16xi32>], vector<16xf32>,
          %add3A_575 = vector.broadcast %mul3A_221 : i32 to vector<16xi32>
          %add3A_576 = arith.addi %add3A_493, %add3A_575 : vector<16xi32>
          %gather3A_577 = tpu.vector_load_idx %arg13[%add3A_123, %add3A_576] : memref<64x128xf32, #tpu.memory_space<vmem>>[vector<16xi32>, vector<16xi32>], vector<16xf32>,
          %mul3A_578 = arith.mulf %gather3A_574, %gather3A_577 : vector<16xf32>
          %add3A_579 = arith.addf %add3A_555, %mul3A_578 : vector<16xf32>
          %gather3A_580 = tpu.vector_load_idx %arg11[%add3A_123, %add3A_496] : memref<64x128xf32, #tpu.memory_space<vmem>>[vector<16xi32>, vector<16xi32>], vector<16xf32>,
          %add3A_581 = vector.broadcast %mul3A_221 : i32 to vector<16xi32>
          %add3A_582 = arith.addi %add3A_496, %add3A_581 : vector<16xi32>
          %gather3A_583 = tpu.vector_load_idx %arg13[%add3A_123, %add3A_582] : memref<64x128xf32, #tpu.memory_space<vmem>>[vector<16xi32>, vector<16xi32>], vector<16xf32>,
          %mul3A_584 = arith.mulf %gather3A_580, %gather3A_583 : vector<16xf32>
          %add3A_585 = arith.addf %add3A_561, %mul3A_584 : vector<16xf32>
          %gather3A_586 = tpu.vector_load_idx %arg11[%add3A_123, %add3A_499] : memref<64x128xf32, #tpu.memory_space<vmem>>[vector<16xi32>, vector<16xi32>], vector<16xf32>,
          %add3A_587 = vector.broadcast %mul3A_221 : i32 to vector<16xi32>
          %add3A_588 = arith.addi %add3A_499, %add3A_587 : vector<16xi32>
          %gather3A_589 = tpu.vector_load_idx %arg13[%add3A_123, %add3A_588] : memref<64x128xf32, #tpu.memory_space<vmem>>[vector<16xi32>, vector<16xi32>], vector<16xf32>,
          %mul3A_590 = arith.mulf %gather3A_586, %gather3A_589 : vector<16xf32>
          %add3A_591 = arith.addf %add3A_567, %mul3A_590 : vector<16xf32>
          %gather3A_592 = tpu.vector_load_idx %arg11[%add3A_123, %add3A_502] : memref<64x128xf32, #tpu.memory_space<vmem>>[vector<16xi32>, vector<16xi32>], vector<16xf32>,
          %add3A_593 = vector.broadcast %mul3A_221 : i32 to vector<16xi32>
          %add3A_594 = arith.addi %add3A_502, %add3A_593 : vector<16xi32>
          %gather3A_595 = tpu.vector_load_idx %arg13[%add3A_123, %add3A_594] : memref<64x128xf32, #tpu.memory_space<vmem>>[vector<16xi32>, vector<16xi32>], vector<16xf32>,
          %mul3A_596 = arith.mulf %gather3A_592, %gather3A_595 : vector<16xf32>
          %add3A_597 = arith.addf %add3A_573, %mul3A_596 : vector<16xf32>
          %gather3A_598 = tpu.vector_load_idx %arg11[%add3A_123, %add3A_505] : memref<64x128xf32, #tpu.memory_space<vmem>>[vector<16xi32>, vector<16xi32>], vector<16xf32>,
          %add3A_599 = vector.broadcast %mul3A_221 : i32 to vector<16xi32>
          %add3A_600 = arith.addi %add3A_505, %add3A_599 : vector<16xi32>
          %gather3A_601 = tpu.vector_load_idx %arg13[%add3A_123, %add3A_600] : memref<64x128xf32, #tpu.memory_space<vmem>>[vector<16xi32>, vector<16xi32>], vector<16xf32>,
          %mul3A_602 = arith.mulf %gather3A_598, %gather3A_601 : vector<16xf32>
          %add3A_603 = arith.addf %add3A_579, %mul3A_602 : vector<16xf32>
          %gather3A_604 = tpu.vector_load_idx %arg11[%add3A_123, %add3A_508] : memref<64x128xf32, #tpu.memory_space<vmem>>[vector<16xi32>, vector<16xi32>], vector<16xf32>,
          %add3A_605 = vector.broadcast %mul3A_221 : i32 to vector<16xi32>
          %add3A_606 = arith.addi %add3A_508, %add3A_605 : vector<16xi32>
          %gather3A_607 = tpu.vector_load_idx %arg13[%add3A_123, %add3A_606] : memref<64x128xf32, #tpu.memory_space<vmem>>[vector<16xi32>, vector<16xi32>], vector<16xf32>,
          %mul3A_608 = arith.mulf %gather3A_604, %gather3A_607 : vector<16xf32>
          %add3A_609 = arith.addf %add3A_585, %mul3A_608 : vector<16xf32>
          %gather3A_610 = tpu.vector_load_idx %arg11[%add3A_123, %add3A_511] : memref<64x128xf32, #tpu.memory_space<vmem>>[vector<16xi32>, vector<16xi32>], vector<16xf32>,
          %add3A_611 = vector.broadcast %mul3A_221 : i32 to vector<16xi32>
          %add3A_612 = arith.addi %add3A_511, %add3A_611 : vector<16xi32>
          %gather3A_613 = tpu.vector_load_idx %arg13[%add3A_123, %add3A_612] : memref<64x128xf32, #tpu.memory_space<vmem>>[vector<16xi32>, vector<16xi32>], vector<16xf32>,
          %mul3A_614 = arith.mulf %gather3A_610, %gather3A_613 : vector<16xf32>
          %add3A_615 = arith.addf %add3A_591, %mul3A_614 : vector<16xf32>
          %add3A_616 = arith.addf %add3A_597, %add3A_603 : vector<16xf32>
          %add3A_617 = arith.addf %add3A_609, %add3A_615 : vector<16xf32>
          %add3A_618 = arith.addf %add3A_616, %add3A_617 : vector<16xf32>
          %mul3A_619 = arith.constant 2.500000e-01 : f32
          %mul3A_620 = vector.broadcast %mul3A_619 : f32 to vector<16xf32>
          %mul3A_621 = arith.mulf %add3A_618, %mul3A_620 : vector<16xf32>
          %jit3A_622 = arith.constant -5.000000e+00 : f32
          %jit3A_623 = arith.constant 5.000000e+00 : f32
          %max3A_624 = vector.broadcast %jit3A_622 : f32 to vector<16xf32>
          %max3A_625 = arith.maximumf %max3A_624, %mul3A_621 : vector<16xf32>
          %min3A_626 = vector.broadcast %jit3A_623 : f32 to vector<16xf32>
          %min3A_627 = arith.minimumf %min3A_626, %max3A_625 : vector<16xf32>
          %exp3A_628 = math.exp %min3A_627 : vector<16xf32>
          %broadcast_in_dim3A_629 = arith.constant 65 : i32
          %broadcast_in_dim3A_630 = vector.broadcast %broadcast_in_dim3A_629 : i32 to vector<16xi32>
          tpu.vector_store_idx %arg14[%add3A_123, %broadcast_in_dim3A_630], %exp3A_628 : memref<64x72xf32, #tpu.memory_space<vmem>>[vector<16xi32>, vector<16xi32>], vector<16xf32>,
          %add3A_631 = arith.constant 64 : i32
          %add3A_632 = vector.broadcast %add3A_631 : i32 to vector<16xi32>
          %add3A_633 = arith.addi %add3A_466, %add3A_632 : vector<16xi32>
          %gather3A_634 = tpu.vector_load_idx %arg11[%add3A_123, %add3A_633] : memref<64x128xf32, #tpu.memory_space<vmem>>[vector<16xi32>, vector<16xi32>], vector<16xf32>,
          %mul3A_635 = arith.mulf %exp3A_628, %gather3A_634 : vector<16xf32>
          tpu.vector_store_idx %arg14[%add3A_123, %add3A_466], %mul3A_635 : memref<64x72xf32, #tpu.memory_space<vmem>>[vector<16xi32>, vector<16xi32>], vector<16xf32>,
          %add3A_636 = arith.constant 64 : i32
          %add3A_637 = vector.broadcast %add3A_636 : i32 to vector<16xi32>
          %add3A_638 = arith.addi %add3A_469, %add3A_637 : vector<16xi32>
          %gather3A_639 = tpu.vector_load_idx %arg11[%add3A_123, %add3A_638] : memref<64x128xf32, #tpu.memory_space<vmem>>[vector<16xi32>, vector<16xi32>], vector<16xf32>,
          %mul3A_640 = arith.mulf %exp3A_628, %gather3A_639 : vector<16xf32>
          tpu.vector_store_idx %arg14[%add3A_123, %add3A_469], %mul3A_640 : memref<64x72xf32, #tpu.memory_space<vmem>>[vector<16xi32>, vector<16xi32>], vector<16xf32>,
          %add3A_641 = arith.constant 64 : i32
          %add3A_642 = vector.broadcast %add3A_641 : i32 to vector<16xi32>
          %add3A_643 = arith.addi %add3A_472, %add3A_642 : vector<16xi32>
          %gather3A_644 = tpu.vector_load_idx %arg11[%add3A_123, %add3A_643] : memref<64x128xf32, #tpu.memory_space<vmem>>[vector<16xi32>, vector<16xi32>], vector<16xf32>,
          %mul3A_645 = arith.mulf %exp3A_628, %gather3A_644 : vector<16xf32>
          tpu.vector_store_idx %arg14[%add3A_123, %add3A_472], %mul3A_645 : memref<64x72xf32, #tpu.memory_space<vmem>>[vector<16xi32>, vector<16xi32>], vector<16xf32>,
          %add3A_646 = arith.constant 64 : i32
          %add3A_647 = vector.broadcast %add3A_646 : i32 to vector<16xi32>
          %add3A_648 = arith.addi %add3A_475, %add3A_647 : vector<16xi32>
          %gather3A_649 = tpu.vector_load_idx %arg11[%add3A_123, %add3A_648] : memref<64x128xf32, #tpu.memory_space<vmem>>[vector<16xi32>, vector<16xi32>], vector<16xf32>,
          %mul3A_650 = arith.mulf %exp3A_628, %gather3A_649 : vector<16xf32>
          tpu.vector_store_idx %arg14[%add3A_123, %add3A_475], %mul3A_650 : memref<64x72xf32, #tpu.memory_space<vmem>>[vector<16xi32>, vector<16xi32>], vector<16xf32>,
          %add3A_651 = arith.constant 64 : i32
          %add3A_652 = vector.broadcast %add3A_651 : i32 to vector<16xi32>
          %add3A_653 = arith.addi %add3A_478, %add3A_652 : vector<16xi32>
          %gather3A_654 = tpu.vector_load_idx %arg11[%add3A_123, %add3A_653] : memref<64x128xf32, #tpu.memory_space<vmem>>[vector<16xi32>, vector<16xi32>], vector<16xf32>,
          %mul3A_655 = arith.mulf %exp3A_628, %gather3A_654 : vector<16xf32>
          tpu.vector_store_idx %arg14[%add3A_123, %add3A_478], %mul3A_655 : memref<64x72xf32, #tpu.memory_space<vmem>>[vector<16xi32>, vector<16xi32>], vector<16xf32>,
          %add3A_656 = arith.constant 64 : i32
          %add3A_657 = vector.broadcast %add3A_656 : i32 to vector<16xi32>
          %add3A_658 = arith.addi %add3A_481, %add3A_657 : vector<16xi32>
          %gather3A_659 = tpu.vector_load_idx %arg11[%add3A_123, %add3A_658] : memref<64x128xf32, #tpu.memory_space<vmem>>[vector<16xi32>, vector<16xi32>], vector<16xf32>,
          %mul3A_660 = arith.mulf %exp3A_628, %gather3A_659 : vector<16xf32>
          tpu.vector_store_idx %arg14[%add3A_123, %add3A_481], %mul3A_660 : memref<64x72xf32, #tpu.memory_space<vmem>>[vector<16xi32>, vector<16xi32>], vector<16xf32>,
          %add3A_661 = arith.constant 64 : i32
          %add3A_662 = vector.broadcast %add3A_661 : i32 to vector<16xi32>
          %add3A_663 = arith.addi %add3A_484, %add3A_662 : vector<16xi32>
          %gather3A_664 = tpu.vector_load_idx %arg11[%add3A_123, %add3A_663] : memref<64x128xf32, #tpu.memory_space<vmem>>[vector<16xi32>, vector<16xi32>], vector<16xf32>,
          %mul3A_665 = arith.mulf %exp3A_628, %gather3A_664 : vector<16xf32>
          tpu.vector_store_idx %arg14[%add3A_123, %add3A_484], %mul3A_665 : memref<64x72xf32, #tpu.memory_space<vmem>>[vector<16xi32>, vector<16xi32>], vector<16xf32>,
          %add3A_666 = arith.constant 64 : i32
          %add3A_667 = vector.broadcast %add3A_666 : i32 to vector<16xi32>
          %add3A_668 = arith.addi %add3A_487, %add3A_667 : vector<16xi32>
          %gather3A_669 = tpu.vector_load_idx %arg11[%add3A_123, %add3A_668] : memref<64x128xf32, #tpu.memory_space<vmem>>[vector<16xi32>, vector<16xi32>], vector<16xf32>,
          %mul3A_670 = arith.mulf %exp3A_628, %gather3A_669 : vector<16xf32>
          tpu.vector_store_idx %arg14[%add3A_123, %add3A_487], %mul3A_670 : memref<64x72xf32, #tpu.memory_space<vmem>>[vector<16xi32>, vector<16xi32>], vector<16xf32>,
          %add3A_671 = arith.constant 64 : i32
          %add3A_672 = vector.broadcast %add3A_671 : i32 to vector<16xi32>
          %add3A_673 = arith.addi %add3A_490, %add3A_672 : vector<16xi32>
          %gather3A_674 = tpu.vector_load_idx %arg11[%add3A_123, %add3A_673] : memref<64x128xf32, #tpu.memory_space<vmem>>[vector<16xi32>, vector<16xi32>], vector<16xf32>,
          %mul3A_675 = arith.mulf %exp3A_628, %gather3A_674 : vector<16xf32>
          tpu.vector_store_idx %arg14[%add3A_123, %add3A_490], %mul3A_675 : memref<64x72xf32, #tpu.memory_space<vmem>>[vector<16xi32>, vector<16xi32>], vector<16xf32>,
          %add3A_676 = arith.constant 64 : i32
          %add3A_677 = vector.broadcast %add3A_676 : i32 to vector<16xi32>
          %add3A_678 = arith.addi %add3A_493, %add3A_677 : vector<16xi32>
          %gather3A_679 = tpu.vector_load_idx %arg11[%add3A_123, %add3A_678] : memref<64x128xf32, #tpu.memory_space<vmem>>[vector<16xi32>, vector<16xi32>], vector<16xf32>,
          %mul3A_680 = arith.mulf %exp3A_628, %gather3A_679 : vector<16xf32>
          tpu.vector_store_idx %arg14[%add3A_123, %add3A_493], %mul3A_680 : memref<64x72xf32, #tpu.memory_space<vmem>>[vector<16xi32>, vector<16xi32>], vector<16xf32>,
          %add3A_681 = arith.constant 64 : i32
          %add3A_682 = vector.broadcast %add3A_681 : i32 to vector<16xi32>
          %add3A_683 = arith.addi %add3A_496, %add3A_682 : vector<16xi32>
          %gather3A_684 = tpu.vector_load_idx %arg11[%add3A_123, %add3A_683] : memref<64x128xf32, #tpu.memory_space<vmem>>[vector<16xi32>, vector<16xi32>], vector<16xf32>,
          %mul3A_685 = arith.mulf %exp3A_628, %gather3A_684 : vector<16xf32>
          tpu.vector_store_idx %arg14[%add3A_123, %add3A_496], %mul3A_685 : memref<64x72xf32, #tpu.memory_space<vmem>>[vector<16xi32>, vector<16xi32>], vector<16xf32>,
          %add3A_686 = arith.constant 64 : i32
          %add3A_687 = vector.broadcast %add3A_686 : i32 to vector<16xi32>
          %add3A_688 = arith.addi %add3A_499, %add3A_687 : vector<16xi32>
          %gather3A_689 = tpu.vector_load_idx %arg11[%add3A_123, %add3A_688] : memref<64x128xf32, #tpu.memory_space<vmem>>[vector<16xi32>, vector<16xi32>], vector<16xf32>,
          %mul3A_690 = arith.mulf %exp3A_628, %gather3A_689 : vector<16xf32>
          tpu.vector_store_idx %arg14[%add3A_123, %add3A_499], %mul3A_690 : memref<64x72xf32, #tpu.memory_space<vmem>>[vector<16xi32>, vector<16xi32>], vector<16xf32>,
          %add3A_691 = arith.constant 64 : i32
          %add3A_692 = vector.broadcast %add3A_691 : i32 to vector<16xi32>
          %add3A_693 = arith.addi %add3A_502, %add3A_692 : vector<16xi32>
          %gather3A_694 = tpu.vector_load_idx %arg11[%add3A_123, %add3A_693] : memref<64x128xf32, #tpu.memory_space<vmem>>[vector<16xi32>, vector<16xi32>], vector<16xf32>,
          %mul3A_695 = arith.mulf %exp3A_628, %gather3A_694 : vector<16xf32>
          tpu.vector_store_idx %arg14[%add3A_123, %add3A_502], %mul3A_695 : memref<64x72xf32, #tpu.memory_space<vmem>>[vector<16xi32>, vector<16xi32>], vector<16xf32>,
          %add3A_696 = arith.constant 64 : i32
          %add3A_697 = vector.broadcast %add3A_696 : i32 to vector<16xi32>
          %add3A_698 = arith.addi %add3A_505, %add3A_697 : vector<16xi32>
          %gather3A_699 = tpu.vector_load_idx %arg11[%add3A_123, %add3A_698] : memref<64x128xf32, #tpu.memory_space<vmem>>[vector<16xi32>, vector<16xi32>], vector<16xf32>,
          %mul3A_700 = arith.mulf %exp3A_628, %gather3A_699 : vector<16xf32>
          tpu.vector_store_idx %arg14[%add3A_123, %add3A_505], %mul3A_700 : memref<64x72xf32, #tpu.memory_space<vmem>>[vector<16xi32>, vector<16xi32>], vector<16xf32>,
          %add3A_701 = arith.constant 64 : i32
          %add3A_702 = vector.broadcast %add3A_701 : i32 to vector<16xi32>
          %add3A_703 = arith.addi %add3A_508, %add3A_702 : vector<16xi32>
          %gather3A_704 = tpu.vector_load_idx %arg11[%add3A_123, %add3A_703] : memref<64x128xf32, #tpu.memory_space<vmem>>[vector<16xi32>, vector<16xi32>], vector<16xf32>,
          %mul3A_705 = arith.mulf %exp3A_628, %gather3A_704 : vector<16xf32>
          tpu.vector_store_idx %arg14[%add3A_123, %add3A_508], %mul3A_705 : memref<64x72xf32, #tpu.memory_space<vmem>>[vector<16xi32>, vector<16xi32>], vector<16xf32>,
          %add3A_706 = arith.constant 64 : i32
          %add3A_707 = vector.broadcast %add3A_706 : i32 to vector<16xi32>
          %add3A_708 = arith.addi %add3A_511, %add3A_707 : vector<16xi32>
          %gather3A_709 = tpu.vector_load_idx %arg11[%add3A_123, %add3A_708] : memref<64x128xf32, #tpu.memory_space<vmem>>[vector<16xi32>, vector<16xi32>], vector<16xf32>,
          %mul3A_710 = arith.mulf %exp3A_628, %gather3A_709 : vector<16xf32>
          tpu.vector_store_idx %arg14[%add3A_123, %add3A_511], %mul3A_710 : memref<64x72xf32, #tpu.memory_space<vmem>>[vector<16xi32>, vector<16xi32>], vector<16xf32>,
          %add3A_711 = arith.constant 32 : i32
          %add3A_712 = vector.broadcast %add3A_711 : i32 to vector<16xi32>
          %add3A_713 = arith.addi %and3A_129, %add3A_712 : vector<16xi32>
          %add3A_714 = arith.constant 32 : i32
          %add3A_715 = vector.broadcast %add3A_714 : i32 to vector<16xi32>
          %add3A_716 = arith.addi %and3A_135, %add3A_715 : vector<16xi32>
          %add3A_717 = arith.constant 32 : i32
          %add3A_718 = vector.broadcast %add3A_717 : i32 to vector<16xi32>
          %add3A_719 = arith.addi %and3A_141, %add3A_718 : vector<16xi32>
          %add3A_720 = arith.constant 32 : i32
          %add3A_721 = vector.broadcast %add3A_720 : i32 to vector<16xi32>
          %add3A_722 = arith.addi %and3A_147, %add3A_721 : vector<16xi32>
          %add3A_723 = arith.constant 32 : i32
          %add3A_724 = vector.broadcast %add3A_723 : i32 to vector<16xi32>
          %add3A_725 = arith.addi %and3A_153, %add3A_724 : vector<16xi32>
          %add3A_726 = arith.constant 32 : i32
          %add3A_727 = vector.broadcast %add3A_726 : i32 to vector<16xi32>
          %add3A_728 = arith.addi %and3A_159, %add3A_727 : vector<16xi32>
          %add3A_729 = arith.constant 32 : i32
          %add3A_730 = vector.broadcast %add3A_729 : i32 to vector<16xi32>
          %add3A_731 = arith.addi %and3A_165, %add3A_730 : vector<16xi32>
          %add3A_732 = arith.constant 32 : i32
          %add3A_733 = vector.broadcast %add3A_732 : i32 to vector<16xi32>
          %add3A_734 = arith.addi %and3A_171, %add3A_733 : vector<16xi32>
          %add3A_735 = arith.constant 32 : i32
          %add3A_736 = vector.broadcast %add3A_735 : i32 to vector<16xi32>
          %add3A_737 = arith.addi %and3A_177, %add3A_736 : vector<16xi32>
          %add3A_738 = arith.constant 32 : i32
          %add3A_739 = vector.broadcast %add3A_738 : i32 to vector<16xi32>
          %add3A_740 = arith.addi %and3A_183, %add3A_739 : vector<16xi32>
          %add3A_741 = arith.constant 32 : i32
          %add3A_742 = vector.broadcast %add3A_741 : i32 to vector<16xi32>
          %add3A_743 = arith.addi %and3A_189, %add3A_742 : vector<16xi32>
          %add3A_744 = arith.constant 32 : i32
          %add3A_745 = vector.broadcast %add3A_744 : i32 to vector<16xi32>
          %add3A_746 = arith.addi %and3A_195, %add3A_745 : vector<16xi32>
          %add3A_747 = arith.constant 32 : i32
          %add3A_748 = vector.broadcast %add3A_747 : i32 to vector<16xi32>
          %add3A_749 = arith.addi %and3A_201, %add3A_748 : vector<16xi32>
          %add3A_750 = arith.constant 32 : i32
          %add3A_751 = vector.broadcast %add3A_750 : i32 to vector<16xi32>
          %add3A_752 = arith.addi %and3A_207, %add3A_751 : vector<16xi32>
          %add3A_753 = arith.constant 32 : i32
          %add3A_754 = vector.broadcast %add3A_753 : i32 to vector<16xi32>
          %add3A_755 = arith.addi %and3A_213, %add3A_754 : vector<16xi32>
          %add3A_756 = arith.constant 32 : i32
          %add3A_757 = vector.broadcast %add3A_756 : i32 to vector<16xi32>
          %add3A_758 = arith.addi %and3A_219, %add3A_757 : vector<16xi32>
          %broadcast_in_dim3A_759 = arith.constant 0.000000e+00 : f32
          %broadcast_in_dim3A_760 = vector.broadcast %broadcast_in_dim3A_759 : f32 to vector<16xf32>
          %broadcast_in_dim3A_761 = arith.constant 0.000000e+00 : f32
          %broadcast_in_dim3A_762 = vector.broadcast %broadcast_in_dim3A_761 : f32 to vector<16xf32>
          %broadcast_in_dim3A_763 = arith.constant 0.000000e+00 : f32
          %broadcast_in_dim3A_764 = vector.broadcast %broadcast_in_dim3A_763 : f32 to vector<16xf32>
          %broadcast_in_dim3A_765 = arith.constant 0.000000e+00 : f32
          %broadcast_in_dim3A_766 = vector.broadcast %broadcast_in_dim3A_765 : f32 to vector<16xf32>
          %gather3A_767 = tpu.vector_load_idx %arg11[%add3A_123, %add3A_713] : memref<64x128xf32, #tpu.memory_space<vmem>>[vector<16xi32>, vector<16xi32>], vector<16xf32>,
          %add3A_768 = vector.broadcast %mul3A_221 : i32 to vector<16xi32>
          %add3A_769 = arith.addi %add3A_713, %add3A_768 : vector<16xi32>
          %gather3A_770 = tpu.vector_load_idx %arg13[%add3A_123, %add3A_769] : memref<64x128xf32, #tpu.memory_space<vmem>>[vector<16xi32>, vector<16xi32>], vector<16xf32>,
          %mul3A_771 = arith.mulf %gather3A_767, %gather3A_770 : vector<16xf32>
          %add3A_772 = arith.addf %broadcast_in_dim3A_760, %mul3A_771 : vector<16xf32>
          %gather3A_773 = tpu.vector_load_idx %arg11[%add3A_123, %add3A_716] : memref<64x128xf32, #tpu.memory_space<vmem>>[vector<16xi32>, vector<16xi32>], vector<16xf32>,
          %add3A_774 = vector.broadcast %mul3A_221 : i32 to vector<16xi32>
          %add3A_775 = arith.addi %add3A_716, %add3A_774 : vector<16xi32>
          %gather3A_776 = tpu.vector_load_idx %arg13[%add3A_123, %add3A_775] : memref<64x128xf32, #tpu.memory_space<vmem>>[vector<16xi32>, vector<16xi32>], vector<16xf32>,
          %mul3A_777 = arith.mulf %gather3A_773, %gather3A_776 : vector<16xf32>
          %add3A_778 = arith.addf %broadcast_in_dim3A_762, %mul3A_777 : vector<16xf32>
          %gather3A_779 = tpu.vector_load_idx %arg11[%add3A_123, %add3A_719] : memref<64x128xf32, #tpu.memory_space<vmem>>[vector<16xi32>, vector<16xi32>], vector<16xf32>,
          %add3A_780 = vector.broadcast %mul3A_221 : i32 to vector<16xi32>
          %add3A_781 = arith.addi %add3A_719, %add3A_780 : vector<16xi32>
          %gather3A_782 = tpu.vector_load_idx %arg13[%add3A_123, %add3A_781] : memref<64x128xf32, #tpu.memory_space<vmem>>[vector<16xi32>, vector<16xi32>], vector<16xf32>,
          %mul3A_783 = arith.mulf %gather3A_779, %gather3A_782 : vector<16xf32>
          %add3A_784 = arith.addf %broadcast_in_dim3A_764, %mul3A_783 : vector<16xf32>
          %gather3A_785 = tpu.vector_load_idx %arg11[%add3A_123, %add3A_722] : memref<64x128xf32, #tpu.memory_space<vmem>>[vector<16xi32>, vector<16xi32>], vector<16xf32>,
          %add3A_786 = vector.broadcast %mul3A_221 : i32 to vector<16xi32>
          %add3A_787 = arith.addi %add3A_722, %add3A_786 : vector<16xi32>
          %gather3A_788 = tpu.vector_load_idx %arg13[%add3A_123, %add3A_787] : memref<64x128xf32, #tpu.memory_space<vmem>>[vector<16xi32>, vector<16xi32>], vector<16xf32>,
          %mul3A_789 = arith.mulf %gather3A_785, %gather3A_788 : vector<16xf32>
          %add3A_790 = arith.addf %broadcast_in_dim3A_766, %mul3A_789 : vector<16xf32>
          %gather3A_791 = tpu.vector_load_idx %arg11[%add3A_123, %add3A_725] : memref<64x128xf32, #tpu.memory_space<vmem>>[vector<16xi32>, vector<16xi32>], vector<16xf32>,
          %add3A_792 = vector.broadcast %mul3A_221 : i32 to vector<16xi32>
          %add3A_793 = arith.addi %add3A_725, %add3A_792 : vector<16xi32>
          %gather3A_794 = tpu.vector_load_idx %arg13[%add3A_123, %add3A_793] : memref<64x128xf32, #tpu.memory_space<vmem>>[vector<16xi32>, vector<16xi32>], vector<16xf32>,
          %mul3A_795 = arith.mulf %gather3A_791, %gather3A_794 : vector<16xf32>
          %add3A_796 = arith.addf %add3A_772, %mul3A_795 : vector<16xf32>
          %gather3A_797 = tpu.vector_load_idx %arg11[%add3A_123, %add3A_728] : memref<64x128xf32, #tpu.memory_space<vmem>>[vector<16xi32>, vector<16xi32>], vector<16xf32>,
          %add3A_798 = vector.broadcast %mul3A_221 : i32 to vector<16xi32>
          %add3A_799 = arith.addi %add3A_728, %add3A_798 : vector<16xi32>
          %gather3A_800 = tpu.vector_load_idx %arg13[%add3A_123, %add3A_799] : memref<64x128xf32, #tpu.memory_space<vmem>>[vector<16xi32>, vector<16xi32>], vector<16xf32>,
          %mul3A_801 = arith.mulf %gather3A_797, %gather3A_800 : vector<16xf32>
          %add3A_802 = arith.addf %add3A_778, %mul3A_801 : vector<16xf32>
          %gather3A_803 = tpu.vector_load_idx %arg11[%add3A_123, %add3A_731] : memref<64x128xf32, #tpu.memory_space<vmem>>[vector<16xi32>, vector<16xi32>], vector<16xf32>,
          %add3A_804 = vector.broadcast %mul3A_221 : i32 to vector<16xi32>
          %add3A_805 = arith.addi %add3A_731, %add3A_804 : vector<16xi32>
          %gather3A_806 = tpu.vector_load_idx %arg13[%add3A_123, %add3A_805] : memref<64x128xf32, #tpu.memory_space<vmem>>[vector<16xi32>, vector<16xi32>], vector<16xf32>,
          %mul3A_807 = arith.mulf %gather3A_803, %gather3A_806 : vector<16xf32>
          %add3A_808 = arith.addf %add3A_784, %mul3A_807 : vector<16xf32>
          %gather3A_809 = tpu.vector_load_idx %arg11[%add3A_123, %add3A_734] : memref<64x128xf32, #tpu.memory_space<vmem>>[vector<16xi32>, vector<16xi32>], vector<16xf32>,
          %add3A_810 = vector.broadcast %mul3A_221 : i32 to vector<16xi32>
          %add3A_811 = arith.addi %add3A_734, %add3A_810 : vector<16xi32>
          %gather3A_812 = tpu.vector_load_idx %arg13[%add3A_123, %add3A_811] : memref<64x128xf32, #tpu.memory_space<vmem>>[vector<16xi32>, vector<16xi32>], vector<16xf32>,
          %mul3A_813 = arith.mulf %gather3A_809, %gather3A_812 : vector<16xf32>
          %add3A_814 = arith.addf %add3A_790, %mul3A_813 : vector<16xf32>
          %gather3A_815 = tpu.vector_load_idx %arg11[%add3A_123, %add3A_737] : memref<64x128xf32, #tpu.memory_space<vmem>>[vector<16xi32>, vector<16xi32>], vector<16xf32>,
          %add3A_816 = vector.broadcast %mul3A_221 : i32 to vector<16xi32>
          %add3A_817 = arith.addi %add3A_737, %add3A_816 : vector<16xi32>
          %gather3A_818 = tpu.vector_load_idx %arg13[%add3A_123, %add3A_817] : memref<64x128xf32, #tpu.memory_space<vmem>>[vector<16xi32>, vector<16xi32>], vector<16xf32>,
          %mul3A_819 = arith.mulf %gather3A_815, %gather3A_818 : vector<16xf32>
          %add3A_820 = arith.addf %add3A_796, %mul3A_819 : vector<16xf32>
          %gather3A_821 = tpu.vector_load_idx %arg11[%add3A_123, %add3A_740] : memref<64x128xf32, #tpu.memory_space<vmem>>[vector<16xi32>, vector<16xi32>], vector<16xf32>,
          %add3A_822 = vector.broadcast %mul3A_221 : i32 to vector<16xi32>
          %add3A_823 = arith.addi %add3A_740, %add3A_822 : vector<16xi32>
          %gather3A_824 = tpu.vector_load_idx %arg13[%add3A_123, %add3A_823] : memref<64x128xf32, #tpu.memory_space<vmem>>[vector<16xi32>, vector<16xi32>], vector<16xf32>,
          %mul3A_825 = arith.mulf %gather3A_821, %gather3A_824 : vector<16xf32>
          %add3A_826 = arith.addf %add3A_802, %mul3A_825 : vector<16xf32>
          %gather3A_827 = tpu.vector_load_idx %arg11[%add3A_123, %add3A_743] : memref<64x128xf32, #tpu.memory_space<vmem>>[vector<16xi32>, vector<16xi32>], vector<16xf32>,
          %add3A_828 = vector.broadcast %mul3A_221 : i32 to vector<16xi32>
          %add3A_829 = arith.addi %add3A_743, %add3A_828 : vector<16xi32>
          %gather3A_830 = tpu.vector_load_idx %arg13[%add3A_123, %add3A_829] : memref<64x128xf32, #tpu.memory_space<vmem>>[vector<16xi32>, vector<16xi32>], vector<16xf32>,
          %mul3A_831 = arith.mulf %gather3A_827, %gather3A_830 : vector<16xf32>
          %add3A_832 = arith.addf %add3A_808, %mul3A_831 : vector<16xf32>
          %gather3A_833 = tpu.vector_load_idx %arg11[%add3A_123, %add3A_746] : memref<64x128xf32, #tpu.memory_space<vmem>>[vector<16xi32>, vector<16xi32>], vector<16xf32>,
          %add3A_834 = vector.broadcast %mul3A_221 : i32 to vector<16xi32>
          %add3A_835 = arith.addi %add3A_746, %add3A_834 : vector<16xi32>
          %gather3A_836 = tpu.vector_load_idx %arg13[%add3A_123, %add3A_835] : memref<64x128xf32, #tpu.memory_space<vmem>>[vector<16xi32>, vector<16xi32>], vector<16xf32>,
          %mul3A_837 = arith.mulf %gather3A_833, %gather3A_836 : vector<16xf32>
          %add3A_838 = arith.addf %add3A_814, %mul3A_837 : vector<16xf32>
          %gather3A_839 = tpu.vector_load_idx %arg11[%add3A_123, %add3A_749] : memref<64x128xf32, #tpu.memory_space<vmem>>[vector<16xi32>, vector<16xi32>], vector<16xf32>,
          %add3A_840 = vector.broadcast %mul3A_221 : i32 to vector<16xi32>
          %add3A_841 = arith.addi %add3A_749, %add3A_840 : vector<16xi32>
          %gather3A_842 = tpu.vector_load_idx %arg13[%add3A_123, %add3A_841] : memref<64x128xf32, #tpu.memory_space<vmem>>[vector<16xi32>, vector<16xi32>], vector<16xf32>,
          %mul3A_843 = arith.mulf %gather3A_839, %gather3A_842 : vector<16xf32>
          %add3A_844 = arith.addf %add3A_820, %mul3A_843 : vector<16xf32>
          %gather3A_845 = tpu.vector_load_idx %arg11[%add3A_123, %add3A_752] : memref<64x128xf32, #tpu.memory_space<vmem>>[vector<16xi32>, vector<16xi32>], vector<16xf32>,
          %add3A_846 = vector.broadcast %mul3A_221 : i32 to vector<16xi32>
          %add3A_847 = arith.addi %add3A_752, %add3A_846 : vector<16xi32>
          %gather3A_848 = tpu.vector_load_idx %arg13[%add3A_123, %add3A_847] : memref<64x128xf32, #tpu.memory_space<vmem>>[vector<16xi32>, vector<16xi32>], vector<16xf32>,
          %mul3A_849 = arith.mulf %gather3A_845, %gather3A_848 : vector<16xf32>
          %add3A_850 = arith.addf %add3A_826, %mul3A_849 : vector<16xf32>
          %gather3A_851 = tpu.vector_load_idx %arg11[%add3A_123, %add3A_755] : memref<64x128xf32, #tpu.memory_space<vmem>>[vector<16xi32>, vector<16xi32>], vector<16xf32>,
          %add3A_852 = vector.broadcast %mul3A_221 : i32 to vector<16xi32>
          %add3A_853 = arith.addi %add3A_755, %add3A_852 : vector<16xi32>
          %gather3A_854 = tpu.vector_load_idx %arg13[%add3A_123, %add3A_853] : memref<64x128xf32, #tpu.memory_space<vmem>>[vector<16xi32>, vector<16xi32>], vector<16xf32>,
          %mul3A_855 = arith.mulf %gather3A_851, %gather3A_854 : vector<16xf32>
          %add3A_856 = arith.addf %add3A_832, %mul3A_855 : vector<16xf32>
          %gather3A_857 = tpu.vector_load_idx %arg11[%add3A_123, %add3A_758] : memref<64x128xf32, #tpu.memory_space<vmem>>[vector<16xi32>, vector<16xi32>], vector<16xf32>,
          %add3A_858 = vector.broadcast %mul3A_221 : i32 to vector<16xi32>
          %add3A_859 = arith.addi %add3A_758, %add3A_858 : vector<16xi32>
          %gather3A_860 = tpu.vector_load_idx %arg13[%add3A_123, %add3A_859] : memref<64x128xf32, #tpu.memory_space<vmem>>[vector<16xi32>, vector<16xi32>], vector<16xf32>,
          %mul3A_861 = arith.mulf %gather3A_857, %gather3A_860 : vector<16xf32>
          %add3A_862 = arith.addf %add3A_838, %mul3A_861 : vector<16xf32>
          %add3A_863 = arith.addf %add3A_844, %add3A_850 : vector<16xf32>
          %add3A_864 = arith.addf %add3A_856, %add3A_862 : vector<16xf32>
          %add3A_865 = arith.addf %add3A_863, %add3A_864 : vector<16xf32>
          %mul3A_866 = arith.constant 2.500000e-01 : f32
          %mul3A_867 = vector.broadcast %mul3A_866 : f32 to vector<16xf32>
          %mul3A_868 = arith.mulf %add3A_865, %mul3A_867 : vector<16xf32>
          %jit3A_869 = arith.constant -5.000000e+00 : f32
          %jit3A_870 = arith.constant 5.000000e+00 : f32
          %max3A_871 = vector.broadcast %jit3A_869 : f32 to vector<16xf32>
          %max3A_872 = arith.maximumf %max3A_871, %mul3A_868 : vector<16xf32>
          %min3A_873 = vector.broadcast %jit3A_870 : f32 to vector<16xf32>
          %min3A_874 = arith.minimumf %min3A_873, %max3A_872 : vector<16xf32>
          %exp3A_875 = math.exp %min3A_874 : vector<16xf32>
          %broadcast_in_dim3A_876 = arith.constant 66 : i32
          %broadcast_in_dim3A_877 = vector.broadcast %broadcast_in_dim3A_876 : i32 to vector<16xi32>
          tpu.vector_store_idx %arg14[%add3A_123, %broadcast_in_dim3A_877], %exp3A_875 : memref<64x72xf32, #tpu.memory_space<vmem>>[vector<16xi32>, vector<16xi32>], vector<16xf32>,
          %add3A_878 = arith.constant 64 : i32
          %add3A_879 = vector.broadcast %add3A_878 : i32 to vector<16xi32>
          %add3A_880 = arith.addi %add3A_713, %add3A_879 : vector<16xi32>
          %gather3A_881 = tpu.vector_load_idx %arg11[%add3A_123, %add3A_880] : memref<64x128xf32, #tpu.memory_space<vmem>>[vector<16xi32>, vector<16xi32>], vector<16xf32>,
          %mul3A_882 = arith.mulf %exp3A_875, %gather3A_881 : vector<16xf32>
          tpu.vector_store_idx %arg14[%add3A_123, %add3A_713], %mul3A_882 : memref<64x72xf32, #tpu.memory_space<vmem>>[vector<16xi32>, vector<16xi32>], vector<16xf32>,
          %add3A_883 = arith.constant 64 : i32
          %add3A_884 = vector.broadcast %add3A_883 : i32 to vector<16xi32>
          %add3A_885 = arith.addi %add3A_716, %add3A_884 : vector<16xi32>
          %gather3A_886 = tpu.vector_load_idx %arg11[%add3A_123, %add3A_885] : memref<64x128xf32, #tpu.memory_space<vmem>>[vector<16xi32>, vector<16xi32>], vector<16xf32>,
          %mul3A_887 = arith.mulf %exp3A_875, %gather3A_886 : vector<16xf32>
          tpu.vector_store_idx %arg14[%add3A_123, %add3A_716], %mul3A_887 : memref<64x72xf32, #tpu.memory_space<vmem>>[vector<16xi32>, vector<16xi32>], vector<16xf32>,
          %add3A_888 = arith.constant 64 : i32
          %add3A_889 = vector.broadcast %add3A_888 : i32 to vector<16xi32>
          %add3A_890 = arith.addi %add3A_719, %add3A_889 : vector<16xi32>
          %gather3A_891 = tpu.vector_load_idx %arg11[%add3A_123, %add3A_890] : memref<64x128xf32, #tpu.memory_space<vmem>>[vector<16xi32>, vector<16xi32>], vector<16xf32>,
          %mul3A_892 = arith.mulf %exp3A_875, %gather3A_891 : vector<16xf32>
          tpu.vector_store_idx %arg14[%add3A_123, %add3A_719], %mul3A_892 : memref<64x72xf32, #tpu.memory_space<vmem>>[vector<16xi32>, vector<16xi32>], vector<16xf32>,
          %add3A_893 = arith.constant 64 : i32
          %add3A_894 = vector.broadcast %add3A_893 : i32 to vector<16xi32>
          %add3A_895 = arith.addi %add3A_722, %add3A_894 : vector<16xi32>
          %gather3A_896 = tpu.vector_load_idx %arg11[%add3A_123, %add3A_895] : memref<64x128xf32, #tpu.memory_space<vmem>>[vector<16xi32>, vector<16xi32>], vector<16xf32>,
          %mul3A_897 = arith.mulf %exp3A_875, %gather3A_896 : vector<16xf32>
          tpu.vector_store_idx %arg14[%add3A_123, %add3A_722], %mul3A_897 : memref<64x72xf32, #tpu.memory_space<vmem>>[vector<16xi32>, vector<16xi32>], vector<16xf32>,
          %add3A_898 = arith.constant 64 : i32
          %add3A_899 = vector.broadcast %add3A_898 : i32 to vector<16xi32>
          %add3A_900 = arith.addi %add3A_725, %add3A_899 : vector<16xi32>
          %gather3A_901 = tpu.vector_load_idx %arg11[%add3A_123, %add3A_900] : memref<64x128xf32, #tpu.memory_space<vmem>>[vector<16xi32>, vector<16xi32>], vector<16xf32>,
          %mul3A_902 = arith.mulf %exp3A_875, %gather3A_901 : vector<16xf32>
          tpu.vector_store_idx %arg14[%add3A_123, %add3A_725], %mul3A_902 : memref<64x72xf32, #tpu.memory_space<vmem>>[vector<16xi32>, vector<16xi32>], vector<16xf32>,
          %add3A_903 = arith.constant 64 : i32
          %add3A_904 = vector.broadcast %add3A_903 : i32 to vector<16xi32>
          %add3A_905 = arith.addi %add3A_728, %add3A_904 : vector<16xi32>
          %gather3A_906 = tpu.vector_load_idx %arg11[%add3A_123, %add3A_905] : memref<64x128xf32, #tpu.memory_space<vmem>>[vector<16xi32>, vector<16xi32>], vector<16xf32>,
          %mul3A_907 = arith.mulf %exp3A_875, %gather3A_906 : vector<16xf32>
          tpu.vector_store_idx %arg14[%add3A_123, %add3A_728], %mul3A_907 : memref<64x72xf32, #tpu.memory_space<vmem>>[vector<16xi32>, vector<16xi32>], vector<16xf32>,
          %add3A_908 = arith.constant 64 : i32
          %add3A_909 = vector.broadcast %add3A_908 : i32 to vector<16xi32>
          %add3A_910 = arith.addi %add3A_731, %add3A_909 : vector<16xi32>
          %gather3A_911 = tpu.vector_load_idx %arg11[%add3A_123, %add3A_910] : memref<64x128xf32, #tpu.memory_space<vmem>>[vector<16xi32>, vector<16xi32>], vector<16xf32>,
          %mul3A_912 = arith.mulf %exp3A_875, %gather3A_911 : vector<16xf32>
          tpu.vector_store_idx %arg14[%add3A_123, %add3A_731], %mul3A_912 : memref<64x72xf32, #tpu.memory_space<vmem>>[vector<16xi32>, vector<16xi32>], vector<16xf32>,
          %add3A_913 = arith.constant 64 : i32
          %add3A_914 = vector.broadcast %add3A_913 : i32 to vector<16xi32>
          %add3A_915 = arith.addi %add3A_734, %add3A_914 : vector<16xi32>
          %gather3A_916 = tpu.vector_load_idx %arg11[%add3A_123, %add3A_915] : memref<64x128xf32, #tpu.memory_space<vmem>>[vector<16xi32>, vector<16xi32>], vector<16xf32>,
          %mul3A_917 = arith.mulf %exp3A_875, %gather3A_916 : vector<16xf32>
          tpu.vector_store_idx %arg14[%add3A_123, %add3A_734], %mul3A_917 : memref<64x72xf32, #tpu.memory_space<vmem>>[vector<16xi32>, vector<16xi32>], vector<16xf32>,
          %add3A_918 = arith.constant 64 : i32
          %add3A_919 = vector.broadcast %add3A_918 : i32 to vector<16xi32>
          %add3A_920 = arith.addi %add3A_737, %add3A_919 : vector<16xi32>
          %gather3A_921 = tpu.vector_load_idx %arg11[%add3A_123, %add3A_920] : memref<64x128xf32, #tpu.memory_space<vmem>>[vector<16xi32>, vector<16xi32>], vector<16xf32>,
          %mul3A_922 = arith.mulf %exp3A_875, %gather3A_921 : vector<16xf32>
          tpu.vector_store_idx %arg14[%add3A_123, %add3A_737], %mul3A_922 : memref<64x72xf32, #tpu.memory_space<vmem>>[vector<16xi32>, vector<16xi32>], vector<16xf32>,
          %add3A_923 = arith.constant 64 : i32
          %add3A_924 = vector.broadcast %add3A_923 : i32 to vector<16xi32>
          %add3A_925 = arith.addi %add3A_740, %add3A_924 : vector<16xi32>
          %gather3A_926 = tpu.vector_load_idx %arg11[%add3A_123, %add3A_925] : memref<64x128xf32, #tpu.memory_space<vmem>>[vector<16xi32>, vector<16xi32>], vector<16xf32>,
          %mul3A_927 = arith.mulf %exp3A_875, %gather3A_926 : vector<16xf32>
          tpu.vector_store_idx %arg14[%add3A_123, %add3A_740], %mul3A_927 : memref<64x72xf32, #tpu.memory_space<vmem>>[vector<16xi32>, vector<16xi32>], vector<16xf32>,
          %add3A_928 = arith.constant 64 : i32
          %add3A_929 = vector.broadcast %add3A_928 : i32 to vector<16xi32>
          %add3A_930 = arith.addi %add3A_743, %add3A_929 : vector<16xi32>
          %gather3A_931 = tpu.vector_load_idx %arg11[%add3A_123, %add3A_930] : memref<64x128xf32, #tpu.memory_space<vmem>>[vector<16xi32>, vector<16xi32>], vector<16xf32>,
          %mul3A_932 = arith.mulf %exp3A_875, %gather3A_931 : vector<16xf32>
          tpu.vector_store_idx %arg14[%add3A_123, %add3A_743], %mul3A_932 : memref<64x72xf32, #tpu.memory_space<vmem>>[vector<16xi32>, vector<16xi32>], vector<16xf32>,
          %add3A_933 = arith.constant 64 : i32
          %add3A_934 = vector.broadcast %add3A_933 : i32 to vector<16xi32>
          %add3A_935 = arith.addi %add3A_746, %add3A_934 : vector<16xi32>
          %gather3A_936 = tpu.vector_load_idx %arg11[%add3A_123, %add3A_935] : memref<64x128xf32, #tpu.memory_space<vmem>>[vector<16xi32>, vector<16xi32>], vector<16xf32>,
          %mul3A_937 = arith.mulf %exp3A_875, %gather3A_936 : vector<16xf32>
          tpu.vector_store_idx %arg14[%add3A_123, %add3A_746], %mul3A_937 : memref<64x72xf32, #tpu.memory_space<vmem>>[vector<16xi32>, vector<16xi32>], vector<16xf32>,
          %add3A_938 = arith.constant 64 : i32
          %add3A_939 = vector.broadcast %add3A_938 : i32 to vector<16xi32>
          %add3A_940 = arith.addi %add3A_749, %add3A_939 : vector<16xi32>
          %gather3A_941 = tpu.vector_load_idx %arg11[%add3A_123, %add3A_940] : memref<64x128xf32, #tpu.memory_space<vmem>>[vector<16xi32>, vector<16xi32>], vector<16xf32>,
          %mul3A_942 = arith.mulf %exp3A_875, %gather3A_941 : vector<16xf32>
          tpu.vector_store_idx %arg14[%add3A_123, %add3A_749], %mul3A_942 : memref<64x72xf32, #tpu.memory_space<vmem>>[vector<16xi32>, vector<16xi32>], vector<16xf32>,
          %add3A_943 = arith.constant 64 : i32
          %add3A_944 = vector.broadcast %add3A_943 : i32 to vector<16xi32>
          %add3A_945 = arith.addi %add3A_752, %add3A_944 : vector<16xi32>
          %gather3A_946 = tpu.vector_load_idx %arg11[%add3A_123, %add3A_945] : memref<64x128xf32, #tpu.memory_space<vmem>>[vector<16xi32>, vector<16xi32>], vector<16xf32>,
          %mul3A_947 = arith.mulf %exp3A_875, %gather3A_946 : vector<16xf32>
          tpu.vector_store_idx %arg14[%add3A_123, %add3A_752], %mul3A_947 : memref<64x72xf32, #tpu.memory_space<vmem>>[vector<16xi32>, vector<16xi32>], vector<16xf32>,
          %add3A_948 = arith.constant 64 : i32
          %add3A_949 = vector.broadcast %add3A_948 : i32 to vector<16xi32>
          %add3A_950 = arith.addi %add3A_755, %add3A_949 : vector<16xi32>
          %gather3A_951 = tpu.vector_load_idx %arg11[%add3A_123, %add3A_950] : memref<64x128xf32, #tpu.memory_space<vmem>>[vector<16xi32>, vector<16xi32>], vector<16xf32>,
          %mul3A_952 = arith.mulf %exp3A_875, %gather3A_951 : vector<16xf32>
          tpu.vector_store_idx %arg14[%add3A_123, %add3A_755], %mul3A_952 : memref<64x72xf32, #tpu.memory_space<vmem>>[vector<16xi32>, vector<16xi32>], vector<16xf32>,
          %add3A_953 = arith.constant 64 : i32
          %add3A_954 = vector.broadcast %add3A_953 : i32 to vector<16xi32>
          %add3A_955 = arith.addi %add3A_758, %add3A_954 : vector<16xi32>
          %gather3A_956 = tpu.vector_load_idx %arg11[%add3A_123, %add3A_955] : memref<64x128xf32, #tpu.memory_space<vmem>>[vector<16xi32>, vector<16xi32>], vector<16xf32>,
          %mul3A_957 = arith.mulf %exp3A_875, %gather3A_956 : vector<16xf32>
          tpu.vector_store_idx %arg14[%add3A_123, %add3A_758], %mul3A_957 : memref<64x72xf32, #tpu.memory_space<vmem>>[vector<16xi32>, vector<16xi32>], vector<16xf32>,
          %add3A_958 = arith.constant 48 : i32
          %add3A_959 = vector.broadcast %add3A_958 : i32 to vector<16xi32>
          %add3A_960 = arith.addi %and3A_129, %add3A_959 : vector<16xi32>
          %add3A_961 = arith.constant 48 : i32
          %add3A_962 = vector.broadcast %add3A_961 : i32 to vector<16xi32>
          %add3A_963 = arith.addi %and3A_135, %add3A_962 : vector<16xi32>
          %add3A_964 = arith.constant 48 : i32
          %add3A_965 = vector.broadcast %add3A_964 : i32 to vector<16xi32>
          %add3A_966 = arith.addi %and3A_141, %add3A_965 : vector<16xi32>
          %add3A_967 = arith.constant 48 : i32
          %add3A_968 = vector.broadcast %add3A_967 : i32 to vector<16xi32>
          %add3A_969 = arith.addi %and3A_147, %add3A_968 : vector<16xi32>
          %add3A_970 = arith.constant 48 : i32
          %add3A_971 = vector.broadcast %add3A_970 : i32 to vector<16xi32>
          %add3A_972 = arith.addi %and3A_153, %add3A_971 : vector<16xi32>
          %add3A_973 = arith.constant 48 : i32
          %add3A_974 = vector.broadcast %add3A_973 : i32 to vector<16xi32>
          %add3A_975 = arith.addi %and3A_159, %add3A_974 : vector<16xi32>
          %add3A_976 = arith.constant 48 : i32
          %add3A_977 = vector.broadcast %add3A_976 : i32 to vector<16xi32>
          %add3A_978 = arith.addi %and3A_165, %add3A_977 : vector<16xi32>
          %add3A_979 = arith.constant 48 : i32
          %add3A_980 = vector.broadcast %add3A_979 : i32 to vector<16xi32>
          %add3A_981 = arith.addi %and3A_171, %add3A_980 : vector<16xi32>
          %add3A_982 = arith.constant 48 : i32
          %add3A_983 = vector.broadcast %add3A_982 : i32 to vector<16xi32>
          %add3A_984 = arith.addi %and3A_177, %add3A_983 : vector<16xi32>
          %add3A_985 = arith.constant 48 : i32
          %add3A_986 = vector.broadcast %add3A_985 : i32 to vector<16xi32>
          %add3A_987 = arith.addi %and3A_183, %add3A_986 : vector<16xi32>
          %add3A_988 = arith.constant 48 : i32
          %add3A_989 = vector.broadcast %add3A_988 : i32 to vector<16xi32>
          %add3A_990 = arith.addi %and3A_189, %add3A_989 : vector<16xi32>
          %add3A_991 = arith.constant 48 : i32
          %add3A_992 = vector.broadcast %add3A_991 : i32 to vector<16xi32>
          %add3A_993 = arith.addi %and3A_195, %add3A_992 : vector<16xi32>
          %add3A_994 = arith.constant 48 : i32
          %add3A_995 = vector.broadcast %add3A_994 : i32 to vector<16xi32>
          %add3A_996 = arith.addi %and3A_201, %add3A_995 : vector<16xi32>
          %add3A_997 = arith.constant 48 : i32
          %add3A_998 = vector.broadcast %add3A_997 : i32 to vector<16xi32>
          %add3A_999 = arith.addi %and3A_207, %add3A_998 : vector<16xi32>
          %add3A_1000 = arith.constant 48 : i32
          %add3A_1001 = vector.broadcast %add3A_1000 : i32 to vector<16xi32>
          %add3A_1002 = arith.addi %and3A_213, %add3A_1001 : vector<16xi32>
          %add3A_1003 = arith.constant 48 : i32
          %add3A_1004 = vector.broadcast %add3A_1003 : i32 to vector<16xi32>
          %add3A_1005 = arith.addi %and3A_219, %add3A_1004 : vector<16xi32>
          %broadcast_in_dim3A_1006 = arith.constant 0.000000e+00 : f32
          %broadcast_in_dim3A_1007 = vector.broadcast %broadcast_in_dim3A_1006 : f32 to vector<16xf32>
          %broadcast_in_dim3A_1008 = arith.constant 0.000000e+00 : f32
          %broadcast_in_dim3A_1009 = vector.broadcast %broadcast_in_dim3A_1008 : f32 to vector<16xf32>
          %broadcast_in_dim3A_1010 = arith.constant 0.000000e+00 : f32
          %broadcast_in_dim3A_1011 = vector.broadcast %broadcast_in_dim3A_1010 : f32 to vector<16xf32>
          %broadcast_in_dim3A_1012 = arith.constant 0.000000e+00 : f32
          %broadcast_in_dim3A_1013 = vector.broadcast %broadcast_in_dim3A_1012 : f32 to vector<16xf32>
          %gather3A_1014 = tpu.vector_load_idx %arg11[%add3A_123, %add3A_960] : memref<64x128xf32, #tpu.memory_space<vmem>>[vector<16xi32>, vector<16xi32>], vector<16xf32>,
          %add3A_1015 = vector.broadcast %mul3A_221 : i32 to vector<16xi32>
          %add3A_1016 = arith.addi %add3A_960, %add3A_1015 : vector<16xi32>
          %gather3A_1017 = tpu.vector_load_idx %arg13[%add3A_123, %add3A_1016] : memref<64x128xf32, #tpu.memory_space<vmem>>[vector<16xi32>, vector<16xi32>], vector<16xf32>,
          %mul3A_1018 = arith.mulf %gather3A_1014, %gather3A_1017 : vector<16xf32>
          %add3A_1019 = arith.addf %broadcast_in_dim3A_1007, %mul3A_1018 : vector<16xf32>
          %gather3A_1020 = tpu.vector_load_idx %arg11[%add3A_123, %add3A_963] : memref<64x128xf32, #tpu.memory_space<vmem>>[vector<16xi32>, vector<16xi32>], vector<16xf32>,
          %add3A_1021 = vector.broadcast %mul3A_221 : i32 to vector<16xi32>
          %add3A_1022 = arith.addi %add3A_963, %add3A_1021 : vector<16xi32>
          %gather3A_1023 = tpu.vector_load_idx %arg13[%add3A_123, %add3A_1022] : memref<64x128xf32, #tpu.memory_space<vmem>>[vector<16xi32>, vector<16xi32>], vector<16xf32>,
          %mul3A_1024 = arith.mulf %gather3A_1020, %gather3A_1023 : vector<16xf32>
          %add3A_1025 = arith.addf %broadcast_in_dim3A_1009, %mul3A_1024 : vector<16xf32>
          %gather3A_1026 = tpu.vector_load_idx %arg11[%add3A_123, %add3A_966] : memref<64x128xf32, #tpu.memory_space<vmem>>[vector<16xi32>, vector<16xi32>], vector<16xf32>,
          %add3A_1027 = vector.broadcast %mul3A_221 : i32 to vector<16xi32>
          %add3A_1028 = arith.addi %add3A_966, %add3A_1027 : vector<16xi32>
          %gather3A_1029 = tpu.vector_load_idx %arg13[%add3A_123, %add3A_1028] : memref<64x128xf32, #tpu.memory_space<vmem>>[vector<16xi32>, vector<16xi32>], vector<16xf32>,
          %mul3A_1030 = arith.mulf %gather3A_1026, %gather3A_1029 : vector<16xf32>
          %add3A_1031 = arith.addf %broadcast_in_dim3A_1011, %mul3A_1030 : vector<16xf32>
          %gather3A_1032 = tpu.vector_load_idx %arg11[%add3A_123, %add3A_969] : memref<64x128xf32, #tpu.memory_space<vmem>>[vector<16xi32>, vector<16xi32>], vector<16xf32>,
          %add3A_1033 = vector.broadcast %mul3A_221 : i32 to vector<16xi32>
          %add3A_1034 = arith.addi %add3A_969, %add3A_1033 : vector<16xi32>
          %gather3A_1035 = tpu.vector_load_idx %arg13[%add3A_123, %add3A_1034] : memref<64x128xf32, #tpu.memory_space<vmem>>[vector<16xi32>, vector<16xi32>], vector<16xf32>,
          %mul3A_1036 = arith.mulf %gather3A_1032, %gather3A_1035 : vector<16xf32>
          %add3A_1037 = arith.addf %broadcast_in_dim3A_1013, %mul3A_1036 : vector<16xf32>
          %gather3A_1038 = tpu.vector_load_idx %arg11[%add3A_123, %add3A_972] : memref<64x128xf32, #tpu.memory_space<vmem>>[vector<16xi32>, vector<16xi32>], vector<16xf32>,
          %add3A_1039 = vector.broadcast %mul3A_221 : i32 to vector<16xi32>
          %add3A_1040 = arith.addi %add3A_972, %add3A_1039 : vector<16xi32>
          %gather3A_1041 = tpu.vector_load_idx %arg13[%add3A_123, %add3A_1040] : memref<64x128xf32, #tpu.memory_space<vmem>>[vector<16xi32>, vector<16xi32>], vector<16xf32>,
          %mul3A_1042 = arith.mulf %gather3A_1038, %gather3A_1041 : vector<16xf32>
          %add3A_1043 = arith.addf %add3A_1019, %mul3A_1042 : vector<16xf32>
          %gather3A_1044 = tpu.vector_load_idx %arg11[%add3A_123, %add3A_975] : memref<64x128xf32, #tpu.memory_space<vmem>>[vector<16xi32>, vector<16xi32>], vector<16xf32>,
          %add3A_1045 = vector.broadcast %mul3A_221 : i32 to vector<16xi32>
          %add3A_1046 = arith.addi %add3A_975, %add3A_1045 : vector<16xi32>
          %gather3A_1047 = tpu.vector_load_idx %arg13[%add3A_123, %add3A_1046] : memref<64x128xf32, #tpu.memory_space<vmem>>[vector<16xi32>, vector<16xi32>], vector<16xf32>,
          %mul3A_1048 = arith.mulf %gather3A_1044, %gather3A_1047 : vector<16xf32>
          %add3A_1049 = arith.addf %add3A_1025, %mul3A_1048 : vector<16xf32>
          %gather3A_1050 = tpu.vector_load_idx %arg11[%add3A_123, %add3A_978] : memref<64x128xf32, #tpu.memory_space<vmem>>[vector<16xi32>, vector<16xi32>], vector<16xf32>,
          %add3A_1051 = vector.broadcast %mul3A_221 : i32 to vector<16xi32>
          %add3A_1052 = arith.addi %add3A_978, %add3A_1051 : vector<16xi32>
          %gather3A_1053 = tpu.vector_load_idx %arg13[%add3A_123, %add3A_1052] : memref<64x128xf32, #tpu.memory_space<vmem>>[vector<16xi32>, vector<16xi32>], vector<16xf32>,
          %mul3A_1054 = arith.mulf %gather3A_1050, %gather3A_1053 : vector<16xf32>
          %add3A_1055 = arith.addf %add3A_1031, %mul3A_1054 : vector<16xf32>
          %gather3A_1056 = tpu.vector_load_idx %arg11[%add3A_123, %add3A_981] : memref<64x128xf32, #tpu.memory_space<vmem>>[vector<16xi32>, vector<16xi32>], vector<16xf32>,
          %add3A_1057 = vector.broadcast %mul3A_221 : i32 to vector<16xi32>
          %add3A_1058 = arith.addi %add3A_981, %add3A_1057 : vector<16xi32>
          %gather3A_1059 = tpu.vector_load_idx %arg13[%add3A_123, %add3A_1058] : memref<64x128xf32, #tpu.memory_space<vmem>>[vector<16xi32>, vector<16xi32>], vector<16xf32>,
          %mul3A_1060 = arith.mulf %gather3A_1056, %gather3A_1059 : vector<16xf32>
          %add3A_1061 = arith.addf %add3A_1037, %mul3A_1060 : vector<16xf32>
          %gather3A_1062 = tpu.vector_load_idx %arg11[%add3A_123, %add3A_984] : memref<64x128xf32, #tpu.memory_space<vmem>>[vector<16xi32>, vector<16xi32>], vector<16xf32>,
          %add3A_1063 = vector.broadcast %mul3A_221 : i32 to vector<16xi32>
          %add3A_1064 = arith.addi %add3A_984, %add3A_1063 : vector<16xi32>
          %gather3A_1065 = tpu.vector_load_idx %arg13[%add3A_123, %add3A_1064] : memref<64x128xf32, #tpu.memory_space<vmem>>[vector<16xi32>, vector<16xi32>], vector<16xf32>,
          %mul3A_1066 = arith.mulf %gather3A_1062, %gather3A_1065 : vector<16xf32>
          %add3A_1067 = arith.addf %add3A_1043, %mul3A_1066 : vector<16xf32>
          %gather3A_1068 = tpu.vector_load_idx %arg11[%add3A_123, %add3A_987] : memref<64x128xf32, #tpu.memory_space<vmem>>[vector<16xi32>, vector<16xi32>], vector<16xf32>,
          %add3A_1069 = vector.broadcast %mul3A_221 : i32 to vector<16xi32>
          %add3A_1070 = arith.addi %add3A_987, %add3A_1069 : vector<16xi32>
          %gather3A_1071 = tpu.vector_load_idx %arg13[%add3A_123, %add3A_1070] : memref<64x128xf32, #tpu.memory_space<vmem>>[vector<16xi32>, vector<16xi32>], vector<16xf32>,
          %mul3A_1072 = arith.mulf %gather3A_1068, %gather3A_1071 : vector<16xf32>
          %add3A_1073 = arith.addf %add3A_1049, %mul3A_1072 : vector<16xf32>
          %gather3A_1074 = tpu.vector_load_idx %arg11[%add3A_123, %add3A_990] : memref<64x128xf32, #tpu.memory_space<vmem>>[vector<16xi32>, vector<16xi32>], vector<16xf32>,
          %add3A_1075 = vector.broadcast %mul3A_221 : i32 to vector<16xi32>
          %add3A_1076 = arith.addi %add3A_990, %add3A_1075 : vector<16xi32>
          %gather3A_1077 = tpu.vector_load_idx %arg13[%add3A_123, %add3A_1076] : memref<64x128xf32, #tpu.memory_space<vmem>>[vector<16xi32>, vector<16xi32>], vector<16xf32>,
          %mul3A_1078 = arith.mulf %gather3A_1074, %gather3A_1077 : vector<16xf32>
          %add3A_1079 = arith.addf %add3A_1055, %mul3A_1078 : vector<16xf32>
          %gather3A_1080 = tpu.vector_load_idx %arg11[%add3A_123, %add3A_993] : memref<64x128xf32, #tpu.memory_space<vmem>>[vector<16xi32>, vector<16xi32>], vector<16xf32>,
          %add3A_1081 = vector.broadcast %mul3A_221 : i32 to vector<16xi32>
          %add3A_1082 = arith.addi %add3A_993, %add3A_1081 : vector<16xi32>
          %gather3A_1083 = tpu.vector_load_idx %arg13[%add3A_123, %add3A_1082] : memref<64x128xf32, #tpu.memory_space<vmem>>[vector<16xi32>, vector<16xi32>], vector<16xf32>,
          %mul3A_1084 = arith.mulf %gather3A_1080, %gather3A_1083 : vector<16xf32>
          %add3A_1085 = arith.addf %add3A_1061, %mul3A_1084 : vector<16xf32>
          %gather3A_1086 = tpu.vector_load_idx %arg11[%add3A_123, %add3A_996] : memref<64x128xf32, #tpu.memory_space<vmem>>[vector<16xi32>, vector<16xi32>], vector<16xf32>,
          %add3A_1087 = vector.broadcast %mul3A_221 : i32 to vector<16xi32>
          %add3A_1088 = arith.addi %add3A_996, %add3A_1087 : vector<16xi32>
          %gather3A_1089 = tpu.vector_load_idx %arg13[%add3A_123, %add3A_1088] : memref<64x128xf32, #tpu.memory_space<vmem>>[vector<16xi32>, vector<16xi32>], vector<16xf32>,
          %mul3A_1090 = arith.mulf %gather3A_1086, %gather3A_1089 : vector<16xf32>
          %add3A_1091 = arith.addf %add3A_1067, %mul3A_1090 : vector<16xf32>
          %gather3A_1092 = tpu.vector_load_idx %arg11[%add3A_123, %add3A_999] : memref<64x128xf32, #tpu.memory_space<vmem>>[vector<16xi32>, vector<16xi32>], vector<16xf32>,
          %add3A_1093 = vector.broadcast %mul3A_221 : i32 to vector<16xi32>
          %add3A_1094 = arith.addi %add3A_999, %add3A_1093 : vector<16xi32>
          %gather3A_1095 = tpu.vector_load_idx %arg13[%add3A_123, %add3A_1094] : memref<64x128xf32, #tpu.memory_space<vmem>>[vector<16xi32>, vector<16xi32>], vector<16xf32>,
          %mul3A_1096 = arith.mulf %gather3A_1092, %gather3A_1095 : vector<16xf32>
          %add3A_1097 = arith.addf %add3A_1073, %mul3A_1096 : vector<16xf32>
          %gather3A_1098 = tpu.vector_load_idx %arg11[%add3A_123, %add3A_1002] : memref<64x128xf32, #tpu.memory_space<vmem>>[vector<16xi32>, vector<16xi32>], vector<16xf32>,
          %add3A_1099 = vector.broadcast %mul3A_221 : i32 to vector<16xi32>
          %add3A_1100 = arith.addi %add3A_1002, %add3A_1099 : vector<16xi32>
          %gather3A_1101 = tpu.vector_load_idx %arg13[%add3A_123, %add3A_1100] : memref<64x128xf32, #tpu.memory_space<vmem>>[vector<16xi32>, vector<16xi32>], vector<16xf32>,
          %mul3A_1102 = arith.mulf %gather3A_1098, %gather3A_1101 : vector<16xf32>
          %add3A_1103 = arith.addf %add3A_1079, %mul3A_1102 : vector<16xf32>
          %gather3A_1104 = tpu.vector_load_idx %arg11[%add3A_123, %add3A_1005] : memref<64x128xf32, #tpu.memory_space<vmem>>[vector<16xi32>, vector<16xi32>], vector<16xf32>,
          %add3A_1105 = vector.broadcast %mul3A_221 : i32 to vector<16xi32>
          %add3A_1106 = arith.addi %add3A_1005, %add3A_1105 : vector<16xi32>
          %gather3A_1107 = tpu.vector_load_idx %arg13[%add3A_123, %add3A_1106] : memref<64x128xf32, #tpu.memory_space<vmem>>[vector<16xi32>, vector<16xi32>], vector<16xf32>,
          %mul3A_1108 = arith.mulf %gather3A_1104, %gather3A_1107 : vector<16xf32>
          %add3A_1109 = arith.addf %add3A_1085, %mul3A_1108 : vector<16xf32>
          %add3A_1110 = arith.addf %add3A_1091, %add3A_1097 : vector<16xf32>
          %add3A_1111 = arith.addf %add3A_1103, %add3A_1109 : vector<16xf32>
          %add3A_1112 = arith.addf %add3A_1110, %add3A_1111 : vector<16xf32>
          %mul3A_1113 = arith.constant 2.500000e-01 : f32
          %mul3A_1114 = vector.broadcast %mul3A_1113 : f32 to vector<16xf32>
          %mul3A_1115 = arith.mulf %add3A_1112, %mul3A_1114 : vector<16xf32>
          %jit3A_1116 = arith.constant -5.000000e+00 : f32
          %jit3A_1117 = arith.constant 5.000000e+00 : f32
          %max3A_1118 = vector.broadcast %jit3A_1116 : f32 to vector<16xf32>
          %max3A_1119 = arith.maximumf %max3A_1118, %mul3A_1115 : vector<16xf32>
          %min3A_1120 = vector.broadcast %jit3A_1117 : f32 to vector<16xf32>
          %min3A_1121 = arith.minimumf %min3A_1120, %max3A_1119 : vector<16xf32>
          %exp3A_1122 = math.exp %min3A_1121 : vector<16xf32>
          %broadcast_in_dim3A_1123 = arith.constant 67 : i32
          %broadcast_in_dim3A_1124 = vector.broadcast %broadcast_in_dim3A_1123 : i32 to vector<16xi32>
          tpu.vector_store_idx %arg14[%add3A_123, %broadcast_in_dim3A_1124], %exp3A_1122 : memref<64x72xf32, #tpu.memory_space<vmem>>[vector<16xi32>, vector<16xi32>], vector<16xf32>,
          %add3A_1125 = arith.constant 64 : i32
          %add3A_1126 = vector.broadcast %add3A_1125 : i32 to vector<16xi32>
          %add3A_1127 = arith.addi %add3A_960, %add3A_1126 : vector<16xi32>
          %gather3A_1128 = tpu.vector_load_idx %arg11[%add3A_123, %add3A_1127] : memref<64x128xf32, #tpu.memory_space<vmem>>[vector<16xi32>, vector<16xi32>], vector<16xf32>,
          %mul3A_1129 = arith.mulf %exp3A_1122, %gather3A_1128 : vector<16xf32>
          tpu.vector_store_idx %arg14[%add3A_123, %add3A_960], %mul3A_1129 : memref<64x72xf32, #tpu.memory_space<vmem>>[vector<16xi32>, vector<16xi32>], vector<16xf32>,
          %add3A_1130 = arith.constant 64 : i32
          %add3A_1131 = vector.broadcast %add3A_1130 : i32 to vector<16xi32>
          %add3A_1132 = arith.addi %add3A_963, %add3A_1131 : vector<16xi32>
          %gather3A_1133 = tpu.vector_load_idx %arg11[%add3A_123, %add3A_1132] : memref<64x128xf32, #tpu.memory_space<vmem>>[vector<16xi32>, vector<16xi32>], vector<16xf32>,
          %mul3A_1134 = arith.mulf %exp3A_1122, %gather3A_1133 : vector<16xf32>
          tpu.vector_store_idx %arg14[%add3A_123, %add3A_963], %mul3A_1134 : memref<64x72xf32, #tpu.memory_space<vmem>>[vector<16xi32>, vector<16xi32>], vector<16xf32>,
          %add3A_1135 = arith.constant 64 : i32
          %add3A_1136 = vector.broadcast %add3A_1135 : i32 to vector<16xi32>
          %add3A_1137 = arith.addi %add3A_966, %add3A_1136 : vector<16xi32>
          %gather3A_1138 = tpu.vector_load_idx %arg11[%add3A_123, %add3A_1137] : memref<64x128xf32, #tpu.memory_space<vmem>>[vector<16xi32>, vector<16xi32>], vector<16xf32>,
          %mul3A_1139 = arith.mulf %exp3A_1122, %gather3A_1138 : vector<16xf32>
          tpu.vector_store_idx %arg14[%add3A_123, %add3A_966], %mul3A_1139 : memref<64x72xf32, #tpu.memory_space<vmem>>[vector<16xi32>, vector<16xi32>], vector<16xf32>,
          %add3A_1140 = arith.constant 64 : i32
          %add3A_1141 = vector.broadcast %add3A_1140 : i32 to vector<16xi32>
          %add3A_1142 = arith.addi %add3A_969, %add3A_1141 : vector<16xi32>
          %gather3A_1143 = tpu.vector_load_idx %arg11[%add3A_123, %add3A_1142] : memref<64x128xf32, #tpu.memory_space<vmem>>[vector<16xi32>, vector<16xi32>], vector<16xf32>,
          %mul3A_1144 = arith.mulf %exp3A_1122, %gather3A_1143 : vector<16xf32>
          tpu.vector_store_idx %arg14[%add3A_123, %add3A_969], %mul3A_1144 : memref<64x72xf32, #tpu.memory_space<vmem>>[vector<16xi32>, vector<16xi32>], vector<16xf32>,
          %add3A_1145 = arith.constant 64 : i32
          %add3A_1146 = vector.broadcast %add3A_1145 : i32 to vector<16xi32>
          %add3A_1147 = arith.addi %add3A_972, %add3A_1146 : vector<16xi32>
          %gather3A_1148 = tpu.vector_load_idx %arg11[%add3A_123, %add3A_1147] : memref<64x128xf32, #tpu.memory_space<vmem>>[vector<16xi32>, vector<16xi32>], vector<16xf32>,
          %mul3A_1149 = arith.mulf %exp3A_1122, %gather3A_1148 : vector<16xf32>
          tpu.vector_store_idx %arg14[%add3A_123, %add3A_972], %mul3A_1149 : memref<64x72xf32, #tpu.memory_space<vmem>>[vector<16xi32>, vector<16xi32>], vector<16xf32>,
          %add3A_1150 = arith.constant 64 : i32
          %add3A_1151 = vector.broadcast %add3A_1150 : i32 to vector<16xi32>
          %add3A_1152 = arith.addi %add3A_975, %add3A_1151 : vector<16xi32>
          %gather3A_1153 = tpu.vector_load_idx %arg11[%add3A_123, %add3A_1152] : memref<64x128xf32, #tpu.memory_space<vmem>>[vector<16xi32>, vector<16xi32>], vector<16xf32>,
          %mul3A_1154 = arith.mulf %exp3A_1122, %gather3A_1153 : vector<16xf32>
          tpu.vector_store_idx %arg14[%add3A_123, %add3A_975], %mul3A_1154 : memref<64x72xf32, #tpu.memory_space<vmem>>[vector<16xi32>, vector<16xi32>], vector<16xf32>,
          %add3A_1155 = arith.constant 64 : i32
          %add3A_1156 = vector.broadcast %add3A_1155 : i32 to vector<16xi32>
          %add3A_1157 = arith.addi %add3A_978, %add3A_1156 : vector<16xi32>
          %gather3A_1158 = tpu.vector_load_idx %arg11[%add3A_123, %add3A_1157] : memref<64x128xf32, #tpu.memory_space<vmem>>[vector<16xi32>, vector<16xi32>], vector<16xf32>,
          %mul3A_1159 = arith.mulf %exp3A_1122, %gather3A_1158 : vector<16xf32>
          tpu.vector_store_idx %arg14[%add3A_123, %add3A_978], %mul3A_1159 : memref<64x72xf32, #tpu.memory_space<vmem>>[vector<16xi32>, vector<16xi32>], vector<16xf32>,
          %add3A_1160 = arith.constant 64 : i32
          %add3A_1161 = vector.broadcast %add3A_1160 : i32 to vector<16xi32>
          %add3A_1162 = arith.addi %add3A_981, %add3A_1161 : vector<16xi32>
          %gather3A_1163 = tpu.vector_load_idx %arg11[%add3A_123, %add3A_1162] : memref<64x128xf32, #tpu.memory_space<vmem>>[vector<16xi32>, vector<16xi32>], vector<16xf32>,
          %mul3A_1164 = arith.mulf %exp3A_1122, %gather3A_1163 : vector<16xf32>
          tpu.vector_store_idx %arg14[%add3A_123, %add3A_981], %mul3A_1164 : memref<64x72xf32, #tpu.memory_space<vmem>>[vector<16xi32>, vector<16xi32>], vector<16xf32>,
          %add3A_1165 = arith.constant 64 : i32
          %add3A_1166 = vector.broadcast %add3A_1165 : i32 to vector<16xi32>
          %add3A_1167 = arith.addi %add3A_984, %add3A_1166 : vector<16xi32>
          %gather3A_1168 = tpu.vector_load_idx %arg11[%add3A_123, %add3A_1167] : memref<64x128xf32, #tpu.memory_space<vmem>>[vector<16xi32>, vector<16xi32>], vector<16xf32>,
          %mul3A_1169 = arith.mulf %exp3A_1122, %gather3A_1168 : vector<16xf32>
          tpu.vector_store_idx %arg14[%add3A_123, %add3A_984], %mul3A_1169 : memref<64x72xf32, #tpu.memory_space<vmem>>[vector<16xi32>, vector<16xi32>], vector<16xf32>,
          %add3A_1170 = arith.constant 64 : i32
          %add3A_1171 = vector.broadcast %add3A_1170 : i32 to vector<16xi32>
          %add3A_1172 = arith.addi %add3A_987, %add3A_1171 : vector<16xi32>
          %gather3A_1173 = tpu.vector_load_idx %arg11[%add3A_123, %add3A_1172] : memref<64x128xf32, #tpu.memory_space<vmem>>[vector<16xi32>, vector<16xi32>], vector<16xf32>,
          %mul3A_1174 = arith.mulf %exp3A_1122, %gather3A_1173 : vector<16xf32>
          tpu.vector_store_idx %arg14[%add3A_123, %add3A_987], %mul3A_1174 : memref<64x72xf32, #tpu.memory_space<vmem>>[vector<16xi32>, vector<16xi32>], vector<16xf32>,
          %add3A_1175 = arith.constant 64 : i32
          %add3A_1176 = vector.broadcast %add3A_1175 : i32 to vector<16xi32>
          %add3A_1177 = arith.addi %add3A_990, %add3A_1176 : vector<16xi32>
          %gather3A_1178 = tpu.vector_load_idx %arg11[%add3A_123, %add3A_1177] : memref<64x128xf32, #tpu.memory_space<vmem>>[vector<16xi32>, vector<16xi32>], vector<16xf32>,
          %mul3A_1179 = arith.mulf %exp3A_1122, %gather3A_1178 : vector<16xf32>
          tpu.vector_store_idx %arg14[%add3A_123, %add3A_990], %mul3A_1179 : memref<64x72xf32, #tpu.memory_space<vmem>>[vector<16xi32>, vector<16xi32>], vector<16xf32>,
          %add3A_1180 = arith.constant 64 : i32
          %add3A_1181 = vector.broadcast %add3A_1180 : i32 to vector<16xi32>
          %add3A_1182 = arith.addi %add3A_993, %add3A_1181 : vector<16xi32>
          %gather3A_1183 = tpu.vector_load_idx %arg11[%add3A_123, %add3A_1182] : memref<64x128xf32, #tpu.memory_space<vmem>>[vector<16xi32>, vector<16xi32>], vector<16xf32>,
          %mul3A_1184 = arith.mulf %exp3A_1122, %gather3A_1183 : vector<16xf32>
          tpu.vector_store_idx %arg14[%add3A_123, %add3A_993], %mul3A_1184 : memref<64x72xf32, #tpu.memory_space<vmem>>[vector<16xi32>, vector<16xi32>], vector<16xf32>,
          %add3A_1185 = arith.constant 64 : i32
          %add3A_1186 = vector.broadcast %add3A_1185 : i32 to vector<16xi32>
          %add3A_1187 = arith.addi %add3A_996, %add3A_1186 : vector<16xi32>
          %gather3A_1188 = tpu.vector_load_idx %arg11[%add3A_123, %add3A_1187] : memref<64x128xf32, #tpu.memory_space<vmem>>[vector<16xi32>, vector<16xi32>], vector<16xf32>,
          %mul3A_1189 = arith.mulf %exp3A_1122, %gather3A_1188 : vector<16xf32>
          tpu.vector_store_idx %arg14[%add3A_123, %add3A_996], %mul3A_1189 : memref<64x72xf32, #tpu.memory_space<vmem>>[vector<16xi32>, vector<16xi32>], vector<16xf32>,
          %add3A_1190 = arith.constant 64 : i32
          %add3A_1191 = vector.broadcast %add3A_1190 : i32 to vector<16xi32>
          %add3A_1192 = arith.addi %add3A_999, %add3A_1191 : vector<16xi32>
          %gather3A_1193 = tpu.vector_load_idx %arg11[%add3A_123, %add3A_1192] : memref<64x128xf32, #tpu.memory_space<vmem>>[vector<16xi32>, vector<16xi32>], vector<16xf32>,
          %mul3A_1194 = arith.mulf %exp3A_1122, %gather3A_1193 : vector<16xf32>
          tpu.vector_store_idx %arg14[%add3A_123, %add3A_999], %mul3A_1194 : memref<64x72xf32, #tpu.memory_space<vmem>>[vector<16xi32>, vector<16xi32>], vector<16xf32>,
          %add3A_1195 = arith.constant 64 : i32
          %add3A_1196 = vector.broadcast %add3A_1195 : i32 to vector<16xi32>
          %add3A_1197 = arith.addi %add3A_1002, %add3A_1196 : vector<16xi32>
          %gather3A_1198 = tpu.vector_load_idx %arg11[%add3A_123, %add3A_1197] : memref<64x128xf32, #tpu.memory_space<vmem>>[vector<16xi32>, vector<16xi32>], vector<16xf32>,
          %mul3A_1199 = arith.mulf %exp3A_1122, %gather3A_1198 : vector<16xf32>
          tpu.vector_store_idx %arg14[%add3A_123, %add3A_1002], %mul3A_1199 : memref<64x72xf32, #tpu.memory_space<vmem>>[vector<16xi32>, vector<16xi32>], vector<16xf32>,
          %add3A_1200 = arith.constant 64 : i32
          %add3A_1201 = vector.broadcast %add3A_1200 : i32 to vector<16xi32>
          %add3A_1202 = arith.addi %add3A_1005, %add3A_1201 : vector<16xi32>
          %gather3A_1203 = tpu.vector_load_idx %arg11[%add3A_123, %add3A_1202] : memref<64x128xf32, #tpu.memory_space<vmem>>[vector<16xi32>, vector<16xi32>], vector<16xf32>,
          %mul3A_1204 = arith.mulf %exp3A_1122, %gather3A_1203 : vector<16xf32>
          tpu.vector_store_idx %arg14[%add3A_123, %add3A_1005], %mul3A_1204 : memref<64x72xf32, #tpu.memory_space<vmem>>[vector<16xi32>, vector<16xi32>], vector<16xf32>,
        }
        %scan3A_74 = arith.constant 4 : i32
        %jit3A_75 = arith.constant 2 : i32
        %div3A = arith.divsi %add3A_46, %jit3A_75 : i32
        %sign3A = arith.constant 0 : i32
        %sign3A_76 = arith.cmpi sgt, %add3A_46, %sign3A : i32
        %sign3A_77 = arith.extui %sign3A_76 : i1 to i32
        %sign3A_78 = arith.constant 0 : i32
        %sign3A_79 = arith.cmpi slt, %add3A_46, %sign3A_78 : i32
        %sign3A_80 = arith.extui %sign3A_79 : i1 to i32
        %sign3A_81 = arith.subi %sign3A_77, %sign3A_80 : i32
        %sign3A_82 = arith.constant 0 : i32
        %sign3A_83 = arith.cmpi sgt, %jit3A_75, %sign3A_82 : i32
        %sign3A_84 = arith.extui %sign3A_83 : i1 to i32
        %sign3A_85 = arith.constant 0 : i32
        %sign3A_86 = arith.cmpi slt, %jit3A_75, %sign3A_85 : i32
        %sign3A_87 = arith.extui %sign3A_86 : i1 to i32
        %sign3A_88 = arith.subi %sign3A_84, %sign3A_87 : i32
        %ne3A = arith.cmpi ne, %sign3A_81, %sign3A_88 : i32
        %rem3A = arith.remsi %add3A_46, %jit3A_75 : i32
        %ne3A_89 = arith.constant 0 : i32
        %ne3A_90 = arith.cmpi ne, %rem3A, %ne3A_89 : i32
        %and3A = arith.andi %ne3A, %ne3A_90 : i1
        %sub3A = arith.constant 1 : i32
        %sub3A_91 = arith.subi %div3A, %sub3A : i32
        %select_n3A_92 = arith.select %and3A, %sub3A_91, %div3A : i32
        %jit3A_93 = arith.constant 2 : i32
        %eq3A = arith.constant 0 : i32
        %eq3A_94 = arith.cmpi eq, %jit3A_93, %eq3A : i32
        %jit3A_95 = arith.constant 1 : i32
        %select_n3A_96 = arith.select %eq3A_94, %jit3A_95, %jit3A_93 : i32
        %rem3A_97 = arith.remsi %add3A_46, %select_n3A_96 : i32
        %ne3A_98 = arith.constant 0 : i32
        %ne3A_99 = arith.cmpi ne, %rem3A_97, %ne3A_98 : i32
        %lt3A_100 = arith.constant 0 : i32
        %lt3A_101 = arith.cmpi slt, %rem3A_97, %lt3A_100 : i32
        %lt3A_102 = arith.constant 0 : i32
        %lt3A_103 = arith.cmpi slt, %select_n3A_96, %lt3A_102 : i32
        %ne3A_104 = arith.xori %lt3A_101, %lt3A_103 : i1
        %and3A_105 = arith.andi %ne3A_104, %ne3A_99 : i1
        %add3A_106 = arith.addi %rem3A_97, %select_n3A_96 : i32
        %select_n3A_107 = arith.select %and3A_105, %add3A_106, %rem3A_97 : i32
        %mul3A_108 = arith.constant 64 : i32
        %mul3A_109 = arith.muli %select_n3A_107, %mul3A_108 : i32
        %scan3A_110 = arith.constant 0 : i32
        %scan3A_111 = arith.constant 4 : i32
        %scan3A_112 = arith.addi %scan3A_110, %scan3A_111 : i32
        %scan3A_113 = arith.constant 1 : i32
        scf.for %scan3A_115 = %scan3A_110 to %scan3A_112 step %scan3A_113  : i32 {
          %mul3A_116 = arith.constant 1 : i32
          %mul3A_117 = arith.muli %scan3A_115, %mul3A_116 : i32
          %add3A_118 = arith.constant 0 : i32
          %add3A_119 = arith.addi %add3A_118, %mul3A_117 : i32
          %mul3A_120 = arith.constant 16 : i32
          %mul3A_121 = arith.muli %add3A_119, %mul3A_120 : i32
          %add3A_122 = arith.addi %mul3A_109, %mul3A_121 : i32
          %get3A = arith.index_cast %select_n3A_92 : i32 to index
          %get3A_123 = arith.index_cast %add3A_122 : i32 to index
          %get3A_124 = tpu.vector_load %arg8[%get3A, %get3A_123] {strides = array<i32>} : memref<160x128xi32, #tpu.memory_space<vmem>>, vector<16xi32>,
          %mul3A_125 = arith.constant 16 : i32
          %mul3A_126 = arith.muli %add3A_119, %mul3A_125 : i32
          %swap3A = arith.index_cast %mul3A_126 : i32 to index
          %swap3A_127 = tpu.vector_load %arg9[%swap3A] {strides = array<i32>} : memref<64xi32, #tpu.memory_space<vmem>>, vector<16xi32>,
          tpu.vector_store %arg9[%swap3A], %get3A_124 {strides = array<i32>} : memref<64xi32, #tpu.memory_space<vmem>>, vector<16xi32>,
        }
        %scan3A_114 = arith.constant 4 : i32
        "tpu.region"() ({
          %run_scoped3A = tpu.sem_alloc : memref<!tpu.dma_semaphore, #tpu.memory_space<semaphore_mem>>
          %dma_start3A_115 = arith.constant 0 : i32
          %dma_start3A_116 = arith.constant 0 : i32
          %dma_start3A_117 = tpu.memref_slice %arg15[%dma_start3A_115, %dma_start3A_116] : memref<10000x72xf32, #tpu.memory_space<vmem_shared>> -> memref<10000x72xf32, #tpu.memory_space<vmem_shared>>
          tpu.enqueue_indirect_dma source(%arg14 : memref<64x72xf32, #tpu.memory_space<vmem>>) target(%dma_start3A_117 : memref<10000x72xf32, #tpu.memory_space<vmem_shared>>) offsets(%arg9 : memref<64xi32, #tpu.memory_space<vmem>>) semaphore(%run_scoped3A : memref<!tpu.dma_semaphore, #tpu.memory_space<semaphore_mem>>) {add = true}
          %dma_wait3A_118 = arith.constant 0 : i32
          %dma_wait3A_119 = arith.constant 0 : i32
          %dma_wait3A_120 = tpu.memref_slice %arg15[%dma_wait3A_118, %dma_wait3A_119] : memref<10000x72xf32, #tpu.memory_space<vmem_shared>> -> memref<10000x72xf32, #tpu.memory_space<vmem_shared>>
          tpu.wait_indirect_dma semaphore(%run_scoped3A : memref<!tpu.dma_semaphore, #tpu.memory_space<semaphore_mem>>) src(%arg14 : memref<64x72xf32, #tpu.memory_space<vmem>>) dst(%dma_wait3A_120 : memref<10000x72xf32, #tpu.memory_space<vmem_shared>>)
          tpu.yield
        }) : () -> ()
      } else {
      }
    }
    %scan3A_27 = arith.constant 157 : i32
    %barrier3A_28 = arith.constant 0 : index
    tpu.barrier barrier_id(%barrier3A_28)
    %lt3A_29 = arith.constant 10 : i32
    %lt3A_30 = arith.cmpi slt, %arg1, %lt3A_29 : i32
    %convert_element_type3A_31 = arith.extui %lt3A_30 : i1 to i32
    %cond3A_32 = arith.constant 0 : i32
    %cond3A_33 = arith.cmpi ne, %convert_element_type3A_31, %cond3A_32 : i32
    scf.if %cond3A_33 {
      %scan3A_34 = arith.constant 0 : i32
      %scan3A_35 = arith.constant 25 : i32
      %scan3A_36 = arith.addi %scan3A_34, %scan3A_35 : i32
      %scan3A_37 = arith.constant 1 : i32
      scf.for %scan3A_39 = %scan3A_34 to %scan3A_36 step %scan3A_37  : i32 {
        %mul3A_40 = arith.constant 1 : i32
        %mul3A_41 = arith.muli %scan3A_39, %mul3A_40 : i32
        %add3A_42 = arith.constant 0 : i32
        %add3A_43 = arith.addi %add3A_42, %mul3A_41 : i32
        %mul3A_44 = arith.constant 1000 : i32
        %mul3A_45 = arith.muli %arg1, %mul3A_44 : i32
        %mul3A_46 = arith.constant 40 : i32
        %mul3A_47 = arith.muli %add3A_43, %mul3A_46 : i32
        %add3A_48 = arith.addi %mul3A_45, %mul3A_47 : i32
        %mul3A_49 = arith.constant 10000 : i32
        %mul3A_50 = arith.muli %arg0, %mul3A_49 : i32
        %mul3A_51 = arith.constant 1000 : i32
        %mul3A_52 = arith.muli %arg1, %mul3A_51 : i32
        %add3A_53 = arith.addi %mul3A_50, %mul3A_52 : i32
        %mul3A_54 = arith.constant 40 : i32
        %mul3A_55 = arith.muli %add3A_43, %mul3A_54 : i32
        %add3A_56 = arith.addi %add3A_53, %mul3A_55 : i32
        "tpu.region"() ({
          %run_scoped3A = tpu.sem_alloc : memref<!tpu.dma_semaphore, #tpu.memory_space<semaphore_mem>>
          %dma_start3A_57 = arith.constant 0 : i32
          %dma_start3A_58 = tpu.memref_slice %arg6[%add3A_56, %dma_start3A_57] : memref<20000x128xf32, #tpu.memory_space<hbm>> -> memref<40x72xf32, #tpu.memory_space<hbm>>
          %dma_start3A_59 = arith.constant 0 : i32
          %dma_start3A_60 = tpu.memref_slice %arg15[%add3A_48, %dma_start3A_59] : memref<10000x72xf32, #tpu.memory_space<vmem_shared>> -> memref<40x72xf32, #tpu.memory_space<vmem_shared>>
          tpu.enqueue_dma source(%dma_start3A_60 : memref<40x72xf32, #tpu.memory_space<vmem_shared>>) target(%dma_start3A_58 : memref<40x72xf32, #tpu.memory_space<hbm>>) target_semaphore(%run_scoped3A : memref<!tpu.dma_semaphore, #tpu.memory_space<semaphore_mem>>)
          %dma_wait3A = arith.constant 0 : i32
          %dma_wait3A_61 = tpu.memref_slice %arg6[%add3A_56, %dma_wait3A] : memref<20000x128xf32, #tpu.memory_space<hbm>> -> memref<40x72xf32, #tpu.memory_space<hbm>>
          %dma_wait3A_62 = arith.constant 0 : i32
          %dma_wait3A_63 = tpu.memref_slice %arg15[%add3A_48, %dma_wait3A_62] : memref<10000x72xf32, #tpu.memory_space<vmem_shared>> -> memref<40x72xf32, #tpu.memory_space<vmem_shared>>
          tpu.wait_dma2 semaphore(%run_scoped3A : memref<!tpu.dma_semaphore, #tpu.memory_space<semaphore_mem>>) src(%dma_wait3A_63 : memref<40x72xf32, #tpu.memory_space<vmem_shared>>) dst(%dma_wait3A_61 : memref<40x72xf32, #tpu.memory_space<hbm>>)
          tpu.yield
        }) : () -> ()
      }
      %scan3A_38 = arith.constant 25 : i32
    } else {
    }
    return
  }
}

module attributes {stable_mosaic.version = 14 : i64} {
  func.func @_qkv_body(%arg0: i32, %arg1: memref<1000x128xf32, #tpu.memory_space<vmem>>, %arg2: memref<128x128xf32, #tpu.memory_space<vmem>>, %arg3: memref<128x128xf32, #tpu.memory_space<vmem>>, %arg4: memref<128x128xf32, #tpu.memory_space<vmem>>, %arg5: memref<1000x128xf32, #tpu.memory_space<vmem>>, %arg6: memref<2x1000x128xf32, #tpu.memory_space<vmem>>) attributes {dimension_semantics = [#tpu.dimension_semantics<arbitrary>], iteration_bounds = array<i64: 10>, scalar_prefetch = 0 : i64, scratch_operands = 0 : i64, tpu.core_type = #tpu.core_type<tc>, window_params = [{transform_indices = @transform_0, window_bounds = array<i64: 1000, 128>}, {pipeline_mode = #tpu.pipeline_mode<synchronous>, transform_indices = @transform_1, window_bounds = array<i64: 128, 128>}, {pipeline_mode = #tpu.pipeline_mode<synchronous>, transform_indices = @transform_2, window_bounds = array<i64: 128, 128>}, {pipeline_mode = #tpu.pipeline_mode<synchronous>, transform_indices = @transform_3, window_bounds = array<i64: 128, 128>}, {transform_indices = @transform_4, window_bounds = array<i64: 1000, 128>}, {transform_indices = @transform_5, window_bounds = array<i64: 2, 1000, 128>}]} {
    %get3A = arith.constant 0 : index
    %get3A_0 = arith.constant 0 : index
    %get3A_1 = vector.load %arg1[%get3A, %get3A_0] : memref<1000x128xf32, #tpu.memory_space<vmem>>, vector<1000x128xf32>
    %get3A_2 = arith.constant 0 : index
    %get3A_3 = arith.constant 0 : index
    %get3A_4 = vector.load %arg2[%get3A_2, %get3A_3] : memref<128x128xf32, #tpu.memory_space<vmem>>, vector<128x128xf32>
    %dot_general3A = arith.constant dense<0.000000e+00> : vector<1000x128xf32>
    %dot_general3A_5 = tpu.matmul %get3A_1, %get3A_4, %dot_general3A {dimension_numbers = #tpu.dot_dimension_numbers<[1], [0], [0], [1], [0, 0, 1, 1], [], []>, transpose_lhs_hint = false} : vector<1000x128xf32>, vector<128x128xf32>, vector<1000x128xf32> -> vector<1000x128xf32>
    %get3A_6 = arith.constant 0 : index
    %get3A_7 = arith.constant 0 : index
    %get3A_8 = vector.load %arg3[%get3A_6, %get3A_7] : memref<128x128xf32, #tpu.memory_space<vmem>>, vector<128x128xf32>
    %dot_general3A_9 = arith.constant dense<0.000000e+00> : vector<1000x128xf32>
    %dot_general3A_10 = tpu.matmul %get3A_1, %get3A_8, %dot_general3A_9 {dimension_numbers = #tpu.dot_dimension_numbers<[1], [0], [0], [1], [0, 0, 1, 1], [], []>, transpose_lhs_hint = false} : vector<1000x128xf32>, vector<128x128xf32>, vector<1000x128xf32> -> vector<1000x128xf32>
    %get3A_11 = arith.constant 0 : index
    %get3A_12 = arith.constant 0 : index
    %get3A_13 = vector.load %arg4[%get3A_11, %get3A_12] : memref<128x128xf32, #tpu.memory_space<vmem>>, vector<128x128xf32>
    %dot_general3A_14 = arith.constant dense<0.000000e+00> : vector<1000x128xf32>
    %dot_general3A_15 = tpu.matmul %get3A_1, %get3A_13, %dot_general3A_14 {dimension_numbers = #tpu.dot_dimension_numbers<[1], [0], [0], [1], [0, 0, 1, 1], [], []>, transpose_lhs_hint = false} : vector<1000x128xf32>, vector<128x128xf32>, vector<1000x128xf32> -> vector<1000x128xf32>
    %swap3A = arith.constant 0 : index
    %swap3A_16 = arith.constant 0 : index
    %swap3A_17 = vector.load %arg5[%swap3A, %swap3A_16] : memref<1000x128xf32, #tpu.memory_space<vmem>>, vector<1000x128xf32>
    tpu.vector_store %arg5[%swap3A, %swap3A_16], %dot_general3A_5 {strides = array<i32>} : memref<1000x128xf32, #tpu.memory_space<vmem>>, vector<1000x128xf32>,
    %slice3A = vector.extract_strided_slice %dot_general3A_10 {offsets = [0, 0], sizes = [1000, 64], strides = [1, 1]} : vector<1000x128xf32> to vector<1000x64xf32>
    %slice3A_18 = vector.extract_strided_slice %dot_general3A_15 {offsets = [0, 0], sizes = [1000, 64], strides = [1, 1]} : vector<1000x128xf32> to vector<1000x64xf32>
    %concatenate3A = tpu.concatenate %slice3A, %slice3A_18 in 1 : vector<1000x64xf32>, vector<1000x64xf32> -> vector<1000x128xf32>
    %swap3A_19 = arith.constant 0 : index
    %swap3A_20 = arith.constant 0 : index
    %swap3A_21 = arith.constant 0 : index
    %swap3A_22 = vector.load %arg6[%swap3A_19, %swap3A_20, %swap3A_21] : memref<2x1000x128xf32, #tpu.memory_space<vmem>>, vector<1x1000x128xf32>
    %swap3A_23 = vector.shape_cast %swap3A_22 : vector<1x1000x128xf32> to vector<1000x128xf32>
    %swap3A_24 = vector.shape_cast %concatenate3A : vector<1000x128xf32> to vector<1x1000x128xf32>
    tpu.vector_store %arg6[%swap3A_19, %swap3A_20, %swap3A_21], %swap3A_24 {strides = array<i32>} : memref<2x1000x128xf32, #tpu.memory_space<vmem>>, vector<1x1000x128xf32>,
    %slice3A_25 = vector.extract_strided_slice %dot_general3A_10 {offsets = [0, 64], sizes = [1000, 64], strides = [1, 1]} : vector<1000x128xf32> to vector<1000x64xf32>
    %slice3A_26 = vector.extract_strided_slice %dot_general3A_15 {offsets = [0, 64], sizes = [1000, 64], strides = [1, 1]} : vector<1000x128xf32> to vector<1000x64xf32>
    %concatenate3A_27 = tpu.concatenate %slice3A_25, %slice3A_26 in 1 : vector<1000x64xf32>, vector<1000x64xf32> -> vector<1000x128xf32>
    %swap3A_28 = arith.constant 1 : index
    %swap3A_29 = arith.constant 0 : index
    %swap3A_30 = arith.constant 0 : index
    %swap3A_31 = vector.load %arg6[%swap3A_28, %swap3A_29, %swap3A_30] : memref<2x1000x128xf32, #tpu.memory_space<vmem>>, vector<1x1000x128xf32>
    %swap3A_32 = vector.shape_cast %swap3A_31 : vector<1x1000x128xf32> to vector<1000x128xf32>
    %swap3A_33 = vector.shape_cast %concatenate3A_27 : vector<1000x128xf32> to vector<1x1000x128xf32>
    tpu.vector_store %arg6[%swap3A_28, %swap3A_29, %swap3A_30], %swap3A_33 {strides = array<i32>} : memref<2x1000x128xf32, #tpu.memory_space<vmem>>, vector<1x1000x128xf32>,
    return
  }
  func.func @transform_0(%arg0: i32) -> (i32, i32) {
    %c0_i32 = arith.constant 0 : i32
    %c0_i32_0 = arith.constant 0 : i32
    return %arg0, %c0_i32 : i32, i32
  }
  func.func @transform_1(%arg0: i32) -> (i32, i32) {
    %c0_i32 = arith.constant 0 : i32
    %c0_i32_0 = arith.constant 0 : i32
    %c0_i32_1 = arith.constant 0 : i32
    return %c0_i32, %c0_i32_0 : i32, i32
  }
  func.func @transform_2(%arg0: i32) -> (i32, i32) {
    %c0_i32 = arith.constant 0 : i32
    %c0_i32_0 = arith.constant 0 : i32
    %c0_i32_1 = arith.constant 0 : i32
    return %c0_i32, %c0_i32_0 : i32, i32
  }
  func.func @transform_3(%arg0: i32) -> (i32, i32) {
    %c0_i32 = arith.constant 0 : i32
    %c0_i32_0 = arith.constant 0 : i32
    %c0_i32_1 = arith.constant 0 : i32
    return %c0_i32, %c0_i32_0 : i32, i32
  }
  func.func @transform_4(%arg0: i32) -> (i32, i32) {
    %c0_i32 = arith.constant 0 : i32
    %c0_i32_0 = arith.constant 0 : i32
    return %arg0, %c0_i32 : i32, i32
  }
  func.func @transform_5(%arg0: i32) -> (i32, i32, i32) {
    %c0_i32 = arith.constant 0 : i32
    %c0_i32_0 = arith.constant 0 : i32
    %c0_i32_1 = arith.constant 0 : i32
    return %c0_i32, %arg0, %c0_i32_0 : i32, i32, i32
  }
}

module attributes {stable_mosaic.version = 14 : i64} {
  func.func @_attnout_body(%arg0: i32, %arg1: memref<1000x128xf32, #tpu.memory_space<vmem>>, %arg2: memref<1000x128xf32, #tpu.memory_space<vmem>>, %arg3: memref<1000x128xf32, #tpu.memory_space<vmem>>, %arg4: memref<128x128xf32, #tpu.memory_space<vmem>>, %arg5: memref<1x128xf32, #tpu.memory_space<vmem>>, %arg6: memref<1000x128xf32, #tpu.memory_space<vmem>>, %arg7: memref<2x128xf32, #tpu.memory_space<vmem>>) attributes {dimension_semantics = [#tpu.dimension_semantics<arbitrary>], iteration_bounds = array<i64: 10>, scalar_prefetch = 0 : i64, scratch_operands = 0 : i64, tpu.core_type = #tpu.core_type<tc>, window_params = [{transform_indices = @transform_0, window_bounds = array<i64: 1000, 128>}, {transform_indices = @transform_1, window_bounds = array<i64: 1000, 128>}, {transform_indices = @transform_2, window_bounds = array<i64: 1000, 128>}, {pipeline_mode = #tpu.pipeline_mode<synchronous>, transform_indices = @transform_3, window_bounds = array<i64: 128, 128>}, {pipeline_mode = #tpu.pipeline_mode<synchronous>, transform_indices = @transform_4, window_bounds = array<i64: 1, 128>}, {transform_indices = @transform_5, window_bounds = array<i64: 1000, 128>}, {pipeline_mode = #tpu.pipeline_mode<synchronous>, transform_indices = @transform_6, window_bounds = array<i64: 2, 128>}]} {
    %get3A = arith.constant 0 : index
    %get3A_0 = arith.constant 0 : index
    %get3A_1 = vector.load %arg1[%get3A, %get3A_0] : memref<1000x128xf32, #tpu.memory_space<vmem>>, vector<1000x128xf32>
    %get3A_2 = arith.constant 0 : index
    %get3A_3 = arith.constant 0 : index
    %get3A_4 = vector.load %arg2[%get3A_2, %get3A_3] : memref<1000x128xf32, #tpu.memory_space<vmem>>, vector<1000x128xf32>
    %slice3A = vector.extract_strided_slice %get3A_1 {offsets = [0, 64], sizes = [1000, 4], strides = [1, 1]} : vector<1000x128xf32> to vector<1000x4xf32>
    %slice3A_5 = vector.extract_strided_slice %get3A_4 {offsets = [0, 64], sizes = [1000, 4], strides = [1, 1]} : vector<1000x128xf32> to vector<1000x4xf32>
    %concatenate3A = tpu.concatenate %slice3A, %slice3A_5 in 1 : vector<1000x4xf32>, vector<1000x4xf32> -> vector<1000x8xf32>
    %add3A = arith.constant 9.99999997E-7 : f32
    %add3A_6 = vector.broadcast %add3A : f32 to vector<1000x8xf32>
    %add3A_7 = arith.addf %concatenate3A, %add3A_6 : vector<1000x8xf32>
    %div3A = arith.constant 1.000000e+00 : f32
    %div3A_8 = vector.broadcast %div3A : f32 to vector<1000x8xf32>
    %div3A_9 = arith.divf %div3A_8, %add3A_7 : vector<1000x8xf32>
    %iota3A = tpu.iota {dimensions = array<i32: 0>} : vector<8x128xi32>
    %iota3A_10 = tpu.iota {dimensions = array<i32: 1>} : vector<8x128xi32>
    %jit3A = arith.constant 16 : i32
    %div3A_11 = vector.broadcast %jit3A : i32 to vector<8x128xi32>
    %div3A_12 = arith.divsi %iota3A_10, %div3A_11 : vector<8x128xi32>
    %sign3A = arith.constant 0 : i32
    %sign3A_13 = vector.broadcast %sign3A : i32 to vector<8x128xi32>
    %sign3A_14 = arith.cmpi sgt, %iota3A_10, %sign3A_13 : vector<8x128xi32>
    %sign3A_15 = arith.extui %sign3A_14 : vector<8x128xi1> to vector<8x128xi32>
    %sign3A_16 = arith.constant 0 : i32
    %sign3A_17 = vector.broadcast %sign3A_16 : i32 to vector<8x128xi32>
    %sign3A_18 = arith.cmpi slt, %iota3A_10, %sign3A_17 : vector<8x128xi32>
    %sign3A_19 = arith.extui %sign3A_18 : vector<8x128xi1> to vector<8x128xi32>
    %sign3A_20 = arith.subi %sign3A_15, %sign3A_19 : vector<8x128xi32>
    %sign3A_21 = arith.constant 0 : i32
    %sign3A_22 = arith.cmpi sgt, %jit3A, %sign3A_21 : i32
    %sign3A_23 = arith.extui %sign3A_22 : i1 to i32
    %sign3A_24 = arith.constant 0 : i32
    %sign3A_25 = arith.cmpi slt, %jit3A, %sign3A_24 : i32
    %sign3A_26 = arith.extui %sign3A_25 : i1 to i32
    %sign3A_27 = arith.subi %sign3A_23, %sign3A_26 : i32
    %ne3A = vector.broadcast %sign3A_27 : i32 to vector<8x128xi32>
    %ne3A_28 = arith.cmpi ne, %sign3A_20, %ne3A : vector<8x128xi32>
    %rem3A = vector.broadcast %jit3A : i32 to vector<8x128xi32>
    %rem3A_29 = arith.remsi %iota3A_10, %rem3A : vector<8x128xi32>
    %ne3A_30 = arith.constant 0 : i32
    %ne3A_31 = vector.broadcast %ne3A_30 : i32 to vector<8x128xi32>
    %ne3A_32 = arith.cmpi ne, %rem3A_29, %ne3A_31 : vector<8x128xi32>
    %and3A = arith.andi %ne3A_28, %ne3A_32 : vector<8x128xi1>
    %sub3A = arith.constant 1 : i32
    %sub3A_33 = vector.broadcast %sub3A : i32 to vector<8x128xi32>
    %sub3A_34 = arith.subi %div3A_12, %sub3A_33 : vector<8x128xi32>
    %select_n3A = arith.select %and3A, %sub3A_34, %div3A_12 : vector<8x128xi1>, vector<8x128xi32>
    %eq3A = arith.cmpi eq, %iota3A, %select_n3A : vector<8x128xi32>
    %convert_element_type3A = arith.extui %eq3A : vector<8x128xi1> to vector<8x128xi32>
    %convert_element_type3A_35 = arith.sitofp %convert_element_type3A : vector<8x128xi32> to vector<8x128xf32>
    %dot_general3A = arith.constant dense<0.000000e+00> : vector<1000x128xf32>
    %dot_general3A_36 = tpu.matmul %div3A_9, %convert_element_type3A_35, %dot_general3A {dimension_numbers = #tpu.dot_dimension_numbers<[1], [0], [0], [1], [0, 0, 1, 1], [], []>, transpose_lhs_hint = false} : vector<1000x8xf32>, vector<8x128xf32>, vector<1000x128xf32> -> vector<1000x128xf32>
    %slice3A_37 = vector.extract_strided_slice %get3A_1 {offsets = [0, 0], sizes = [1000, 64], strides = [1, 1]} : vector<1000x128xf32> to vector<1000x64xf32>
    %slice3A_38 = vector.extract_strided_slice %get3A_4 {offsets = [0, 0], sizes = [1000, 64], strides = [1, 1]} : vector<1000x128xf32> to vector<1000x64xf32>
    %concatenate3A_39 = tpu.concatenate %slice3A_37, %slice3A_38 in 1 : vector<1000x64xf32>, vector<1000x64xf32> -> vector<1000x128xf32>
    %mul3A = arith.mulf %concatenate3A_39, %dot_general3A_36 : vector<1000x128xf32>
    %get3A_40 = arith.constant 0 : index
    %get3A_41 = arith.constant 0 : index
    %get3A_42 = vector.load %arg4[%get3A_40, %get3A_41] : memref<128x128xf32, #tpu.memory_space<vmem>>, vector<128x128xf32>
    %dot_general3A_43 = arith.constant dense<0.000000e+00> : vector<1000x128xf32>
    %dot_general3A_44 = tpu.matmul %mul3A, %get3A_42, %dot_general3A_43 {dimension_numbers = #tpu.dot_dimension_numbers<[1], [0], [0], [1], [0, 0, 1, 1], [], []>, transpose_lhs_hint = false} : vector<1000x128xf32>, vector<128x128xf32>, vector<1000x128xf32> -> vector<1000x128xf32>
    %get3A_45 = arith.constant 0 : index
    %get3A_46 = arith.constant 0 : index
    %get3A_47 = vector.load %arg3[%get3A_45, %get3A_46] : memref<1000x128xf32, #tpu.memory_space<vmem>>, vector<1000x128xf32>
    %add3A_48 = arith.addf %get3A_47, %dot_general3A_44 : vector<1000x128xf32>
    %get3A_49 = arith.constant 0 : index
    %get3A_50 = arith.constant 0 : index
    %get3A_51 = vector.load %arg5[%get3A_49, %get3A_50] : memref<1x128xf32, #tpu.memory_space<vmem>>, vector<1x128xf32>
    %add3A_52 = vector.broadcast %get3A_51 : vector<1x128xf32> to vector<1000x128xf32>
    %add3A_53 = arith.addf %add3A_48, %add3A_52 : vector<1000x128xf32>
    %swap3A = arith.constant 0 : index
    %swap3A_54 = arith.constant 0 : index
    %swap3A_55 = vector.load %arg6[%swap3A, %swap3A_54] : memref<1000x128xf32, #tpu.memory_space<vmem>>, vector<1000x128xf32>
    tpu.vector_store %arg6[%swap3A, %swap3A_54], %add3A_53 {strides = array<i32>} : memref<1000x128xf32, #tpu.memory_space<vmem>>, vector<1000x128xf32>,
    %reduce_sum3A = arith.constant dense<0.000000e+00> : vector<128xf32>
    %reduce_sum3A_56 = vector.multi_reduction <add>, %add3A_53, %reduce_sum3A [0] : vector<1000x128xf32> to vector<128xf32>
    %broadcast_in_dim3A = vector.shape_cast %reduce_sum3A_56 : vector<128xf32> to vector<1x128xf32>
    %mul3A_57 = arith.mulf %add3A_53, %add3A_53 : vector<1000x128xf32>
    %reduce_sum3A_58 = arith.constant dense<0.000000e+00> : vector<128xf32>
    %reduce_sum3A_59 = vector.multi_reduction <add>, %mul3A_57, %reduce_sum3A_58 [0] : vector<1000x128xf32> to vector<128xf32>
    %broadcast_in_dim3A_60 = vector.shape_cast %reduce_sum3A_59 : vector<128xf32> to vector<1x128xf32>
    %concatenate3A_61 = tpu.concatenate %broadcast_in_dim3A, %broadcast_in_dim3A_60 in 0 : vector<1x128xf32>, vector<1x128xf32> -> vector<2x128xf32>
    %eq3A_62 = arith.constant 0 : i32
    %eq3A_63 = arith.cmpi eq, %arg0, %eq3A_62 : i32
    %convert_element_type3A_64 = arith.extui %eq3A_63 : i1 to i32
    %cond3A = arith.constant 0 : i32
    %cond3A_65 = arith.cmpi ne, %convert_element_type3A_64, %cond3A : i32
    scf.if %cond3A_65 {
      %broadcast_in_dim3A_73 = arith.constant 0.000000e+00 : f32
      %broadcast_in_dim3A_74 = vector.broadcast %broadcast_in_dim3A_73 : f32 to vector<2x128xf32>
      %swap3A_75 = arith.constant 0 : index
      %swap3A_76 = arith.constant 0 : index
      %swap3A_77 = vector.load %arg7[%swap3A_75, %swap3A_76] : memref<2x128xf32, #tpu.memory_space<vmem>>, vector<2x128xf32>
      tpu.vector_store %arg7[%swap3A_75, %swap3A_76], %broadcast_in_dim3A_74 {strides = array<i32>} : memref<2x128xf32, #tpu.memory_space<vmem>>, vector<2x128xf32>,
    } else {
    }
    %get3A_66 = arith.constant 0 : index
    %get3A_67 = arith.constant 0 : index
    %get3A_68 = vector.load %arg7[%get3A_66, %get3A_67] : memref<2x128xf32, #tpu.memory_space<vmem>>, vector<2x128xf32>
    %add3A_69 = arith.addf %get3A_68, %concatenate3A_61 : vector<2x128xf32>
    %swap3A_70 = arith.constant 0 : index
    %swap3A_71 = arith.constant 0 : index
    %swap3A_72 = vector.load %arg7[%swap3A_70, %swap3A_71] : memref<2x128xf32, #tpu.memory_space<vmem>>, vector<2x128xf32>
    tpu.vector_store %arg7[%swap3A_70, %swap3A_71], %add3A_69 {strides = array<i32>} : memref<2x128xf32, #tpu.memory_space<vmem>>, vector<2x128xf32>,
    return
  }
  func.func @transform_0(%arg0: i32) -> (i32, i32) {
    %c0_i32 = arith.constant 0 : i32
    %c0_i32_0 = arith.constant 0 : i32
    return %arg0, %c0_i32 : i32, i32
  }
  func.func @transform_1(%arg0: i32) -> (i32, i32) {
    %add3A = arith.constant 10 : i32
    %add3A_0 = arith.addi %add3A, %arg0 : i32
    %c0_i32 = arith.constant 0 : i32
    %c0_i32_1 = arith.constant 0 : i32
    return %add3A_0, %c0_i32 : i32, i32
  }
  func.func @transform_2(%arg0: i32) -> (i32, i32) {
    %c0_i32 = arith.constant 0 : i32
    %c0_i32_0 = arith.constant 0 : i32
    return %arg0, %c0_i32 : i32, i32
  }
  func.func @transform_3(%arg0: i32) -> (i32, i32) {
    %c0_i32 = arith.constant 0 : i32
    %c0_i32_0 = arith.constant 0 : i32
    %c0_i32_1 = arith.constant 0 : i32
    return %c0_i32, %c0_i32_0 : i32, i32
  }
  func.func @transform_4(%arg0: i32) -> (i32, i32) {
    %c0_i32 = arith.constant 0 : i32
    %c0_i32_0 = arith.constant 0 : i32
    %c0_i32_1 = arith.constant 0 : i32
    return %c0_i32, %c0_i32_0 : i32, i32
  }
  func.func @transform_5(%arg0: i32) -> (i32, i32) {
    %c0_i32 = arith.constant 0 : i32
    %c0_i32_0 = arith.constant 0 : i32
    return %arg0, %c0_i32 : i32, i32
  }
  func.func @transform_6(%arg0: i32) -> (i32, i32) {
    %c0_i32 = arith.constant 0 : i32
    %c0_i32_0 = arith.constant 0 : i32
    %c0_i32_1 = arith.constant 0 : i32
    return %c0_i32, %c0_i32_0 : i32, i32
  }
}

module attributes {stable_mosaic.version = 14 : i64} {
  func.func @_bn_ffn_body(%arg0: i32, %arg1: memref<1000x128xf32, #tpu.memory_space<vmem>>, %arg2: memref<2x128xf32, #tpu.memory_space<vmem>>, %arg3: memref<1x128xf32, #tpu.memory_space<vmem>>, %arg4: memref<1x128xf32, #tpu.memory_space<vmem>>, %arg5: memref<128x256xf32, #tpu.memory_space<vmem>>, %arg6: memref<1x256xf32, #tpu.memory_space<vmem>>, %arg7: memref<256x128xf32, #tpu.memory_space<vmem>>, %arg8: memref<1x128xf32, #tpu.memory_space<vmem>>, %arg9: memref<1000x128xf32, #tpu.memory_space<vmem>>, %arg10: memref<2x128xf32, #tpu.memory_space<vmem>>) attributes {dimension_semantics = [#tpu.dimension_semantics<arbitrary>], iteration_bounds = array<i64: 10>, scalar_prefetch = 0 : i64, scratch_operands = 0 : i64, tpu.core_type = #tpu.core_type<tc>, window_params = [{transform_indices = @transform_0, window_bounds = array<i64: 1000, 128>}, {pipeline_mode = #tpu.pipeline_mode<synchronous>, transform_indices = @transform_1, window_bounds = array<i64: 2, 128>}, {pipeline_mode = #tpu.pipeline_mode<synchronous>, transform_indices = @transform_2, window_bounds = array<i64: 1, 128>}, {pipeline_mode = #tpu.pipeline_mode<synchronous>, transform_indices = @transform_3, window_bounds = array<i64: 1, 128>}, {pipeline_mode = #tpu.pipeline_mode<synchronous>, transform_indices = @transform_4, window_bounds = array<i64: 128, 256>}, {pipeline_mode = #tpu.pipeline_mode<synchronous>, transform_indices = @transform_5, window_bounds = array<i64: 1, 256>}, {pipeline_mode = #tpu.pipeline_mode<synchronous>, transform_indices = @transform_6, window_bounds = array<i64: 256, 128>}, {pipeline_mode = #tpu.pipeline_mode<synchronous>, transform_indices = @transform_7, window_bounds = array<i64: 1, 128>}, {transform_indices = @transform_8, window_bounds = array<i64: 1000, 128>}, {pipeline_mode = #tpu.pipeline_mode<synchronous>, transform_indices = @transform_9, window_bounds = array<i64: 2, 128>}]} {
    %get3A = arith.constant 0 : index
    %get3A_0 = arith.constant 0 : index
    %get3A_1 = vector.load %arg2[%get3A, %get3A_0] : memref<2x128xf32, #tpu.memory_space<vmem>>, vector<2x128xf32>
    %slice3A = vector.extract_strided_slice %get3A_1 {offsets = [0, 0], sizes = [1, 128], strides = [1, 1]} : vector<2x128xf32> to vector<1x128xf32>
    %div3A = arith.constant 1.000000e+04 : f32
    %div3A_2 = vector.broadcast %div3A : f32 to vector<1x128xf32>
    %div3A_3 = arith.divf %slice3A, %div3A_2 : vector<1x128xf32>
    %slice3A_4 = vector.extract_strided_slice %get3A_1 {offsets = [1, 0], sizes = [1, 128], strides = [1, 1]} : vector<2x128xf32> to vector<1x128xf32>
    %div3A_5 = arith.constant 1.000000e+04 : f32
    %div3A_6 = vector.broadcast %div3A_5 : f32 to vector<1x128xf32>
    %div3A_7 = arith.divf %slice3A_4, %div3A_6 : vector<1x128xf32>
    %mul3A = arith.mulf %div3A_3, %div3A_3 : vector<1x128xf32>
    %sub3A = arith.subf %div3A_7, %mul3A : vector<1x128xf32>
    %get3A_8 = arith.constant 0 : index
    %get3A_9 = arith.constant 0 : index
    %get3A_10 = vector.load %arg3[%get3A_8, %get3A_9] : memref<1x128xf32, #tpu.memory_space<vmem>>, vector<1x128xf32>
    %add3A = arith.constant 9.99999974E-6 : f32
    %add3A_11 = vector.broadcast %add3A : f32 to vector<1x128xf32>
    %add3A_12 = arith.addf %sub3A, %add3A_11 : vector<1x128xf32>
    %rsqrt3A = math.rsqrt %add3A_12 : vector<1x128xf32>
    %mul3A_13 = arith.mulf %get3A_10, %rsqrt3A : vector<1x128xf32>
    %get3A_14 = arith.constant 0 : index
    %get3A_15 = arith.constant 0 : index
    %get3A_16 = vector.load %arg1[%get3A_14, %get3A_15] : memref<1000x128xf32, #tpu.memory_space<vmem>>, vector<1000x128xf32>
    %sub3A_17 = vector.broadcast %div3A_3 : vector<1x128xf32> to vector<1000x128xf32>
    %sub3A_18 = arith.subf %get3A_16, %sub3A_17 : vector<1000x128xf32>
    %mul3A_19 = vector.broadcast %mul3A_13 : vector<1x128xf32> to vector<1000x128xf32>
    %mul3A_20 = arith.mulf %sub3A_18, %mul3A_19 : vector<1000x128xf32>
    %get3A_21 = arith.constant 0 : index
    %get3A_22 = arith.constant 0 : index
    %get3A_23 = vector.load %arg4[%get3A_21, %get3A_22] : memref<1x128xf32, #tpu.memory_space<vmem>>, vector<1x128xf32>
    %add3A_24 = vector.broadcast %get3A_23 : vector<1x128xf32> to vector<1000x128xf32>
    %add3A_25 = arith.addf %mul3A_20, %add3A_24 : vector<1000x128xf32>
    %get3A_26 = arith.constant 0 : index
    %get3A_27 = arith.constant 0 : index
    %get3A_28 = vector.load %arg5[%get3A_26, %get3A_27] : memref<128x256xf32, #tpu.memory_space<vmem>>, vector<128x256xf32>
    %dot_general3A = arith.constant dense<0.000000e+00> : vector<1000x256xf32>
    %dot_general3A_29 = tpu.matmul %add3A_25, %get3A_28, %dot_general3A {dimension_numbers = #tpu.dot_dimension_numbers<[1], [0], [0], [1], [0, 0, 1, 1], [], []>, transpose_lhs_hint = false} : vector<1000x128xf32>, vector<128x256xf32>, vector<1000x256xf32> -> vector<1000x256xf32>
    %get3A_30 = arith.constant 0 : index
    %get3A_31 = arith.constant 0 : index
    %get3A_32 = vector.load %arg6[%get3A_30, %get3A_31] : memref<1x256xf32, #tpu.memory_space<vmem>>, vector<1x256xf32>
    %add3A_33 = vector.broadcast %get3A_32 : vector<1x256xf32> to vector<1000x256xf32>
    %add3A_34 = arith.addf %dot_general3A_29, %add3A_33 : vector<1000x256xf32>
    %max3A = arith.constant 0.000000e+00 : f32
    %max3A_35 = vector.broadcast %max3A : f32 to vector<1000x256xf32>
    %max3A_36 = arith.maximumf %add3A_34, %max3A_35 : vector<1000x256xf32>
    %get3A_37 = arith.constant 0 : index
    %get3A_38 = arith.constant 0 : index
    %get3A_39 = vector.load %arg7[%get3A_37, %get3A_38] : memref<256x128xf32, #tpu.memory_space<vmem>>, vector<256x128xf32>
    %dot_general3A_40 = arith.constant dense<0.000000e+00> : vector<1000x128xf32>
    %dot_general3A_41 = tpu.matmul %max3A_36, %get3A_39, %dot_general3A_40 {dimension_numbers = #tpu.dot_dimension_numbers<[1], [0], [0], [1], [0, 0, 1, 1], [], []>, transpose_lhs_hint = false} : vector<1000x256xf32>, vector<256x128xf32>, vector<1000x128xf32> -> vector<1000x128xf32>
    %get3A_42 = arith.constant 0 : index
    %get3A_43 = arith.constant 0 : index
    %get3A_44 = vector.load %arg8[%get3A_42, %get3A_43] : memref<1x128xf32, #tpu.memory_space<vmem>>, vector<1x128xf32>
    %add3A_45 = vector.broadcast %get3A_44 : vector<1x128xf32> to vector<1000x128xf32>
    %add3A_46 = arith.addf %dot_general3A_41, %add3A_45 : vector<1000x128xf32>
    %add3A_47 = arith.addf %add3A_25, %add3A_46 : vector<1000x128xf32>
    %swap3A = arith.constant 0 : index
    %swap3A_48 = arith.constant 0 : index
    %swap3A_49 = vector.load %arg9[%swap3A, %swap3A_48] : memref<1000x128xf32, #tpu.memory_space<vmem>>, vector<1000x128xf32>
    tpu.vector_store %arg9[%swap3A, %swap3A_48], %add3A_47 {strides = array<i32>} : memref<1000x128xf32, #tpu.memory_space<vmem>>, vector<1000x128xf32>,
    %reduce_sum3A = arith.constant dense<0.000000e+00> : vector<128xf32>
    %reduce_sum3A_50 = vector.multi_reduction <add>, %add3A_47, %reduce_sum3A [0] : vector<1000x128xf32> to vector<128xf32>
    %broadcast_in_dim3A = vector.shape_cast %reduce_sum3A_50 : vector<128xf32> to vector<1x128xf32>
    %mul3A_51 = arith.mulf %add3A_47, %add3A_47 : vector<1000x128xf32>
    %reduce_sum3A_52 = arith.constant dense<0.000000e+00> : vector<128xf32>
    %reduce_sum3A_53 = vector.multi_reduction <add>, %mul3A_51, %reduce_sum3A_52 [0] : vector<1000x128xf32> to vector<128xf32>
    %broadcast_in_dim3A_54 = vector.shape_cast %reduce_sum3A_53 : vector<128xf32> to vector<1x128xf32>
    %concatenate3A = tpu.concatenate %broadcast_in_dim3A, %broadcast_in_dim3A_54 in 0 : vector<1x128xf32>, vector<1x128xf32> -> vector<2x128xf32>
    %eq3A = arith.constant 0 : i32
    %eq3A_55 = arith.cmpi eq, %arg0, %eq3A : i32
    %convert_element_type3A = arith.extui %eq3A_55 : i1 to i32
    %cond3A = arith.constant 0 : i32
    %cond3A_56 = arith.cmpi ne, %convert_element_type3A, %cond3A : i32
    scf.if %cond3A_56 {
      %broadcast_in_dim3A_64 = arith.constant 0.000000e+00 : f32
      %broadcast_in_dim3A_65 = vector.broadcast %broadcast_in_dim3A_64 : f32 to vector<2x128xf32>
      %swap3A_66 = arith.constant 0 : index
      %swap3A_67 = arith.constant 0 : index
      %swap3A_68 = vector.load %arg10[%swap3A_66, %swap3A_67] : memref<2x128xf32, #tpu.memory_space<vmem>>, vector<2x128xf32>
      tpu.vector_store %arg10[%swap3A_66, %swap3A_67], %broadcast_in_dim3A_65 {strides = array<i32>} : memref<2x128xf32, #tpu.memory_space<vmem>>, vector<2x128xf32>,
    } else {
    }
    %get3A_57 = arith.constant 0 : index
    %get3A_58 = arith.constant 0 : index
    %get3A_59 = vector.load %arg10[%get3A_57, %get3A_58] : memref<2x128xf32, #tpu.memory_space<vmem>>, vector<2x128xf32>
    %add3A_60 = arith.addf %get3A_59, %concatenate3A : vector<2x128xf32>
    %swap3A_61 = arith.constant 0 : index
    %swap3A_62 = arith.constant 0 : index
    %swap3A_63 = vector.load %arg10[%swap3A_61, %swap3A_62] : memref<2x128xf32, #tpu.memory_space<vmem>>, vector<2x128xf32>
    tpu.vector_store %arg10[%swap3A_61, %swap3A_62], %add3A_60 {strides = array<i32>} : memref<2x128xf32, #tpu.memory_space<vmem>>, vector<2x128xf32>,
    return
  }
  func.func @transform_0(%arg0: i32) -> (i32, i32) {
    %c0_i32 = arith.constant 0 : i32
    %c0_i32_0 = arith.constant 0 : i32
    return %arg0, %c0_i32 : i32, i32
  }
  func.func @transform_1(%arg0: i32) -> (i32, i32) {
    %c0_i32 = arith.constant 0 : i32
    %c0_i32_0 = arith.constant 0 : i32
    %c0_i32_1 = arith.constant 0 : i32
    return %c0_i32, %c0_i32_0 : i32, i32
  }
  func.func @transform_2(%arg0: i32) -> (i32, i32) {
    %c0_i32 = arith.constant 0 : i32
    %c0_i32_0 = arith.constant 0 : i32
    %c0_i32_1 = arith.constant 0 : i32
    return %c0_i32, %c0_i32_0 : i32, i32
  }
  func.func @transform_3(%arg0: i32) -> (i32, i32) {
    %c0_i32 = arith.constant 0 : i32
    %c0_i32_0 = arith.constant 0 : i32
    %c0_i32_1 = arith.constant 0 : i32
    return %c0_i32, %c0_i32_0 : i32, i32
  }
  func.func @transform_4(%arg0: i32) -> (i32, i32) {
    %c0_i32 = arith.constant 0 : i32
    %c0_i32_0 = arith.constant 0 : i32
    %c0_i32_1 = arith.constant 0 : i32
    return %c0_i32, %c0_i32_0 : i32, i32
  }
  func.func @transform_5(%arg0: i32) -> (i32, i32) {
    %c0_i32 = arith.constant 0 : i32
    %c0_i32_0 = arith.constant 0 : i32
    %c0_i32_1 = arith.constant 0 : i32
    return %c0_i32, %c0_i32_0 : i32, i32
  }
  func.func @transform_6(%arg0: i32) -> (i32, i32) {
    %c0_i32 = arith.constant 0 : i32
    %c0_i32_0 = arith.constant 0 : i32
    %c0_i32_1 = arith.constant 0 : i32
    return %c0_i32, %c0_i32_0 : i32, i32
  }
  func.func @transform_7(%arg0: i32) -> (i32, i32) {
    %c0_i32 = arith.constant 0 : i32
    %c0_i32_0 = arith.constant 0 : i32
    %c0_i32_1 = arith.constant 0 : i32
    return %c0_i32, %c0_i32_0 : i32, i32
  }
  func.func @transform_8(%arg0: i32) -> (i32, i32) {
    %c0_i32 = arith.constant 0 : i32
    %c0_i32_0 = arith.constant 0 : i32
    return %arg0, %c0_i32 : i32, i32
  }
  func.func @transform_9(%arg0: i32) -> (i32, i32) {
    %c0_i32 = arith.constant 0 : i32
    %c0_i32_0 = arith.constant 0 : i32
    %c0_i32_1 = arith.constant 0 : i32
    return %c0_i32, %c0_i32_0 : i32, i32
  }
}

module attributes {stable_mosaic.version = 14 : i64} {
  func.func @_bn2_body(%arg0: i32, %arg1: memref<1000x128xf32, #tpu.memory_space<vmem>>, %arg2: memref<2x128xf32, #tpu.memory_space<vmem>>, %arg3: memref<1x128xf32, #tpu.memory_space<vmem>>, %arg4: memref<1x128xf32, #tpu.memory_space<vmem>>, %arg5: memref<1000x128xf32, #tpu.memory_space<vmem>>) attributes {dimension_semantics = [#tpu.dimension_semantics<arbitrary>], iteration_bounds = array<i64: 10>, scalar_prefetch = 0 : i64, scratch_operands = 0 : i64, tpu.core_type = #tpu.core_type<tc>, window_params = [{transform_indices = @transform_0, window_bounds = array<i64: 1000, 128>}, {pipeline_mode = #tpu.pipeline_mode<synchronous>, transform_indices = @transform_1, window_bounds = array<i64: 2, 128>}, {pipeline_mode = #tpu.pipeline_mode<synchronous>, transform_indices = @transform_2, window_bounds = array<i64: 1, 128>}, {pipeline_mode = #tpu.pipeline_mode<synchronous>, transform_indices = @transform_3, window_bounds = array<i64: 1, 128>}, {transform_indices = @transform_4, window_bounds = array<i64: 1000, 128>}]} {
    %get3A = arith.constant 0 : index
    %get3A_0 = arith.constant 0 : index
    %get3A_1 = vector.load %arg2[%get3A, %get3A_0] : memref<2x128xf32, #tpu.memory_space<vmem>>, vector<2x128xf32>
    %slice3A = vector.extract_strided_slice %get3A_1 {offsets = [0, 0], sizes = [1, 128], strides = [1, 1]} : vector<2x128xf32> to vector<1x128xf32>
    %div3A = arith.constant 1.000000e+04 : f32
    %div3A_2 = vector.broadcast %div3A : f32 to vector<1x128xf32>
    %div3A_3 = arith.divf %slice3A, %div3A_2 : vector<1x128xf32>
    %slice3A_4 = vector.extract_strided_slice %get3A_1 {offsets = [1, 0], sizes = [1, 128], strides = [1, 1]} : vector<2x128xf32> to vector<1x128xf32>
    %div3A_5 = arith.constant 1.000000e+04 : f32
    %div3A_6 = vector.broadcast %div3A_5 : f32 to vector<1x128xf32>
    %div3A_7 = arith.divf %slice3A_4, %div3A_6 : vector<1x128xf32>
    %mul3A = arith.mulf %div3A_3, %div3A_3 : vector<1x128xf32>
    %sub3A = arith.subf %div3A_7, %mul3A : vector<1x128xf32>
    %get3A_8 = arith.constant 0 : index
    %get3A_9 = arith.constant 0 : index
    %get3A_10 = vector.load %arg3[%get3A_8, %get3A_9] : memref<1x128xf32, #tpu.memory_space<vmem>>, vector<1x128xf32>
    %add3A = arith.constant 9.99999974E-6 : f32
    %add3A_11 = vector.broadcast %add3A : f32 to vector<1x128xf32>
    %add3A_12 = arith.addf %sub3A, %add3A_11 : vector<1x128xf32>
    %rsqrt3A = math.rsqrt %add3A_12 : vector<1x128xf32>
    %mul3A_13 = arith.mulf %get3A_10, %rsqrt3A : vector<1x128xf32>
    %get3A_14 = arith.constant 0 : index
    %get3A_15 = arith.constant 0 : index
    %get3A_16 = vector.load %arg1[%get3A_14, %get3A_15] : memref<1000x128xf32, #tpu.memory_space<vmem>>, vector<1000x128xf32>
    %sub3A_17 = vector.broadcast %div3A_3 : vector<1x128xf32> to vector<1000x128xf32>
    %sub3A_18 = arith.subf %get3A_16, %sub3A_17 : vector<1000x128xf32>
    %mul3A_19 = vector.broadcast %mul3A_13 : vector<1x128xf32> to vector<1000x128xf32>
    %mul3A_20 = arith.mulf %sub3A_18, %mul3A_19 : vector<1000x128xf32>
    %get3A_21 = arith.constant 0 : index
    %get3A_22 = arith.constant 0 : index
    %get3A_23 = vector.load %arg4[%get3A_21, %get3A_22] : memref<1x128xf32, #tpu.memory_space<vmem>>, vector<1x128xf32>
    %add3A_24 = vector.broadcast %get3A_23 : vector<1x128xf32> to vector<1000x128xf32>
    %add3A_25 = arith.addf %mul3A_20, %add3A_24 : vector<1000x128xf32>
    %swap3A = arith.constant 0 : index
    %swap3A_26 = arith.constant 0 : index
    %swap3A_27 = vector.load %arg5[%swap3A, %swap3A_26] : memref<1000x128xf32, #tpu.memory_space<vmem>>, vector<1000x128xf32>
    tpu.vector_store %arg5[%swap3A, %swap3A_26], %add3A_25 {strides = array<i32>} : memref<1000x128xf32, #tpu.memory_space<vmem>>, vector<1000x128xf32>,
    return
  }
  func.func @transform_0(%arg0: i32) -> (i32, i32) {
    %c0_i32 = arith.constant 0 : i32
    %c0_i32_0 = arith.constant 0 : i32
    return %arg0, %c0_i32 : i32, i32
  }
  func.func @transform_1(%arg0: i32) -> (i32, i32) {
    %c0_i32 = arith.constant 0 : i32
    %c0_i32_0 = arith.constant 0 : i32
    %c0_i32_1 = arith.constant 0 : i32
    return %c0_i32, %c0_i32_0 : i32, i32
  }
  func.func @transform_2(%arg0: i32) -> (i32, i32) {
    %c0_i32 = arith.constant 0 : i32
    %c0_i32_0 = arith.constant 0 : i32
    %c0_i32_1 = arith.constant 0 : i32
    return %c0_i32, %c0_i32_0 : i32, i32
  }
  func.func @transform_3(%arg0: i32) -> (i32, i32) {
    %c0_i32 = arith.constant 0 : i32
    %c0_i32_0 = arith.constant 0 : i32
    %c0_i32_1 = arith.constant 0 : i32
    return %c0_i32, %c0_i32_0 : i32, i32
  }
  func.func @transform_4(%arg0: i32) -> (i32, i32) {
    %c0_i32 = arith.constant 0 : i32
    %c0_i32_0 = arith.constant 0 : i32
    return %arg0, %c0_i32 : i32, i32
  }
}

</mosaic_0001>

<sc_bundles>
// kernel: gather_offload_async_start.1
scs
__scs_entry_jumppad:
0x0: {  	(pc) =	sbr.rel $0x88, $3  }
0x1: {  	(tag) =	ssettag $0x0;
	lr =	simm.s32 $0x1  }
0x2: {  	[smem:$0x3F92] =	sst lr;
	_ =	strace $0xD0000000  }
0x3: {  	_ = 	snop  }
0x4: {  	_ = 	snop  }
0x5: {  	_ = 	snop  }
0x6: {  	_ = 	snop  }
0x7: {  	_ = 	snop  }
__scs_overlays_trampoline_lowered:
0x8: {  	[smem:$0x3FA1] =	sst s0  }
0x9: {  	[smem:$0x3FA2] =	sst s1  }
0xa: {  	[smem:$0x3FA3] =	sst s2  }
0xb: {  	[smem:$0x3FA4] =	sst s3  }
0xc: {  	[smem:$0x3FA5] =	sst s4  }
0xd: {  	[smem:$0x3FA6] =	sst s5  }
0xe: {  	[smem:$0x3FA7] =	sst s6  }
0xf: {  	[smem:$0x3FA8] =	sst s7  }
0x10: {  	[smem:$0x3FA9] =	sst s8  }
0x11: {  	[smem:$0x3FAA] =	sst s9;
	s0 =	simm.s32 @!p0 $0x0  }
0x12: {  	s1 =	sld [smem:$0x3F90];
	s0 =	simm.s32 @p0 $0x1  }
0x13: {  	[smem:$0x3FAB] =	sst s0;
	s0 =	simm.s32 @!p1 $0x0  }
0x14: {  	s2 =	sld [smem:$0x3F8F];
	s0 =	simm.s32 @p1 $0x1  }
0x15: {  	[smem:$0x3FAC] =	sst s0;
	s0 =	simm.s32 @!p2 $0x0  }
0x16: {  	s3 =	sld [smem:$0x3FDB];
	s0 =	simm.s32 @p2 $0x1  }
0x17: {  	s4 =	simm.s32 $0x1BF5;
	[smem:$0x3FAE] =	sst s0  }
0x18: {  	s0 =	sld [smem:$0x3F91];
	_ =	swait.ge [sflag:s4], $0x0  }
0x19: {  	s7 =	sld [smem:$0x3F92]  }
0x1a: {  	s8 =	sadd.s32 $0xFFFFE003, lr  }
0x1b: {  	s9 =	sadd.s32 $0xFFFFFEF7, lr;
	s5 =	simm.s32 $0xFFFFFFFF;
	p2 =	slt.u32 s8, $0xFFFFF086  }
0x1c: {  	p1 =	slt.u32 s9, $0xF7A;
	s5 =	simm.s32 @!p2 $0x0  }
0x1d: {  	s5 =	simm.s32 @p1 $0x1;
	p0 =	seq.s32 s7, s2  }
0x1e: {  	s7 =	smul.u32 @!p0 $0xF7A, s2;
	p2 =	seq.s32 @!p0 s5, $0x0  }
0x1f: {  	s9 =	smul.u32 $0xF7A, s1;
	s8 =	simm.s32 @!p0 $0x1BF5;
	p2 =	por !p2, p0  }
0x20: {  	[sflag:s8] =	ssyncset.s32 @!p0 $0xFFFFF086;
	s6 =	sadd.s32 @!p0 s3, s7;
	s7 =	simm.s32 @!p0 $0x108  }
0x21: {  	s3 =	sadd.s32 s3, s9;
	s6 =	sadd.s32 @!p0 $0x88, s6;
	s7 =	simm.s32 @p2 $0x1082  }
0x22: {  	[simem:s7], [sflag:s8] =	dma.local @!p0 [hbm:s6], $0xF7A  }
0x23: {  	s9 =	sor.u32 $0xD0000000, s2;
	s6 =	simm.s32 $0x108;
	_ =	swait.ge @!p0 [sflag:s8], $0x0  }
0x24: {  	s3 =	sadd.s32 $0x88, s3;
	s6 =	simm.s32 @!p1 $0x1082;
	[sflag:s4] =	ssyncset.s32 $0xFFFFF086  }
0x25: {  	[simem:s6], [sflag:s4] =	dma.local [hbm:s3], $0xF7A  }
0x26: {  	[smem:$0x3F92] =	sst s1;
	(tag) =	ssettag s2;
	_ =	strace s9  }
0x27: {  	s1 =	sld [smem:$0x3FA2]  }
0x28: {  	s2 =	sld [smem:$0x3FA3]  }
0x29: {  	s4 =	sld [smem:$0x3FA5]  }
0x2a: {  	p0 =	seq.s32 s5, $0x0;
	s5 =	sld [smem:$0x3FA6]  }
0x2b: {  	s6 =	sld [smem:$0x3FA7]  }
0x2c: {  	s7 =	sld [smem:$0x3FA8]  }
0x2d: {  	s3 =	simm.s32 $0x108;
	s8 =	sld [smem:$0x3FA9]  }
0x2e: {  	s3 =	simm.s32 @!p0 $0x1082;
	s9 =	sld [smem:$0x3FAA]  }
0x2f: {  	lr =	sadd.s32 s0, s3;
	s0 =	sld [smem:$0x3FA1]  }
0x30: {  	s3 =	sld [smem:$0x3FA4]  }
0x31: {  	[smem:$0x3FAD] =	sst s10  }
0x32: {  	s10 =	sld [smem:$0x3FAB];
	_ =	sdelay $0x3  }
0x33: {  	p0 =	seq.s32 s10, $0x1;
	s10 =	sld [smem:$0x3FAD];
	_ =	sdelay $0x3  }
0x34: {  	[smem:$0x3FAD] =	sst s10  }
0x35: {  	s10 =	sld [smem:$0x3FAC];
	_ =	sdelay $0x3  }
0x36: {  	p1 =	seq.s32 s10, $0x1;
	s10 =	sld [smem:$0x3FAD];
	_ =	sdelay $0x3  }
0x37: {  	[smem:$0x3FAD] =	sst s10  }
0x38: {  	s10 =	sld [smem:$0x3FAE]  }
0x39: {  	_ = 	snop;
	(pc) =	sbr.ind lr, $3  }
0x3a: {  	_ = 	snop  }
0x3b: {  	_ = 	snop  }
0x3c: {  	p2 =	seq.s32 s10, $0x1;
	s10 =	sld [smem:$0x3FAD]  }
0x3d: {  	_ =	shalt  }
0x3e: {  	_ =	shalt  }
0x3f: {  	_ =	shalt  }
0x40: {  	_ =	shalt  }
0x41: {  	_ =	shalt  }
0x42: {  	_ =	shalt  }
0x43: {  	_ =	shalt  }
0x44: {  	_ =	shalt  }
0x45: {  	_ =	shalt  }
0x46: {  	_ =	shalt  }
0x47: {  	_ =	shalt  }
0x48: {  	_ =	shalt  }
0x49: {  	_ =	shalt  }
0x4a: {  	_ =	shalt  }
0x4b: {  	_ =	shalt  }
0x4c: {  	_ =	shalt  }
0x4d: {  	_ =	shalt  }
0x4e: {  	_ =	shalt  }
0x4f: {  	_ =	shalt  }
0x50: {  	_ =	shalt  }
0x51: {  	_ =	shalt  }
0x52: {  	_ =	shalt  }
0x53: {  	_ =	shalt  }
0x54: {  	_ =	shalt  }
0x55: {  	_ =	shalt  }
0x56: {  	_ =	shalt  }
0x57: {  	_ =	shalt  }
0x58: {  	_ =	shalt  }
0x59: {  	_ =	shalt  }
0x5a: {  	_ =	shalt  }
0x5b: {  	_ =	shalt  }
0x5c: {  	_ =	shalt  }
0x5d: {  	_ =	shalt  }
0x5e: {  	_ =	shalt  }
0x5f: {  	_ =	shalt  }
0x60: {  	_ =	shalt  }
0x61: {  	_ =	shalt  }
0x62: {  	_ =	shalt  }
0x63: {  	_ =	shalt  }
0x64: {  	_ =	shalt  }
0x65: {  	_ =	shalt  }
0x66: {  	_ =	shalt  }
0x67: {  	_ =	shalt  }
0x68: {  	_ =	shalt  }
0x69: {  	_ =	shalt  }
0x6a: {  	_ =	shalt  }
0x6b: {  	_ =	shalt  }
0x6c: {  	_ =	shalt  }
0x6d: {  	_ =	shalt  }
0x6e: {  	_ =	shalt  }
0x6f: {  	_ =	shalt  }
0x70: {  	_ =	shalt  }
0x71: {  	_ =	shalt  }
0x72: {  	_ =	shalt  }
0x73: {  	_ =	shalt  }
0x74: {  	_ =	shalt  }
0x75: {  	_ =	shalt  }
0x76: {  	_ =	shalt  }
0x77: {  	_ =	shalt  }
0x78: {  	_ =	shalt  }
0x79: {  	_ =	shalt  }
0x7a: {  	_ =	shalt  }
0x7b: {  	_ =	shalt  }
0x7c: {  	_ =	shalt  }
0x7d: {  	_ =	shalt  }
0x7e: {  	_ =	shalt  }
0x7f: {  	_ =	shalt  }
0x80: {  	_ =	shalt  }
0x81: {  	_ =	shalt  }
0x82: {  	_ =	shalt  }
0x83: {  	_ =	shalt  }
0x84: {  	_ =	shalt  }
0x85: {  	_ =	shalt  }
0x86: {  	_ =	shalt  }
0x87: {  	_ =	shalt  }
.Lfunc_end0:
.L_simem_size_0:
called_computation.1_lowered:
.L_overlay_start_0:
0x88: {  	s2 =	sld [smem:$0x3FD9]  }
0x89: {  	s3 =	sld [smem:$0x3FFE];
	_ =	sdelay $0x1  }
0x8a: {  	s1 =	srdreg.scid  }
0x8b: {  	s0 =	sand.u32 $0x1, s1  }
0x8c: {  	s17 =	sshll.u32 s0, $0xA;
	s2 =	sadd.s32 s3, s2  }
0x8d: {  	s2 =	sadd.s32 s2, s17  }
0x8e: {  	[smem:$0x3FB9] =	sst s2  }
0x8f: {  	_ = 	snop  }
0x90: {  	(tm) =	ssettm $0x1  }
0x91: {  	s18 =	sld [smem:$0x3FFB];
	_ =	sdelay $0x3  }
0x92: {  	_ =	strace s18  }
0x93: {  	s2 =	sld [smem:$0x3FFC];
	_ =	sdelay $0x3  }
0x94: {  	_ =	strace s2  }
0x95: {  	s2 =	sld [smem:$0x3FFD];
	_ =	sdelay $0x3  }
0x96: {  	_ =	strace s2  }
0x97: {  	_ =	strace $0x8FFFFFFF  }
0x98: {  	s19 =	sld [smem:$0x3FDB];
	_ =	sdelay $0x1  }
0x99: {  	s20 =	simm.s32 $_scs_section_size  }
0x9a: {  	s4 =	simm.s32 $_size__tile_overlayer_lowered;
	s5 =	simm.s32 $_tile_overlayer_lowered  }
0x9b: {  	s6 =	simm.s32 $0x1BFF;
	s21 =	sshll.u32 s5, $0x1;
	s3 =	sadd.s32 s20, s19  }
0x9c: {  	s22 =	simm.s32 $0x0;
	s4 =	sshll.u32 s4, $0x1;
	s5 =	sadd.s32 s21, s3  }
0x9d: {  	[timem:s22], [sflag:s6] =	dma.local [hbm:s5], s4  }
0x9e: {  	_ =	swait.ge [sflag:s6], s4  }
0x9f: {  	s4 =	ssub.s32 $0x0, s4;
	[sflag:s6] =	ssyncset.done $0x0  }
0xa0: {  	[sflag:s6] =	ssyncadd.s32 s4;
	_ =	sdelay $0x1  }
0xa1: {  	s23 =	simm.s32 $0x1B8B  }
0xa2: {  	_ =	swait.ge [sflag:s23], $0x1  }
0xa3: {  	[sflag:s23] =	ssyncset.done $0x0  }
0xa4: {  	[sflag:s23] =	ssyncadd.s32 $0xFFFFFFFF  }
0xa5: {  	s4 =	sld [smem:$0x0]  }
0xa6: {  	s5 =	sand.u32 $0xFFFFFFFE, s1  }
0xa7: {  	p0 =	sne.s32 s1, s5  }
0xa8: {  	s5 =	sshll.u32 @p0 s5, $0xE  }
0xa9: {  	s5 =	sadd.s32 @p0 $0x11B8D, s5;
	s6 =	sshll.u32 @p0 s4, $0x11  }
0xaa: {  	s5 =	sor.u32 @p0 s6, s5  }
0xab: {  	[sflag:s5] =	ssyncadd.remote.s32 @p0 $0x1;
	_ =	sdelay $0x1  }
0xac: {  	s5 =	simm.s32 @p0 $0x1B8D  }
0xad: {  	_ =	swait.eq @p0 [sflag:s5], $0x1  }
0xae: {  	[sflag:s5] =	ssyncadd.s32 @p0 $0xFFFFFFFF  }
0xaf: {  	s6 =	sshll.u32 @!p0 s1, $0xE  }
0xb0: {  	s6 =	sor.u32 @!p0 $0x4000, s6;
	s5 =	simm.s32 @!p0 $0x1B8D  }
0xb1: {  	s4 =	sshll.u32 @!p0 s4, $0x11;
	s6 =	sadd.s32 @!p0 $0x11B8D, s6;
	_ =	swait.eq @!p0 [sflag:s5], $0x1  }
0xb2: {  	s4 =	sor.u32 @!p0 s4, s6;
	[sflag:s5] =	ssyncadd.s32 @!p0 $0xFFFFFFFF  }
0xb3: {  	s25 =	simm.s32 $0x1B8E;
	s24 =	sld [smem:$0x3FFE];
	[sflag:s4] =	ssyncadd.remote.s32 @!p0 $0x1  }
0xb4: {  	s26 =	simm.s32 $execute0_lowered;
	[smem:$0x3FD2] =	sst s25  }
0xb5: {  	s5 =	sshll.u32 s26, $0x1;
	_ =	strace $0x80000049;
	[dreg:$0x1] =	wrdreg $0xFFFFFFFF  }
0xb6: {  	s28 =	simm.s32 $_size_execute0_lowered;
	s3 =	sadd.s32 s3, s5;
	[dreg:$0x0] =	wrdreg $0x0  }
0xb7: {  	s5 =	sshll.u32 s28, $0x1;
	[dreg:$0x2] =	wrdreg s3  }
0xb8: {  	[dreg:$0x3] =	wrdreg s5  }
0xb9: {  	[dreg:$0x4] =	wrdreg $0xC0  }
0xba: {  	_ =	task [dreg:s22], $0x5FFFF  }
0xbb: {  	[dreg:$0x1] =	wrdreg $0xFFFFFFFF  }
0xbc: {  	[dreg:$0x0] =	wrdreg $0x60  }
0xbd: {  	[dreg:$0x2] =	wrdreg s24  }
0xbe: {  	[dreg:$0x3] =	wrdreg $0xA  }
0xbf: {  	_ =	task.clear_ibuf [dreg:s22], $0x4FFFF;
	_ =	strace $0x90000049  }
0xc0: {  	s29 =	simm.s32 $0xA;
	_ =	strace $0x8000004B  }
0xc1: {  	_ =	swait.ge [sflag:s29], $0x1  }
0xc2: {  	[sflag:s29] =	ssyncadd.s32 $0xFFFFFFFF  }
0xc3: {  	_ =	strace $0x9000004B  }
0xc4: {  	_ =	sfence  }
0xc5: {  	s30 =	sld [smem:$0x0];
	_ =	sdelay $0x2  }
0xc6: {  	s31 =	sshll.u32 s1, $0xD;
	s1 =	sshrl.u32 s1, $0x2  }
0xc7: {  	s4 =	sand.u32 $0x4000, s31;
	s1 =	sadd.s32 s1, s30  }
0xc8: {  	s0 =	sor.u32 s4, s0;
	s1 =	sshll.u32 s1, $0x11  }
0xc9: {  	s0 =	sor.u32 s1, s0  }
0xca: {  	s0 =	sadd.s32 $0x8F2B, s0  }
0xcb: {  	[sflag:s0] =	ssyncadd.remote.s32 $0x1  }
0xcc: {  	_ =	sfence.sel $0xFFFF  }
0xcd: {  	[dreg:$0x0] =	wrdreg $0xFFFFFFFF;
	(pc) =	sbr.abs _section_cstart, $3  }
0xce: {  	[dreg:$0x1] =	wrdreg $0xFFFFFFFF  }
0xcf: {  	_ =	task.clear_ibuf [dreg:s22], $0x2FFFF;
	_ =	strace $0x9FFFFFFF  }
0xd0: {  	(tm) =	ssettm $0x7FFFFFFF  }
0xd1: {  	_ =	shalt  }
tec
execute0_lowered:
.L_overlay_start_1:
0x0: {  	(tag) =	ssettag $0x1  }
0x1: {  	s0 =	srdreg.scid  }
0x2: {  	s1 =	sshll.u32 s0, $0x4  }
0x3: {  	s0 =	stileid.u32;
	s1 =	sand.u32 $0x10, s1  }
0x4: {  	s1 =	sor.u32 s0, s1  }
0x5: {  	s9 =	rddreg [dreg:$0x0];
	s6 =	simm.s32 $0x1;
	s2 =	smin.u32 s1, $0x8  }
0x6: {  	p0 =	slt.u32 s1, $0x8;
	s2 =	sadd.s32 s1, s2;
	s1 =	simm.s32 $0x80  }
0x7: {  	s7 =	simm.s32 $0x2;
	s2 =	sshll.u32 s2, $0x6;
	s1 =	simm.s32 @!p0 $0x40  }
0x8: {  	s10 =	simm.s32 $0x3;
	s13 =	simm.s32 $0x0;
	s3 =	sadd.s32 s1, s2  }
0x9: {  	s12 =	simm.s32 $0x0;
	s4 =	sadd.s32 $0x17400, s9;
	s3 =	smin.u32 s3, $0xA00  }
.Ltmp0:
0xa: {  	s5 =	sadd.s32 $0x3400, s9;
	s8 =	ssub.s32 s3, s2;
	(pc) =	sbr.rel .LBB2_1-.Ltmp0, $4  }
0xb: {  	s1 =	rddreg [dreg:$0x1];
	_ =	strace $0x8000004A;
	p0 =	sgt.s32 s8, $0x0  }
0xc: {  	s9 =	sadd.s32 $0x6F400, s9;
	[sflag:s6] =	ssyncpa.u1 $0x0;
	s8 =	simm.s32 @!p0 $0x0  }
0xd: {  	s11 =	smov.u32 s2;
	[sflag:s7] =	ssyncpa.u1 $0x0;
	s8 =	sshrl.u32 s8, $0x6  }
0xe: {  	vm0 =	vmmov $0xff;
	vm1 =	vcmask $0x3F20;
	[sflag:s10] =	ssyncpa.u1 $0x0;
	p0 =	por $0x0, $0x0;
	s10 =	sadd.s32 $0x1, s8  }
.LBB2_6:
0xf: {  	[hbm:s17] =	stream.linear.scatter [tilespmem:s14], [sflag:$0x3], $0x400, $0x38;
	[tilespmem:$0x4080] =	vst v63  }
.LBB2_7:
0x10: {  	s13 =	sadd.s32 $0x40, s11  }
0x11: {  	s15 =	smov.u32 s2;
	p2 =	slt.s32 s13, s3  }
0x12: {  	s15 =	smov.u32 @p2 s13;
	p2 =	sne.s32 s12, s10  }
.Ltmp1:
0x13: {  	p1 =	slt.u32 s12, $0x2;
	(pc) =	sbr.rel @!p2 .LBB2_8-.Ltmp1, $4  }
0x14: {  	s14 =	simm.s32 @!p1 $0x3  }
0x15: {  	s16 =	sadd.s32 $0x1, s12;
	_ =	swait.ge @!p1 [sflag:s14], $0x2000  }
0x16: {  	p0 =	por !p0, !p0;
	s13 =	smov.u32 s11;
	[sflag:s14] =	ssyncset.done @!p1 $0x0  }
0x17: {  	s12 =	smov.u32 s16;
	s11 =	smov.u32 s15;
	[sflag:s14] =	ssyncadd.s32 @!p1 $0xFFFFE000  }
.LBB2_1:
0x18: {  	p1 =	sge.u32 s12, s8  }
0x19: {  	s14 =	sxor.u32 @!p1 $0xFFFFFFFF, s12  }
0x1a: {  	s31 =	sadd.s32 $0xFFFFFFFF, s12;
	s15 =	sshrl.u32 @!p1 s11, $0x3;
	s14 =	sshll.u32 @!p1 s14, $0x6  }
0x1b: {  	s16 =	sand.u32 @!p1 $0x7, s11;
	s15 =	sadd.s32 @!p1 s5, s15;
	s14 =	sand.u32 @!p1 $0x40, s14  }
0x1c: {  	[tilespmem:s14], [sflag:$0x2] =	stream.linear.gather @!p1 [hbm4b:s15+s16], $0x40, $0x38;
	[tilespmem:$0x4080] =	vst v63  }
0x1d: {  	p1 =	sge.u32 s31, s8  }
.Ltmp2:
0x1e: {  	_ = 	snop;
	(pc) =	sbr.rel @p1 .LBB2_7-.Ltmp2, $1  }
0x1f: {  	_ =	sdelay $0x3  }
0x20: {  	s14 =	simm.s32 $0x1  }
0x21: {  	_ =	swait.ge [sflag:s7], $0x40;
	s14 =	simm.s32 @!p0 $0x0  }
0x22: {  	[sflag:s7] =	ssyncset.done $0x0;
	s16 =	sshll.u32 s14, $0x6  }
0x23: {  	[sflag:s7] =	ssyncadd.s32 $0xFFFFFFC0;
	s15 =	sadd.s32 $0x0, s16  }
0x24: {  	v0 =	vld.msk [tilespmem:s15+$0x0 ss:$0x1], $0xffff;
	_ =	sdelay $0x4  }
0x25: {  	vm2 =	vgt.s32 v0, $0x0  }
0x26: {  	v0 =	vnsel vm2, $0x0, v0  }
0x27: {  	v0 =	vmin.u32 v0, $0x9C4  }
0x28: {  	v0 =	vshll.u32 v0, $0x4;
	_ =	sdelay $0x2  }
0x29: {  	s14 =	sshll.u32 s14, $0xD  }
0x2a: {  	s14 =	sor.u32 $0x80, s14  }
0x2b: {  	[tilespmem:s14], [sflag:$0x1] =	stream.indirect_vreg.gather [hbm:s4], $0x80, v0, vm0, $0x38;
	[tilespmem:$0x4080] =	vst v63  }
0x2c: {  	s17 =	sadd.s32 $0x10, s16;
	s15 =	sadd.s32 $0x400, s14  }
0x2d: {  	[tilespmem:s15], [sflag:$0x1] =	stream.indirect_vreg.gather [hbm:s4], $0x80, v0, vm1, $0x38;
	[tilespmem:$0x4080] =	vst v63  }
0x2e: {  	s18 =	simm.s32 $0x80;
	v0 =	vld.msk [tilespmem:s17+$0x0 ss:$0x1], $0xffff;
	s17 =	smov.u32 s14  }
.LBB2_3:
0x2f: {  	p1 =	sne.s32 s18, $0xC0;
	_ =	sdelay $0x4  }
0x30: {  	vm2 =	vgt.s32 v0, $0x0  }
0x31: {  	v0 =	vnsel vm2, $0x0, v0  }
0x32: {  	v0 =	vmin.u32 v0, $0x9C4  }
0x33: {  	v0 =	vshll.u32 v0, $0x4;
	_ =	sdelay $0x3  }
.Ltmp3:
0x34: {  	s19 =	sshra.s32 s18, $0x2;
	s17 =	sadd.s32 $0x800, s17;
	(pc) =	sbr.rel @p1 .LBB2_3-.Ltmp3, $4  }
0x35: {  	[tilespmem:s17], [sflag:$0x1] =	stream.indirect_vreg.gather [hbm:s4], $0x80, v0, vm0, $0x38;
	[tilespmem:$0x4080] =	vst v63  }
0x36: {  	s19 =	sadd.s32 s19, s16;
	s20 =	sadd.s32 $0x400, s17  }
0x37: {  	[tilespmem:s20], [sflag:$0x1] =	stream.indirect_vreg.gather [hbm:s4], $0x80, v0, vm1, $0x38;
	[tilespmem:$0x4080] =	vst v63  }
0x38: {  	s18 =	sadd.s32 $0x40, s18;
	v0 =	vld.msk [tilespmem:s19+$0x0 ss:$0x1], $0xffff  }
0x39: {  	_ =	sdelay $0x3  }
0x3a: {  	vm2 =	vgt.s32 v0, $0x0  }
0x3b: {  	v0 =	vnsel vm2, $0x0, v0  }
0x3c: {  	v0 =	vmin.u32 v0, $0x9C4  }
0x3d: {  	v0 =	vshll.u32 v0, $0x4;
	_ =	sdelay $0x3  }
0x3e: {  	s16 =	sadd.s32 $0x800, s17  }
0x3f: {  	[tilespmem:s16], [sflag:$0x1] =	stream.indirect_vreg.gather [hbm:s4], $0x80, v0, vm0, $0x38;
	[tilespmem:$0x4080] =	vst v63  }
0x40: {  	s16 =	sadd.s32 $0x400, s16  }
0x41: {  	[tilespmem:s16], [sflag:$0x1] =	stream.indirect_vreg.gather [hbm:s4], $0x80, v0, vm1, $0x38;
	[tilespmem:$0x4080] =	vst v63  }
0x42: {  	s13 =	sshll.u32 s13, $0x4;
	_ =	swait.ge [sflag:s6], $0x2000  }
0x43: {  	s13 =	sadd.s32 s13, s9;
	[sflag:s6] =	ssyncset.done $0x0  }
0x44: {  	s17 =	sadd.s32 $0x0, s13;
	s16 =	simm.s32 $0x80;
	[sflag:s6] =	ssyncadd.s32 $0xFFFFE000  }
.LBB2_5:
0x45: {  	[hbm:s17] =	stream.linear.scatter [tilespmem:s14], [sflag:$0x3], $0x400, $0x38;
	[tilespmem:$0x4080] =	vst v63  }
0x46: {  	s17 =	smov.u32 s16;
	s14 =	smov.u32 s15;
	p1 =	sne.s32 s16, $0x380  }
.Ltmp4:
0x47: {  	s16 =	sadd.s32 $0x80, s16;
	(pc) =	sbr.rel @p1 .LBB2_5-.Ltmp4, $2  }
0x48: {  	_ =	sdelay $0x2  }
0x49: {  	s15 =	sadd.s32 $0x400, s15;
	s17 =	sadd.s32 s17, s13  }
.Ltmp5:
0x4a: {  	_ = 	snop;
	(pc) =	sbr.rel .LBB2_6-.Ltmp5, $1  }
0x4b: {  	_ =	sdelay $0x3  }
.LBB2_8:
0x4c: {  	_ =	sfence.sel $0x180000  }
0x4d: {  	s2 =	simm.s32 $0x2;
	[bflag:$0x0] =	sbarrier.arrive $0xFFFF  }
0x4e: {  	s30 =	simm.s32 $0x3;
	[sflag:s2] =	ssyncpa.u1 $0x1  }
0x4f: {  	s31 =	simm.s32 $0x1;
	[sflag:s30] =	ssyncpa.u1 $0x1  }
0x50: {  	[sflag:s31] =	ssyncpa.u1 $0x1  }
0x51: {  	p0 =	sne.s32 s0, $0x0;
	_ =	strace $0x9000004A  }
0x52: {  	s0 =	sadd.s32 @!p0 $0x100000, s1;
	[bflag:$0x2] =	sbarrier.arrive $0xFFFF  }
0x53: {  	[sflag:s0] =	ssyncadd.tile.s32 @!p0 $0x1;
	_ =	shalt  }
.Lfunc_end2:
_tile_overlayer_lowered:
.L_overlay_start_2:
0x54: {  	(tag) =	ssettag $0x2  }
0x55: {  	s0 =	rddreg [dreg:$0x0];
	s2 =	stileid.u32  }
0x56: {  	s1 =	rddreg [dreg:$0x1];
	p0 =	sne.s32 s2, $0x0  }
0x57: {  	s3 =	rddreg [dreg:$0x2];
	[bflag:$0x3] =	sbarrier.arrive $0xFFFF;
	s2 =	simm.s32 @!p0 $0x1C01  }
0x58: {  	[timem:s3], [sflag:s2] =	dma.local @!p0 [hbm:s0], s1  }
0x59: {  	s0 =	simm.s32 @!p0 $0x1  }
0x5a: {  	_ =	swait.ge @!p0 [sflag:s0], s1  }
0x5b: {  	s1 =	ssub.s32 @!p0 $0x0, s1;
	[sflag:s0] =	ssyncset.done @!p0 $0x0  }
0x5c: {  	[sflag:s0] =	ssyncadd.s32 @!p0 s1  }
0x5d: {  	[bflag:$0x3] =	sbarrier.arrive $0xFFFF  }
0x5e: {  	_ =	shalt  }

// kernel: gather_offload_async_start
scs
__scs_entry_jumppad:
0x0: {  	(pc) =	sbr.rel $0x88, $3  }
0x1: {  	(tag) =	ssettag $0x0;
	lr =	simm.s32 $0x1  }
0x2: {  	[smem:$0x3F92] =	sst lr;
	_ =	strace $0xD0000000  }
0x3: {  	_ = 	snop  }
0x4: {  	_ = 	snop  }
0x5: {  	_ = 	snop  }
0x6: {  	_ = 	snop  }
0x7: {  	_ = 	snop  }
__scs_overlays_trampoline_lowered:
0x8: {  	[smem:$0x3FA1] =	sst s0  }
0x9: {  	[smem:$0x3FA2] =	sst s1  }
0xa: {  	[smem:$0x3FA3] =	sst s2  }
0xb: {  	[smem:$0x3FA4] =	sst s3  }
0xc: {  	[smem:$0x3FA5] =	sst s4  }
0xd: {  	[smem:$0x3FA6] =	sst s5  }
0xe: {  	[smem:$0x3FA7] =	sst s6  }
0xf: {  	[smem:$0x3FA8] =	sst s7  }
0x10: {  	[smem:$0x3FA9] =	sst s8  }
0x11: {  	[smem:$0x3FAA] =	sst s9;
	s0 =	simm.s32 @!p0 $0x0  }
0x12: {  	s1 =	sld [smem:$0x3F90];
	s0 =	simm.s32 @p0 $0x1  }
0x13: {  	[smem:$0x3FAB] =	sst s0;
	s0 =	simm.s32 @!p1 $0x0  }
0x14: {  	s2 =	sld [smem:$0x3F8F];
	s0 =	simm.s32 @p1 $0x1  }
0x15: {  	[smem:$0x3FAC] =	sst s0;
	s0 =	simm.s32 @!p2 $0x0  }
0x16: {  	s3 =	sld [smem:$0x3FDB];
	s0 =	simm.s32 @p2 $0x1  }
0x17: {  	s4 =	simm.s32 $0x1BF5;
	[smem:$0x3FAE] =	sst s0  }
0x18: {  	s0 =	sld [smem:$0x3F91];
	_ =	swait.ge [sflag:s4], $0x0  }
0x19: {  	s7 =	sld [smem:$0x3F92]  }
0x1a: {  	s8 =	sadd.s32 $0xFFFFE003, lr  }
0x1b: {  	s9 =	sadd.s32 $0xFFFFFEF7, lr;
	s5 =	simm.s32 $0xFFFFFFFF;
	p2 =	slt.u32 s8, $0xFFFFF086  }
0x1c: {  	p1 =	slt.u32 s9, $0xF7A;
	s5 =	simm.s32 @!p2 $0x0  }
0x1d: {  	s5 =	simm.s32 @p1 $0x1;
	p0 =	seq.s32 s7, s2  }
0x1e: {  	s7 =	smul.u32 @!p0 $0xF7A, s2;
	p2 =	seq.s32 @!p0 s5, $0x0  }
0x1f: {  	s9 =	smul.u32 $0xF7A, s1;
	s8 =	simm.s32 @!p0 $0x1BF5;
	p2 =	por !p2, p0  }
0x20: {  	[sflag:s8] =	ssyncset.s32 @!p0 $0xFFFFF086;
	s6 =	sadd.s32 @!p0 s3, s7;
	s7 =	simm.s32 @!p0 $0x108  }
0x21: {  	s3 =	sadd.s32 s3, s9;
	s6 =	sadd.s32 @!p0 $0x88, s6;
	s7 =	simm.s32 @p2 $0x1082  }
0x22: {  	[simem:s7], [sflag:s8] =	dma.local @!p0 [hbm:s6], $0xF7A  }
0x23: {  	s9 =	sor.u32 $0xD0000000, s2;
	s6 =	simm.s32 $0x108;
	_ =	swait.ge @!p0 [sflag:s8], $0x0  }
0x24: {  	s3 =	sadd.s32 $0x88, s3;
	s6 =	simm.s32 @!p1 $0x1082;
	[sflag:s4] =	ssyncset.s32 $0xFFFFF086  }
0x25: {  	[simem:s6], [sflag:s4] =	dma.local [hbm:s3], $0xF7A  }
0x26: {  	[smem:$0x3F92] =	sst s1;
	(tag) =	ssettag s2;
	_ =	strace s9  }
0x27: {  	s1 =	sld [smem:$0x3FA2]  }
0x28: {  	s2 =	sld [smem:$0x3FA3]  }
0x29: {  	s4 =	sld [smem:$0x3FA5]  }
0x2a: {  	p0 =	seq.s32 s5, $0x0;
	s5 =	sld [smem:$0x3FA6]  }
0x2b: {  	s6 =	sld [smem:$0x3FA7]  }
0x2c: {  	s7 =	sld [smem:$0x3FA8]  }
0x2d: {  	s3 =	simm.s32 $0x108;
	s8 =	sld [smem:$0x3FA9]  }
0x2e: {  	s3 =	simm.s32 @!p0 $0x1082;
	s9 =	sld [smem:$0x3FAA]  }
0x2f: {  	lr =	sadd.s32 s0, s3;
	s0 =	sld [smem:$0x3FA1]  }
0x30: {  	s3 =	sld [smem:$0x3FA4]  }
0x31: {  	[smem:$0x3FAD] =	sst s10  }
0x32: {  	s10 =	sld [smem:$0x3FAB];
	_ =	sdelay $0x3  }
0x33: {  	p0 =	seq.s32 s10, $0x1;
	s10 =	sld [smem:$0x3FAD];
	_ =	sdelay $0x3  }
0x34: {  	[smem:$0x3FAD] =	sst s10  }
0x35: {  	s10 =	sld [smem:$0x3FAC];
	_ =	sdelay $0x3  }
0x36: {  	p1 =	seq.s32 s10, $0x1;
	s10 =	sld [smem:$0x3FAD];
	_ =	sdelay $0x3  }
0x37: {  	[smem:$0x3FAD] =	sst s10  }
0x38: {  	s10 =	sld [smem:$0x3FAE]  }
0x39: {  	_ = 	snop;
	(pc) =	sbr.ind lr, $3  }
0x3a: {  	_ = 	snop  }
0x3b: {  	_ = 	snop  }
0x3c: {  	p2 =	seq.s32 s10, $0x1;
	s10 =	sld [smem:$0x3FAD]  }
0x3d: {  	_ =	shalt  }
0x3e: {  	_ =	shalt  }
0x3f: {  	_ =	shalt  }
0x40: {  	_ =	shalt  }
0x41: {  	_ =	shalt  }
0x42: {  	_ =	shalt  }
0x43: {  	_ =	shalt  }
0x44: {  	_ =	shalt  }
0x45: {  	_ =	shalt  }
0x46: {  	_ =	shalt  }
0x47: {  	_ =	shalt  }
0x48: {  	_ =	shalt  }
0x49: {  	_ =	shalt  }
0x4a: {  	_ =	shalt  }
0x4b: {  	_ =	shalt  }
0x4c: {  	_ =	shalt  }
0x4d: {  	_ =	shalt  }
0x4e: {  	_ =	shalt  }
0x4f: {  	_ =	shalt  }
0x50: {  	_ =	shalt  }
0x51: {  	_ =	shalt  }
0x52: {  	_ =	shalt  }
0x53: {  	_ =	shalt  }
0x54: {  	_ =	shalt  }
0x55: {  	_ =	shalt  }
0x56: {  	_ =	shalt  }
0x57: {  	_ =	shalt  }
0x58: {  	_ =	shalt  }
0x59: {  	_ =	shalt  }
0x5a: {  	_ =	shalt  }
0x5b: {  	_ =	shalt  }
0x5c: {  	_ =	shalt  }
0x5d: {  	_ =	shalt  }
0x5e: {  	_ =	shalt  }
0x5f: {  	_ =	shalt  }
0x60: {  	_ =	shalt  }
0x61: {  	_ =	shalt  }
0x62: {  	_ =	shalt  }
0x63: {  	_ =	shalt  }
0x64: {  	_ =	shalt  }
0x65: {  	_ =	shalt  }
0x66: {  	_ =	shalt  }
0x67: {  	_ =	shalt  }
0x68: {  	_ =	shalt  }
0x69: {  	_ =	shalt  }
0x6a: {  	_ =	shalt  }
0x6b: {  	_ =	shalt  }
0x6c: {  	_ =	shalt  }
0x6d: {  	_ =	shalt  }
0x6e: {  	_ =	shalt  }
0x6f: {  	_ =	shalt  }
0x70: {  	_ =	shalt  }
0x71: {  	_ =	shalt  }
0x72: {  	_ =	shalt  }
0x73: {  	_ =	shalt  }
0x74: {  	_ =	shalt  }
0x75: {  	_ =	shalt  }
0x76: {  	_ =	shalt  }
0x77: {  	_ =	shalt  }
0x78: {  	_ =	shalt  }
0x79: {  	_ =	shalt  }
0x7a: {  	_ =	shalt  }
0x7b: {  	_ =	shalt  }
0x7c: {  	_ =	shalt  }
0x7d: {  	_ =	shalt  }
0x7e: {  	_ =	shalt  }
0x7f: {  	_ =	shalt  }
0x80: {  	_ =	shalt  }
0x81: {  	_ =	shalt  }
0x82: {  	_ =	shalt  }
0x83: {  	_ =	shalt  }
0x84: {  	_ =	shalt  }
0x85: {  	_ =	shalt  }
0x86: {  	_ =	shalt  }
0x87: {  	_ =	shalt  }
.Lfunc_end0:
.L_simem_size_0:
called_computation_lowered:
.L_overlay_start_0:
0x88: {  	s2 =	sld [smem:$0x3FD9]  }
0x89: {  	s3 =	sld [smem:$0x3FFE];
	_ =	sdelay $0x1  }
0x8a: {  	s1 =	srdreg.scid  }
0x8b: {  	s0 =	sand.u32 $0x1, s1  }
0x8c: {  	s16 =	sshll.u32 s0, $0xA;
	s2 =	sadd.s32 s3, s2  }
0x8d: {  	s2 =	sadd.s32 s2, s16  }
0x8e: {  	[smem:$0x3FB9] =	sst s2  }
0x8f: {  	_ = 	snop  }
0x90: {  	(tm) =	ssettm $0x1  }
0x91: {  	s17 =	sld [smem:$0x3FFB];
	_ =	sdelay $0x3  }
0x92: {  	_ =	strace s17  }
0x93: {  	s2 =	sld [smem:$0x3FFC];
	_ =	sdelay $0x3  }
0x94: {  	_ =	strace s2  }
0x95: {  	s2 =	sld [smem:$0x3FFD];
	_ =	sdelay $0x3  }
0x96: {  	_ =	strace s2  }
0x97: {  	_ =	strace $0x8FFFFFFF  }
0x98: {  	s18 =	sld [smem:$0x3FDB];
	_ =	sdelay $0x1  }
0x99: {  	s19 =	simm.s32 $_scs_section_size  }
0x9a: {  	s4 =	simm.s32 $_size__tile_overlayer_lowered;
	s5 =	simm.s32 $_tile_overlayer_lowered  }
0x9b: {  	s22 =	simm.s32 $0x1BFF;
	s21 =	sshll.u32 s5, $0x1;
	s2 =	sadd.s32 s19, s18  }
0x9c: {  	s6 =	simm.s32 $0x0;
	s20 =	sshll.u32 s4, $0x1;
	s4 =	sadd.s32 s21, s2  }
0x9d: {  	[timem:s6], [sflag:s22] =	dma.local [hbm:s4], s20  }
0x9e: {  	_ =	swait.ge [sflag:s22], s20  }
0x9f: {  	s3 =	ssub.s32 $0x0, s20;
	[sflag:s22] =	ssyncset.done $0x0  }
0xa0: {  	[sflag:s22] =	ssyncadd.s32 s3;
	_ =	sdelay $0x1  }
0xa1: {  	s23 =	simm.s32 $0x1B8B  }
0xa2: {  	_ =	swait.ge [sflag:s23], $0x1  }
0xa3: {  	[sflag:s23] =	ssyncset.done $0x0  }
0xa4: {  	s25 =	simm.s32 $0x1B8E;
	s24 =	sld [smem:$0x3FFE];
	[sflag:s23] =	ssyncadd.s32 $0xFFFFFFFF  }
0xa5: {  	s26 =	simm.s32 $execute0_lowered;
	[smem:$0x3FD2] =	sst s25  }
0xa6: {  	s4 =	sshll.u32 s26, $0x1;
	_ =	strace $0x80000046;
	[dreg:$0x1] =	wrdreg $0xFFFFFFFF  }
0xa7: {  	s28 =	simm.s32 $_size_execute0_lowered;
	s2 =	sadd.s32 s2, s4;
	[dreg:$0x0] =	wrdreg $0x0  }
0xa8: {  	s4 =	sshll.u32 s28, $0x1;
	[dreg:$0x2] =	wrdreg s2  }
0xa9: {  	[dreg:$0x3] =	wrdreg s4  }
0xaa: {  	[dreg:$0x4] =	wrdreg $0xC0  }
0xab: {  	_ =	task [dreg:s6], $0x5FFFF  }
0xac: {  	[dreg:$0x1] =	wrdreg $0xFFFFFFFF  }
0xad: {  	[dreg:$0x0] =	wrdreg $0x60  }
0xae: {  	[dreg:$0x2] =	wrdreg s24  }
0xaf: {  	[dreg:$0x3] =	wrdreg $0x9  }
0xb0: {  	_ =	task.clear_ibuf [dreg:s6], $0x4FFFF;
	_ =	strace $0x90000046  }
0xb1: {  	s29 =	simm.s32 $0x9;
	_ =	strace $0x80000048  }
0xb2: {  	_ =	swait.ge [sflag:s29], $0x1  }
0xb3: {  	[sflag:s29] =	ssyncadd.s32 $0xFFFFFFFF  }
0xb4: {  	_ =	strace $0x90000048  }
0xb5: {  	_ =	sfence  }
0xb6: {  	s30 =	sld [smem:$0x0];
	_ =	sdelay $0x2  }
0xb7: {  	s31 =	sshll.u32 s1, $0xD;
	s1 =	sshrl.u32 s1, $0x2  }
0xb8: {  	s3 =	sand.u32 $0x4000, s31;
	s1 =	sadd.s32 s1, s30  }
0xb9: {  	s0 =	sor.u32 s3, s0;
	s1 =	sshll.u32 s1, $0x11  }
0xba: {  	s0 =	sor.u32 s1, s0  }
0xbb: {  	s0 =	sadd.s32 $0x8F2B, s0  }
0xbc: {  	[sflag:s0] =	ssyncadd.remote.s32 $0x1  }
0xbd: {  	_ =	sfence.sel $0xFFFF  }
0xbe: {  	[dreg:$0x0] =	wrdreg $0xFFFFFFFF;
	(pc) =	sbr.abs _section_cstart, $3  }
0xbf: {  	[dreg:$0x1] =	wrdreg $0xFFFFFFFF  }
0xc0: {  	_ =	task.clear_ibuf [dreg:s6], $0x2FFFF;
	_ =	strace $0x9FFFFFFF  }
0xc1: {  	(tm) =	ssettm $0x7FFFFFFF  }
tec
execute0_lowered:
.L_overlay_start_1:
0x0: {  	(tag) =	ssettag $0x1  }
0x1: {  	s0 =	srdreg.scid  }
0x2: {  	s1 =	sshll.u32 s0, $0x4  }
0x3: {  	s0 =	stileid.u32;
	s1 =	sand.u32 $0x10, s1  }
0x4: {  	s1 =	sor.u32 s0, s1  }
0x5: {  	s9 =	rddreg [dreg:$0x0];
	s6 =	simm.s32 $0x1;
	s2 =	smin.u32 s1, $0x8  }
0x6: {  	p0 =	slt.u32 s1, $0x8;
	s2 =	sadd.s32 s1, s2;
	s1 =	simm.s32 $0x80  }
0x7: {  	s7 =	simm.s32 $0x2;
	s2 =	sshll.u32 s2, $0x6;
	s1 =	simm.s32 @!p0 $0x40  }
0x8: {  	s10 =	simm.s32 $0x3;
	s13 =	simm.s32 $0x0;
	s3 =	sadd.s32 s1, s2  }
0x9: {  	s12 =	simm.s32 $0x0;
	s4 =	sadd.s32 $0x3600, s9;
	s3 =	smin.u32 s3, $0xA00  }
.Ltmp0:
0xa: {  	s5 =	sadd.s32 $0x3400, s9;
	s8 =	ssub.s32 s3, s2;
	(pc) =	sbr.rel .LBB2_1-.Ltmp0, $4  }
0xb: {  	s1 =	rddreg [dreg:$0x1];
	_ =	strace $0x80000047;
	p0 =	sgt.s32 s8, $0x0  }
0xc: {  	s9 =	sadd.s32 $0xD400, s9;
	[sflag:s6] =	ssyncpa.u1 $0x0;
	s8 =	simm.s32 @!p0 $0x0  }
0xd: {  	s11 =	smov.u32 s2;
	[sflag:s7] =	ssyncpa.u1 $0x0;
	s8 =	sshrl.u32 s8, $0x6  }
0xe: {  	vm0 =	vmmov $0xff;
	vm1 =	vcmask $0x3F20;
	[sflag:s10] =	ssyncpa.u1 $0x0;
	p0 =	por $0x0, $0x0;
	s10 =	sadd.s32 $0x1, s8  }
.LBB2_6:
0xf: {  	[hbm:s17] =	stream.linear.scatter [tilespmem:s14], [sflag:$0x3], $0x400, $0x38;
	[tilespmem:$0x4080] =	vst v63  }
.LBB2_7:
0x10: {  	s13 =	sadd.s32 $0x40, s11  }
0x11: {  	s15 =	smov.u32 s2;
	p2 =	slt.s32 s13, s3  }
0x12: {  	s15 =	smov.u32 @p2 s13;
	p2 =	sne.s32 s12, s10  }
.Ltmp1:
0x13: {  	p1 =	slt.u32 s12, $0x2;
	(pc) =	sbr.rel @!p2 .LBB2_8-.Ltmp1, $4  }
0x14: {  	s14 =	simm.s32 @!p1 $0x3  }
0x15: {  	s16 =	sadd.s32 $0x1, s12;
	_ =	swait.ge @!p1 [sflag:s14], $0x2000  }
0x16: {  	p0 =	por !p0, !p0;
	s13 =	smov.u32 s11;
	[sflag:s14] =	ssyncset.done @!p1 $0x0  }
0x17: {  	s12 =	smov.u32 s16;
	s11 =	smov.u32 s15;
	[sflag:s14] =	ssyncadd.s32 @!p1 $0xFFFFE000  }
.LBB2_1:
0x18: {  	p1 =	sge.u32 s12, s8  }
0x19: {  	s14 =	sxor.u32 @!p1 $0xFFFFFFFF, s12  }
0x1a: {  	s31 =	sadd.s32 $0xFFFFFFFF, s12;
	s15 =	sshrl.u32 @!p1 s11, $0x3;
	s14 =	sshll.u32 @!p1 s14, $0x6  }
0x1b: {  	s16 =	sand.u32 @!p1 $0x7, s11;
	s15 =	sadd.s32 @!p1 s5, s15;
	s14 =	sand.u32 @!p1 $0x40, s14  }
0x1c: {  	[tilespmem:s14], [sflag:$0x2] =	stream.linear.gather @!p1 [hbm4b:s15+s16], $0x40, $0x38;
	[tilespmem:$0x4080] =	vst v63  }
0x1d: {  	p1 =	sge.u32 s31, s8  }
.Ltmp2:
0x1e: {  	_ = 	snop;
	(pc) =	sbr.rel @p1 .LBB2_7-.Ltmp2, $1  }
0x1f: {  	_ =	sdelay $0x3  }
0x20: {  	s14 =	simm.s32 $0x1  }
0x21: {  	_ =	swait.ge [sflag:s7], $0x40;
	s14 =	simm.s32 @!p0 $0x0  }
0x22: {  	[sflag:s7] =	ssyncset.done $0x0;
	s16 =	sshll.u32 s14, $0x6  }
0x23: {  	[sflag:s7] =	ssyncadd.s32 $0xFFFFFFC0;
	s15 =	sadd.s32 $0x0, s16  }
0x24: {  	v0 =	vld.msk [tilespmem:s15+$0x0 ss:$0x1], $0xffff;
	_ =	sdelay $0x4  }
0x25: {  	vm2 =	vgt.s32 v0, $0x0  }
0x26: {  	v0 =	vnsel vm2, $0x0, v0  }
0x27: {  	v0 =	vmin.u32 v0, $0x9C4  }
0x28: {  	v0 =	vshll.u32 v0, $0x4;
	_ =	sdelay $0x2  }
0x29: {  	s14 =	sshll.u32 s14, $0xD  }
0x2a: {  	s14 =	sor.u32 $0x80, s14  }
0x2b: {  	[tilespmem:s14], [sflag:$0x1] =	stream.indirect_vreg.gather [hbm:s4], $0x80, v0, vm0, $0x38;
	[tilespmem:$0x4080] =	vst v63  }
0x2c: {  	s17 =	sadd.s32 $0x10, s16;
	s15 =	sadd.s32 $0x400, s14  }
0x2d: {  	[tilespmem:s15], [sflag:$0x1] =	stream.indirect_vreg.gather [hbm:s4], $0x80, v0, vm1, $0x38;
	[tilespmem:$0x4080] =	vst v63  }
0x2e: {  	s18 =	simm.s32 $0x80;
	v0 =	vld.msk [tilespmem:s17+$0x0 ss:$0x1], $0xffff;
	s17 =	smov.u32 s14  }
.LBB2_3:
0x2f: {  	p1 =	sne.s32 s18, $0xC0;
	_ =	sdelay $0x4  }
0x30: {  	vm2 =	vgt.s32 v0, $0x0  }
0x31: {  	v0 =	vnsel vm2, $0x0, v0  }
0x32: {  	v0 =	vmin.u32 v0, $0x9C4  }
0x33: {  	v0 =	vshll.u32 v0, $0x4;
	_ =	sdelay $0x3  }
.Ltmp3:
0x34: {  	s19 =	sshra.s32 s18, $0x2;
	s17 =	sadd.s32 $0x800, s17;
	(pc) =	sbr.rel @p1 .LBB2_3-.Ltmp3, $4  }
0x35: {  	[tilespmem:s17], [sflag:$0x1] =	stream.indirect_vreg.gather [hbm:s4], $0x80, v0, vm0, $0x38;
	[tilespmem:$0x4080] =	vst v63  }
0x36: {  	s19 =	sadd.s32 s19, s16;
	s20 =	sadd.s32 $0x400, s17  }
0x37: {  	[tilespmem:s20], [sflag:$0x1] =	stream.indirect_vreg.gather [hbm:s4], $0x80, v0, vm1, $0x38;
	[tilespmem:$0x4080] =	vst v63  }
0x38: {  	s18 =	sadd.s32 $0x40, s18;
	v0 =	vld.msk [tilespmem:s19+$0x0 ss:$0x1], $0xffff  }
0x39: {  	_ =	sdelay $0x3  }
0x3a: {  	vm2 =	vgt.s32 v0, $0x0  }
0x3b: {  	v0 =	vnsel vm2, $0x0, v0  }
0x3c: {  	v0 =	vmin.u32 v0, $0x9C4  }
0x3d: {  	v0 =	vshll.u32 v0, $0x4;
	_ =	sdelay $0x3  }
0x3e: {  	s16 =	sadd.s32 $0x800, s17  }
0x3f: {  	[tilespmem:s16], [sflag:$0x1] =	stream.indirect_vreg.gather [hbm:s4], $0x80, v0, vm0, $0x38;
	[tilespmem:$0x4080] =	vst v63  }
0x40: {  	s16 =	sadd.s32 $0x400, s16  }
0x41: {  	[tilespmem:s16], [sflag:$0x1] =	stream.indirect_vreg.gather [hbm:s4], $0x80, v0, vm1, $0x38;
	[tilespmem:$0x4080] =	vst v63  }
0x42: {  	s13 =	sshll.u32 s13, $0x4;
	_ =	swait.ge [sflag:s6], $0x2000  }
0x43: {  	s13 =	sadd.s32 s13, s9;
	[sflag:s6] =	ssyncset.done $0x0  }
0x44: {  	s17 =	sadd.s32 $0x0, s13;
	s16 =	simm.s32 $0x80;
	[sflag:s6] =	ssyncadd.s32 $0xFFFFE000  }
.LBB2_5:
0x45: {  	[hbm:s17] =	stream.linear.scatter [tilespmem:s14], [sflag:$0x3], $0x400, $0x38;
	[tilespmem:$0x4080] =	vst v63  }
0x46: {  	s17 =	smov.u32 s16;
	s14 =	smov.u32 s15;
	p1 =	sne.s32 s16, $0x380  }
.Ltmp4:
0x47: {  	s16 =	sadd.s32 $0x80, s16;
	(pc) =	sbr.rel @p1 .LBB2_5-.Ltmp4, $2  }
0x48: {  	_ =	sdelay $0x2  }
0x49: {  	s15 =	sadd.s32 $0x400, s15;
	s17 =	sadd.s32 s17, s13  }
.Ltmp5:
0x4a: {  	_ = 	snop;
	(pc) =	sbr.rel .LBB2_6-.Ltmp5, $1  }
0x4b: {  	_ =	sdelay $0x3  }
.LBB2_8:
0x4c: {  	_ =	sfence.sel $0x180000  }
0x4d: {  	s2 =	simm.s32 $0x2;
	[bflag:$0x0] =	sbarrier.arrive $0xFFFF  }
0x4e: {  	s30 =	simm.s32 $0x3;
	[sflag:s2] =	ssyncpa.u1 $0x1  }
0x4f: {  	s31 =	simm.s32 $0x1;
	[sflag:s30] =	ssyncpa.u1 $0x1  }
0x50: {  	[sflag:s31] =	ssyncpa.u1 $0x1  }
0x51: {  	p0 =	sne.s32 s0, $0x0;
	_ =	strace $0x90000047  }
0x52: {  	s0 =	sadd.s32 @!p0 $0x100000, s1;
	[bflag:$0x2] =	sbarrier.arrive $0xFFFF  }
0x53: {  	[sflag:s0] =	ssyncadd.tile.s32 @!p0 $0x1;
	_ =	shalt  }
.Lfunc_end2:
_tile_overlayer_lowered:
.L_overlay_start_2:
0x54: {  	(tag) =	ssettag $0x2  }
0x55: {  	s0 =	rddreg [dreg:$0x0];
	s2 =	stileid.u32  }
0x56: {  	s1 =	rddreg [dreg:$0x1];
	p0 =	sne.s32 s2, $0x0  }
0x57: {  	s3 =	rddreg [dreg:$0x2];
	[bflag:$0x3] =	sbarrier.arrive $0xFFFF;
	s2 =	simm.s32 @!p0 $0x1C01  }
0x58: {  	[timem:s3], [sflag:s2] =	dma.local @!p0 [hbm:s0], s1  }
0x59: {  	s0 =	simm.s32 @!p0 $0x1  }
0x5a: {  	_ =	swait.ge @!p0 [sflag:s0], s1  }
0x5b: {  	s1 =	ssub.s32 @!p0 $0x0, s1;
	[sflag:s0] =	ssyncset.done @!p0 $0x0  }
0x5c: {  	[sflag:s0] =	ssyncadd.s32 @!p0 s1  }
0x5d: {  	[bflag:$0x3] =	sbarrier.arrive $0xFFFF  }
0x5e: {  	_ =	shalt  }

// kernel: kernel.7.cloned.1.call-start
scs
__scs_entry_jumppad:
0x0: {  	(pc) =	sbr.rel $0x88, $3  }
0x1: {  	(tag) =	ssettag $0x0;
	lr =	simm.s32 $0x1  }
0x2: {  	[smem:$0x3F92] =	sst lr;
	_ =	strace $0xD0000000  }
0x3: {  	_ = 	snop  }
0x4: {  	_ = 	snop  }
0x5: {  	_ = 	snop  }
0x6: {  	_ = 	snop  }
0x7: {  	_ = 	snop  }
__scs_overlays_trampoline_lowered:
0x8: {  	[smem:$0x3FA1] =	sst s0  }
0x9: {  	[smem:$0x3FA2] =	sst s1  }
0xa: {  	[smem:$0x3FA3] =	sst s2  }
0xb: {  	[smem:$0x3FA4] =	sst s3  }
0xc: {  	[smem:$0x3FA5] =	sst s4  }
0xd: {  	[smem:$0x3FA6] =	sst s5  }
0xe: {  	[smem:$0x3FA7] =	sst s6  }
0xf: {  	[smem:$0x3FA8] =	sst s7  }
0x10: {  	[smem:$0x3FA9] =	sst s8  }
0x11: {  	[smem:$0x3FAA] =	sst s9;
	s0 =	simm.s32 @!p0 $0x0  }
0x12: {  	s1 =	sld [smem:$0x3F90];
	s0 =	simm.s32 @p0 $0x1  }
0x13: {  	[smem:$0x3FAB] =	sst s0;
	s0 =	simm.s32 @!p1 $0x0  }
0x14: {  	s2 =	sld [smem:$0x3F8F];
	s0 =	simm.s32 @p1 $0x1  }
0x15: {  	[smem:$0x3FAC] =	sst s0;
	s0 =	simm.s32 @!p2 $0x0  }
0x16: {  	s3 =	sld [smem:$0x3FDB];
	s0 =	simm.s32 @p2 $0x1  }
0x17: {  	s4 =	simm.s32 $0x1BF5;
	[smem:$0x3FAE] =	sst s0  }
0x18: {  	s0 =	sld [smem:$0x3F91];
	_ =	swait.ge [sflag:s4], $0x0  }
0x19: {  	s7 =	sld [smem:$0x3F92]  }
0x1a: {  	s8 =	sadd.s32 $0xFFFFE003, lr  }
0x1b: {  	s9 =	sadd.s32 $0xFFFFFEF7, lr;
	s5 =	simm.s32 $0xFFFFFFFF;
	p2 =	slt.u32 s8, $0xFFFFF086  }
0x1c: {  	p1 =	slt.u32 s9, $0xF7A;
	s5 =	simm.s32 @!p2 $0x0  }
0x1d: {  	s5 =	simm.s32 @p1 $0x1;
	p0 =	seq.s32 s7, s2  }
0x1e: {  	s7 =	smul.u32 @!p0 $0xF7A, s2;
	p2 =	seq.s32 @!p0 s5, $0x0  }
0x1f: {  	s9 =	smul.u32 $0xF7A, s1;
	s8 =	simm.s32 @!p0 $0x1BF5;
	p2 =	por !p2, p0  }
0x20: {  	[sflag:s8] =	ssyncset.s32 @!p0 $0xFFFFF086;
	s6 =	sadd.s32 @!p0 s3, s7;
	s7 =	simm.s32 @!p0 $0x108  }
0x21: {  	s3 =	sadd.s32 s3, s9;
	s6 =	sadd.s32 @!p0 $0x88, s6;
	s7 =	simm.s32 @p2 $0x1082  }
0x22: {  	[simem:s7], [sflag:s8] =	dma.local @!p0 [hbm:s6], $0xF7A  }
0x23: {  	s9 =	sor.u32 $0xD0000000, s2;
	s6 =	simm.s32 $0x108;
	_ =	swait.ge @!p0 [sflag:s8], $0x0  }
0x24: {  	s3 =	sadd.s32 $0x88, s3;
	s6 =	simm.s32 @!p1 $0x1082;
	[sflag:s4] =	ssyncset.s32 $0xFFFFF086  }
0x25: {  	[simem:s6], [sflag:s4] =	dma.local [hbm:s3], $0xF7A  }
0x26: {  	[smem:$0x3F92] =	sst s1;
	(tag) =	ssettag s2;
	_ =	strace s9  }
0x27: {  	s1 =	sld [smem:$0x3FA2]  }
0x28: {  	s2 =	sld [smem:$0x3FA3]  }
0x29: {  	s4 =	sld [smem:$0x3FA5]  }
0x2a: {  	p0 =	seq.s32 s5, $0x0;
	s5 =	sld [smem:$0x3FA6]  }
0x2b: {  	s6 =	sld [smem:$0x3FA7]  }
0x2c: {  	s7 =	sld [smem:$0x3FA8]  }
0x2d: {  	s3 =	simm.s32 $0x108;
	s8 =	sld [smem:$0x3FA9]  }
0x2e: {  	s3 =	simm.s32 @!p0 $0x1082;
	s9 =	sld [smem:$0x3FAA]  }
0x2f: {  	lr =	sadd.s32 s0, s3;
	s0 =	sld [smem:$0x3FA1]  }
0x30: {  	s3 =	sld [smem:$0x3FA4]  }
0x31: {  	[smem:$0x3FAD] =	sst s10  }
0x32: {  	s10 =	sld [smem:$0x3FAB];
	_ =	sdelay $0x3  }
0x33: {  	p0 =	seq.s32 s10, $0x1;
	s10 =	sld [smem:$0x3FAD];
	_ =	sdelay $0x3  }
0x34: {  	[smem:$0x3FAD] =	sst s10  }
0x35: {  	s10 =	sld [smem:$0x3FAC];
	_ =	sdelay $0x3  }
0x36: {  	p1 =	seq.s32 s10, $0x1;
	s10 =	sld [smem:$0x3FAD];
	_ =	sdelay $0x3  }
0x37: {  	[smem:$0x3FAD] =	sst s10  }
0x38: {  	s10 =	sld [smem:$0x3FAE]  }
0x39: {  	_ = 	snop;
	(pc) =	sbr.ind lr, $3  }
0x3a: {  	_ = 	snop  }
0x3b: {  	_ = 	snop  }
0x3c: {  	p2 =	seq.s32 s10, $0x1;
	s10 =	sld [smem:$0x3FAD]  }
0x3d: {  	_ =	shalt  }
0x3e: {  	_ =	shalt  }
0x3f: {  	_ =	shalt  }
0x40: {  	_ =	shalt  }
0x41: {  	_ =	shalt  }
0x42: {  	_ =	shalt  }
0x43: {  	_ =	shalt  }
0x44: {  	_ =	shalt  }
0x45: {  	_ =	shalt  }
0x46: {  	_ =	shalt  }
0x47: {  	_ =	shalt  }
0x48: {  	_ =	shalt  }
0x49: {  	_ =	shalt  }
0x4a: {  	_ =	shalt  }
0x4b: {  	_ =	shalt  }
0x4c: {  	_ =	shalt  }
0x4d: {  	_ =	shalt  }
0x4e: {  	_ =	shalt  }
0x4f: {  	_ =	shalt  }
0x50: {  	_ =	shalt  }
0x51: {  	_ =	shalt  }
0x52: {  	_ =	shalt  }
0x53: {  	_ =	shalt  }
0x54: {  	_ =	shalt  }
0x55: {  	_ =	shalt  }
0x56: {  	_ =	shalt  }
0x57: {  	_ =	shalt  }
0x58: {  	_ =	shalt  }
0x59: {  	_ =	shalt  }
0x5a: {  	_ =	shalt  }
0x5b: {  	_ =	shalt  }
0x5c: {  	_ =	shalt  }
0x5d: {  	_ =	shalt  }
0x5e: {  	_ =	shalt  }
0x5f: {  	_ =	shalt  }
0x60: {  	_ =	shalt  }
0x61: {  	_ =	shalt  }
0x62: {  	_ =	shalt  }
0x63: {  	_ =	shalt  }
0x64: {  	_ =	shalt  }
0x65: {  	_ =	shalt  }
0x66: {  	_ =	shalt  }
0x67: {  	_ =	shalt  }
0x68: {  	_ =	shalt  }
0x69: {  	_ =	shalt  }
0x6a: {  	_ =	shalt  }
0x6b: {  	_ =	shalt  }
0x6c: {  	_ =	shalt  }
0x6d: {  	_ =	shalt  }
0x6e: {  	_ =	shalt  }
0x6f: {  	_ =	shalt  }
0x70: {  	_ =	shalt  }
0x71: {  	_ =	shalt  }
0x72: {  	_ =	shalt  }
0x73: {  	_ =	shalt  }
0x74: {  	_ =	shalt  }
0x75: {  	_ =	shalt  }
0x76: {  	_ =	shalt  }
0x77: {  	_ =	shalt  }
0x78: {  	_ =	shalt  }
0x79: {  	_ =	shalt  }
0x7a: {  	_ =	shalt  }
0x7b: {  	_ =	shalt  }
0x7c: {  	_ =	shalt  }
0x7d: {  	_ =	shalt  }
0x7e: {  	_ =	shalt  }
0x7f: {  	_ =	shalt  }
0x80: {  	_ =	shalt  }
0x81: {  	_ =	shalt  }
0x82: {  	_ =	shalt  }
0x83: {  	_ =	shalt  }
0x84: {  	_ =	shalt  }
0x85: {  	_ =	shalt  }
0x86: {  	_ =	shalt  }
0x87: {  	_ =	shalt  }
.Lfunc_end0:
.L_simem_size_0:
called_computation.2_lowered:
.L_overlay_start_0:
0x88: {  	s2 =	sld [smem:$0x3FD9]  }
0x89: {  	s3 =	sld [smem:$0x3FFE];
	_ =	sdelay $0x1  }
0x8a: {  	s1 =	srdreg.scid  }
0x8b: {  	s0 =	sand.u32 $0x1, s1  }
0x8c: {  	s17 =	sshll.u32 s0, $0xA;
	s2 =	sadd.s32 s3, s2  }
0x8d: {  	s2 =	sadd.s32 s2, s17  }
0x8e: {  	[smem:$0x3FB9] =	sst s2  }
0x8f: {  	_ = 	snop  }
0x90: {  	s2 =	sld [smem:$0x3FD0];
	(tm) =	ssettm $0x1  }
0x91: {  	s18 =	sld [smem:$0x3FFB];
	_ =	sdelay $0x3  }
0x92: {  	_ =	strace s18  }
0x93: {  	s3 =	sld [smem:$0x3FFC];
	_ =	sdelay $0x3  }
0x94: {  	_ =	strace s3  }
0x95: {  	s3 =	sld [smem:$0x3FFD];
	_ =	sdelay $0x3  }
0x96: {  	_ =	strace s3  }
0x97: {  	_ =	strace $0x8FFFFFFF  }
0x98: {  	s19 =	sld [smem:$0x3FDB];
	_ =	sdelay $0x1  }
0x99: {  	s4 =	simm.s32 $_scs_section_size  }
0x9a: {  	s5 =	simm.s32 $_size__tile_overlayer_lowered;
	s6 =	simm.s32 $_tile_overlayer_lowered  }
0x9b: {  	s22 =	simm.s32 $0x1BFF;
	s21 =	sshll.u32 s6, $0x1;
	s3 =	sadd.s32 s4, s19  }
0x9c: {  	s7 =	simm.s32 $0x0;
	s20 =	sshll.u32 s5, $0x1;
	s5 =	sadd.s32 s21, s3  }
0x9d: {  	[timem:s7], [sflag:s22] =	dma.local [hbm:s5], s20  }
0x9e: {  	_ =	swait.ge [sflag:s22], s20  }
0x9f: {  	s4 =	ssub.s32 $0x0, s20;
	[sflag:s22] =	ssyncset.done $0x0  }
0xa0: {  	[sflag:s22] =	ssyncadd.s32 s4;
	_ =	sdelay $0x1  }
0xa1: {  	s23 =	simm.s32 $0x1B8B  }
0xa2: {  	_ =	swait.ge [sflag:s23], $0x1  }
0xa3: {  	[sflag:s23] =	ssyncset.done $0x0  }
0xa4: {  	s25 =	simm.s32 $0x1B8E;
	s24 =	sld [smem:$0x3FFE];
	[sflag:s23] =	ssyncadd.s32 $0xFFFFFFFF  }
0xa5: {  	s26 =	simm.s32 $execute0_lowered;
	[smem:$0x3FD2] =	sst s25  }
0xa6: {  	s5 =	sshll.u32 s26, $0x1;
	_ =	strace $0x8000004C;
	[dreg:$0x1] =	wrdreg $0xFFFFFFFF  }
0xa7: {  	s28 =	simm.s32 $_size_execute0_lowered;
	s3 =	sadd.s32 s3, s5;
	[dreg:$0x0] =	wrdreg $0x0  }
0xa8: {  	s5 =	sshll.u32 s28, $0x1;
	[dreg:$0x2] =	wrdreg s3  }
0xa9: {  	[dreg:$0x3] =	wrdreg s5  }
0xaa: {  	[dreg:$0x4] =	wrdreg $0xC0  }
0xab: {  	_ =	task [dreg:s7], $0x5FFFF  }
0xac: {  	[dreg:$0x1] =	wrdreg $0xFFFFFFFF  }
0xad: {  	[dreg:$0x0] =	wrdreg $0x60  }
0xae: {  	[dreg:$0x2] =	wrdreg s24  }
0xaf: {  	[dreg:$0x3] =	wrdreg s2  }
0xb0: {  	[dreg:$0x4] =	wrdreg $0x132400  }
0xb1: {  	[dreg:$0x5] =	wrdreg $0x9  }
0xb2: {  	_ =	task.clear_ibuf [dreg:s7], $0x6FFFF;
	_ =	strace $0x9000004C  }
0xb3: {  	s29 =	simm.s32 $0x9;
	_ =	strace $0x8000004E  }
0xb4: {  	_ =	swait.ge [sflag:s29], $0x1  }
0xb5: {  	[sflag:s29] =	ssyncadd.s32 $0xFFFFFFFF  }
0xb6: {  	_ =	strace $0x9000004E  }
0xb7: {  	_ =	sfence  }
0xb8: {  	s30 =	sld [smem:$0x0];
	_ =	sdelay $0x2  }
0xb9: {  	s31 =	sshll.u32 s1, $0xD;
	s1 =	sshrl.u32 s1, $0x2  }
0xba: {  	s3 =	sand.u32 $0x4000, s31;
	s1 =	sadd.s32 s1, s30  }
0xbb: {  	s0 =	sor.u32 s3, s0;
	s1 =	sshll.u32 s1, $0x11  }
0xbc: {  	s0 =	sor.u32 s1, s0  }
0xbd: {  	s0 =	sadd.s32 $0x8F2B, s0  }
0xbe: {  	[sflag:s0] =	ssyncadd.remote.s32 $0x1  }
0xbf: {  	_ =	sfence.sel $0xFFFF  }
0xc0: {  	[dreg:$0x0] =	wrdreg $0xFFFFFFFF;
	(pc) =	sbr.abs _section_cstart, $3  }
0xc1: {  	[dreg:$0x1] =	wrdreg $0xFFFFFFFF  }
0xc2: {  	_ =	task.clear_ibuf [dreg:s7], $0x2FFFF;
	_ =	strace $0x9FFFFFFF  }
0xc3: {  	(tm) =	ssettm $0x7FFFFFFF  }
tec
execute0_lowered:
.L_overlay_start_1:
0x0: {  	(tag) =	ssettag $0x1  }
0x1: {  	v0 =	vimm.s32 $0xFEDCBA9  }
0x2: {  	v1 =	vimm.s32 $0x87654321;
	v3 =	vimm.s32 $0x10FEDCBA;
	v4 =	vimm.s32 $0x98765432  }
0x3: {  	v49 =	vimm.s32 $0x210FEDCB;
	v5 =	vimm.s32 $0xA9876543;
	v6 =	vimm.s32 $0x3210FEDC  }
0x4: {  	v7 =	vimm.s32 $0xBA987654;
	v50 =	vimm.s32 $0x43210FED;
	v10 =	vimm.s32 $0xCBA98765  }
0x5: {  	v51 =	vimm.s32 $0x543210FE;
	v13 =	vimm.s32 $0xDCBA9876;
	v14 =	vimm.s32 $0x6543210F  }
0x6: {  	v15 =	vimm.s32 $0xFEDCBA98;
	v16 =	vimm.s32 $0xEDCBA987;
	v17 =	vimm.s32 $0x76543210  }
0x7: {  	vm0 =	vcmask $0x1F10;
	v58 =	vimm.s32 $0x18171615;
	v59 =	vimm.s32 $0x1D1C1B1A  }
0x8: {  	v60 =	vimm.s32 $0x11101F1E;
	v61 =	vimm.s32 $0x15141312;
	v62 =	vimm.s32 $0x19181716  }
0x9: {  	v21 =	vimm.s32 $0x1E1D1C1B;
	v22 =	vimm.s32 $0x1211101F;
	v24 =	vimm.s32 $0x16151413  }
0xa: {  	v25 =	vimm.s32 $0x1A191817;
	v26 =	vimm.s32 $0x1F1E1D1C;
	v27 =	vimm.s32 $0x13121110  }
0xb: {  	v28 =	vimm.s32 $0x17161514;
	v29 =	vimm.s32 $0x1B1A1918;
	v47 =	vimm.s32 $0x29282726  }
0xc: {  	v0 =	vunpack.c.l.s4.s8 v0;
	v1 =	vunpack.c.l.s4.s8 v1;
	v3 =	vunpack.c.l.s4.s8 v3  }
0xd: {  	v4 =	vunpack.c.l.s4.s8 v4;
	v5 =	vunpack.c.l.s4.s8 v5;
	v6 =	vunpack.c.l.s4.s8 v6  }
0xe: {  	v7 =	vunpack.c.l.s4.s8 v7;
	v10 =	vunpack.c.l.s4.s8 v10;
	v13 =	vunpack.c.l.s4.s8 v13  }
0xf: {  	v15 =	vunpack.c.l.s4.s8 v15;
	v14 =	vunpack.c.l.s4.s8 v14;
	v16 =	vunpack.c.l.s4.s8 v16  }
0x10: {  	v17 =	vunpack.c.l.s4.s8 v17;
	v21 =	vunpack.c.0.s8.s32 v21;
	v43 =	vunpack.c.0.s8.s32 v22  }
0x11: {  	v24 =	vunpack.c.0.s8.s32 v24;
	v25 =	vunpack.c.0.s8.s32 v25;
	v26 =	vunpack.c.0.s8.s32 v26  }
0x12: {  	v27 =	vunpack.c.0.s8.s32 v27;
	v28 =	vunpack.c.0.s8.s32 v28;
	v29 =	vunpack.c.0.s8.s32 v29  }
0x13: {  	v0 =	vunpack.c.0.s8.s32 v0;
	v1 =	vunpack.c.0.s8.s32 v1;
	v9 =	vunpack.c.0.s8.s32 v5  }
0x14: {  	v6 =	vunpack.c.0.s8.s32 v6;
	v7 =	vunpack.c.0.s8.s32 v7;
	v5 =	vunpack.c.l.s4.s8 v50  }
0x15: {  	v10 =	vunpack.c.0.s8.s32 v10;
	v13 =	vunpack.c.0.s8.s32 v13;
	v52 =	vunpack.c.0.s8.s32 v15  }
0x16: {  	v14 =	vunpack.c.0.s8.s32 v14;
	v53 =	vunpack.c.0.s8.s32 v16;
	v54 =	vunpack.c.0.s8.s32 v17  }
0x17: {  	v15 =	vunpack.c.0.s8.s32 v61;
	v16 =	vunpack.c.0.s8.s32 v62;
	v31 =	vsel vm0, v25, v24  }
0x18: {  	v32 =	vsel vm0, v27, v26;
	v45 =	vsel vm0, v29, v28;
	v48 =	vsel vm0, v24, v43  }
0x19: {  	v50 =	vsel vm0, v28, v27;
	v61 =	vimm.s32 $0x2D2C2B2A;
	v28 =	vimm.s32 $0x3C3B3A39  }
0x1a: {  	v2 =	vcombine.low v1, v0;
	v11 =	vcombine.low v7, v6;
	v12 =	vunpack.c.0.s8.s32 v5  }
0x1b: {  	v5 =	vunpack.c.l.s4.s8 v51;
	v41 =	vcombine.low v53, v14;
	v40 =	vcombine.low v0, v1  }
0x1c: {  	v0 =	vimm.s32 $0x1C1B1A19;
	v1 =	vimm.s32 $0x101F1E1D;
	v36 =	vcombine.low v14, v53  }
0x1d: {  	v14 =	vunpack.c.0.s8.s32 v60;
	v23 =	vsel vm0, v16, v15;
	v51 =	vsel vm0, v26, v29  }
0x1e: {  	v53 =	vimm.s32 $0x27262524;
	v29 =	vimm.s32 $0x3231303F;
	v56 =	vunpack.c.0.s8.s32 v0  }
0x1f: {  	v57 =	vunpack.c.0.s8.s32 v1;
	v0 =	vsel vm0, v43, v21;
	v1 =	vcombine.low v45, v32  }
0x20: {  	v43 =	vimm.s32 $0x3D3C3B3A;
	v30 =	vand.u32 $0xF, v2;
	v2 =	vunpack.c.0.s8.s32 v3  }
0x21: {  	v3 =	vunpack.c.0.s8.s32 v4;
	v4 =	vunpack.c.l.s4.s8 v49;
	v18 =	vunpack.c.0.s8.s32 v5  }
0x22: {  	v55 =	vcombine.low v10, v12;
	v5 =	vand.u32 $0xF, v52;
	v39 =	vand.u32 $0xF, v11  }
0x23: {  	v11 =	vcombine.low v31, v0;
	v44 =	vsel vm0, v15, v14;
	v49 =	vsel vm0, v21, v25  }
0x24: {  	v0 =	vcombine.low v0, v31;
	v46 =	vand.u32 $0xF, v41;
	v21 =	vimm.s32 $0x26252423  }
0x25: {  	v52 =	vimm.s32 $0x23222120;
	v25 =	vunpack.c.0.s8.s32 v53;
	v31 =	vimm.s32 $0x303F3E3D  }
0x26: {  	v41 =	vimm.s32 $0x38373635;
	v38 =	vcombine.low v5, v54;
	v42 =	vsel vm0, v57, v56  }
0x27: {  	v54 =	vimm.s32 $0x2C2B2A29;
	v21 =	vunpack.c.0.s8.s32 v21;
	v8 =	vcombine.low v3, v2  }
0x28: {  	v4 =	vunpack.c.0.s8.s32 v4;
	v19 =	vcombine.low v13, v18;
	v5 =	vcombine.low v2, v3  }
0x29: {  	v24 =	vunpack.c.0.s8.s32 v52;
	v3 =	vcombine.low v6, v7;
	v35 =	vcombine.low v18, v13  }
0x2a: {  	v13 =	vunpack.c.0.s8.s32 v59;
	v34 =	vand.u32 $0xF, v8;
	v8 =	vcombine.low v9, v4  }
0x2b: {  	v2 =	vcombine.low v4, v9;
	v4 =	vcombine.low v12, v10;
	v10 =	vimm.s32 $0x14131211  }
0x2c: {  	[tilespmem:$0x1F8E0] =	vst v0;
	v0 =	vcombine.low v32, v45;
	v12 =	vunpack.c.0.s8.s32 v58;
	v10 =	vunpack.c.0.s8.s32 v10  }
0x2d: {  	v32 =	vunpack.c.0.s8.s32 v54;
	v59 =	vimm.s32 $0x28272625;
	v45 =	vimm.s32 $0x25242322  }
0x2e: {  	v54 =	vimm.s32 $0x2B2A2928;
	v6 =	vsel vm0, v56, v12;
	v7 =	vsel vm0, v10, v57  }
0x2f: {  	[tilespmem:$0x1F800] =	vst v1;
	v20 =	vsel vm0, v14, v13;
	v63 =	vsel vm0, v13, v16;
	v1 =	vcombine.low v6, v7  }
0x30: {  	[tilespmem:$0x1F900] =	vst v0;
	v13 =	vunpack.c.0.s8.s32 v45;
	v14 =	vunpack.c.0.s8.s32 v47;
	v0 =	vcombine.low v7, v6  }
0x31: {  	v26 =	vunpack.c.0.s8.s32 v54;
	v60 =	vcombine.low v23, v20;
	[tilespmem:$0x1F820] =	vst v1;
	v1 =	vcombine.low v63, v44  }
0x32: {  	v56 =	vimm.s32 $0x202F2E2D;
	v47 =	vsel vm0, v14, v13;
	[tilespmem:$0x1F920] =	vst v0;
	v0 =	vcombine.low v44, v63  }
0x33: {  	v18 =	vsel vm0, v12, v10;
	v44 =	vimm.s32 $0x21202F2E;
	[tilespmem:$0x1F840] =	vst v1;
	v1 =	vcombine.low v49, v48  }
0x34: {  	v9 =	vcombine.low v18, v42;
	v63 =	vunpack.c.0.s8.s32 v61;
	v12 =	vunpack.c.0.s8.s32 v44;
	[tilespmem:$0x1F940] =	vst v0  }
0x35: {  	v57 =	vand.u32 $0xF, v19;
	v0 =	vcombine.low v48, v49;
	[tilespmem:$0x1F860] =	vst v1;
	v1 =	vcombine.low v51, v50  }
0x36: {  	v48 =	vimm.s32 $0x2E2D2C2B;
	v49 =	vimm.s32 $0x2221202F;
	v44 =	vsel vm0, v12, v63  }
0x37: {  	v19 =	vunpack.c.0.s8.s32 v49;
	v50 =	vimm.s32 $0x2A292827;
	[tilespmem:$0x1F880] =	vst v1;
	v1 =	vcombine.low v42, v18  }
0x38: {  	[tilespmem:$0x1F960] =	vst v0;
	v0 =	vcombine.low v47, v44;
	v51 =	vunpack.c.0.s8.s32 v50;
	v18 =	vunpack.c.0.s8.s32 v48  }
0x39: {  	v15 =	vunpack.c.0.s8.s32 v56;
	[tilespmem:$0x1F8A0] =	vst v1;
	v1 =	vcombine.low v20, v23;
	v23 =	vimm.s32 $0x2F2E2D2C  }
0x3a: {  	[tilespmem:$0x1F9B0] =	vst v0;
	v0 =	vsel vm0, v51, v21;
	v56 =	vsel vm0, v19, v18;
	v23 =	vunpack.c.0.s8.s32 v23  }
0x3b: {  	v62 =	vunpack.c.0.s8.s32 v59;
	v58 =	vimm.s32 $0x24232221;
	[tilespmem:$0x1F8C0] =	vst v1;
	v1 =	vcombine.low v0, v56  }
0x3c: {  	v59 =	vsel vm0, v26, v25;
	v7 =	vunpack.c.0.s8.s32 v58;
	v58 =	vsel vm0, v24, v23  }
0x3d: {  	v54 =	vimm.s32 $0x31303F3E;
	v6 =	vsel vm0, v15, v32;
	[tilespmem:$0x1F9D0] =	vst v1;
	v1 =	vcombine.low v59, v58  }
0x3e: {  	v32 =	vsel vm0, v32, v62;
	v16 =	vsel vm0, v62, v7;
	v7 =	vsel vm0, v7, v15  }
0x3f: {  	v37 =	vand.u32 $0xF, v8;
	v15 =	vunpack.c.0.s8.s32 v41;
	[tilespmem:$0x1F9F0] =	vst v1;
	v1 =	vcombine.low v32, v7  }
0x40: {  	v33 =	vcombine.low v16, v6;
	v61 =	vsel vm0, v13, v12;
	v42 =	vsel vm0, v63, v14  }
0x41: {  	v62 =	vsel vm0, v21, v19;
	v21 =	vimm.s32 $0x3F3E3D3C;
	[tilespmem:$0x1FA10] =	vst v1;
	v1 =	vcombine.low v42, v61  }
0x42: {  	v63 =	vsel vm0, v18, v51;
	v18 =	vsel vm0, v25, v24;
	v0 =	vcombine.low v56, v0  }
0x43: {  	v52 =	vunpack.c.0.s8.s32 v21;
	v21 =	vimm.s32 $0x33323130;
	[tilespmem:$0x1FA30] =	vst v1;
	v1 =	vcombine.low v63, v62  }
0x44: {  	v21 =	vunpack.c.0.s8.s32 v21;
	v19 =	vsel vm0, v23, v26;
	[tilespmem:$0x1FAC0] =	vst v0;
	v0 =	vcombine.low v58, v59  }
0x45: {  	v26 =	vand.u32 $0xF, v40;
	v40 =	vimm.s32 $0x34333231;
	[tilespmem:$0x1FA50] =	vst v1;
	v1 =	vcombine.low v19, v18  }
0x46: {  	v56 =	vimm.s32 $0x35343332;
	v14 =	vunpack.c.0.s8.s32 v40;
	v58 =	vimm.s32 $0x39383736;
	[tilespmem:$0x1FAE0] =	vst v0  }
0x47: {  	v59 =	vcombine.low v62, v63;
	v0 =	vunpack.c.0.s8.s32 v31;
	[tilespmem:$0x1FA70] =	vst v1;
	v1 =	vcombine.low v6, v16  }
0x48: {  	v40 =	vimm.s32 $0x3B3A3938;
	v48 =	vunpack.c.0.s8.s32 v58;
	v45 =	vsel vm0, v15, v14  }
0x49: {  	v31 =	vimm.s32 $0x36353433;
	v50 =	vsel vm0, v14, v0;
	[tilespmem:$0x1FA90] =	vst v1;
	v1 =	vcombine.low v7, v32  }
0x4a: {  	v18 =	vunpack.c.0.s8.s32 v29;
	v19 =	vunpack.c.0.s8.s32 v31;
	v6 =	vunpack.c.0.s8.s32 v28  }
0x4b: {  	v16 =	vunpack.c.0.s8.s32 v56;
	v28 =	vimm.s32 $0x3E3D3C3B;
	[tilespmem:$0x1FB00] =	vst v1;
	v1 =	vcombine.low v61, v42  }
0x4c: {  	v13 =	vunpack.c.0.s8.s32 v28;
	v51 =	vsel vm0, v0, v6;
	v7 =	vunpack.c.0.s8.s32 v43  }
0x4d: {  	v63 =	vsel vm0, v48, v16;
	v32 =	vimm.s32 $0x37363534;
	[tilespmem:$0x1FB20] =	vst v1;
	v1 =	vunpack.c.0.s8.s32 v54  }
0x4e: {  	v6 =	vsel vm0, v6, v15;
	v15 =	vunpack.c.0.s8.s32 v40;
	v43 =	vsel vm0, v21, v52  }
0x4f: {  	v14 =	vunpack.c.0.s8.s32 v32;
	v42 =	vimm.s32 $0x3A393837;
	v62 =	vsel vm0, v1, v7  }
0x50: {  	v41 =	vsel vm0, v16, v1;
	v1 =	vand.u32 $0xF, v2;
	v2 =	vcombine.low v51, v45  }
0x51: {  	v21 =	vsel vm0, v14, v21;
	v14 =	vsel vm0, v15, v14;
	v8 =	vcombine.low v63, v62  }
0x52: {  	v15 =	vsel vm0, v52, v15;
	v16 =	vunpack.c.0.s8.s32 v42;
	[tilespmem:$0x1FC80] =	vst v2;
	v2 =	vcombine.low v14, v43  }
0x53: {  	v0 =	vcombine.low v15, v21;
	[tilespmem:$0x1FBA0] =	vst v8;
	v8 =	vsel vm0, v18, v13  }
0x54: {  	v18 =	vsel vm0, v19, v18;
	v19 =	vsel vm0, v16, v19;
	[tilespmem:$0x1FBE0] =	vst v2;
	v2 =	vcombine.low v62, v63  }
0x55: {  	[tilespmem:$0x1FC60] =	vst v0;
	v0 =	vcombine.low v19, v8  }
0x56: {  	[tilespmem:$0x1FCA0] =	vst v2;
	v2 =	vcombine.low v6, v50  }
0x57: {  	[tilespmem:$0x1FBC0] =	vst v0  }
0x58: {  	v0 =	vand.u32 $0xF, v3;
	[tilespmem:$0x1FC00] =	vst v2;
	v2 =	vsel vm0, v13, v16  }
0x59: {  	v27 =	vand.u32 $0xF, v4;
	v4 =	vmov v0;
	v0 =	vcombine.low v2, v18;
	_ =	sdelay $0x1  }
0x5a: {  	[tilespmem:$0x1FC40] =	vst v0;
	v0 =	vcombine.low v43, v14;
	_ =	sdelay $0x1  }
0x5b: {  	v7 =	vsel vm0, v7, v48;
	[tilespmem:$0x1FCE0] =	vst v0;
	v0 =	vcombine.low v50, v6  }
0x5c: {  	v3 =	vcombine.low v7, v41  }
0x5d: {  	[tilespmem:$0x1FD00] =	vst v0;
	v0 =	vcombine.low v41, v7  }
0x5e: {  	[tilespmem:$0x1FC20] =	vst v3  }
0x5f: {  	v3 =	vcombine.low v8, v19;
	[tilespmem:$0x1FD20] =	vst v0;
	v0 =	vcombine.low v18, v2;
	_ =	sdelay $0x1  }
0x60: {  	[tilespmem:$0x1FD40] =	vst v0;
	v0 =	vimm.s32 $0x4C4B4A49  }
0x61: {  	v0 =	vunpack.c.0.s8.s32 v0  }
0x62: {  	[tilespmem:$0x1FCC0] =	vst v3;
	v3 =	vmov v1;
	v1 =	vimm.s32 $0x404F4E4D  }
0x63: {  	[tilespmem:$0x1F450] =	vst v0;
	v0 =	vunpack.c.0.s8.s32 v1;
	_ =	sdelay $0x1  }
0x64: {  	[tilespmem:$0x1F460] =	vst v0;
	v0 =	vimm.s32 $0x44434241  }
0x65: {  	v0 =	vunpack.c.0.s8.s32 v0;
	_ =	sdelay $0x1  }
0x66: {  	[tilespmem:$0x1F470] =	vst v0;
	v0 =	vimm.s32 $0x48474645  }
0x67: {  	v0 =	vunpack.c.0.s8.s32 v0  }
0x68: {  	v1 =	vimm.s32 $0x4D4C4B4A  }
0x69: {  	[tilespmem:$0x1F480] =	vst v0;
	v0 =	vunpack.c.0.s8.s32 v1;
	_ =	sdelay $0x1  }
0x6a: {  	[tilespmem:$0x1F490] =	vst v0;
	v0 =	vimm.s32 $0x41404F4E  }
0x6b: {  	v0 =	vunpack.c.0.s8.s32 v0;
	_ =	sdelay $0x1  }
0x6c: {  	[tilespmem:$0x1F4A0] =	vst v0;
	v0 =	vimm.s32 $0x45444342  }
0x6d: {  	v0 =	vunpack.c.0.s8.s32 v0  }
0x6e: {  	v1 =	vimm.s32 $0x49484746  }
0x6f: {  	[tilespmem:$0x1F4B0] =	vst v0;
	v0 =	vunpack.c.0.s8.s32 v1;
	_ =	sdelay $0x1  }
0x70: {  	[tilespmem:$0x1F4C0] =	vst v0;
	v0 =	vimm.s32 $0x4E4D4C4B  }
0x71: {  	v0 =	vunpack.c.0.s8.s32 v0;
	_ =	sdelay $0x1  }
0x72: {  	[tilespmem:$0x1F4D0] =	vst v0;
	v0 =	vimm.s32 $0x4241404F  }
0x73: {  	v0 =	vunpack.c.0.s8.s32 v0  }
0x74: {  	v1 =	vimm.s32 $0x46454443  }
0x75: {  	[tilespmem:$0x1F4E0] =	vst v0;
	v0 =	vunpack.c.0.s8.s32 v1;
	_ =	sdelay $0x1  }
0x76: {  	[tilespmem:$0x1F4F0] =	vst v0;
	v0 =	vimm.s32 $0x4A494847  }
0x77: {  	v0 =	vunpack.c.0.s8.s32 v0;
	_ =	sdelay $0x1  }
0x78: {  	[tilespmem:$0x1F500] =	vst v0;
	v0 =	vimm.s32 $0x4F4E4D4C  }
0x79: {  	v0 =	vunpack.c.0.s8.s32 v0  }
0x7a: {  	v1 =	vimm.s32 $0x43424140  }
0x7b: {  	[tilespmem:$0x1F510] =	vst v0;
	v0 =	vunpack.c.0.s8.s32 v1;
	_ =	sdelay $0x1  }
0x7c: {  	[tilespmem:$0x1F520] =	vst v0;
	v0 =	vimm.s32 $0x47464544  }
0x7d: {  	v0 =	vunpack.c.0.s8.s32 v0;
	_ =	sdelay $0x1  }
0x7e: {  	[tilespmem:$0x1F530] =	vst v0;
	v0 =	vimm.s32 $0x4B4A4948  }
0x7f: {  	v0 =	vunpack.c.0.s8.s32 v0  }
0x80: {  	v1 =	vimm.s32 $0x5C5B5A59  }
0x81: {  	[tilespmem:$0x1F540] =	vst v0;
	v0 =	vunpack.c.0.s8.s32 v1;
	_ =	sdelay $0x1  }
0x82: {  	[tilespmem:$0x1F550] =	vst v0;
	v0 =	vimm.s32 $0x505F5E5D  }
0x83: {  	v0 =	vunpack.c.0.s8.s32 v0;
	_ =	sdelay $0x1  }
0x84: {  	[tilespmem:$0x1F560] =	vst v0;
	v0 =	vimm.s32 $0x54535251  }
0x85: {  	v0 =	vunpack.c.0.s8.s32 v0  }
0x86: {  	v1 =	vimm.s32 $0x58575655  }
0x87: {  	[tilespmem:$0x1F570] =	vst v0;
	v0 =	vunpack.c.0.s8.s32 v1;
	_ =	sdelay $0x1  }
0x88: {  	[tilespmem:$0x1F580] =	vst v0;
	v0 =	vimm.s32 $0x5D5C5B5A  }
0x89: {  	v0 =	vunpack.c.0.s8.s32 v0;
	_ =	sdelay $0x1  }
0x8a: {  	[tilespmem:$0x1F590] =	vst v0;
	v0 =	vimm.s32 $0x51505F5E  }
0x8b: {  	v0 =	vunpack.c.0.s8.s32 v0  }
0x8c: {  	v1 =	vimm.s32 $0x55545352  }
0x8d: {  	[tilespmem:$0x1F5A0] =	vst v0;
	v0 =	vunpack.c.0.s8.s32 v1;
	_ =	sdelay $0x1  }
0x8e: {  	[tilespmem:$0x1F5B0] =	vst v0;
	v0 =	vimm.s32 $0x59585756  }
0x8f: {  	v0 =	vunpack.c.0.s8.s32 v0;
	_ =	sdelay $0x1  }
0x90: {  	[tilespmem:$0x1F5C0] =	vst v0;
	v0 =	vimm.s32 $0x5E5D5C5B  }
0x91: {  	v0 =	vunpack.c.0.s8.s32 v0  }
0x92: {  	v1 =	vimm.s32 $0x5251505F  }
0x93: {  	[tilespmem:$0x1F5D0] =	vst v0;
	v0 =	vunpack.c.0.s8.s32 v1;
	_ =	sdelay $0x1  }
0x94: {  	[tilespmem:$0x1F5E0] =	vst v0;
	v0 =	vimm.s32 $0x56555453  }
0x95: {  	v0 =	vunpack.c.0.s8.s32 v0;
	_ =	sdelay $0x1  }
0x96: {  	[tilespmem:$0x1F5F0] =	vst v0;
	v0 =	vimm.s32 $0x5A595857  }
0x97: {  	v0 =	vunpack.c.0.s8.s32 v0;
	_ =	sdelay $0x1  }
0x98: {  	[tilespmem:$0x1F600] =	vst v0;
	v0 =	vimm.s32 $0x53525150  }
0x99: {  	v32 =	vunpack.c.0.s8.s32 v0;
	v0 =	vimm.s32 $0x57565554  }
0x9a: {  	v23 =	vunpack.c.0.s8.s32 v0;
	v0 =	vimm.s32 $0x6C6B6A69  }
0x9b: {  	v15 =	vunpack.c.0.s8.s32 v0;
	v0 =	vimm.s32 $0x606F6E6D  }
0x9c: {  	v7 =	vmov v30;
	v30 =	vunpack.c.0.s8.s32 v0;
	v0 =	vimm.s32 $0x68676665  }
0x9d: {  	v10 =	vunpack.c.0.s8.s32 v0;
	v0 =	vimm.s32 $0x6D6C6B6A  }
0x9e: {  	v18 =	vunpack.c.0.s8.s32 v0;
	v0 =	vimm.s32 $0x65646362  }
0x9f: {  	v14 =	vunpack.c.0.s8.s32 v0;
	v0 =	vimm.s32 $0x69686766  }
0xa0: {  	v25 =	vunpack.c.0.s8.s32 v0;
	v0 =	vimm.s32 $0x6261606F  }
0xa1: {  	v12 =	vunpack.c.0.s8.s32 v0;
	v0 =	vimm.s32 $0x66656463  }
0xa2: {  	v53 =	vunpack.c.0.s8.s32 v0;
	v0 =	vimm.s32 $0x6F6E6D6C  }
0xa3: {  	v52 =	vunpack.c.0.s8.s32 v0;
	v0 =	vimm.s32 $0x63626160  }
0xa4: {  	v42 =	vmov v9;
	v9 =	vunpack.c.0.s8.s32 v0;
	v0 =	vimm.s32 $0x6B6A6968  }
0xa5: {  	v48 =	vunpack.c.0.s8.s32 v0;
	v0 =	vimm.s32 $0x7C7B7A79  }
0xa6: {  	v20 =	vunpack.c.0.s8.s32 v0;
	v0 =	vimm.s32 $0x74737271  }
0xa7: {  	v13 =	vmov v46;
	v46 =	vunpack.c.0.s8.s32 v0;
	v0 =	vimm.s32 $0x78777675  }
0xa8: {  	v24 =	vand.u32 $0xF, v5;
	v63 =	vunpack.c.0.s8.s32 v0;
	v0 =	vimm.s32 $0x71707F7E  }
0xa9: {  	v56 =	vimm.s32 $0x79787776;
	v40 =	vunpack.c.0.s8.s32 v0;
	v0 =	vimm.s32 $0x75747372  }
0xaa: {  	v16 =	vand.u32 $0xF, v35;
	v35 =	vunpack.c.0.s8.s32 v0;
	v0 =	vimm.s32 $0x7E7D7C7B  }
0xab: {  	s0 =	srdreg.scid;
	v49 =	vunpack.c.0.s8.s32 v56;
	v56 =	vunpack.c.0.s8.s32 v0;
	v0 =	vimm.s32 $0x7271707F  }
0xac: {  	s2 =	sand.u32 $0x1, s0;
	v50 =	vimm.s32 $0x6A696867;
	v21 =	vunpack.c.0.s8.s32 v0;
	v0 =	vimm.s32 $0x7A797877  }
0xad: {  	s1 =	sshll.u32 s2, $0x6;
	v5 =	vmovc v37;
	v37 =	vunpack.c.0.s8.s32 v50;
	v50 =	vunpack.c.0.s8.s32 v0;
	v0 =	vimm.s32 $0x7F7E7D7C  }
0xae: {  	v29 =	vand.u32 $0xF, v36;
	v36 =	vunpack.c.0.s8.s32 v0;
	v0 =	vor.u32 s1, v57  }
0xaf: {  	v6 =	vmov v38;
	[tilespmem:$0x1F670] =	vst v0;
	v0 =	vor.u32 s1, v13  }
0xb0: {  	[tilespmem:$0x1F690] =	vst v0;
	v0 =	vor.u32 s1, v6  }
0xb1: {  	[tilespmem:$0x1F6B0] =	vst v0;
	v0 =	vor.u32 s1, v26  }
0xb2: {  	[tilespmem:$0x1F6D0] =	vst v0;
	v0 =	vor.u32 s1, v24  }
0xb3: {  	[tilespmem:$0x1F6F0] =	vst v0;
	v0 =	vor.u32 s1, v3  }
0xb4: {  	v17 =	vcombine.low v44, v47;
	v58 =	vimm.s32 $0x76757473;
	[tilespmem:$0x1F710] =	vst v0;
	v0 =	vor.u32 s1, v4  }
0xb5: {  	v47 =	vunpack.c.0.s8.s32 v58;
	v58 =	vlaneseq.u32;
	[tilespmem:$0x1F730] =	vst v0;
	v0 =	vor.u32 s1, v27  }
0xb6: {  	[tilespmem:$0x1F750] =	vst v0;
	v0 =	vor.u32 $0x10, v58  }
0xb7: {  	[tilespmem:$0x1F7A0] =	vst v0;
	v0 =	vor.u32 s1, v0  }
0xb8: {  	[tilespmem:$0x1F7B0] =	vst v0;
	v0 =	vor.u32 s1, v42  }
0xb9: {  	v61 =	vcombine.low v45, v51;
	v45 =	vmov v11;
	[tilespmem:$0x1F7D0] =	vst v0;
	v0 =	vor.u32 s1, v60  }
0xba: {  	[tilespmem:$0x1F7E0] =	vst v0;
	v0 =	vor.u32 s1, v45  }
0xbb: {  	[tilespmem:$0x1F7F0] =	vst v0;
	v0 =	vld [tilespmem:$0x1F800];
	_ =	sdelay $0x4  }
0xbc: {  	v0 =	vor.u32 s1, v0  }
0xbd: {  	[tilespmem:$0x1F810] =	vst v0;
	v0 =	vld [tilespmem:$0x1F820];
	_ =	sdelay $0x4  }
0xbe: {  	v0 =	vor.u32 s1, v0  }
0xbf: {  	[tilespmem:$0x1F830] =	vst v0;
	v0 =	vld [tilespmem:$0x1F840];
	_ =	sdelay $0x4  }
0xc0: {  	v0 =	vor.u32 s1, v0  }
0xc1: {  	[tilespmem:$0x1F850] =	vst v0;
	v0 =	vld [tilespmem:$0x1F860];
	_ =	sdelay $0x4  }
0xc2: {  	v0 =	vor.u32 s1, v0  }
0xc3: {  	[tilespmem:$0x1F870] =	vst v0;
	v0 =	vld [tilespmem:$0x1F880];
	_ =	sdelay $0x4  }
0xc4: {  	v0 =	vor.u32 s1, v0  }
0xc5: {  	[tilespmem:$0x1F890] =	vst v0;
	v0 =	vld [tilespmem:$0x1F8A0]  }
0xc6: {  	[tilespmem:$0x1F740] =	vst v27  }
0xc7: {  	[tilespmem:$0x1F660] =	vst v57  }
0xc8: {  	[tilespmem:$0x1F630] =	vst v5  }
0xc9: {  	[tilespmem:$0x1F6C0] =	vst v26  }
0xca: {  	[tilespmem:$0x1F6E0] =	vst v24;
	v0 =	vor.u32 s1, v0  }
0xcb: {  	[tilespmem:$0x1F8B0] =	vst v0;
	v0 =	vld [tilespmem:$0x1F8C0]  }
0xcc: {  	[tilespmem:$0x1FB40] =	vst v59  }
0xcd: {  	[tilespmem:$0x1F780] =	vst v29;
	v31 =	vor.u32 s1, v29  }
0xce: {  	v55 =	vand.u32 $0xF, v55;
	[tilespmem:$0x1F790] =	vst v31  }
0xcf: {  	[tilespmem:$0x1FB80] =	vst v61;
	v11 =	vmov v55  }
0xd0: {  	[tilespmem:$0x1F650] =	vst v11;
	v0 =	vor.u32 s1, v0  }
0xd1: {  	[tilespmem:$0x1F8D0] =	vst v0;
	v0 =	vld [tilespmem:$0x1F8E0]  }
0xd2: {  	[tilespmem:$0x1F7C0] =	vst v42  }
0xd3: {  	v8 =	vmov v34;
	[tilespmem:$0x1F720] =	vst v4  }
0xd4: {  	[tilespmem:$0x1F620] =	vst v8  }
0xd5: {  	[tilespmem:$0x1F680] =	vst v13  }
0xd6: {  	[tilespmem:$0x1F760] =	vst v16;
	v0 =	vor.u32 s1, v0  }
0xd7: {  	[tilespmem:$0x1F8F0] =	vst v0;
	v0 =	vld [tilespmem:$0x1F900]  }
0xd8: {  	[tilespmem:$0x1F700] =	vst v3  }
0xd9: {  	[tilespmem:$0x1F6A0] =	vst v6  }
0xda: {  	[tilespmem:$0x1F610] =	vst v7;
	v2 =	vmov v39  }
0xdb: {  	s6 =	rddreg [dreg:$0x0];
	[tilespmem:$0x1F640] =	vst v2;
	v27 =	vor.u32 s1, v16  }
0xdc: {  	s3 =	rddreg [dreg:$0x2];
	s7 =	simm.s32 $0x0;
	[tilespmem:$0x1F770] =	vst v27;
	v0 =	vor.u32 s1, v0  }
0xdd: {  	[smem:$0x7FF] =	sst s7;
	[tilespmem:$0x1F910] =	vst v0  }
0xde: {  	s0 =	rddreg [dreg:$0x1];
	_ =	strace $0x8000004D  }
0xdf: {  	v0 =	vld [tilespmem:$0x1F920];
	_ =	sdelay $0x4  }
0xe0: {  	v0 =	vor.u32 s1, v0  }
0xe1: {  	[tilespmem:$0x1F930] =	vst v0;
	v0 =	vld [tilespmem:$0x1F940];
	_ =	sdelay $0x4  }
0xe2: {  	v0 =	vor.u32 s1, v0  }
0xe3: {  	[tilespmem:$0x1F950] =	vst v0;
	v0 =	vor.u32 $0x20, v58  }
0xe4: {  	[tilespmem:$0x1F980] =	vst v0;
	v0 =	vor.u32 s1, v0  }
0xe5: {  	[tilespmem:$0x1F990] =	vst v0;
	v0 =	vor.u32 s1, v33  }
0xe6: {  	[tilespmem:$0x1F9A0] =	vst v0;
	v0 =	vld [tilespmem:$0x1F9B0];
	_ =	sdelay $0x4  }
0xe7: {  	v0 =	vor.u32 s1, v0  }
0xe8: {  	[tilespmem:$0x1F9C0] =	vst v0;
	v0 =	vld [tilespmem:$0x1F9D0];
	_ =	sdelay $0x4  }
0xe9: {  	v0 =	vor.u32 s1, v0  }
0xea: {  	[tilespmem:$0x1F9E0] =	vst v0;
	v0 =	vld [tilespmem:$0x1F9F0];
	_ =	sdelay $0x4  }
0xeb: {  	v0 =	vor.u32 s1, v0  }
0xec: {  	[tilespmem:$0x1FA00] =	vst v0;
	v0 =	vld [tilespmem:$0x1FA10];
	_ =	sdelay $0x4  }
0xed: {  	v0 =	vor.u32 s1, v0  }
0xee: {  	[tilespmem:$0x1FA20] =	vst v0;
	v0 =	vld [tilespmem:$0x1FA30];
	_ =	sdelay $0x4  }
0xef: {  	v0 =	vor.u32 s1, v0  }
0xf0: {  	[tilespmem:$0x1FA40] =	vst v0;
	v0 =	vld [tilespmem:$0x1FA50];
	_ =	sdelay $0x4  }
0xf1: {  	v0 =	vor.u32 s1, v0  }
0xf2: {  	[tilespmem:$0x1FA60] =	vst v0;
	v0 =	vld [tilespmem:$0x1FA70];
	_ =	sdelay $0x4  }
0xf3: {  	v0 =	vor.u32 s1, v0  }
0xf4: {  	[tilespmem:$0x1FA80] =	vst v0;
	v0 =	vld [tilespmem:$0x1FA90];
	_ =	sdelay $0x4  }
0xf5: {  	v0 =	vor.u32 s1, v0  }
0xf6: {  	[tilespmem:$0x1FAA0] =	vst v0;
	v0 =	vor.u32 s1, v17  }
0xf7: {  	[tilespmem:$0x1FAB0] =	vst v0;
	v0 =	vld [tilespmem:$0x1FAC0];
	_ =	sdelay $0x4  }
0xf8: {  	v0 =	vor.u32 s1, v0  }
0xf9: {  	[tilespmem:$0x1FAD0] =	vst v0;
	v0 =	vld [tilespmem:$0x1FAE0];
	_ =	sdelay $0x4  }
0xfa: {  	v0 =	vor.u32 s1, v0  }
0xfb: {  	[tilespmem:$0x1FAF0] =	vst v0;
	v0 =	vld [tilespmem:$0x1FB00];
	_ =	sdelay $0x4  }
0xfc: {  	v0 =	vor.u32 s1, v0  }
0xfd: {  	[tilespmem:$0x1FB10] =	vst v0;
	v0 =	vld [tilespmem:$0x1FB20];
	_ =	sdelay $0x4  }
0xfe: {  	v0 =	vor.u32 s1, v0  }
0xff: {  	[tilespmem:$0x1FB30] =	vst v0;
	v0 =	vld [tilespmem:$0x1FB40];
	_ =	sdelay $0x4  }
0x100: {  	v0 =	vor.u32 s1, v0  }
0x101: {  	[tilespmem:$0x1FB50] =	vst v0;
	v0 =	vor.u32 $0x30, v58  }
0x102: {  	[tilespmem:$0x1FB60] =	vst v0;
	v0 =	vor.u32 s1, v0  }
0x103: {  	[tilespmem:$0x1FB70] =	vst v0;
	v0 =	vld [tilespmem:$0x1FB80];
	_ =	sdelay $0x4  }
0x104: {  	v0 =	vor.u32 s1, v0  }
0x105: {  	[tilespmem:$0x1FB90] =	vst v0;
	v0 =	vld [tilespmem:$0x1FBA0];
	_ =	sdelay $0x4  }
0x106: {  	v0 =	vor.u32 s1, v0  }
0x107: {  	[tilespmem:$0x1FBB0] =	vst v0;
	v0 =	vld [tilespmem:$0x1FBC0];
	_ =	sdelay $0x4  }
0x108: {  	v0 =	vor.u32 s1, v0  }
0x109: {  	[tilespmem:$0x1FBD0] =	vst v0;
	v0 =	vld [tilespmem:$0x1FBE0];
	_ =	sdelay $0x4  }
0x10a: {  	v0 =	vor.u32 s1, v0  }
0x10b: {  	[tilespmem:$0x1FBF0] =	vst v0;
	v0 =	vld [tilespmem:$0x1FC00];
	_ =	sdelay $0x4  }
0x10c: {  	v0 =	vor.u32 s1, v0  }
0x10d: {  	[tilespmem:$0x1FC10] =	vst v0;
	v0 =	vld [tilespmem:$0x1FC20];
	_ =	sdelay $0x4  }
0x10e: {  	v0 =	vor.u32 s1, v0  }
0x10f: {  	[tilespmem:$0x1FC30] =	vst v0;
	v0 =	vld [tilespmem:$0x1FC40];
	_ =	sdelay $0x4  }
0x110: {  	v0 =	vor.u32 s1, v0  }
0x111: {  	[tilespmem:$0x1FC50] =	vst v0;
	v0 =	vld [tilespmem:$0x1FC60]  }
0x112: {  	[tilespmem:$0x1FD70] =	vst v23  }
0x113: {  	[tilespmem:$0x1FD80] =	vst v60  }
0x114: {  	[tilespmem:$0x1FD90] =	vst v45  }
0x115: {  	v22 =	vor.u32 s1, v5;
	v1 =	vimm.s32 $0x5F5E5D5C;
	[tilespmem:$0x1FDA0] =	vst v35  }
0x116: {  	v34 =	vunpack.c.0.s8.s32 v1;
	[tilespmem:$0x1FDB0] =	vst v22;
	v0 =	vor.u32 s1, v0  }
0x117: {  	[tilespmem:$0x1FC70] =	vst v0;
	v0 =	vld [tilespmem:$0x1FC80]  }
0x118: {  	v1 =	vimm.s32 $0x5B5A5958;
	[tilespmem:$0x1FDC0] =	vst v34  }
0x119: {  	v5 =	vor.u32 s1, v2;
	v19 =	vunpack.c.0.s8.s32 v1;
	v1 =	vimm.s32 $0x64636261;
	[tilespmem:$0x1FDD0] =	vst v15  }
0x11a: {  	v28 =	vunpack.c.0.s8.s32 v1;
	[tilespmem:$0x1FDE0] =	vst v5  }
0x11b: {  	[tilespmem:$0x1FDF0] =	vst v32  }
0x11c: {  	[tilespmem:$0x1FE00] =	vst v28;
	v0 =	vor.u32 s1, v0  }
0x11d: {  	v44 =	vor.u32 s1, v8;
	[tilespmem:$0x1FC90] =	vst v0;
	v0 =	vld [tilespmem:$0x1FCA0]  }
0x11e: {  	v43 =	vor.u32 s1, v7;
	[tilespmem:$0x1FE10] =	vst v44  }
0x11f: {  	v39 =	vor.u32 s1, v58;
	[tilespmem:$0x1FE20] =	vst v43  }
0x120: {  	[tilespmem:$0x1FE30] =	vst v39  }
0x121: {  	[tilespmem:$0x1FE40] =	vst v48  }
0x122: {  	[tilespmem:$0x1FE60] =	vst v10;
	v0 =	vor.u32 s1, v0  }
0x123: {  	[tilespmem:$0x1FCB0] =	vst v0;
	v0 =	vld [tilespmem:$0x1FCC0]  }
0x124: {  	[tilespmem:$0x1FE70] =	vst v33  }
0x125: {  	[tilespmem:$0x1FE80] =	vst v19  }
0x126: {  	[tilespmem:$0x1FE90] =	vst v52  }
0x127: {  	[tilespmem:$0x1FEA0] =	vst v46  }
0x128: {  	[tilespmem:$0x1FEB0] =	vst v49;
	v0 =	vor.u32 s1, v0  }
0x129: {  	[tilespmem:$0x1FCD0] =	vst v0;
	v0 =	vld [tilespmem:$0x1FCE0]  }
0x12a: {  	[tilespmem:$0x1FEC0] =	vst v30  }
0x12b: {  	v61 =	vimm.s32 $0x73727170;
	v51 =	vimm.s32 $0x67666564;
	[tilespmem:$0x1FED0] =	vst v56  }
0x12c: {  	v59 =	vunpack.c.0.s8.s32 v51;
	v51 =	vunpack.c.0.s8.s32 v61;
	v61 =	vor.u32 s1, v11;
	[tilespmem:$0x1FEE0] =	vst v21  }
0x12d: {  	[tilespmem:$0x1FEF0] =	vst v61  }
0x12e: {  	v54 =	vimm.s32 $0x707F7E7D;
	v55 =	vimm.s32 $0x7D7C7B7A;
	[tilespmem:$0x1FF00] =	vst v18;
	v0 =	vor.u32 s1, v0  }
0x12f: {  	v41 =	vunpack.c.0.s8.s32 v54;
	v54 =	vunpack.c.0.s8.s32 v55;
	[tilespmem:$0x1FCF0] =	vst v0;
	v0 =	vld [tilespmem:$0x1FD00]  }
0x130: {  	[tilespmem:$0x1FF10] =	vst v63  }
0x131: {  	[tilespmem:$0x1FF20] =	vst v54  }
0x132: {  	[tilespmem:$0x1FF30] =	vst v40  }
0x133: {  	[tilespmem:$0x1FF40] =	vst v17  }
0x134: {  	[tilespmem:$0x1FF50] =	vst v12;
	v0 =	vor.u32 s1, v0  }
0x135: {  	[tilespmem:$0x1FD10] =	vst v0;
	v0 =	vld [tilespmem:$0x1FD20]  }
0x136: {  	s4 =	stileid.u32;
	s15 =	simm.s32 $0x12040;
	s16 =	simm.s32 $0x40;
	[tilespmem:$0x1FF60] =	vst v41  }
0x137: {  	s17 =	simm.s32 $0xA040;
	s18 =	simm.s32 $0xE040;
	s19 =	simm.s32 $0x1;
	[tilespmem:$0x1FF70] =	vst v20  }
0x138: {  	s20 =	simm.s32 $0x3;
	s21 =	simm.s32 $0xA000;
	s22 =	simm.s32 $0x6;
	[tilespmem:$0x1FF80] =	vst v53  }
0x139: {  	s23 =	simm.s32 $0x2;
	s24 =	simm.s32 $0x4;
	s25 =	smul.u32 $0xA00, s4;
	[tilespmem:$0x1FF90] =	vst v9  }
0x13a: {  	s28 =	simm.s32 $0x10;
	s29 =	simm.s32 $0x9;
	s12 =	smul.u32 $0x46500, s4;
	v1 =	vimm.s32 $0x61606F6E;
	[tilespmem:$0x1FFA0] =	vst v37;
	v8 =	vld [tilespmem:$0x1F960];
	v0 =	vor.u32 s1, v0  }
0x13b: {  	s30 =	simm.s32 $0x0;
	p0 =	slt.u32 s4, $0x4;
	s13 =	smul.u32 $0x3E80, s4;
	v62 =	vunpack.c.0.s8.s32 v1;
	v1 =	vimm.s32 $0x6E6D6C6B;
	[tilespmem:$0x1FD30] =	vst v0;
	v0 =	vld [tilespmem:$0x1FD40]  }
0x13c: {  	s5 =	sshll.u32 s2, $0x4;
	s9 =	smul.u32 $0x27100, s2;
	s2 =	ssub.s32 $0x2, s2;
	v1 =	vunpack.c.0.s8.s32 v1;
	[tilespmem:$0x1FFB0] =	vst v25  }
0x13d: {  	s5 =	sor.u32 s4, s5;
	s10 =	sadd.s32 s25, s6;
	s26 =	sshrl.u32 s2, $0x1;
	[tilespmem:$0x1FFC0] =	vst v62  }
0x13e: {  	s12 =	sshrl.u32 s12, $0x2;
	s25 =	simm.s32 $0xC040;
	s5 =	smul.u32 $0xA00, s5;
	[tilespmem:$0x1FFD0] =	vst v1  }
0x13f: {  	s11 =	sadd.s32 s9, s6;
	s2 =	ssub.s32 s2, s26;
	s26 =	simm.s32 $0x10040;
	[tilespmem:$0x1FFE0] =	vst v59;
	v42 =	vor.u32 s1, v8  }
.Ltmp0:
0x140: {  	s13 =	sadd.s32 s13, s11;
	s11 =	sadd.s32 s12, s3;
	v57 =	vimm.s32 $0x7B7A7978;
	[tilespmem:$0x1F970] =	vst v42;
	v0 =	vor.u32 s1, v0;
	(pc) =	sbr.rel .LBB2_1-.Ltmp0, $4  }
0x141: {  	s8 =	sadd.s32 s5, s6;
	s5 =	sadd.s32 $0x21200, s6;
	s6 =	simm.s32 $0x13A;
	v42 =	vunpack.c.0.s8.s32 v57;
	[tilespmem:$0x1FD50] =	vst v0;
	v0 =	vimm.s32 $0x77767574  }
0x142: {  	s12 =	sadd.s32 $0x8D400, s13;
	s13 =	simm.s32 $0x5;
	s6 =	simm.s32 @!p0 $0x138;
	[tilespmem:$0x1FFF0] =	vst v14;
	v0 =	vunpack.c.0.s8.s32 v0  }
0x143: {  	s31 =	sadd.s32 $0x79400, s8;
	s8 =	sadd.s32 $0x6F400, s10;
	s10 =	smax.u32 s2, $0x1;
	[tilespmem:$0x1FE50] =	vst v42  }
0x144: {  	p0 =	sgt.u32 s4, $0x9;
	s9 =	sadd.s32 $0xFFFFFFFF, s6;
	[dreg:$0x4] =	wrdreg s31;
	[tilespmem:$0x1FD60] =	vst v0;
	v0 =	vimm.f32 $0.0e+00  }
.LBB2_20:
0x145: {  	[sflag:s13] =	ssyncset.done $0x0  }
0x146: {  	[sflag:s13] =	ssyncadd.s32 $0xFFFFFE98  }
.LBB2_21:
0x147: {  	s30 =	sadd.s32 $0x1, s30  }
0x148: {  	p1 =	sne.s32 s30, s10  }
.Ltmp1:
0x149: {  	_ = 	snop;
	(pc) =	sbr.rel @!p1 .LBB2_22-.Ltmp1, $1  }
0x14a: {  	_ =	sdelay $0x3  }
.LBB2_1:
0x14b: {  	s1 =	simm.s32 $0x0;
	s2 =	rddreg [dreg:$0x4]  }
0x14c: {  	[tilespmem:s1], [sflag:$0x5] =	stream.linear.gather [hbm4b:s2+s1], $0x5000, $0x38;
	[tilespmem:$0x1E208] =	vst v63  }
0x14d: {  	_ =	swait.ge [sflag:s13], $0x5000  }
0x14e: {  	[sflag:s13] =	ssyncset.done $0x0  }
0x14f: {  	s31 =	simm.s32 $0x5000;
	[sflag:s13] =	ssyncadd.s32 $0xFFFFB000  }
0x150: {  	[tilespmem:s31], [sflag:$0x5] =	stream.linear.gather [hbm4b:s8+s1], $0x5000, $0x38;
	[tilespmem:$0x1E208] =	vst v63  }
0x151: {  	_ =	swait.ge [sflag:s13], $0x5000  }
0x152: {  	[sflag:s13] =	ssyncset.done $0x0  }
0x153: {  	s1 =	simm.s32 $0x0;
	[sflag:s13] =	ssyncadd.s32 $0xFFFFB000  }
0x154: {  	s2 =	simm.s32 $0x120;
	[tilespmem:s1+$0x12060] =	vst v0  }
.LBB2_2:
0x155: {  	p1 =	sne.s32 s2, $0x46E0;
	[tilespmem:s1+$0x12050] =	vst v0;
	s31 =	smov.u32 s2;
	s2 =	sadd.s32 $0x120, s2  }
.Ltmp2:
0x156: {  	[tilespmem:s1+$0x12070] =	vst v0;
	(pc) =	sbr.rel @p1 .LBB2_2-.Ltmp2, $4  }
0x157: {  	[tilespmem:s1+$0x12078] =	vst v0  }
0x158: {  	[tilespmem:s1+$0x12040] =	vst v0  }
0x159: {  	s1 =	sshra.s32 s31, $0x2  }
0x15a: {  	[tilespmem:s1+$0x12060] =	vst v0  }
.Ltmp3:
0x15b: {  	(pc) =	sbr.rel @p0 .LBB2_7-.Ltmp3, $4  }
0x15c: {  	[tilespmem:s1+$0x12050] =	vst v0  }
0x15d: {  	[tilespmem:s1+$0x12070] =	vst v0  }
0x15e: {  	[tilespmem:s1+$0x12040] =	vst v0  }
0x15f: {  	[tilespmem:s1+$0x12078] =	vst v0;
	s1 =	simm.s32 $0x0  }
0x160: {  	s2 =	sshra.s32 s1, $0x2  }
0x161: {  	s2 =	sadd.s32 s2, s11  }
0x162: {  	[spmem:s2] =	stream.linear.scatter [tilespmem:s15], [sflag:$0x5], $0xB40, $0x38;
	[tilespmem:$0x1E208] =	vst v63  }
0x163: {  	s1 =	sadd.s32 $0x2D00, s1;
	_ =	swait.ge [sflag:s13], $0xB40  }
.LBB2_5:
0x164: {  	s2 =	sshra.s32 s1, $0x2;
	[sflag:s13] =	ssyncset.done $0x0;
	p1 =	sne.s32 s1, $0x43800  }
.Ltmp4:
0x165: {  	s2 =	sadd.s32 s2, s11;
	[sflag:s13] =	ssyncadd.s32 $0xFFFFF4C0;
	(pc) =	sbr.rel @p1 .LBB2_5-.Ltmp4, $3  }
0x166: {  	[spmem:s2] =	stream.linear.scatter [tilespmem:s15], [sflag:$0x5], $0xB40, $0x38;
	[tilespmem:$0x1E208] =	vst v63  }
0x167: {  	s1 =	sadd.s32 $0x2D00, s1;
	_ =	sdelay $0x1  }
0x168: {  	_ =	swait.ge [sflag:s13], $0xB40  }
0x169: {  	[sflag:s13] =	ssyncset.done $0x0  }
0x16a: {  	[sflag:s13] =	ssyncadd.s32 $0xFFFFF4C0  }
.LBB2_7:
.Ltmp5:
0x16b: {  	(pc) =	sbr.rel .LBB2_8-.Ltmp5, $4  }
0x16c: {  	[bflag:$0x0] =	sbarrier.arrive $0xFFFF;
	s31 =	simm.s32 $0x0  }
0x16d: {  	[tilespmem:s17], [sflag:$0x1] =	stream.indirect.gather [hbm4b:s5+s16], $0x80, s31, s16, $0xb8;
	[tilespmem:$0x1E208] =	vst v63  }
0x16e: {  	s1 =	simm.s32 $0x5000  }
0x16f: {  	[tilespmem:s18], [sflag:$0x3] =	stream.indirect.gather [hbm4b:s0+s16], $0x80, s1, s16, $0xb8;
	[tilespmem:$0x1E208] =	vst v63  }
.LBB2_16:
0x170: {  	s31 =	sadd.s32 $0x1, s31  }
0x171: {  	p1 =	sne.s32 s31, $0x9D  }
.Ltmp6:
0x172: {  	_ = 	snop;
	(pc) =	sbr.rel @!p1 .LBB2_17-.Ltmp6, $1  }
0x173: {  	_ =	sdelay $0x3  }
.LBB2_8:
0x174: {  	s2 =	sshll.u32 s31, $0x1  }
0x175: {  	p2 =	sge.u32 s2, s6  }
.Ltmp7:
0x176: {  	_ = 	snop;
	(pc) =	sbr.rel @p2 .LBB2_12-.Ltmp7, $2  }
0x177: {  	_ =	sdelay $0x2  }
0x178: {  	p1 =	sge.u32 s2, s9  }
0x179: {  	s1 =	sshll.u32 @!p1 s31, $0x7  }
0x17a: {  	s14 =	simm.s32 @!p1 $0x40;
	s7 =	simm.s32 @!p1 $0xC040;
	s4 =	sor.u32 @!p1 $0x40, s1  }
0x17b: {  	[tilespmem:s7], [sflag:$0x2] =	stream.indirect.gather @!p1 [hbm4b:s5+s14], $0x80, s4, s14, $0xb8;
	[tilespmem:$0x1E208] =	vst v63  }
0x17c: {  	s1 =	sadd.s32 @!p1 $0x5040, s1;
	s4 =	simm.s32 @!p1 $0x10040  }
0x17d: {  	[tilespmem:s4], [sflag:$0x4] =	stream.indirect.gather @!p1 [hbm4b:s0+s14], $0x80, s1, s14, $0xb8;
	[tilespmem:$0x1E208] =	vst v63  }
0x17e: {  	_ =	swait.ge [sflag:s19], $0x2000  }
0x17f: {  	[sflag:s19] =	ssyncset.done $0x0  }
0x180: {  	[sflag:s19] =	ssyncadd.s32 $0xFFFFE000  }
0x181: {  	_ =	swait.ge [sflag:s20], $0x2000  }
0x182: {  	v44 =	vmov v51;
	v51 =	vld [tilespmem:$0x1F7A0]  }
0x183: {  	v55 =	vld [tilespmem:$0x1F980]  }
0x184: {  	[sflag:s20] =	ssyncset.done $0x0;
	v37 =	vld [tilespmem:$0x1FB60]  }
0x185: {  	v45 =	vmov v42;
	v42 =	vmov v21;
	s1 =	simm.s32 $0x0;
	v61 =	vld [tilespmem:$0x1FD60];
	[sflag:s20] =	ssyncadd.s32 $0xFFFFE000  }
.LBB2_10:
0x186: {  	v4 =	vld [tilespmem:$0x1FE30]  }
0x187: {  	v63 =	vld [tilespmem:$0x1F610]  }
0x188: {  	v6 =	vld [tilespmem:$0x1FE20]  }
0x189: {  	v54 =	vld [tilespmem:$0x1F620]  }
0x18a: {  	v8 =	vld [tilespmem:$0x1FE10]  }
0x18b: {  	v57 =	vld [tilespmem:$0x1F630]  }
0x18c: {  	v10 =	vld [tilespmem:$0x1FDB0]  }
0x18d: {  	v40 =	vld [tilespmem:$0x1F640]  }
0x18e: {  	v12 =	vld [tilespmem:$0x1FDE0]  }
0x18f: {  	v62 =	vld [tilespmem:$0x1F650]  }
0x190: {  	v14 =	vld [tilespmem:$0x1FEF0]  }
0x191: {  	v46 =	vld [tilespmem:$0x1F660]  }
0x192: {  	v16 =	vld [tilespmem:$0x1F670]  }
0x193: {  	v39 =	vld [tilespmem:$0x1F680]  }
0x194: {  	v18 =	vld [tilespmem:$0x1F690]  }
0x195: {  	v53 =	vld [tilespmem:$0x1F6A0]  }
0x196: {  	v20 =	vld [tilespmem:$0x1F6B0]  }
0x197: {  	v38 =	vld [tilespmem:$0x1F6C0]  }
0x198: {  	v22 =	vld [tilespmem:$0x1F6D0]  }
0x199: {  	v41 =	vld [tilespmem:$0x1F6E0]  }
0x19a: {  	v24 =	vld [tilespmem:$0x1F6F0]  }
0x19b: {  	v48 =	vld [tilespmem:$0x1F700]  }
0x19c: {  	v26 =	vld [tilespmem:$0x1F710]  }
0x19d: {  	v59 =	vld [tilespmem:$0x1F720]  }
0x19e: {  	v2 =	vor.u32 s1, v58;
	v28 =	vld [tilespmem:$0x1F730]  }
0x19f: {  	v60 =	vld [tilespmem:$0x1F740];
	v1 =	vshll.u32 v2, $0x7  }
0x1a0: {  	v30 =	vld [tilespmem:$0x1F750];
	v3 =	vor.u32 v58, v1  }
0x1a1: {  	v43 =	vld [tilespmem:$0x1F760];
	v4 =	vor.u32 v4, v1  }
0x1a2: {  	v32 =	vld [tilespmem:$0x1F770];
	v5 =	vor.u32 v63, v1  }
0x1a3: {  	v52 =	vld [tilespmem:$0x1F780];
	v6 =	vor.u32 v6, v1  }
0x1a4: {  	v34 =	vld [tilespmem:$0x1F790];
	v7 =	vor.u32 v54, v1  }
0x1a5: {  	v8 =	vor.u32 v8, v1;
	v3 =	vld.idx.msk [tilespmem:v3+s17+$0x0], $0xffff  }
0x1a6: {  	v9 =	vor.u32 v57, v1;
	v4 =	vld.idx.msk [tilespmem:v4+s18+$0x0], $0xffff  }
0x1a7: {  	v10 =	vor.u32 v10, v1;
	v5 =	vld.idx.msk [tilespmem:v5+s17+$0x0], $0xffff  }
0x1a8: {  	v11 =	vor.u32 v40, v1;
	v6 =	vld.idx.msk [tilespmem:v6+s18+$0x0], $0xffff  }
0x1a9: {  	v12 =	vor.u32 v12, v1;
	v7 =	vld.idx.msk [tilespmem:v7+s17+$0x0], $0xffff  }
0x1aa: {  	v13 =	vor.u32 v62, v1;
	v8 =	vld.idx.msk [tilespmem:v8+s18+$0x0], $0xffff  }
0x1ab: {  	v14 =	vor.u32 v14, v1;
	v9 =	vld.idx.msk [tilespmem:v9+s17+$0x0], $0xffff  }
0x1ac: {  	v15 =	vor.u32 v46, v1;
	v10 =	vld.idx.msk [tilespmem:v10+s18+$0x0], $0xffff  }
0x1ad: {  	v16 =	vor.u32 v16, v1;
	v11 =	vld.idx.msk [tilespmem:v11+s17+$0x0], $0xffff  }
0x1ae: {  	v17 =	vor.u32 v39, v1;
	v12 =	vld.idx.msk [tilespmem:v12+s18+$0x0], $0xffff  }
0x1af: {  	v18 =	vor.u32 v18, v1;
	v13 =	vld.idx.msk [tilespmem:v13+s17+$0x0], $0xffff  }
0x1b0: {  	v19 =	vor.u32 v53, v1;
	v14 =	vld.idx.msk [tilespmem:v14+s18+$0x0], $0xffff  }
0x1b1: {  	v20 =	vor.u32 v20, v1;
	v15 =	vld.idx.msk [tilespmem:v15+s17+$0x0], $0xffff  }
0x1b2: {  	v21 =	vor.u32 v38, v1;
	v16 =	vld.idx.msk [tilespmem:v16+s18+$0x0], $0xffff  }
0x1b3: {  	v22 =	vor.u32 v22, v1;
	v17 =	vld.idx.msk [tilespmem:v17+s17+$0x0], $0xffff  }
0x1b4: {  	v23 =	vor.u32 v41, v1;
	v18 =	vld.idx.msk [tilespmem:v18+s18+$0x0], $0xffff  }
0x1b5: {  	v24 =	vor.u32 v24, v1;
	v19 =	vld.idx.msk [tilespmem:v19+s17+$0x0], $0xffff  }
0x1b6: {  	v25 =	vor.u32 v48, v1;
	v20 =	vld.idx.msk [tilespmem:v20+s18+$0x0], $0xffff  }
0x1b7: {  	v26 =	vor.u32 v26, v1;
	v21 =	vld.idx.msk [tilespmem:v21+s17+$0x0], $0xffff  }
0x1b8: {  	v27 =	vor.u32 v59, v1;
	v22 =	vld.idx.msk [tilespmem:v22+s18+$0x0], $0xffff  }
0x1b9: {  	v28 =	vor.u32 v28, v1;
	v23 =	vld.idx.msk [tilespmem:v23+s17+$0x0], $0xffff  }
0x1ba: {  	v29 =	vor.u32 v60, v1;
	v24 =	vld.idx.msk [tilespmem:v24+s18+$0x0], $0xffff  }
0x1bb: {  	v30 =	vor.u32 v30, v1;
	v25 =	vld.idx.msk [tilespmem:v25+s17+$0x0], $0xffff  }
0x1bc: {  	v31 =	vor.u32 v43, v1;
	v26 =	vld.idx.msk [tilespmem:v26+s18+$0x0], $0xffff  }
0x1bd: {  	v32 =	vor.u32 v32, v1;
	v27 =	vld.idx.msk [tilespmem:v27+s17+$0x0], $0xffff  }
0x1be: {  	v33 =	vor.u32 v52, v1;
	v28 =	vld.idx.msk [tilespmem:v28+s18+$0x0], $0xffff  }
0x1bf: {  	v29 =	vld.idx.msk [tilespmem:v29+s17+$0x0], $0xffff  }
0x1c0: {  	v34 =	vor.u32 v34, v1;
	v3 =	vmul.f32 v4, v3;
	v4 =	vmul.f32 v6, v5;
	v5 =	vld.idx.msk [tilespmem:v30+s18+$0x0], $0xffff  }
0x1c1: {  	v6 =	vmul.f32 v8, v7;
	v8 =	vld.idx.msk [tilespmem:v31+s17+$0x0], $0xffff  }
0x1c2: {  	v30 =	vmul.f32 v10, v9;
	v9 =	vmul.f32 v12, v11;
	v10 =	vld.idx.msk [tilespmem:v32+s18+$0x0], $0xffff  }
0x1c3: {  	v31 =	vld.idx.msk [tilespmem:v33+s17+$0x0], $0xffff;
	v32 =	vmul.f32 v16, v15;
	v33 =	vmul.f32 v18, v17  }
0x1c4: {  	v20 =	vmul.f32 v20, v19;
	v22 =	vmul.f32 v22, v21;
	v3 =	vadd.f32 $0.0e+00, v3  }
0x1c5: {  	v18 =	vld.idx.msk [tilespmem:v34+s18+$0x0], $0xffff;
	v4 =	vadd.f32 $0.0e+00, v4;
	v7 =	vadd.f32 $0.0e+00, v30;
	v30 =	vmul.f32 v14, v13  }
0x1c6: {  	v23 =	vmul.f32 v24, v23;
	v24 =	vmul.f32 v26, v25;
	v6 =	vadd.f32 $0.0e+00, v6  }
0x1c7: {  	v25 =	vmul.f32 v28, v27;
	v3 =	vadd.f32 v9, v3;
	v4 =	vadd.f32 v30, v4  }
0x1c8: {  	v6 =	vadd.f32 v32, v6;
	v7 =	vadd.f32 v33, v7;
	v5 =	vmul.f32 v5, v29  }
0x1c9: {  	v8 =	vmul.f32 v10, v8;
	v3 =	vadd.f32 v20, v3;
	v4 =	vadd.f32 v22, v4  }
0x1ca: {  	v26 =	vmul.f32 v18, v31;
	v6 =	vadd.f32 v23, v6;
	v7 =	vadd.f32 v24, v7  }
0x1cb: {  	v3 =	vadd.f32 v25, v3;
	v4 =	vadd.f32 v5, v4  }
0x1cc: {  	v27 =	vadd.f32 v8, v6;
	v28 =	vadd.f32 v26, v7;
	_ =	sdelay $0x1  }
0x1cd: {  	v3 =	vadd.f32 v4, v3;
	v29 =	vadd.f32 v28, v27;
	_ =	sdelay $0x1  }
0x1ce: {  	v3 =	vadd.f32 v29, v3;
	_ =	sdelay $0x1  }
0x1cf: {  	v3 =	vmul.f32 $2.500000000e-01, v3;
	_ =	sdelay $0x1  }
0x1d0: {  	v3 =	vmax.f32 v3, $-5.000000000e+00  }
0x1d1: {  	v3 =	vmin.f32 v3, $5.000000000e+00  }
0x1d2: {  	v3 =	vmul.f32 $1.442695020e+00, v3;
	_ =	sdelay $0x1  }
0x1d3: {  	(erf) = vpow2.f32 v3;
	_ =	sdelay $0x2  }
0x1d4: {  	v2 =	vmul.u32 $0x48, v2;
	v15 =	vld [tilespmem:$0x1F450]  }
0x1d5: {  	v16 =	vld [tilespmem:$0x1F460]  }
0x1d6: {  	v17 =	vld [tilespmem:$0x1F470];
	v30 =	vor.u32 $0x40, v58;
	v3 =	vadd.s32 $0x40, v2  }
0x1d7: {  	v18 =	vld [tilespmem:$0x1F480];
	v4 =	vor.u32 v30, v1;
	_ =	sdelay $0x2  }
0x1d8: {  	v5 =	vpop (erf)  }
0x1d9: {  	v19 =	vld [tilespmem:$0x1F490];
	[tilespmem:v3+s15+$0x0] =	vst.idx.msk $0xffff, v5  }
0x1da: {  	v6 =	vsel vm0, v18, v17;
	v3 =	vld.idx.msk [tilespmem:v4+s17+$0x0], $0xffff;
	v4 =	vsel vm0, v16, v15  }
0x1db: {  	v21 =	vld [tilespmem:$0x1F4B0];
	v31 =	vcombine.low v6, v4  }
0x1dc: {  	v32 =	vadd.s32 v58, v2;
	v20 =	vld [tilespmem:$0x1F4A0]  }
0x1dd: {  	v22 =	vld [tilespmem:$0x1F4C0];
	v7 =	vor.u32 v31, v1;
	_ =	sdelay $0x1  }
0x1de: {  	v3 =	vmul.f32 v5, v3;
	_ =	sdelay $0x1  }
0x1df: {  	v34 =	vadd.s32 v63, v2;
	v63 =	vld [tilespmem:$0x1F4F0];
	[tilespmem:v32+s15+$0x0] =	vst.idx.msk $0xffff, v3  }
0x1e0: {  	v8 =	vsel vm0, v22, v21;
	v3 =	vld.idx.msk [tilespmem:v7+s17+$0x0], $0xffff;
	v7 =	vsel vm0, v20, v19  }
0x1e1: {  	v23 =	vld [tilespmem:$0x1F4D0];
	v33 =	vcombine.low v8, v7  }
0x1e2: {  	v24 =	vld [tilespmem:$0x1F4E0]  }
0x1e3: {  	v26 =	vld [tilespmem:$0x1F500];
	v9 =	vor.u32 v33, v1;
	_ =	sdelay $0x1  }
0x1e4: {  	v3 =	vmul.f32 v5, v3;
	_ =	sdelay $0x1  }
0x1e5: {  	v27 =	vld [tilespmem:$0x1F510];
	[tilespmem:v34+s15+$0x0] =	vst.idx.msk $0xffff, v3  }
0x1e6: {  	v10 =	vsel vm0, v26, v63;
	v3 =	vld.idx.msk [tilespmem:v9+s17+$0x0], $0xffff;
	v9 =	vsel vm0, v24, v23  }
0x1e7: {  	v28 =	vld [tilespmem:$0x1F520];
	v31 =	vcombine.low v10, v9  }
0x1e8: {  	v30 =	vld [tilespmem:$0x1F540];
	v32 =	vadd.s32 v54, v2  }
0x1e9: {  	v29 =	vld [tilespmem:$0x1F530];
	v11 =	vor.u32 v31, v1;
	_ =	sdelay $0x1  }
0x1ea: {  	v3 =	vmul.f32 v5, v3;
	_ =	sdelay $0x1  }
0x1eb: {  	[tilespmem:v32+s15+$0x0] =	vst.idx.msk $0xffff, v3  }
0x1ec: {  	v12 =	vsel vm0, v30, v29;
	v3 =	vld.idx.msk [tilespmem:v11+s17+$0x0], $0xffff;
	v11 =	vsel vm0, v28, v27  }
0x1ed: {  	v33 =	vcombine.low v12, v11  }
0x1ee: {  	v34 =	vadd.s32 v57, v2  }
0x1ef: {  	v13 =	vor.u32 v33, v1;
	_ =	sdelay $0x1  }
0x1f0: {  	v3 =	vmul.f32 v5, v3;
	_ =	sdelay $0x1  }
0x1f1: {  	[tilespmem:v34+s15+$0x0] =	vst.idx.msk $0xffff, v3  }
0x1f2: {  	v14 =	vsel vm0, v15, v18;
	v3 =	vld.idx.msk [tilespmem:v13+s17+$0x0], $0xffff;
	v13 =	vsel vm0, v17, v16  }
0x1f3: {  	v15 =	vcombine.low v14, v13  }
0x1f4: {  	v40 =	vadd.s32 v40, v2  }
0x1f5: {  	v15 =	vor.u32 v15, v1;
	_ =	sdelay $0x1  }
0x1f6: {  	v3 =	vmul.f32 v3, v5;
	_ =	sdelay $0x1  }
0x1f7: {  	[tilespmem:v40+s15+$0x0] =	vst.idx.msk $0xffff, v3  }
0x1f8: {  	v54 =	vsel vm0, v19, v22;
	v3 =	vld.idx.msk [tilespmem:v15+s17+$0x0], $0xffff;
	v15 =	vsel vm0, v21, v20  }
0x1f9: {  	v57 =	vcombine.low v54, v15  }
0x1fa: {  	v62 =	vadd.s32 v62, v2  }
0x1fb: {  	v17 =	vor.u32 v57, v1;
	_ =	sdelay $0x1  }
0x1fc: {  	v3 =	vmul.f32 v3, v5;
	_ =	sdelay $0x1  }
0x1fd: {  	[tilespmem:v62+s15+$0x0] =	vst.idx.msk $0xffff, v3  }
0x1fe: {  	v63 =	vsel vm0, v63, v24;
	v24 =	vsel vm0, v23, v26;
	v3 =	vld.idx.msk [tilespmem:v17+s17+$0x0], $0xffff  }
0x1ff: {  	v25 =	vcombine.low v24, v63  }
0x200: {  	v26 =	vadd.s32 v46, v2  }
0x201: {  	v19 =	vor.u32 v25, v1;
	_ =	sdelay $0x1  }
0x202: {  	v3 =	vmul.f32 v3, v5;
	_ =	sdelay $0x1  }
0x203: {  	[tilespmem:v26+s15+$0x0] =	vst.idx.msk $0xffff, v3  }
0x204: {  	v29 =	vsel vm0, v29, v28;
	v31 =	vsel vm0, v27, v30;
	v3 =	vld.idx.msk [tilespmem:v19+s17+$0x0], $0xffff  }
0x205: {  	v19 =	vcombine.low v31, v29  }
0x206: {  	v32 =	vadd.s32 v39, v2  }
0x207: {  	v19 =	vor.u32 v19, v1;
	_ =	sdelay $0x1  }
0x208: {  	v3 =	vmul.f32 v3, v5;
	_ =	sdelay $0x1  }
0x209: {  	[tilespmem:v32+s15+$0x0] =	vst.idx.msk $0xffff, v3  }
0x20a: {  	v3 =	vld.idx.msk [tilespmem:v19+s17+$0x0], $0xffff  }
0x20b: {  	v4 =	vcombine.low v4, v6  }
0x20c: {  	v33 =	vadd.s32 v53, v2  }
0x20d: {  	v4 =	vor.u32 v4, v1;
	_ =	sdelay $0x1  }
0x20e: {  	v3 =	vmul.f32 v3, v5;
	_ =	sdelay $0x1  }
0x20f: {  	[tilespmem:v33+s15+$0x0] =	vst.idx.msk $0xffff, v3  }
0x210: {  	v3 =	vld.idx.msk [tilespmem:v4+s17+$0x0], $0xffff  }
0x211: {  	v34 =	vcombine.low v7, v8  }
0x212: {  	v38 =	vadd.s32 v38, v2  }
0x213: {  	v4 =	vor.u32 v34, v1;
	_ =	sdelay $0x1  }
0x214: {  	v3 =	vmul.f32 v3, v5;
	_ =	sdelay $0x1  }
0x215: {  	[tilespmem:v38+s15+$0x0] =	vst.idx.msk $0xffff, v3  }
0x216: {  	v3 =	vld.idx.msk [tilespmem:v4+s17+$0x0], $0xffff  }
0x217: {  	v39 =	vcombine.low v9, v10  }
0x218: {  	v40 =	vadd.s32 v41, v2  }
0x219: {  	v4 =	vor.u32 v39, v1;
	_ =	sdelay $0x1  }
0x21a: {  	v3 =	vmul.f32 v3, v5;
	_ =	sdelay $0x1  }
0x21b: {  	[tilespmem:v40+s15+$0x0] =	vst.idx.msk $0xffff, v3  }
0x21c: {  	v3 =	vld.idx.msk [tilespmem:v4+s17+$0x0], $0xffff  }
0x21d: {  	v41 =	vcombine.low v11, v12  }
0x21e: {  	v46 =	vadd.s32 v48, v2  }
0x21f: {  	v4 =	vor.u32 v41, v1;
	_ =	sdelay $0x1  }
0x220: {  	v3 =	vmul.f32 v3, v5;
	_ =	sdelay $0x1  }
0x221: {  	[tilespmem:v46+s15+$0x0] =	vst.idx.msk $0xffff, v3  }
0x222: {  	v3 =	vld.idx.msk [tilespmem:v4+s17+$0x0], $0xffff  }
0x223: {  	v48 =	vcombine.low v13, v14  }
0x224: {  	v53 =	vadd.s32 v59, v2  }
0x225: {  	v23 =	vld [tilespmem:$0x1F850];
	v4 =	vor.u32 v48, v1  }
0x226: {  	v25 =	vld [tilespmem:$0x1F870]  }
0x227: {  	v27 =	vld [tilespmem:$0x1F890];
	v3 =	vmul.f32 v3, v5  }
0x228: {  	v14 =	vld [tilespmem:$0x1F7D0]  }
0x229: {  	v12 =	vld [tilespmem:$0x1F7B0];
	[tilespmem:v53+s15+$0x0] =	vst.idx.msk $0xffff, v3  }
0x22a: {  	v3 =	vld.idx.msk [tilespmem:v4+s17+$0x0], $0xffff  }
0x22b: {  	v21 =	vld [tilespmem:$0x1F830];
	v54 =	vcombine.low v15, v54  }
0x22c: {  	v15 =	vld [tilespmem:$0x1F7E0];
	v57 =	vadd.s32 v60, v2  }
0x22d: {  	v60 =	vadd.s32 v43, v2;
	v43 =	vld [tilespmem:$0x1FD80];
	v4 =	vor.u32 v54, v1  }
0x22e: {  	v62 =	vadd.s32 v52, v2;
	v52 =	vld [tilespmem:$0x1FD90]  }
0x22f: {  	v17 =	vld [tilespmem:$0x1F7F0];
	v3 =	vmul.f32 v3, v5  }
0x230: {  	v29 =	vld [tilespmem:$0x1F8B0]  }
0x231: {  	v31 =	vld [tilespmem:$0x1F8D0];
	[tilespmem:v57+s15+$0x0] =	vst.idx.msk $0xffff, v3  }
0x232: {  	v3 =	vld.idx.msk [tilespmem:v4+s17+$0x0], $0xffff  }
0x233: {  	v59 =	vcombine.low v63, v24;
	v19 =	vld [tilespmem:$0x1F810]  }
0x234: {  	v33 =	vld [tilespmem:$0x1F910]  }
0x235: {  	v34 =	vld [tilespmem:$0x1F8F0];
	v4 =	vor.u32 v59, v1  }
0x236: {  	v39 =	vld [tilespmem:$0x1F900]  }
0x237: {  	v40 =	vld [tilespmem:$0x1F7C0];
	v3 =	vmul.f32 v3, v5  }
0x238: {  	v41 =	vld [tilespmem:$0x1F8E0]  }
0x239: {  	v46 =	vld [tilespmem:$0x1F8A0];
	[tilespmem:v60+s15+$0x0] =	vst.idx.msk $0xffff, v3  }
0x23a: {  	v3 =	vld.idx.msk [tilespmem:v4+s17+$0x0], $0xffff  }
0x23b: {  	v48 =	vld [tilespmem:$0x1F920]  }
0x23c: {  	v53 =	vld [tilespmem:$0x1F800]  }
0x23d: {  	v63 =	vor.u32 v51, v1;
	v54 =	vld [tilespmem:$0x1F820]  }
0x23e: {  	v7 =	vor.u32 v12, v1;
	v57 =	vld [tilespmem:$0x1F840]  }
0x23f: {  	v13 =	vor.u32 v40, v1;
	v59 =	vld [tilespmem:$0x1F8C0];
	v3 =	vmul.f32 v3, v5  }
0x240: {  	v8 =	vor.u32 v14, v1;
	v60 =	vld [tilespmem:$0x1F940]  }
0x241: {  	v6 =	vor.u32 v15, v1;
	[tilespmem:v62+s15+$0x0] =	vst.idx.msk $0xffff, v3;
	v62 =	vld [tilespmem:$0x1F880]  }
0x242: {  	v16 =	vor.u32 v52, v1;
	v4 =	vld.idx.msk [tilespmem:v63+s17+$0x0], $0xffff  }
0x243: {  	v10 =	vor.u32 v17, v1;
	v7 =	vld.idx.msk [tilespmem:v7+s18+$0x0], $0xffff  }
0x244: {  	v18 =	vor.u32 v53, v1;
	v5 =	vld.idx.msk [tilespmem:v13+s17+$0x0], $0xffff  }
0x245: {  	v12 =	vor.u32 v19, v1;
	v8 =	vld.idx.msk [tilespmem:v8+s18+$0x0], $0xffff  }
0x246: {  	v6 =	vld.idx.msk [tilespmem:v6+s18+$0x0], $0xffff  }
0x247: {  	v20 =	vor.u32 v54, v1;
	v9 =	vld.idx.msk [tilespmem:v16+s17+$0x0], $0xffff  }
0x248: {  	v14 =	vor.u32 v21, v1;
	v10 =	vld.idx.msk [tilespmem:v10+s18+$0x0], $0xffff  }
0x249: {  	v22 =	vor.u32 v57, v1;
	v11 =	vld.idx.msk [tilespmem:v18+s17+$0x0], $0xffff  }
0x24a: {  	v28 =	vor.u32 v46, v1;
	v12 =	vld.idx.msk [tilespmem:v12+s18+$0x0], $0xffff  }
0x24b: {  	v30 =	vor.u32 v59, v1;
	v63 =	vld [tilespmem:$0x1F860]  }
0x24c: {  	v32 =	vor.u32 v41, v1;
	v13 =	vld.idx.msk [tilespmem:v20+s17+$0x0], $0xffff  }
0x24d: {  	v38 =	vor.u32 v39, v1;
	v14 =	vld.idx.msk [tilespmem:v14+s18+$0x0], $0xffff  }
0x24e: {  	v15 =	vld.idx.msk [tilespmem:v22+s17+$0x0], $0xffff  }
0x24f: {  	v3 =	vor.u32 v43, v1;
	v21 =	vld.idx.msk [tilespmem:v28+s17+$0x0], $0xffff  }
0x250: {  	v16 =	vor.u32 v23, v1;
	v23 =	vld.idx.msk [tilespmem:v30+s17+$0x0], $0xffff  }
0x251: {  	v18 =	vor.u32 v25, v1;
	v25 =	vld.idx.msk [tilespmem:v32+s17+$0x0], $0xffff;
	v26 =	vor.u32 v62, v1  }
0x252: {  	v20 =	vor.u32 v27, v1;
	v27 =	vld.idx.msk [tilespmem:v38+s17+$0x0], $0xffff  }
0x253: {  	v38 =	vld [tilespmem:$0x1F950]  }
0x254: {  	v3 =	vld.idx.msk [tilespmem:v3+s17+$0x0], $0xffff  }
0x255: {  	v16 =	vld.idx.msk [tilespmem:v16+s18+$0x0], $0xffff  }
0x256: {  	v24 =	vor.u32 v63, v1;
	v19 =	vld.idx.msk [tilespmem:v26+s17+$0x0], $0xffff  }
0x257: {  	v26 =	vor.u32 v34, v1;
	v34 =	vld [tilespmem:$0x1F930]  }
0x258: {  	v22 =	vor.u32 v29, v1;
	v18 =	vld.idx.msk [tilespmem:v18+s18+$0x0], $0xffff  }
0x259: {  	v28 =	vor.u32 v33, v1;
	v32 =	vor.u32 v38, v1;
	v38 =	vld [tilespmem:$0x1F960]  }
0x25a: {  	v29 =	vor.u32 v48, v1;
	v20 =	vld.idx.msk [tilespmem:v20+s18+$0x0], $0xffff  }
0x25b: {  	v17 =	vld.idx.msk [tilespmem:v24+s17+$0x0], $0xffff  }
0x25c: {  	v24 =	vor.u32 v31, v1;
	v30 =	vor.u32 v34, v1;
	v34 =	vld [tilespmem:$0x1F970]  }
0x25d: {  	v22 =	vld.idx.msk [tilespmem:v22+s18+$0x0], $0xffff;
	v31 =	vor.u32 v60, v1  }
0x25e: {  	v28 =	vld.idx.msk [tilespmem:v28+s18+$0x0], $0xffff;
	v33 =	vor.u32 v38, v1  }
0x25f: {  	v29 =	vld.idx.msk [tilespmem:v29+s17+$0x0], $0xffff  }
0x260: {  	v26 =	vld.idx.msk [tilespmem:v26+s18+$0x0], $0xffff  }
0x261: {  	v4 =	vmul.f32 v7, v4;
	v24 =	vld.idx.msk [tilespmem:v24+s18+$0x0], $0xffff;
	v34 =	vor.u32 v34, v1  }
0x262: {  	v5 =	vmul.f32 v8, v5;
	v8 =	vld.idx.msk [tilespmem:v31+s17+$0x0], $0xffff  }
0x263: {  	v4 =	vadd.f32 $0.0e+00, v4;
	v31 =	vmul.f32 v12, v11;
	v12 =	vld.idx.msk [tilespmem:v33+s17+$0x0], $0xffff  }
0x264: {  	v5 =	vadd.f32 $0.0e+00, v5;
	v3 =	vmul.f32 v6, v3;
	v7 =	vld.idx.msk [tilespmem:v30+s18+$0x0], $0xffff;
	v30 =	vmul.f32 v10, v9  }
0x265: {  	v11 =	vmul.f32 v14, v13;
	v33 =	vmul.f32 v20, v19;
	v4 =	vadd.f32 v31, v4;
	v10 =	vld.idx.msk [tilespmem:v32+s18+$0x0], $0xffff  }
0x266: {  	v3 =	vadd.f32 $0.0e+00, v3;
	v6 =	vadd.f32 $0.0e+00, v30;
	v30 =	vmul.f32 v16, v15;
	v32 =	vld.idx.msk [tilespmem:v34+s18+$0x0], $0xffff  }
0x267: {  	v31 =	vmul.f32 v18, v17;
	v5 =	vadd.f32 v11, v5;
	v4 =	vadd.f32 v33, v4  }
0x268: {  	v13 =	vmul.f32 v24, v23;
	v15 =	vmul.f32 v26, v25;
	v3 =	vadd.f32 v30, v3  }
0x269: {  	v16 =	vmul.f32 v28, v27;
	v6 =	vadd.f32 v31, v6;
	v34 =	vmul.f32 v22, v21  }
0x26a: {  	v7 =	vmul.f32 v7, v29;
	v8 =	vmul.f32 v10, v8;
	v3 =	vadd.f32 v13, v3  }
0x26b: {  	v6 =	vadd.f32 v15, v6;
	v5 =	vadd.f32 v34, v5;
	v17 =	vmul.f32 v32, v12  }
0x26c: {  	v4 =	vadd.f32 v16, v4;
	v3 =	vadd.f32 v8, v3  }
0x26d: {  	v5 =	vadd.f32 v7, v5;
	v6 =	vadd.f32 v17, v6;
	_ =	sdelay $0x1  }
0x26e: {  	v4 =	vadd.f32 v5, v4;
	v3 =	vadd.f32 v6, v3;
	_ =	sdelay $0x1  }
0x26f: {  	v3 =	vadd.f32 v3, v4;
	_ =	sdelay $0x1  }
0x270: {  	v3 =	vmul.f32 $2.500000000e-01, v3;
	_ =	sdelay $0x1  }
0x271: {  	v3 =	vmax.f32 v3, $-5.000000000e+00  }
0x272: {  	v3 =	vmin.f32 v3, $5.000000000e+00  }
0x273: {  	v3 =	vmul.f32 $1.442695020e+00, v3;
	_ =	sdelay $0x1  }
0x274: {  	(erf) = vpow2.f32 v3;
	_ =	sdelay $0x4  }
0x275: {  	v18 =	vor.u32 $0x50, v58;
	v3 =	vadd.s32 $0x41, v2  }
0x276: {  	v26 =	vld [tilespmem:$0x1F560];
	v4 =	vor.u32 v18, v1  }
0x277: {  	v16 =	vld [tilespmem:$0x1F570]  }
0x278: {  	v15 =	vld [tilespmem:$0x1F550]  }
0x279: {  	v17 =	vld [tilespmem:$0x1F580];
	v5 =	vpop (erf)  }
0x27a: {  	[tilespmem:v3+s15+$0x0] =	vst.idx.msk $0xffff, v5  }
0x27b: {  	v3 =	vld.idx.msk [tilespmem:v4+s17+$0x0], $0xffff;
	_ =	sdelay $0x1  }
0x27c: {  	v20 =	vadd.s32 v51, v2  }
0x27d: {  	v6 =	vsel vm0, v17, v16;
	v4 =	vsel vm0, v26, v15  }
0x27e: {  	v25 =	vld [tilespmem:$0x1F5C0];
	v19 =	vcombine.low v6, v4  }
0x27f: {  	v18 =	vld [tilespmem:$0x1F590];
	v3 =	vmul.f32 v5, v3  }
0x280: {  	v7 =	vor.u32 v19, v1;
	v19 =	vld [tilespmem:$0x1F5A0]  }
0x281: {  	[tilespmem:v20+s15+$0x0] =	vst.idx.msk $0xffff, v3;
	v20 =	vld [tilespmem:$0x1F5B0];
	_ =	sdelay $0x3  }
0x282: {  	v27 =	vld [tilespmem:$0x1F5D0]  }
0x283: {  	v3 =	vld.idx.msk [tilespmem:v7+s17+$0x0], $0xffff;
	v7 =	vsel vm0, v19, v18;
	v8 =	vsel vm0, v25, v20  }
0x284: {  	v28 =	vld [tilespmem:$0x1F5E0];
	v21 =	vcombine.low v8, v7  }
0x285: {  	v30 =	vld [tilespmem:$0x1F600];
	v22 =	vadd.s32 v40, v2  }
0x286: {  	v29 =	vld [tilespmem:$0x1F5F0];
	v9 =	vor.u32 v21, v1;
	_ =	sdelay $0x1  }
0x287: {  	v3 =	vmul.f32 v5, v3;
	_ =	sdelay $0x1  }
0x288: {  	v33 =	vld [tilespmem:$0x1FD70];
	[tilespmem:v22+s15+$0x0] =	vst.idx.msk $0xffff, v3  }
0x289: {  	v10 =	vsel vm0, v30, v29;
	v3 =	vld.idx.msk [tilespmem:v9+s17+$0x0], $0xffff;
	v9 =	vsel vm0, v28, v27  }
0x28a: {  	v31 =	vld [tilespmem:$0x1FDC0];
	v23 =	vcombine.low v10, v9  }
0x28b: {  	v24 =	vadd.s32 v43, v2;
	v34 =	vld [tilespmem:$0x1FE80]  }
0x28c: {  	v32 =	vld [tilespmem:$0x1FDF0];
	v11 =	vor.u32 v23, v1;
	_ =	sdelay $0x1  }
0x28d: {  	v3 =	vmul.f32 v5, v3;
	_ =	sdelay $0x1  }
0x28e: {  	[tilespmem:v24+s15+$0x0] =	vst.idx.msk $0xffff, v3  }
0x28f: {  	v12 =	vsel vm0, v34, v33;
	v3 =	vld.idx.msk [tilespmem:v11+s17+$0x0], $0xffff;
	v11 =	vsel vm0, v32, v31  }
0x290: {  	v40 =	vcombine.low v12, v11  }
0x291: {  	v43 =	vadd.s32 v52, v2  }
0x292: {  	v13 =	vor.u32 v40, v1;
	_ =	sdelay $0x1  }
0x293: {  	v3 =	vmul.f32 v5, v3;
	_ =	sdelay $0x1  }
0x294: {  	[tilespmem:v43+s15+$0x0] =	vst.idx.msk $0xffff, v3  }
0x295: {  	v14 =	vsel vm0, v15, v17;
	v3 =	vld.idx.msk [tilespmem:v13+s17+$0x0], $0xffff;
	v13 =	vsel vm0, v16, v26  }
0x296: {  	v15 =	vcombine.low v14, v13  }
0x297: {  	v52 =	vadd.s32 v53, v2  }
0x298: {  	v15 =	vor.u32 v15, v1;
	_ =	sdelay $0x1  }
0x299: {  	v3 =	vmul.f32 v3, v5;
	_ =	sdelay $0x1  }
0x29a: {  	[tilespmem:v52+s15+$0x0] =	vst.idx.msk $0xffff, v3  }
0x29b: {  	v16 =	vsel vm0, v18, v25;
	v3 =	vld.idx.msk [tilespmem:v15+s17+$0x0], $0xffff;
	v15 =	vsel vm0, v20, v19  }
0x29c: {  	v53 =	vcombine.low v16, v15  }
0x29d: {  	v54 =	vadd.s32 v54, v2  }
0x29e: {  	v17 =	vor.u32 v53, v1;
	_ =	sdelay $0x1  }
0x29f: {  	v3 =	vmul.f32 v3, v5;
	_ =	sdelay $0x1  }
0x2a0: {  	[tilespmem:v54+s15+$0x0] =	vst.idx.msk $0xffff, v3  }
0x2a1: {  	v25 =	vsel vm0, v27, v30;
	v3 =	vld.idx.msk [tilespmem:v17+s17+$0x0], $0xffff;
	v17 =	vsel vm0, v29, v28  }
0x2a2: {  	v26 =	vcombine.low v25, v17  }
0x2a3: {  	v27 =	vadd.s32 v57, v2  }
0x2a4: {  	v19 =	vor.u32 v26, v1;
	_ =	sdelay $0x1  }
0x2a5: {  	v3 =	vmul.f32 v3, v5;
	_ =	sdelay $0x1  }
0x2a6: {  	[tilespmem:v27+s15+$0x0] =	vst.idx.msk $0xffff, v3  }
0x2a7: {  	v28 =	vsel vm0, v33, v32;
	v29 =	vsel vm0, v31, v34;
	v3 =	vld.idx.msk [tilespmem:v19+s17+$0x0], $0xffff  }
0x2a8: {  	v19 =	vcombine.low v29, v28  }
0x2a9: {  	v30 =	vadd.s32 v63, v2  }
0x2aa: {  	v19 =	vor.u32 v19, v1;
	_ =	sdelay $0x1  }
0x2ab: {  	v3 =	vmul.f32 v3, v5;
	_ =	sdelay $0x1  }
0x2ac: {  	[tilespmem:v30+s15+$0x0] =	vst.idx.msk $0xffff, v3  }
0x2ad: {  	v3 =	vld.idx.msk [tilespmem:v19+s17+$0x0], $0xffff  }
0x2ae: {  	v4 =	vcombine.low v4, v6  }
0x2af: {  	v31 =	vadd.s32 v62, v2  }
0x2b0: {  	v4 =	vor.u32 v4, v1;
	_ =	sdelay $0x1  }
0x2b1: {  	v3 =	vmul.f32 v3, v5;
	_ =	sdelay $0x1  }
0x2b2: {  	[tilespmem:v31+s15+$0x0] =	vst.idx.msk $0xffff, v3  }
0x2b3: {  	v3 =	vld.idx.msk [tilespmem:v4+s17+$0x0], $0xffff  }
0x2b4: {  	v32 =	vcombine.low v7, v8  }
0x2b5: {  	v33 =	vadd.s32 v46, v2  }
0x2b6: {  	v4 =	vor.u32 v32, v1;
	_ =	sdelay $0x1  }
0x2b7: {  	v3 =	vmul.f32 v3, v5;
	_ =	sdelay $0x1  }
0x2b8: {  	[tilespmem:v33+s15+$0x0] =	vst.idx.msk $0xffff, v3  }
0x2b9: {  	v3 =	vld.idx.msk [tilespmem:v4+s17+$0x0], $0xffff  }
0x2ba: {  	v34 =	vcombine.low v9, v10  }
0x2bb: {  	v40 =	vadd.s32 v59, v2  }
0x2bc: {  	v4 =	vor.u32 v34, v1;
	_ =	sdelay $0x1  }
0x2bd: {  	v3 =	vmul.f32 v3, v5;
	_ =	sdelay $0x1  }
0x2be: {  	[tilespmem:v40+s15+$0x0] =	vst.idx.msk $0xffff, v3  }
0x2bf: {  	v3 =	vld.idx.msk [tilespmem:v4+s17+$0x0], $0xffff  }
0x2c0: {  	v43 =	vcombine.low v11, v12  }
0x2c1: {  	v46 =	vadd.s32 v41, v2  }
0x2c2: {  	v4 =	vor.u32 v43, v1;
	_ =	sdelay $0x1  }
0x2c3: {  	v3 =	vmul.f32 v3, v5;
	_ =	sdelay $0x1  }
0x2c4: {  	[tilespmem:v46+s15+$0x0] =	vst.idx.msk $0xffff, v3  }
0x2c5: {  	v3 =	vld.idx.msk [tilespmem:v4+s17+$0x0], $0xffff  }
0x2c6: {  	v52 =	vcombine.low v13, v14  }
0x2c7: {  	v53 =	vadd.s32 v39, v2  }
0x2c8: {  	v21 =	vld [tilespmem:$0x1FA20];
	v4 =	vor.u32 v52, v1  }
0x2c9: {  	v23 =	vld [tilespmem:$0x1FA40]  }
0x2ca: {  	v12 =	vld [tilespmem:$0x1F990];
	v3 =	vmul.f32 v3, v5  }
0x2cb: {  	v57 =	vadd.s32 v48, v2;
	v48 =	vld [tilespmem:$0x1FA50]  }
0x2cc: {  	v14 =	vld [tilespmem:$0x1F9A0];
	[tilespmem:v53+s15+$0x0] =	vst.idx.msk $0xffff, v3  }
0x2cd: {  	v3 =	vld.idx.msk [tilespmem:v4+s17+$0x0], $0xffff  }
0x2ce: {  	v39 =	vld [tilespmem:$0x1F9B0];
	v54 =	vcombine.low v15, v16  }
0x2cf: {  	v15 =	vld [tilespmem:$0x1F9C0]  }
0x2d0: {  	v62 =	vadd.s32 v38, v2;
	v38 =	vld [tilespmem:$0x1FE70];
	v4 =	vor.u32 v54, v1  }
0x2d1: {  	v41 =	vld [tilespmem:$0x1FA10]  }
0x2d2: {  	v59 =	vcombine.low v17, v25;
	v17 =	vld [tilespmem:$0x1F9E0];
	v3 =	vmul.f32 v3, v5  }
0x2d3: {  	v25 =	vld [tilespmem:$0x1FA60]  }
0x2d4: {  	v27 =	vld [tilespmem:$0x1FA80];
	[tilespmem:v57+s15+$0x0] =	vst.idx.msk $0xffff, v3  }
0x2d5: {  	v3 =	vld.idx.msk [tilespmem:v4+s17+$0x0], $0xffff  }
0x2d6: {  	v29 =	vld [tilespmem:$0x1FAA0]  }
0x2d7: {  	v60 =	vadd.s32 v60, v2;
	v19 =	vld [tilespmem:$0x1FA00]  }
0x2d8: {  	v31 =	vld [tilespmem:$0x1FAB0];
	v4 =	vor.u32 v59, v1  }
0x2d9: {  	v33 =	vld [tilespmem:$0x1FAF0]  }
0x2da: {  	v34 =	vld [tilespmem:$0x1FAD0];
	v3 =	vmul.f32 v3, v5  }
0x2db: {  	v40 =	vld [tilespmem:$0x1F9D0]  }
0x2dc: {  	v43 =	vld [tilespmem:$0x1F9F0];
	[tilespmem:v60+s15+$0x0] =	vst.idx.msk $0xffff, v3  }
0x2dd: {  	v3 =	vld.idx.msk [tilespmem:v4+s17+$0x0], $0xffff  }
0x2de: {  	v46 =	vld [tilespmem:$0x1FA30]  }
0x2df: {  	v52 =	vld [tilespmem:$0x1FA70]  }
0x2e0: {  	v63 =	vor.u32 v55, v1;
	v53 =	vld [tilespmem:$0x1FA90]  }
0x2e1: {  	v7 =	vor.u32 v12, v1;
	v57 =	vld [tilespmem:$0x1FF40]  }
0x2e2: {  	v13 =	vor.u32 v38, v1;
	v59 =	vld [tilespmem:$0x1FB20];
	v3 =	vmul.f32 v3, v5  }
0x2e3: {  	v8 =	vor.u32 v14, v1;
	v60 =	vld [tilespmem:$0x1FAC0]  }
0x2e4: {  	v6 =	vor.u32 v15, v1;
	[tilespmem:v62+s15+$0x0] =	vst.idx.msk $0xffff, v3;
	v62 =	vld [tilespmem:$0x1FAE0]  }
0x2e5: {  	v16 =	vor.u32 v40, v1;
	v4 =	vld.idx.msk [tilespmem:v63+s17+$0x0], $0xffff  }
0x2e6: {  	v10 =	vor.u32 v17, v1;
	v7 =	vld.idx.msk [tilespmem:v7+s18+$0x0], $0xffff  }
0x2e7: {  	v18 =	vor.u32 v43, v1;
	v5 =	vld.idx.msk [tilespmem:v13+s17+$0x0], $0xffff  }
0x2e8: {  	v12 =	vor.u32 v19, v1;
	v8 =	vld.idx.msk [tilespmem:v8+s18+$0x0], $0xffff  }
0x2e9: {  	v20 =	vor.u32 v41, v1;
	v6 =	vld.idx.msk [tilespmem:v6+s18+$0x0], $0xffff  }
0x2ea: {  	v14 =	vor.u32 v21, v1;
	v9 =	vld.idx.msk [tilespmem:v16+s17+$0x0], $0xffff  }
0x2eb: {  	v22 =	vor.u32 v46, v1;
	v10 =	vld.idx.msk [tilespmem:v10+s18+$0x0], $0xffff  }
0x2ec: {  	v24 =	vor.u32 v48, v1;
	v11 =	vld.idx.msk [tilespmem:v18+s17+$0x0], $0xffff  }
0x2ed: {  	v26 =	vor.u32 v52, v1;
	v12 =	vld.idx.msk [tilespmem:v12+s18+$0x0], $0xffff  }
0x2ee: {  	v28 =	vor.u32 v53, v1;
	v13 =	vld.idx.msk [tilespmem:v20+s17+$0x0], $0xffff  }
0x2ef: {  	v30 =	vor.u32 v57, v1;
	v14 =	vld.idx.msk [tilespmem:v14+s18+$0x0], $0xffff  }
0x2f0: {  	v15 =	vld.idx.msk [tilespmem:v22+s17+$0x0], $0xffff  }
0x2f1: {  	v17 =	vld.idx.msk [tilespmem:v24+s17+$0x0], $0xffff  }
0x2f2: {  	v32 =	vor.u32 v60, v1;
	v19 =	vld.idx.msk [tilespmem:v26+s17+$0x0], $0xffff  }
0x2f3: {  	v21 =	vld.idx.msk [tilespmem:v28+s17+$0x0], $0xffff;
	v54 =	vor.u32 v62, v1  }
0x2f4: {  	v16 =	vor.u32 v23, v1;
	v23 =	vld.idx.msk [tilespmem:v30+s17+$0x0], $0xffff  }
0x2f5: {  	v3 =	vor.u32 v39, v1;
	v63 =	vld [tilespmem:$0x1FB00]  }
0x2f6: {  	v26 =	vor.u32 v34, v1;
	v34 =	vld [tilespmem:$0x1FB10]  }
0x2f7: {  	v18 =	vor.u32 v25, v1;
	v25 =	vld.idx.msk [tilespmem:v32+s17+$0x0], $0xffff  }
0x2f8: {  	v20 =	vor.u32 v27, v1;
	v27 =	vld.idx.msk [tilespmem:v54+s17+$0x0], $0xffff  }
0x2f9: {  	v54 =	vld [tilespmem:$0x1FB30]  }
0x2fa: {  	v3 =	vld.idx.msk [tilespmem:v3+s17+$0x0], $0xffff  }
0x2fb: {  	v22 =	vor.u32 v29, v1;
	v16 =	vld.idx.msk [tilespmem:v16+s18+$0x0], $0xffff  }
0x2fc: {  	v24 =	vor.u32 v31, v1;
	v18 =	vld.idx.msk [tilespmem:v18+s18+$0x0], $0xffff  }
0x2fd: {  	v20 =	vld.idx.msk [tilespmem:v20+s18+$0x0], $0xffff  }
0x2fe: {  	v28 =	vor.u32 v33, v1;
	v32 =	vor.u32 v54, v1;
	v54 =	vld [tilespmem:$0x1FB40]  }
0x2ff: {  	v31 =	vor.u32 v59, v1;
	v30 =	vor.u32 v34, v1;
	v34 =	vld [tilespmem:$0x1FB50]  }
0x300: {  	v22 =	vld.idx.msk [tilespmem:v22+s18+$0x0], $0xffff;
	v29 =	vor.u32 v63, v1  }
0x301: {  	v24 =	vld.idx.msk [tilespmem:v24+s18+$0x0], $0xffff  }
0x302: {  	v26 =	vld.idx.msk [tilespmem:v26+s18+$0x0], $0xffff  }
0x303: {  	v28 =	vld.idx.msk [tilespmem:v28+s18+$0x0], $0xffff;
	v33 =	vor.u32 v54, v1  }
0x304: {  	v4 =	vmul.f32 v7, v4;
	v5 =	vmul.f32 v8, v5;
	v8 =	vld.idx.msk [tilespmem:v31+s17+$0x0], $0xffff;
	v34 =	vor.u32 v34, v1  }
0x305: {  	v29 =	vld.idx.msk [tilespmem:v29+s17+$0x0], $0xffff  }
0x306: {  	v4 =	vadd.f32 $0.0e+00, v4;
	v7 =	vld.idx.msk [tilespmem:v30+s18+$0x0], $0xffff;
	v30 =	vmul.f32 v10, v9  }
0x307: {  	v5 =	vadd.f32 $0.0e+00, v5;
	v3 =	vmul.f32 v6, v3;
	v9 =	vmul.f32 v12, v11;
	v10 =	vld.idx.msk [tilespmem:v32+s18+$0x0], $0xffff  }
0x308: {  	v20 =	vmul.f32 v20, v19;
	v6 =	vadd.f32 $0.0e+00, v30;
	v30 =	vmul.f32 v14, v13;
	v31 =	vld.idx.msk [tilespmem:v33+s17+$0x0], $0xffff  }
0x309: {  	v3 =	vadd.f32 $0.0e+00, v3;
	v32 =	vmul.f32 v16, v15;
	v33 =	vmul.f32 v18, v17;
	v18 =	vld.idx.msk [tilespmem:v34+s18+$0x0], $0xffff  }
0x30a: {  	v21 =	vmul.f32 v22, v21;
	v22 =	vmul.f32 v24, v23;
	v4 =	vadd.f32 v9, v4  }
0x30b: {  	v23 =	vmul.f32 v26, v25;
	v5 =	vadd.f32 v30, v5;
	v3 =	vadd.f32 v32, v3  }
0x30c: {  	v4 =	vadd.f32 v20, v4;
	v24 =	vmul.f32 v28, v27;
	v6 =	vadd.f32 v33, v6  }
0x30d: {  	v7 =	vmul.f32 v7, v29;
	v5 =	vadd.f32 v21, v5;
	v3 =	vadd.f32 v22, v3  }
0x30e: {  	v8 =	vmul.f32 v10, v8;
	v6 =	vadd.f32 v23, v6;
	v25 =	vmul.f32 v18, v31  }
0x30f: {  	v4 =	vadd.f32 v24, v4;
	v5 =	vadd.f32 v7, v5  }
0x310: {  	v3 =	vadd.f32 v8, v3;
	v6 =	vadd.f32 v25, v6;
	_ =	sdelay $0x1  }
0x311: {  	v4 =	vadd.f32 v5, v4;
	v3 =	vadd.f32 v6, v3;
	_ =	sdelay $0x1  }
0x312: {  	v3 =	vadd.f32 v3, v4;
	_ =	sdelay $0x1  }
0x313: {  	v3 =	vmul.f32 $2.500000000e-01, v3;
	_ =	sdelay $0x1  }
0x314: {  	v3 =	vmax.f32 v3, $-5.000000000e+00  }
0x315: {  	v3 =	vmin.f32 v3, $5.000000000e+00  }
0x316: {  	v3 =	vmul.f32 $1.442695020e+00, v3;
	_ =	sdelay $0x1  }
0x317: {  	(erf) = vpow2.f32 v3;
	_ =	sdelay $0x4  }
0x318: {  	v26 =	vor.u32 $0x60, v58;
	v3 =	vadd.s32 $0x42, v2  }
0x319: {  	v15 =	vld [tilespmem:$0x1FDD0];
	v4 =	vor.u32 v26, v1  }
0x31a: {  	v16 =	vld [tilespmem:$0x1FEC0]  }
0x31b: {  	v17 =	vld [tilespmem:$0x1FE00]  }
0x31c: {  	v18 =	vld [tilespmem:$0x1FE60];
	v5 =	vpop (erf)  }
0x31d: {  	[tilespmem:v3+s15+$0x0] =	vst.idx.msk $0xffff, v5  }
0x31e: {  	v3 =	vld.idx.msk [tilespmem:v4+s17+$0x0], $0xffff;
	_ =	sdelay $0x1  }
0x31f: {  	v28 =	vadd.s32 v55, v2  }
0x320: {  	v6 =	vsel vm0, v18, v17;
	v4 =	vsel vm0, v16, v15  }
0x321: {  	v25 =	vld [tilespmem:$0x1FF00];
	v27 =	vcombine.low v6, v4  }
0x322: {  	v26 =	vld [tilespmem:$0x1FFC0];
	v3 =	vmul.f32 v5, v3  }
0x323: {  	v7 =	vor.u32 v27, v1;
	v27 =	vld [tilespmem:$0x1FFF0]  }
0x324: {  	[tilespmem:v28+s15+$0x0] =	vst.idx.msk $0xffff, v3;
	v28 =	vld [tilespmem:$0x1FFB0];
	_ =	sdelay $0x3  }
0x325: {  	v19 =	vld [tilespmem:$0x1FF50]  }
0x326: {  	v3 =	vld.idx.msk [tilespmem:v7+s17+$0x0], $0xffff;
	v7 =	vsel vm0, v26, v25;
	v8 =	vsel vm0, v28, v27  }
0x327: {  	v20 =	vld [tilespmem:$0x1FF80];
	v29 =	vcombine.low v8, v7  }
0x328: {  	v30 =	vadd.s32 v38, v2;
	v22 =	vld [tilespmem:$0x1FFA0]  }
0x329: {  	v9 =	vor.u32 v29, v1;
	v29 =	vld [tilespmem:$0x1FFD0];
	_ =	sdelay $0x1  }
0x32a: {  	v3 =	vmul.f32 v5, v3;
	_ =	sdelay $0x1  }
0x32b: {  	v21 =	vld [tilespmem:$0x1FF90];
	[tilespmem:v30+s15+$0x0] =	vst.idx.msk $0xffff, v3  }
0x32c: {  	v10 =	vsel vm0, v22, v20;
	v3 =	vld.idx.msk [tilespmem:v9+s17+$0x0], $0xffff;
	v9 =	vsel vm0, v19, v29  }
0x32d: {  	v34 =	vld [tilespmem:$0x1FE40];
	v31 =	vcombine.low v10, v9  }
0x32e: {  	v32 =	vadd.s32 v39, v2;
	v33 =	vld [tilespmem:$0x1FFE0]  }
0x32f: {  	v23 =	vld [tilespmem:$0x1FE90];
	v11 =	vor.u32 v31, v1;
	_ =	sdelay $0x1  }
0x330: {  	v3 =	vmul.f32 v5, v3;
	_ =	sdelay $0x1  }
0x331: {  	[tilespmem:v32+s15+$0x0] =	vst.idx.msk $0xffff, v3  }
0x332: {  	v12 =	vsel vm0, v34, v33;
	v3 =	vld.idx.msk [tilespmem:v11+s17+$0x0], $0xffff;
	v11 =	vsel vm0, v21, v23  }
0x333: {  	v38 =	vcombine.low v12, v11  }
0x334: {  	v39 =	vadd.s32 v40, v2  }
0x335: {  	v13 =	vor.u32 v38, v1;
	_ =	sdelay $0x1  }
0x336: {  	v3 =	vmul.f32 v5, v3;
	_ =	sdelay $0x1  }
0x337: {  	[tilespmem:v39+s15+$0x0] =	vst.idx.msk $0xffff, v3  }
0x338: {  	v14 =	vsel vm0, v15, v18;
	v3 =	vld.idx.msk [tilespmem:v13+s17+$0x0], $0xffff;
	v13 =	vsel vm0, v17, v16  }
0x339: {  	v15 =	vcombine.low v14, v13  }
0x33a: {  	v40 =	vadd.s32 v43, v2  }
0x33b: {  	v15 =	vor.u32 v15, v1;
	_ =	sdelay $0x1  }
0x33c: {  	v3 =	vmul.f32 v3, v5;
	_ =	sdelay $0x1  }
0x33d: {  	[tilespmem:v40+s15+$0x0] =	vst.idx.msk $0xffff, v3  }
0x33e: {  	v16 =	vsel vm0, v25, v28;
	v3 =	vld.idx.msk [tilespmem:v15+s17+$0x0], $0xffff;
	v15 =	vsel vm0, v27, v26  }
0x33f: {  	v43 =	vcombine.low v16, v15  }
0x340: {  	v25 =	vadd.s32 v41, v2  }
0x341: {  	v17 =	vor.u32 v43, v1;
	_ =	sdelay $0x1  }
0x342: {  	v3 =	vmul.f32 v3, v5;
	_ =	sdelay $0x1  }
0x343: {  	[tilespmem:v25+s15+$0x0] =	vst.idx.msk $0xffff, v3  }
0x344: {  	v26 =	vsel vm0, v20, v19;
	v27 =	vsel vm0, v29, v22;
	v3 =	vld.idx.msk [tilespmem:v17+s17+$0x0], $0xffff  }
0x345: {  	v19 =	vcombine.low v27, v26  }
0x346: {  	v28 =	vadd.s32 v46, v2  }
0x347: {  	v19 =	vor.u32 v19, v1;
	_ =	sdelay $0x1  }
0x348: {  	v3 =	vmul.f32 v3, v5;
	_ =	sdelay $0x1  }
0x349: {  	[tilespmem:v28+s15+$0x0] =	vst.idx.msk $0xffff, v3  }
0x34a: {  	v31 =	vsel vm0, v23, v34;
	v29 =	vsel vm0, v33, v21;
	v3 =	vld.idx.msk [tilespmem:v19+s17+$0x0], $0xffff  }
0x34b: {  	v19 =	vcombine.low v31, v29  }
0x34c: {  	v32 =	vadd.s32 v48, v2  }
0x34d: {  	v19 =	vor.u32 v19, v1;
	_ =	sdelay $0x1  }
0x34e: {  	v3 =	vmul.f32 v3, v5;
	_ =	sdelay $0x1  }
0x34f: {  	[tilespmem:v32+s15+$0x0] =	vst.idx.msk $0xffff, v3  }
0x350: {  	v3 =	vld.idx.msk [tilespmem:v19+s17+$0x0], $0xffff  }
0x351: {  	v4 =	vcombine.low v4, v6  }
0x352: {  	v33 =	vadd.s32 v52, v2  }
0x353: {  	v4 =	vor.u32 v4, v1;
	_ =	sdelay $0x1  }
0x354: {  	v3 =	vmul.f32 v3, v5;
	_ =	sdelay $0x1  }
0x355: {  	[tilespmem:v33+s15+$0x0] =	vst.idx.msk $0xffff, v3  }
0x356: {  	v3 =	vld.idx.msk [tilespmem:v4+s17+$0x0], $0xffff  }
0x357: {  	v34 =	vcombine.low v7, v8  }
0x358: {  	v38 =	vadd.s32 v53, v2  }
0x359: {  	v4 =	vor.u32 v34, v1;
	_ =	sdelay $0x1  }
0x35a: {  	v3 =	vmul.f32 v3, v5;
	_ =	sdelay $0x1  }
0x35b: {  	[tilespmem:v38+s15+$0x0] =	vst.idx.msk $0xffff, v3  }
0x35c: {  	v3 =	vld.idx.msk [tilespmem:v4+s17+$0x0], $0xffff  }
0x35d: {  	v39 =	vcombine.low v9, v10  }
0x35e: {  	v40 =	vadd.s32 v57, v2  }
0x35f: {  	v4 =	vor.u32 v39, v1;
	_ =	sdelay $0x1  }
0x360: {  	v3 =	vmul.f32 v3, v5;
	_ =	sdelay $0x1  }
0x361: {  	[tilespmem:v40+s15+$0x0] =	vst.idx.msk $0xffff, v3  }
0x362: {  	v3 =	vld.idx.msk [tilespmem:v4+s17+$0x0], $0xffff  }
0x363: {  	v41 =	vcombine.low v11, v12  }
0x364: {  	v43 =	vadd.s32 v60, v2  }
0x365: {  	v4 =	vor.u32 v41, v1;
	_ =	sdelay $0x1  }
0x366: {  	v3 =	vmul.f32 v3, v5;
	_ =	sdelay $0x1  }
0x367: {  	[tilespmem:v43+s15+$0x0] =	vst.idx.msk $0xffff, v3  }
0x368: {  	v3 =	vld.idx.msk [tilespmem:v4+s17+$0x0], $0xffff  }
0x369: {  	v46 =	vcombine.low v13, v14  }
0x36a: {  	v48 =	vadd.s32 v62, v2;
	v62 =	vadd.s32 v54, v2;
	v54 =	vld [tilespmem:$0x1FC60]  }
0x36b: {  	v23 =	vld [tilespmem:$0x1FC30];
	v4 =	vor.u32 v46, v1  }
0x36c: {  	v12 =	vld [tilespmem:$0x1FB70]  }
0x36d: {  	v14 =	vld [tilespmem:$0x1FB90];
	v3 =	vmul.f32 v3, v5  }
0x36e: {  	v21 =	vld [tilespmem:$0x1FC10]  }
0x36f: {  	v52 =	vcombine.low v15, v16;
	v15 =	vld [tilespmem:$0x1FBB0];
	[tilespmem:v48+s15+$0x0] =	vst.idx.msk $0xffff, v3  }
0x370: {  	v3 =	vld.idx.msk [tilespmem:v4+s17+$0x0], $0xffff  }
0x371: {  	v57 =	vcombine.low v26, v27;
	v27 =	vld [tilespmem:$0x1FC70]  }
0x372: {  	v53 =	vadd.s32 v63, v2;
	v60 =	vadd.s32 v59, v2;
	v59 =	vld [tilespmem:$0x1FCE0]  }
0x373: {  	v25 =	vld [tilespmem:$0x1FC50];
	v4 =	vor.u32 v52, v1  }
0x374: {  	v17 =	vld [tilespmem:$0x1FBD0]  }
0x375: {  	v29 =	vld [tilespmem:$0x1FC90];
	v3 =	vmul.f32 v3, v5  }
0x376: {  	v31 =	vld [tilespmem:$0x1FCB0]  }
0x377: {  	v32 =	vld [tilespmem:$0x1FCD0];
	[tilespmem:v53+s15+$0x0] =	vst.idx.msk $0xffff, v3  }
0x378: {  	v3 =	vld.idx.msk [tilespmem:v4+s17+$0x0], $0xffff  }
0x379: {  	v19 =	vld [tilespmem:$0x1FBF0]  }
0x37a: {  	v34 =	vld [tilespmem:$0x1FC40]  }
0x37b: {  	v38 =	vld [tilespmem:$0x1FCC0];
	v4 =	vor.u32 v57, v1  }
0x37c: {  	v39 =	vld [tilespmem:$0x1FCA0]  }
0x37d: {  	v40 =	vld [tilespmem:$0x1FD00];
	v3 =	vmul.f32 v3, v5  }
0x37e: {  	v41 =	vld [tilespmem:$0x1FC80]  }
0x37f: {  	v52 =	vld [tilespmem:$0x1FB80];
	[tilespmem:v60+s15+$0x0] =	vst.idx.msk $0xffff, v3  }
0x380: {  	v3 =	vld.idx.msk [tilespmem:v4+s17+$0x0], $0xffff  }
0x381: {  	v43 =	vld [tilespmem:$0x1FD10]  }
0x382: {  	v46 =	vld [tilespmem:$0x1FCF0]  }
0x383: {  	v63 =	vor.u32 v37, v1;
	v57 =	vld [tilespmem:$0x1FBC0]  }
0x384: {  	v7 =	vor.u32 v12, v1;
	v48 =	vld [tilespmem:$0x1FBE0]  }
0x385: {  	v13 =	vor.u32 v52, v1;
	v53 =	vld [tilespmem:$0x1FBA0];
	v3 =	vmul.f32 v3, v5  }
0x386: {  	v8 =	vor.u32 v14, v1;
	v60 =	vld [tilespmem:$0x1FC00]  }
0x387: {  	v6 =	vor.u32 v15, v1;
	[tilespmem:v62+s15+$0x0] =	vst.idx.msk $0xffff, v3;
	v62 =	vld [tilespmem:$0x1FC20]  }
0x388: {  	v16 =	vor.u32 v57, v1;
	v4 =	vld.idx.msk [tilespmem:v63+s17+$0x0], $0xffff  }
0x389: {  	v10 =	vor.u32 v17, v1;
	v7 =	vld.idx.msk [tilespmem:v7+s18+$0x0], $0xffff  }
0x38a: {  	v18 =	vor.u32 v48, v1;
	v5 =	vld.idx.msk [tilespmem:v13+s17+$0x0], $0xffff  }
0x38b: {  	v12 =	vor.u32 v19, v1;
	v8 =	vld.idx.msk [tilespmem:v8+s18+$0x0], $0xffff  }
0x38c: {  	v14 =	vor.u32 v21, v1;
	v6 =	vld.idx.msk [tilespmem:v6+s18+$0x0], $0xffff  }
0x38d: {  	v24 =	vor.u32 v34, v1;
	v9 =	vld.idx.msk [tilespmem:v16+s17+$0x0], $0xffff  }
0x38e: {  	v26 =	vor.u32 v54, v1;
	v10 =	vld.idx.msk [tilespmem:v10+s18+$0x0], $0xffff  }
0x38f: {  	v28 =	vor.u32 v41, v1;
	v11 =	vld.idx.msk [tilespmem:v18+s17+$0x0], $0xffff  }
0x390: {  	v30 =	vor.u32 v39, v1;
	v12 =	vld.idx.msk [tilespmem:v12+s18+$0x0], $0xffff  }
0x391: {  	v14 =	vld.idx.msk [tilespmem:v14+s18+$0x0], $0xffff  }
0x392: {  	v17 =	vld.idx.msk [tilespmem:v24+s17+$0x0], $0xffff  }
0x393: {  	v20 =	vor.u32 v60, v1;
	v19 =	vld.idx.msk [tilespmem:v26+s17+$0x0], $0xffff  }
0x394: {  	v33 =	vor.u32 v59, v1;
	v21 =	vld.idx.msk [tilespmem:v28+s17+$0x0], $0xffff  }
0x395: {  	v3 =	vor.u32 v53, v1;
	v16 =	vor.u32 v23, v1;
	v23 =	vld.idx.msk [tilespmem:v30+s17+$0x0], $0xffff  }
0x396: {  	v30 =	vor.u32 v43, v1;
	v43 =	vld [tilespmem:$0x1FD20]  }
0x397: {  	v18 =	vor.u32 v25, v1;
	v28 =	vor.u32 v46, v1;
	v46 =	vld [tilespmem:$0x1FD30]  }
0x398: {  	v24 =	vor.u32 v31, v1;
	v13 =	vld.idx.msk [tilespmem:v20+s17+$0x0], $0xffff  }
0x399: {  	v20 =	vor.u32 v27, v1;
	v27 =	vld.idx.msk [tilespmem:v33+s17+$0x0], $0xffff  }
0x39a: {  	v3 =	vld.idx.msk [tilespmem:v3+s17+$0x0], $0xffff;
	v22 =	vor.u32 v62, v1  }
0x39b: {  	v63 =	vor.u32 v40, v1;
	v16 =	vld.idx.msk [tilespmem:v16+s18+$0x0], $0xffff  }
0x39c: {  	v18 =	vld.idx.msk [tilespmem:v18+s18+$0x0], $0xffff  }
0x39d: {  	v25 =	vor.u32 v38, v1;
	v24 =	vld.idx.msk [tilespmem:v24+s18+$0x0], $0xffff  }
0x39e: {  	v26 =	vor.u32 v32, v1;
	v32 =	vor.u32 v46, v1;
	v46 =	vld [tilespmem:$0x1FD40]  }
0x39f: {  	v15 =	vld.idx.msk [tilespmem:v22+s17+$0x0], $0xffff  }
0x3a0: {  	v22 =	vor.u32 v29, v1;
	v29 =	vld.idx.msk [tilespmem:v63+s17+$0x0], $0xffff  }
0x3a1: {  	v63 =	vld [tilespmem:$0x1FD50]  }
0x3a2: {  	v25 =	vld.idx.msk [tilespmem:v25+s17+$0x0], $0xffff;
	v31 =	vor.u32 v43, v1  }
0x3a3: {  	v26 =	vld.idx.msk [tilespmem:v26+s18+$0x0], $0xffff  }
0x3a4: {  	v4 =	vmul.f32 v7, v4;
	v7 =	vld.idx.msk [tilespmem:v28+s18+$0x0], $0xffff  }
0x3a5: {  	v11 =	vmul.f32 v12, v11;
	v12 =	vld.idx.msk [tilespmem:v30+s18+$0x0], $0xffff;
	v28 =	vor.u32 v46, v1  }
0x3a6: {  	v5 =	vmul.f32 v8, v5;
	v20 =	vld.idx.msk [tilespmem:v20+s18+$0x0], $0xffff;
	v33 =	vor.u32 v63, v1  }
0x3a7: {  	v8 =	vld.idx.msk [tilespmem:v31+s17+$0x0], $0xffff  }
0x3a8: {  	v30 =	vmul.f32 v14, v13;
	v5 =	vadd.f32 $0.0e+00, v5;
	v22 =	vld.idx.msk [tilespmem:v22+s18+$0x0], $0xffff  }
0x3a9: {  	v3 =	vmul.f32 v6, v3;
	v63 =	vmul.f32 v10, v9;
	v9 =	vld.idx.msk [tilespmem:v32+s18+$0x0], $0xffff  }
0x3aa: {  	v4 =	vadd.f32 $0.0e+00, v4;
	v5 =	vadd.f32 v30, v5;
	v30 =	vmul.f32 v26, v25;
	v13 =	vld.idx.msk [tilespmem:v28+s17+$0x0], $0xffff  }
0x3ab: {  	v3 =	vadd.f32 $0.0e+00, v3;
	v31 =	vmul.f32 v16, v15;
	v6 =	vadd.f32 $0.0e+00, v63;
	v63 =	vld.idx.msk [tilespmem:v33+s18+$0x0], $0xffff  }
0x3ac: {  	v4 =	vadd.f32 v11, v4;
	v20 =	vmul.f32 v20, v19;
	v32 =	vmul.f32 v18, v17  }
0x3ad: {  	v7 =	vmul.f32 v7, v27;
	v28 =	vmul.f32 v24, v23;
	v3 =	vadd.f32 v31, v3  }
0x3ae: {  	v4 =	vadd.f32 v20, v4;
	v6 =	vadd.f32 v32, v6;
	v22 =	vmul.f32 v22, v21  }
0x3af: {  	v31 =	vmul.f32 v12, v29;
	v3 =	vadd.f32 v28, v3;
	v8 =	vmul.f32 v9, v8  }
0x3b0: {  	v6 =	vadd.f32 v30, v6;
	v5 =	vadd.f32 v22, v5;
	v32 =	vmul.f32 v63, v13  }
0x3b1: {  	v4 =	vadd.f32 v7, v4;
	v3 =	vadd.f32 v8, v3  }
0x3b2: {  	v5 =	vadd.f32 v31, v5;
	v6 =	vadd.f32 v32, v6;
	_ =	sdelay $0x1  }
0x3b3: {  	v4 =	vadd.f32 v5, v4;
	v3 =	vadd.f32 v6, v3;
	_ =	sdelay $0x1  }
0x3b4: {  	v3 =	vadd.f32 v3, v4;
	_ =	sdelay $0x1  }
0x3b5: {  	v3 =	vmul.f32 $2.500000000e-01, v3;
	_ =	sdelay $0x1  }
0x3b6: {  	v3 =	vmax.f32 v3, $-5.000000000e+00  }
0x3b7: {  	v3 =	vmin.f32 v3, $5.000000000e+00  }
0x3b8: {  	v3 =	vmul.f32 $1.442695020e+00, v3;
	_ =	sdelay $0x1  }
0x3b9: {  	(erf) = vpow2.f32 v3;
	_ =	sdelay $0x2  }
0x3ba: {  	v25 =	vld [tilespmem:$0x1FF10]  }
0x3bb: {  	v19 =	vld [tilespmem:$0x1FF70]  }
0x3bc: {  	v24 =	vld [tilespmem:$0x1FEA0];
	v33 =	vor.u32 $0x70, v58;
	v3 =	vadd.s32 $0x43, v2  }
0x3bd: {  	v63 =	vld [tilespmem:$0x1FF60];
	v4 =	vor.u32 v33, v1;
	_ =	sdelay $0x2  }
0x3be: {  	v5 =	vpop (erf)  }
0x3bf: {  	[tilespmem:v3+s15+$0x0] =	vst.idx.msk $0xffff, v5  }
0x3c0: {  	v6 =	vsel vm0, v25, v24;
	v3 =	vld.idx.msk [tilespmem:v4+s17+$0x0], $0xffff;
	v4 =	vsel vm0, v63, v19  }
0x3c1: {  	v26 =	vcombine.low v6, v4  }
0x3c2: {  	v27 =	vadd.s32 v37, v2;
	v29 =	vld [tilespmem:$0x1FF20]  }
0x3c3: {  	v28 =	vld [tilespmem:$0x1FF30];
	v7 =	vor.u32 v26, v1;
	_ =	sdelay $0x1  }
0x3c4: {  	v3 =	vmul.f32 v5, v3;
	_ =	sdelay $0x1  }
0x3c5: {  	[tilespmem:v27+s15+$0x0] =	vst.idx.msk $0xffff, v3  }
0x3c6: {  	v8 =	vsel vm0, v49, v35;
	v3 =	vld.idx.msk [tilespmem:v7+s17+$0x0], $0xffff;
	v7 =	vsel vm0, v28, v29  }
0x3c7: {  	v30 =	vcombine.low v8, v7  }
0x3c8: {  	v31 =	vadd.s32 v52, v2  }
0x3c9: {  	v9 =	vor.u32 v30, v1;
	_ =	sdelay $0x1  }
0x3ca: {  	v3 =	vmul.f32 v5, v3;
	_ =	sdelay $0x1  }
0x3cb: {  	[tilespmem:v31+s15+$0x0] =	vst.idx.msk $0xffff, v3  }
0x3cc: {  	v10 =	vsel vm0, v50, v47;
	v3 =	vld.idx.msk [tilespmem:v9+s17+$0x0], $0xffff;
	v9 =	vsel vm0, v42, v56  }
0x3cd: {  	v32 =	vcombine.low v10, v9  }
0x3ce: {  	v33 =	vadd.s32 v53, v2  }
0x3cf: {  	v11 =	vor.u32 v32, v1;
	_ =	sdelay $0x1  }
0x3d0: {  	v3 =	vmul.f32 v5, v3;
	_ =	sdelay $0x1  }
0x3d1: {  	[tilespmem:v33+s15+$0x0] =	vst.idx.msk $0xffff, v3  }
0x3d2: {  	v12 =	vsel vm0, v45, v61;
	v3 =	vld.idx.msk [tilespmem:v11+s17+$0x0], $0xffff;
	v11 =	vsel vm0, v44, v36  }
0x3d3: {  	v52 =	vcombine.low v12, v11  }
0x3d4: {  	v53 =	vadd.s32 v57, v2  }
0x3d5: {  	v13 =	vor.u32 v52, v1;
	_ =	sdelay $0x1  }
0x3d6: {  	v3 =	vmul.f32 v5, v3;
	_ =	sdelay $0x1  }
0x3d7: {  	[tilespmem:v53+s15+$0x0] =	vst.idx.msk $0xffff, v3  }
0x3d8: {  	v14 =	vsel vm0, v19, v25;
	v3 =	vld.idx.msk [tilespmem:v13+s17+$0x0], $0xffff;
	v13 =	vsel vm0, v24, v63  }
0x3d9: {  	v15 =	vcombine.low v14, v13  }
0x3da: {  	v57 =	vadd.s32 v48, v2  }
0x3db: {  	v15 =	vor.u32 v15, v1;
	_ =	sdelay $0x1  }
0x3dc: {  	v3 =	vmul.f32 v3, v5;
	_ =	sdelay $0x1  }
0x3dd: {  	[tilespmem:v57+s15+$0x0] =	vst.idx.msk $0xffff, v3  }
0x3de: {  	v63 =	vsel vm0, v29, v49;
	v3 =	vld.idx.msk [tilespmem:v15+s17+$0x0], $0xffff;
	v15 =	vsel vm0, v35, v28  }
0x3df: {  	v17 =	vcombine.low v63, v15  }
0x3e0: {  	v24 =	vadd.s32 v60, v2  }
0x3e1: {  	v17 =	vor.u32 v17, v1;
	_ =	sdelay $0x1  }
0x3e2: {  	v3 =	vmul.f32 v3, v5;
	_ =	sdelay $0x1  }
0x3e3: {  	[tilespmem:v24+s15+$0x0] =	vst.idx.msk $0xffff, v3  }
0x3e4: {  	v25 =	vsel vm0, v47, v42;
	v26 =	vsel vm0, v56, v50;
	v3 =	vld.idx.msk [tilespmem:v17+s17+$0x0], $0xffff  }
0x3e5: {  	v27 =	vcombine.low v26, v25  }
0x3e6: {  	v28 =	vadd.s32 v62, v2  }
0x3e7: {  	v19 =	vor.u32 v27, v1;
	_ =	sdelay $0x1  }
0x3e8: {  	v3 =	vmul.f32 v3, v5;
	_ =	sdelay $0x1  }
0x3e9: {  	[tilespmem:v28+s15+$0x0] =	vst.idx.msk $0xffff, v3  }
0x3ea: {  	v30 =	vsel vm0, v36, v45;
	v29 =	vsel vm0, v61, v44;
	v3 =	vld.idx.msk [tilespmem:v19+s17+$0x0], $0xffff  }
0x3eb: {  	v19 =	vcombine.low v30, v29  }
0x3ec: {  	v31 =	vadd.s32 v34, v2  }
0x3ed: {  	v19 =	vor.u32 v19, v1;
	_ =	sdelay $0x1  }
0x3ee: {  	v3 =	vmul.f32 v3, v5;
	_ =	sdelay $0x1  }
0x3ef: {  	[tilespmem:v31+s15+$0x0] =	vst.idx.msk $0xffff, v3  }
0x3f0: {  	v3 =	vld.idx.msk [tilespmem:v19+s17+$0x0], $0xffff  }
0x3f1: {  	v4 =	vcombine.low v4, v6  }
0x3f2: {  	v32 =	vadd.s32 v54, v2  }
0x3f3: {  	v4 =	vor.u32 v4, v1;
	_ =	sdelay $0x1  }
0x3f4: {  	v3 =	vmul.f32 v3, v5;
	_ =	sdelay $0x1  }
0x3f5: {  	[tilespmem:v32+s15+$0x0] =	vst.idx.msk $0xffff, v3  }
0x3f6: {  	v3 =	vld.idx.msk [tilespmem:v4+s17+$0x0], $0xffff  }
0x3f7: {  	v33 =	vcombine.low v7, v8  }
0x3f8: {  	v34 =	vadd.s32 v41, v2  }
0x3f9: {  	v4 =	vor.u32 v33, v1;
	_ =	sdelay $0x1  }
0x3fa: {  	v3 =	vmul.f32 v3, v5;
	_ =	sdelay $0x1  }
0x3fb: {  	[tilespmem:v34+s15+$0x0] =	vst.idx.msk $0xffff, v3  }
0x3fc: {  	v3 =	vld.idx.msk [tilespmem:v4+s17+$0x0], $0xffff  }
0x3fd: {  	v41 =	vcombine.low v9, v10  }
0x3fe: {  	v48 =	vadd.s32 v39, v2  }
0x3ff: {  	v4 =	vor.u32 v41, v1;
	_ =	sdelay $0x1  }
0x400: {  	v3 =	vmul.f32 v3, v5;
	_ =	sdelay $0x1  }
0x401: {  	[tilespmem:v48+s15+$0x0] =	vst.idx.msk $0xffff, v3  }
0x402: {  	v3 =	vld.idx.msk [tilespmem:v4+s17+$0x0], $0xffff  }
0x403: {  	v52 =	vcombine.low v11, v12  }
0x404: {  	v53 =	vadd.s32 v38, v2  }
0x405: {  	v4 =	vor.u32 v52, v1;
	_ =	sdelay $0x1  }
0x406: {  	v3 =	vmul.f32 v3, v5;
	_ =	sdelay $0x1  }
0x407: {  	[tilespmem:v53+s15+$0x0] =	vst.idx.msk $0xffff, v3  }
0x408: {  	v3 =	vld.idx.msk [tilespmem:v4+s17+$0x0], $0xffff  }
0x409: {  	v54 =	vcombine.low v13, v14  }
0x40a: {  	v57 =	vadd.s32 v59, v2  }
0x40b: {  	v4 =	vor.u32 v54, v1;
	_ =	sdelay $0x1  }
0x40c: {  	v3 =	vmul.f32 v3, v5;
	_ =	sdelay $0x1  }
0x40d: {  	[tilespmem:v57+s15+$0x0] =	vst.idx.msk $0xffff, v3  }
0x40e: {  	v3 =	vld.idx.msk [tilespmem:v4+s17+$0x0], $0xffff  }
0x40f: {  	v59 =	vcombine.low v15, v63  }
0x410: {  	v60 =	vadd.s32 v40, v2  }
0x411: {  	v4 =	vor.u32 v59, v1;
	_ =	sdelay $0x1  }
0x412: {  	v3 =	vmul.f32 v3, v5;
	_ =	sdelay $0x1  }
0x413: {  	[tilespmem:v60+s15+$0x0] =	vst.idx.msk $0xffff, v3  }
0x414: {  	v3 =	vld.idx.msk [tilespmem:v4+s17+$0x0], $0xffff  }
0x415: {  	v62 =	vcombine.low v25, v26  }
0x416: {  	v63 =	vadd.s32 v43, v2  }
0x417: {  	v1 =	vor.u32 v62, v1;
	_ =	sdelay $0x1  }
0x418: {  	v3 =	vmul.f32 v3, v5;
	_ =	sdelay $0x1  }
0x419: {  	[tilespmem:v63+s15+$0x0] =	vst.idx.msk $0xffff, v3  }
0x41a: {  	v1 =	vld.idx.msk [tilespmem:v1+s17+$0x0], $0xffff;
	_ =	sdelay $0x1  }
0x41b: {  	p2 =	seq.s32 s1, $0x30;
	v2 =	vadd.s32 v46, v2  }
.Ltmp8:
0x41c: {  	_ = 	snop;
	(pc) =	sbr.rel @!p2 .LBB2_10-.Ltmp8, $3  }
0x41d: {  	_ = 	snop  }
0x41e: {  	v1 =	vmul.f32 v1, v5;
	_ =	sdelay $0x1  }
0x41f: {  	s1 =	sadd.s32 $0x10, s1;
	[tilespmem:v2+s15+$0x0] =	vst.idx.msk $0xffff, v1  }
0x420: {  	s1 =	sshll.u32 s31, $0x7  }
0x421: {  	s1 =	sand.u32 $0x3FFFFF80, s1  }
0x422: {  	v1 =	vld [tilespmem:s1+$0x5000];
	_ =	sdelay $0x4  }
0x423: {  	[tilespmem:$0xA000] =	vst v1  }
0x424: {  	v1 =	vld [tilespmem:s1+$0x5010];
	_ =	sdelay $0x4  }
0x425: {  	[tilespmem:$0xA010] =	vst v1  }
0x426: {  	v1 =	vld [tilespmem:s1+$0x5020];
	_ =	sdelay $0x4  }
0x427: {  	[tilespmem:$0xA020] =	vst v1  }
0x428: {  	v1 =	vld [tilespmem:s1+$0x5030];
	_ =	sdelay $0x4  }
0x429: {  	[tilespmem:$0xA030] =	vst v1  }
0x42a: {  	[spmem:s3] =	stream.indirect.scatter.add.f32 [tilespmem:s15], [sflag:$0x6], $0x48, s21, s16, $0xb8;
	[tilespmem:$0x1E208] =	vst v63  }
0x42b: {  	_ =	swait.ge [sflag:s22], $0x1200  }
0x42c: {  	v37 =	vld [tilespmem:$0x1FFA0]  }
0x42d: {  	[sflag:s22] =	ssyncset.done $0x0;
	v9 =	vld [tilespmem:$0x1FF90]  }
0x42e: {  	v21 =	vmov v42;
	v51 =	vmov v44;
	v42 =	vmov v45;
	v59 =	vld [tilespmem:$0x1FFE0];
	[sflag:s22] =	ssyncadd.s32 $0xFFFFEE00  }
.LBB2_12:
.Ltmp9:
0x42f: {  	(pc) =	sbr.rel @p1 .LBB2_16-.Ltmp9, $1  }
0x430: {  	_ =	sdelay $0x3  }
0x431: {  	s1 =	sadd.s32 $0x2, s2  }
0x432: {  	p1 =	sge.u32 s1, s6  }
0x433: {  	s1 =	sshll.u32 @!p1 s1, $0x6;
	s2 =	simm.s32 @!p1 $0x40;
	s4 =	simm.s32 @!p1 $0xA040  }
0x434: {  	[tilespmem:s4], [sflag:$0x1] =	stream.indirect.gather @!p1 [hbm4b:s5+s2], $0x80, s1, s2, $0xb8;
	[tilespmem:$0x1E208] =	vst v63  }
0x435: {  	s1 =	sadd.s32 @!p1 $0x5000, s1;
	s4 =	simm.s32 @!p1 $0xE040  }
0x436: {  	[tilespmem:s4], [sflag:$0x3] =	stream.indirect.gather @!p1 [hbm4b:s0+s2], $0x80, s1, s2, $0xb8;
	[tilespmem:$0x1E208] =	vst v63  }
0x437: {  	_ =	swait.ge [sflag:s23], $0x2000  }
0x438: {  	[sflag:s23] =	ssyncset.done $0x0  }
0x439: {  	[sflag:s23] =	ssyncadd.s32 $0xFFFFE000  }
0x43a: {  	_ =	swait.ge [sflag:s24], $0x2000  }
0x43b: {  	v63 =	vld [tilespmem:$0x1FCE0]  }
0x43c: {  	v60 =	vld [tilespmem:$0x1FCC0]  }
0x43d: {  	v43 =	vmov v36;
	v36 =	vld [tilespmem:$0x1F7A0]  }
0x43e: {  	v54 =	vld [tilespmem:$0x1F980]  }
0x43f: {  	[sflag:s24] =	ssyncset.done $0x0;
	v61 =	vld [tilespmem:$0x1FB60]  }
0x440: {  	v39 =	vmovc v47;
	v41 =	vmov v37;
	v35 =	vmov v9;
	v48 =	vmov v59;
	s1 =	simm.s32 $0x0;
	v45 =	vld [tilespmem:$0x1FD60];
	[sflag:s24] =	ssyncadd.s32 $0xFFFFE000  }
.LBB2_14:
0x441: {  	v4 =	vld [tilespmem:$0x1FE30]  }
0x442: {  	v56 =	vld [tilespmem:$0x1F610]  }
0x443: {  	v6 =	vld [tilespmem:$0x1FE20]  }
0x444: {  	v62 =	vld [tilespmem:$0x1F620]  }
0x445: {  	v8 =	vld [tilespmem:$0x1FE10]  }
0x446: {  	v37 =	vld [tilespmem:$0x1F630]  }
0x447: {  	v10 =	vld [tilespmem:$0x1FDB0]  }
0x448: {  	v52 =	vld [tilespmem:$0x1F640]  }
0x449: {  	v12 =	vld [tilespmem:$0x1FDE0]  }
0x44a: {  	v42 =	vld [tilespmem:$0x1F650]  }
0x44b: {  	v14 =	vld [tilespmem:$0x1FEF0]  }
0x44c: {  	v55 =	vld [tilespmem:$0x1F660]  }
0x44d: {  	v16 =	vld [tilespmem:$0x1F670]  }
0x44e: {  	v38 =	vld [tilespmem:$0x1F680]  }
0x44f: {  	v18 =	vld [tilespmem:$0x1F690]  }
0x450: {  	v47 =	vld [tilespmem:$0x1F6A0]  }
0x451: {  	v20 =	vld [tilespmem:$0x1F6B0]  }
0x452: {  	v40 =	vld [tilespmem:$0x1F6C0]  }
0x453: {  	v22 =	vld [tilespmem:$0x1F6D0]  }
0x454: {  	v49 =	vld [tilespmem:$0x1F6E0]  }
0x455: {  	v24 =	vld [tilespmem:$0x1F6F0]  }
0x456: {  	v53 =	vld [tilespmem:$0x1F700]  }
0x457: {  	v26 =	vld [tilespmem:$0x1F710]  }
0x458: {  	v59 =	vld [tilespmem:$0x1F720]  }
0x459: {  	v2 =	vor.u32 s1, v58;
	v28 =	vld [tilespmem:$0x1F730]  }
0x45a: {  	v57 =	vld [tilespmem:$0x1F740];
	v1 =	vshll.u32 v2, $0x7  }
0x45b: {  	v30 =	vld [tilespmem:$0x1F750];
	v3 =	vor.u32 v58, v1  }
0x45c: {  	v46 =	vld [tilespmem:$0x1F760];
	v4 =	vor.u32 v4, v1  }
0x45d: {  	v32 =	vld [tilespmem:$0x1F770];
	v5 =	vor.u32 v56, v1  }
0x45e: {  	v44 =	vld [tilespmem:$0x1F780];
	v6 =	vor.u32 v6, v1  }
0x45f: {  	v34 =	vld [tilespmem:$0x1F790];
	v7 =	vor.u32 v62, v1  }
0x460: {  	v8 =	vor.u32 v8, v1;
	v3 =	vld.idx.msk [tilespmem:v3+s25+$0x0], $0xffff  }
0x461: {  	v9 =	vor.u32 v37, v1;
	v4 =	vld.idx.msk [tilespmem:v4+s26+$0x0], $0xffff  }
0x462: {  	v10 =	vor.u32 v10, v1;
	v5 =	vld.idx.msk [tilespmem:v5+s25+$0x0], $0xffff  }
0x463: {  	v11 =	vor.u32 v52, v1;
	v6 =	vld.idx.msk [tilespmem:v6+s26+$0x0], $0xffff  }
0x464: {  	v12 =	vor.u32 v12, v1;
	v7 =	vld.idx.msk [tilespmem:v7+s25+$0x0], $0xffff  }
0x465: {  	v13 =	vor.u32 v42, v1;
	v8 =	vld.idx.msk [tilespmem:v8+s26+$0x0], $0xffff  }
0x466: {  	v14 =	vor.u32 v14, v1;
	v9 =	vld.idx.msk [tilespmem:v9+s25+$0x0], $0xffff  }
0x467: {  	v15 =	vor.u32 v55, v1;
	v10 =	vld.idx.msk [tilespmem:v10+s26+$0x0], $0xffff  }
0x468: {  	v16 =	vor.u32 v16, v1;
	v11 =	vld.idx.msk [tilespmem:v11+s25+$0x0], $0xffff  }
0x469: {  	v17 =	vor.u32 v38, v1;
	v12 =	vld.idx.msk [tilespmem:v12+s26+$0x0], $0xffff  }
0x46a: {  	v18 =	vor.u32 v18, v1;
	v13 =	vld.idx.msk [tilespmem:v13+s25+$0x0], $0xffff  }
0x46b: {  	v19 =	vor.u32 v47, v1;
	v14 =	vld.idx.msk [tilespmem:v14+s26+$0x0], $0xffff  }
0x46c: {  	v20 =	vor.u32 v20, v1;
	v15 =	vld.idx.msk [tilespmem:v15+s25+$0x0], $0xffff  }
0x46d: {  	v21 =	vor.u32 v40, v1;
	v16 =	vld.idx.msk [tilespmem:v16+s26+$0x0], $0xffff  }
0x46e: {  	v22 =	vor.u32 v22, v1;
	v17 =	vld.idx.msk [tilespmem:v17+s25+$0x0], $0xffff  }
0x46f: {  	v23 =	vor.u32 v49, v1;
	v18 =	vld.idx.msk [tilespmem:v18+s26+$0x0], $0xffff  }
0x470: {  	v24 =	vor.u32 v24, v1;
	v19 =	vld.idx.msk [tilespmem:v19+s25+$0x0], $0xffff  }
0x471: {  	v25 =	vor.u32 v53, v1;
	v20 =	vld.idx.msk [tilespmem:v20+s26+$0x0], $0xffff  }
0x472: {  	v26 =	vor.u32 v26, v1;
	v21 =	vld.idx.msk [tilespmem:v21+s25+$0x0], $0xffff  }
0x473: {  	v27 =	vor.u32 v59, v1;
	v22 =	vld.idx.msk [tilespmem:v22+s26+$0x0], $0xffff  }
0x474: {  	v28 =	vor.u32 v28, v1;
	v23 =	vld.idx.msk [tilespmem:v23+s25+$0x0], $0xffff  }
0x475: {  	v29 =	vor.u32 v57, v1;
	v24 =	vld.idx.msk [tilespmem:v24+s26+$0x0], $0xffff  }
0x476: {  	v30 =	vor.u32 v30, v1;
	v25 =	vld.idx.msk [tilespmem:v25+s25+$0x0], $0xffff  }
0x477: {  	v31 =	vor.u32 v46, v1;
	v26 =	vld.idx.msk [tilespmem:v26+s26+$0x0], $0xffff  }
0x478: {  	v32 =	vor.u32 v32, v1;
	v27 =	vld.idx.msk [tilespmem:v27+s25+$0x0], $0xffff  }
0x479: {  	v33 =	vor.u32 v44, v1;
	v28 =	vld.idx.msk [tilespmem:v28+s26+$0x0], $0xffff  }
0x47a: {  	v34 =	vor.u32 v34, v1;
	v29 =	vld.idx.msk [tilespmem:v29+s25+$0x0], $0xffff;
	v3 =	vmul.f32 v4, v3  }
0x47b: {  	v4 =	vmul.f32 v6, v5;
	v5 =	vld.idx.msk [tilespmem:v30+s26+$0x0], $0xffff;
	v6 =	vmul.f32 v8, v7  }
0x47c: {  	v30 =	vmul.f32 v10, v9;
	v8 =	vld.idx.msk [tilespmem:v31+s25+$0x0], $0xffff;
	v31 =	vmul.f32 v12, v11  }
0x47d: {  	v10 =	vld.idx.msk [tilespmem:v32+s26+$0x0], $0xffff;
	v11 =	vmul.f32 v14, v13;
	v32 =	vmul.f32 v18, v17  }
0x47e: {  	v18 =	vmul.f32 v22, v21;
	v3 =	vadd.f32 $0.0e+00, v3;
	v7 =	vadd.f32 $0.0e+00, v30;
	v30 =	vld.idx.msk [tilespmem:v33+s25+$0x0], $0xffff  }
0x47f: {  	v21 =	vmul.f32 v28, v27;
	v4 =	vadd.f32 $0.0e+00, v4;
	v6 =	vadd.f32 $0.0e+00, v6;
	v33 =	vld.idx.msk [tilespmem:v34+s26+$0x0], $0xffff  }
0x480: {  	v34 =	vmul.f32 v20, v19;
	v3 =	vadd.f32 v31, v3;
	v31 =	vmul.f32 v16, v15  }
0x481: {  	v19 =	vmul.f32 v24, v23;
	v20 =	vmul.f32 v26, v25;
	v4 =	vadd.f32 v11, v4  }
0x482: {  	v7 =	vadd.f32 v32, v7;
	v5 =	vmul.f32 v5, v29;
	v6 =	vadd.f32 v31, v6  }
0x483: {  	v8 =	vmul.f32 v10, v8;
	v3 =	vadd.f32 v34, v3;
	v4 =	vadd.f32 v18, v4  }
0x484: {  	v7 =	vadd.f32 v20, v7;
	v22 =	vmul.f32 v33, v30;
	v6 =	vadd.f32 v19, v6  }
0x485: {  	v3 =	vadd.f32 v21, v3;
	v4 =	vadd.f32 v5, v4  }
0x486: {  	v24 =	vadd.f32 v22, v7;
	v23 =	vadd.f32 v8, v6;
	_ =	sdelay $0x1  }
0x487: {  	v3 =	vadd.f32 v4, v3;
	v25 =	vadd.f32 v24, v23;
	_ =	sdelay $0x1  }
0x488: {  	v3 =	vadd.f32 v25, v3;
	_ =	sdelay $0x1  }
0x489: {  	v3 =	vmul.f32 $2.500000000e-01, v3;
	_ =	sdelay $0x1  }
0x48a: {  	v3 =	vmax.f32 v3, $-5.000000000e+00  }
0x48b: {  	v3 =	vmin.f32 v3, $5.000000000e+00  }
0x48c: {  	v3 =	vmul.f32 $1.442695020e+00, v3;
	_ =	sdelay $0x1  }
0x48d: {  	(erf) = vpow2.f32 v3;
	_ =	sdelay $0x2  }
0x48e: {  	v2 =	vmul.u32 $0x48, v2;
	v15 =	vld [tilespmem:$0x1F450]  }
0x48f: {  	v16 =	vld [tilespmem:$0x1F480]  }
0x490: {  	v26 =	vor.u32 $0x40, v58;
	v18 =	vld [tilespmem:$0x1F460];
	v3 =	vadd.s32 $0x40, v2  }
0x491: {  	v20 =	vld [tilespmem:$0x1F470];
	v4 =	vor.u32 v26, v1;
	_ =	sdelay $0x2  }
0x492: {  	v5 =	vpop (erf)  }
0x493: {  	v17 =	vld [tilespmem:$0x1F490];
	[tilespmem:v3+s15+$0x0] =	vst.idx.msk $0xffff, v5  }
0x494: {  	v6 =	vsel vm0, v16, v20;
	v3 =	vld.idx.msk [tilespmem:v4+s25+$0x0], $0xffff;
	v4 =	vsel vm0, v18, v15  }
0x495: {  	v19 =	vld [tilespmem:$0x1F4A0];
	v27 =	vcombine.low v6, v4  }
0x496: {  	v28 =	vadd.s32 v58, v2;
	v21 =	vld [tilespmem:$0x1F4B0]  }
0x497: {  	v22 =	vld [tilespmem:$0x1F4C0];
	v7 =	vor.u32 v27, v1;
	_ =	sdelay $0x1  }
0x498: {  	v3 =	vmul.f32 v5, v3;
	_ =	sdelay $0x1  }
0x499: {  	v26 =	vld [tilespmem:$0x1F4F0];
	[tilespmem:v28+s15+$0x0] =	vst.idx.msk $0xffff, v3  }
0x49a: {  	v8 =	vsel vm0, v22, v21;
	v3 =	vld.idx.msk [tilespmem:v7+s25+$0x0], $0xffff;
	v7 =	vsel vm0, v19, v17  }
0x49b: {  	v23 =	vld [tilespmem:$0x1F4E0];
	v29 =	vcombine.low v8, v7  }
0x49c: {  	v30 =	vadd.s32 v56, v2;
	v24 =	vld [tilespmem:$0x1F4D0]  }
0x49d: {  	v25 =	vld [tilespmem:$0x1F500];
	v9 =	vor.u32 v29, v1;
	_ =	sdelay $0x1  }
0x49e: {  	v3 =	vmul.f32 v5, v3;
	_ =	sdelay $0x1  }
0x49f: {  	v33 =	vld [tilespmem:$0x1F540];
	[tilespmem:v30+s15+$0x0] =	vst.idx.msk $0xffff, v3  }
0x4a0: {  	v10 =	vsel vm0, v25, v26;
	v3 =	vld.idx.msk [tilespmem:v9+s25+$0x0], $0xffff;
	v9 =	vsel vm0, v23, v24  }
0x4a1: {  	v27 =	vld [tilespmem:$0x1F510];
	v31 =	vcombine.low v10, v9  }
0x4a2: {  	v32 =	vadd.s32 v62, v2;
	v28 =	vld [tilespmem:$0x1F520]  }
0x4a3: {  	v29 =	vld [tilespmem:$0x1F530];
	v11 =	vor.u32 v31, v1;
	_ =	sdelay $0x1  }
0x4a4: {  	v3 =	vmul.f32 v5, v3;
	_ =	sdelay $0x1  }
0x4a5: {  	[tilespmem:v32+s15+$0x0] =	vst.idx.msk $0xffff, v3  }
0x4a6: {  	v12 =	vsel vm0, v33, v29;
	v3 =	vld.idx.msk [tilespmem:v11+s25+$0x0], $0xffff;
	v11 =	vsel vm0, v28, v27  }
0x4a7: {  	v34 =	vcombine.low v12, v11  }
0x4a8: {  	v37 =	vadd.s32 v37, v2  }
0x4a9: {  	v13 =	vor.u32 v34, v1;
	_ =	sdelay $0x1  }
0x4aa: {  	v3 =	vmul.f32 v5, v3;
	_ =	sdelay $0x1  }
0x4ab: {  	[tilespmem:v37+s15+$0x0] =	vst.idx.msk $0xffff, v3  }
0x4ac: {  	v14 =	vsel vm0, v15, v16;
	v3 =	vld.idx.msk [tilespmem:v13+s25+$0x0], $0xffff;
	v13 =	vsel vm0, v20, v18  }
0x4ad: {  	v15 =	vcombine.low v14, v13  }
0x4ae: {  	v52 =	vadd.s32 v52, v2  }
0x4af: {  	v15 =	vor.u32 v15, v1;
	_ =	sdelay $0x1  }
0x4b0: {  	v3 =	vmul.f32 v3, v5;
	_ =	sdelay $0x1  }
0x4b1: {  	[tilespmem:v52+s15+$0x0] =	vst.idx.msk $0xffff, v3  }
0x4b2: {  	v16 =	vsel vm0, v17, v22;
	v3 =	vld.idx.msk [tilespmem:v15+s25+$0x0], $0xffff;
	v15 =	vsel vm0, v21, v19  }
0x4b3: {  	v17 =	vcombine.low v16, v15  }
0x4b4: {  	v56 =	vadd.s32 v42, v2  }
0x4b5: {  	v17 =	vor.u32 v17, v1;
	_ =	sdelay $0x1  }
0x4b6: {  	v3 =	vmul.f32 v3, v5;
	_ =	sdelay $0x1  }
0x4b7: {  	[tilespmem:v56+s15+$0x0] =	vst.idx.msk $0xffff, v3  }
0x4b8: {  	v62 =	vsel vm0, v26, v23;
	v24 =	vsel vm0, v24, v25;
	v3 =	vld.idx.msk [tilespmem:v17+s25+$0x0], $0xffff  }
0x4b9: {  	v25 =	vcombine.low v24, v62  }
0x4ba: {  	v26 =	vadd.s32 v55, v2  }
0x4bb: {  	v19 =	vor.u32 v25, v1;
	_ =	sdelay $0x1  }
0x4bc: {  	v3 =	vmul.f32 v3, v5;
	_ =	sdelay $0x1  }
0x4bd: {  	[tilespmem:v26+s15+$0x0] =	vst.idx.msk $0xffff, v3  }
0x4be: {  	v29 =	vsel vm0, v29, v28;
	v31 =	vsel vm0, v27, v33;
	v3 =	vld.idx.msk [tilespmem:v19+s25+$0x0], $0xffff  }
0x4bf: {  	v19 =	vcombine.low v31, v29  }
0x4c0: {  	v32 =	vadd.s32 v38, v2  }
0x4c1: {  	v19 =	vor.u32 v19, v1;
	_ =	sdelay $0x1  }
0x4c2: {  	v3 =	vmul.f32 v3, v5;
	_ =	sdelay $0x1  }
0x4c3: {  	[tilespmem:v32+s15+$0x0] =	vst.idx.msk $0xffff, v3  }
0x4c4: {  	v3 =	vld.idx.msk [tilespmem:v19+s25+$0x0], $0xffff  }
0x4c5: {  	v4 =	vcombine.low v4, v6  }
0x4c6: {  	v33 =	vadd.s32 v47, v2  }
0x4c7: {  	v4 =	vor.u32 v4, v1;
	_ =	sdelay $0x1  }
0x4c8: {  	v3 =	vmul.f32 v3, v5;
	_ =	sdelay $0x1  }
0x4c9: {  	[tilespmem:v33+s15+$0x0] =	vst.idx.msk $0xffff, v3  }
0x4ca: {  	v3 =	vld.idx.msk [tilespmem:v4+s25+$0x0], $0xffff  }
0x4cb: {  	v34 =	vcombine.low v7, v8  }
0x4cc: {  	v37 =	vadd.s32 v40, v2  }
0x4cd: {  	v4 =	vor.u32 v34, v1;
	_ =	sdelay $0x1  }
0x4ce: {  	v3 =	vmul.f32 v3, v5;
	_ =	sdelay $0x1  }
0x4cf: {  	[tilespmem:v37+s15+$0x0] =	vst.idx.msk $0xffff, v3  }
0x4d0: {  	v3 =	vld.idx.msk [tilespmem:v4+s25+$0x0], $0xffff  }
0x4d1: {  	v38 =	vcombine.low v9, v10  }
0x4d2: {  	v40 =	vadd.s32 v49, v2  }
0x4d3: {  	v4 =	vor.u32 v38, v1;
	_ =	sdelay $0x1  }
0x4d4: {  	v3 =	vmul.f32 v3, v5;
	_ =	sdelay $0x1  }
0x4d5: {  	[tilespmem:v40+s15+$0x0] =	vst.idx.msk $0xffff, v3  }
0x4d6: {  	v3 =	vld.idx.msk [tilespmem:v4+s25+$0x0], $0xffff  }
0x4d7: {  	v42 =	vcombine.low v11, v12  }
0x4d8: {  	v47 =	vadd.s32 v53, v2  }
0x4d9: {  	v4 =	vor.u32 v42, v1;
	_ =	sdelay $0x1  }
0x4da: {  	v3 =	vmul.f32 v3, v5;
	_ =	sdelay $0x1  }
0x4db: {  	[tilespmem:v47+s15+$0x0] =	vst.idx.msk $0xffff, v3  }
0x4dc: {  	v3 =	vld.idx.msk [tilespmem:v4+s25+$0x0], $0xffff  }
0x4dd: {  	v49 =	vcombine.low v13, v14  }
0x4de: {  	v52 =	vadd.s32 v59, v2  }
0x4df: {  	v23 =	vld [tilespmem:$0x1F850];
	v4 =	vor.u32 v49, v1  }
0x4e0: {  	v27 =	vld [tilespmem:$0x1F890]  }
0x4e1: {  	v12 =	vld [tilespmem:$0x1F7B0];
	v3 =	vmul.f32 v3, v5  }
0x4e2: {  	v14 =	vld [tilespmem:$0x1F7D0]  }
0x4e3: {  	v59 =	vadd.s32 v44, v2;
	v44 =	vld [tilespmem:$0x1FD80];
	[tilespmem:v52+s15+$0x0] =	vst.idx.msk $0xffff, v3  }
0x4e4: {  	v3 =	vld.idx.msk [tilespmem:v4+s25+$0x0], $0xffff  }
0x4e5: {  	v21 =	vld [tilespmem:$0x1F830];
	v53 =	vcombine.low v15, v16  }
0x4e6: {  	v55 =	vadd.s32 v57, v2;
	v25 =	vld [tilespmem:$0x1F870]  }
0x4e7: {  	v15 =	vld [tilespmem:$0x1F7E0];
	v4 =	vor.u32 v53, v1  }
0x4e8: {  	v17 =	vld [tilespmem:$0x1F7F0]  }
0x4e9: {  	v29 =	vld [tilespmem:$0x1F8B0];
	v3 =	vmul.f32 v3, v5  }
0x4ea: {  	v31 =	vld [tilespmem:$0x1F8D0]  }
0x4eb: {  	v19 =	vld [tilespmem:$0x1F810];
	[tilespmem:v55+s15+$0x0] =	vst.idx.msk $0xffff, v3  }
0x4ec: {  	v3 =	vld.idx.msk [tilespmem:v4+s25+$0x0], $0xffff  }
0x4ed: {  	v56 =	vcombine.low v62, v24;
	v33 =	vld [tilespmem:$0x1F910]  }
0x4ee: {  	v57 =	vadd.s32 v46, v2;
	v34 =	vld [tilespmem:$0x1F8F0]  }
0x4ef: {  	v37 =	vld [tilespmem:$0x1F7C0];
	v4 =	vor.u32 v56, v1  }
0x4f0: {  	v38 =	vld [tilespmem:$0x1F8C0]  }
0x4f1: {  	v40 =	vld [tilespmem:$0x1F8E0];
	v3 =	vmul.f32 v3, v5  }
0x4f2: {  	v42 =	vld [tilespmem:$0x1F840]  }
0x4f3: {  	v47 =	vld [tilespmem:$0x1FD90];
	[tilespmem:v57+s15+$0x0] =	vst.idx.msk $0xffff, v3  }
0x4f4: {  	v3 =	vld.idx.msk [tilespmem:v4+s25+$0x0], $0xffff  }
0x4f5: {  	v49 =	vld [tilespmem:$0x1F900]  }
0x4f6: {  	v52 =	vld [tilespmem:$0x1F800]  }
0x4f7: {  	v62 =	vor.u32 v36, v1;
	v53 =	vld [tilespmem:$0x1F940]  }
0x4f8: {  	v7 =	vor.u32 v12, v1;
	v55 =	vld [tilespmem:$0x1F880]  }
0x4f9: {  	v13 =	vor.u32 v37, v1;
	v56 =	vld [tilespmem:$0x1F820];
	v3 =	vmul.f32 v3, v5  }
0x4fa: {  	v8 =	vor.u32 v14, v1;
	v57 =	vld [tilespmem:$0x1F920]  }
0x4fb: {  	v6 =	vor.u32 v15, v1;
	[tilespmem:v59+s15+$0x0] =	vst.idx.msk $0xffff, v3;
	v59 =	vld [tilespmem:$0x1F8A0]  }
0x4fc: {  	v16 =	vor.u32 v47, v1;
	v4 =	vld.idx.msk [tilespmem:v62+s25+$0x0], $0xffff  }
0x4fd: {  	v10 =	vor.u32 v17, v1;
	v7 =	vld.idx.msk [tilespmem:v7+s26+$0x0], $0xffff  }
0x4fe: {  	v18 =	vor.u32 v52, v1;
	v5 =	vld.idx.msk [tilespmem:v13+s25+$0x0], $0xffff  }
0x4ff: {  	v12 =	vor.u32 v19, v1;
	v8 =	vld.idx.msk [tilespmem:v8+s26+$0x0], $0xffff  }
0x500: {  	v6 =	vld.idx.msk [tilespmem:v6+s26+$0x0], $0xffff  }
0x501: {  	v20 =	vor.u32 v56, v1;
	v9 =	vld.idx.msk [tilespmem:v16+s25+$0x0], $0xffff  }
0x502: {  	v14 =	vor.u32 v21, v1;
	v10 =	vld.idx.msk [tilespmem:v10+s26+$0x0], $0xffff  }
0x503: {  	v22 =	vor.u32 v42, v1;
	v11 =	vld.idx.msk [tilespmem:v18+s25+$0x0], $0xffff  }
0x504: {  	v26 =	vor.u32 v55, v1;
	v12 =	vld.idx.msk [tilespmem:v12+s26+$0x0], $0xffff  }
0x505: {  	v30 =	vor.u32 v38, v1;
	v62 =	vld [tilespmem:$0x1F860]  }
0x506: {  	v32 =	vor.u32 v40, v1;
	v13 =	vld.idx.msk [tilespmem:v20+s25+$0x0], $0xffff  }
0x507: {  	v14 =	vld.idx.msk [tilespmem:v14+s26+$0x0], $0xffff  }
0x508: {  	v46 =	vor.u32 v49, v1;
	v15 =	vld.idx.msk [tilespmem:v22+s25+$0x0], $0xffff  }
0x509: {  	v19 =	vld.idx.msk [tilespmem:v26+s25+$0x0], $0xffff  }
0x50a: {  	v3 =	vor.u32 v44, v1;
	v16 =	vor.u32 v23, v1;
	v23 =	vld.idx.msk [tilespmem:v30+s25+$0x0], $0xffff  }
0x50b: {  	v18 =	vor.u32 v25, v1;
	v25 =	vld.idx.msk [tilespmem:v32+s25+$0x0], $0xffff  }
0x50c: {  	v26 =	vor.u32 v34, v1;
	v34 =	vld [tilespmem:$0x1F930]  }
0x50d: {  	v20 =	vor.u32 v27, v1;
	v27 =	vld.idx.msk [tilespmem:v46+s25+$0x0], $0xffff  }
0x50e: {  	v22 =	vor.u32 v29, v1;
	v46 =	vld [tilespmem:$0x1F950]  }
0x50f: {  	v3 =	vld.idx.msk [tilespmem:v3+s25+$0x0], $0xffff  }
0x510: {  	v16 =	vld.idx.msk [tilespmem:v16+s26+$0x0], $0xffff  }
0x511: {  	v18 =	vld.idx.msk [tilespmem:v18+s26+$0x0], $0xffff  }
0x512: {  	v28 =	vor.u32 v59, v1;
	v20 =	vld.idx.msk [tilespmem:v20+s26+$0x0], $0xffff  }
0x513: {  	v24 =	vor.u32 v62, v1;
	v22 =	vld.idx.msk [tilespmem:v22+s26+$0x0], $0xffff  }
0x514: {  	v29 =	vor.u32 v57, v1;
	v26 =	vld.idx.msk [tilespmem:v26+s26+$0x0], $0xffff  }
0x515: {  	v30 =	vor.u32 v34, v1;
	v32 =	vor.u32 v46, v1;
	v46 =	vld [tilespmem:$0x1F960]  }
0x516: {  	v34 =	vld [tilespmem:$0x1F970]  }
0x517: {  	v21 =	vld.idx.msk [tilespmem:v28+s25+$0x0], $0xffff;
	v28 =	vor.u32 v33, v1  }
0x518: {  	v17 =	vld.idx.msk [tilespmem:v24+s25+$0x0], $0xffff;
	v24 =	vor.u32 v31, v1  }
0x519: {  	v29 =	vld.idx.msk [tilespmem:v29+s25+$0x0], $0xffff;
	v31 =	vor.u32 v53, v1  }
0x51a: {  	v4 =	vmul.f32 v7, v4;
	v33 =	vor.u32 v46, v1;
	v7 =	vld.idx.msk [tilespmem:v30+s26+$0x0], $0xffff  }
0x51b: {  	v34 =	vor.u32 v34, v1;
	v30 =	vmul.f32 v10, v9;
	v10 =	vld.idx.msk [tilespmem:v32+s26+$0x0], $0xffff  }
0x51c: {  	v3 =	vmul.f32 v6, v3;
	v28 =	vld.idx.msk [tilespmem:v28+s26+$0x0], $0xffff  }
0x51d: {  	v5 =	vmul.f32 v8, v5;
	v24 =	vld.idx.msk [tilespmem:v24+s26+$0x0], $0xffff  }
0x51e: {  	v3 =	vadd.f32 $0.0e+00, v3;
	v6 =	vadd.f32 $0.0e+00, v30;
	v30 =	vmul.f32 v16, v15;
	v8 =	vld.idx.msk [tilespmem:v31+s25+$0x0], $0xffff  }
0x51f: {  	v4 =	vadd.f32 $0.0e+00, v4;
	v5 =	vadd.f32 $0.0e+00, v5;
	v31 =	vmul.f32 v12, v11;
	v12 =	vld.idx.msk [tilespmem:v33+s25+$0x0], $0xffff  }
0x520: {  	v15 =	vmul.f32 v26, v25;
	v3 =	vadd.f32 v30, v3;
	v11 =	vmul.f32 v14, v13;
	v32 =	vld.idx.msk [tilespmem:v34+s26+$0x0], $0xffff  }
0x521: {  	v33 =	vmul.f32 v20, v19;
	v4 =	vadd.f32 v31, v4;
	v31 =	vmul.f32 v18, v17  }
0x522: {  	v34 =	vmul.f32 v22, v21;
	v7 =	vmul.f32 v7, v29;
	v5 =	vadd.f32 v11, v5  }
0x523: {  	v6 =	vadd.f32 v31, v6;
	v4 =	vadd.f32 v33, v4;
	v13 =	vmul.f32 v24, v23  }
0x524: {  	v5 =	vadd.f32 v34, v5;
	v16 =	vmul.f32 v28, v27;
	v8 =	vmul.f32 v10, v8  }
0x525: {  	v17 =	vmul.f32 v32, v12;
	v6 =	vadd.f32 v15, v6;
	v3 =	vadd.f32 v13, v3  }
0x526: {  	v4 =	vadd.f32 v16, v4;
	v5 =	vadd.f32 v7, v5  }
0x527: {  	v6 =	vadd.f32 v17, v6;
	v3 =	vadd.f32 v8, v3;
	_ =	sdelay $0x1  }
0x528: {  	v4 =	vadd.f32 v5, v4;
	v3 =	vadd.f32 v6, v3;
	_ =	sdelay $0x1  }
0x529: {  	v3 =	vadd.f32 v3, v4;
	_ =	sdelay $0x1  }
0x52a: {  	v3 =	vmul.f32 $2.500000000e-01, v3;
	_ =	sdelay $0x1  }
0x52b: {  	v3 =	vmax.f32 v3, $-5.000000000e+00  }
0x52c: {  	v3 =	vmin.f32 v3, $5.000000000e+00  }
0x52d: {  	v3 =	vmul.f32 $1.442695020e+00, v3;
	_ =	sdelay $0x1  }
0x52e: {  	(erf) = vpow2.f32 v3;
	_ =	sdelay $0x4  }
0x52f: {  	v18 =	vor.u32 $0x50, v58;
	v3 =	vadd.s32 $0x41, v2  }
0x530: {  	v30 =	vld [tilespmem:$0x1F560];
	v4 =	vor.u32 v18, v1  }
0x531: {  	v29 =	vld [tilespmem:$0x1F550]  }
0x532: {  	v15 =	vld [tilespmem:$0x1F570]  }
0x533: {  	v16 =	vld [tilespmem:$0x1F580];
	v5 =	vpop (erf)  }
0x534: {  	[tilespmem:v3+s15+$0x0] =	vst.idx.msk $0xffff, v5  }
0x535: {  	v3 =	vld.idx.msk [tilespmem:v4+s25+$0x0], $0xffff;
	_ =	sdelay $0x1  }
0x536: {  	v20 =	vadd.s32 v36, v2  }
0x537: {  	v6 =	vsel vm0, v16, v15;
	v4 =	vsel vm0, v30, v29  }
0x538: {  	v17 =	vld [tilespmem:$0x1F590];
	v19 =	vcombine.low v6, v4  }
0x539: {  	v18 =	vld [tilespmem:$0x1F5A0];
	v3 =	vmul.f32 v5, v3  }
0x53a: {  	v7 =	vor.u32 v19, v1;
	v19 =	vld [tilespmem:$0x1F5B0]  }
0x53b: {  	[tilespmem:v20+s15+$0x0] =	vst.idx.msk $0xffff, v3;
	v20 =	vld [tilespmem:$0x1F5C0];
	_ =	sdelay $0x3  }
0x53c: {  	v25 =	vld [tilespmem:$0x1F5E0]  }
0x53d: {  	v3 =	vld.idx.msk [tilespmem:v7+s25+$0x0], $0xffff;
	v7 =	vsel vm0, v18, v17;
	v8 =	vsel vm0, v20, v19  }
0x53e: {  	v26 =	vld [tilespmem:$0x1F5D0];
	v21 =	vcombine.low v8, v7  }
0x53f: {  	v22 =	vadd.s32 v37, v2;
	v27 =	vld [tilespmem:$0x1F5F0]  }
0x540: {  	v28 =	vld [tilespmem:$0x1F600];
	v9 =	vor.u32 v21, v1;
	_ =	sdelay $0x1  }
0x541: {  	v3 =	vmul.f32 v5, v3;
	_ =	sdelay $0x1  }
0x542: {  	v31 =	vld [tilespmem:$0x1FDC0];
	[tilespmem:v22+s15+$0x0] =	vst.idx.msk $0xffff, v3  }
0x543: {  	v10 =	vsel vm0, v28, v27;
	v3 =	vld.idx.msk [tilespmem:v9+s25+$0x0], $0xffff;
	v9 =	vsel vm0, v25, v26  }
0x544: {  	v33 =	vld [tilespmem:$0x1FD70];
	v23 =	vcombine.low v10, v9  }
0x545: {  	v34 =	vld [tilespmem:$0x1FE80];
	v24 =	vadd.s32 v44, v2  }
0x546: {  	v32 =	vld [tilespmem:$0x1FDF0];
	v11 =	vor.u32 v23, v1;
	_ =	sdelay $0x1  }
0x547: {  	v3 =	vmul.f32 v5, v3;
	_ =	sdelay $0x1  }
0x548: {  	[tilespmem:v24+s15+$0x0] =	vst.idx.msk $0xffff, v3  }
0x549: {  	v12 =	vsel vm0, v34, v33;
	v3 =	vld.idx.msk [tilespmem:v11+s25+$0x0], $0xffff;
	v11 =	vsel vm0, v32, v31  }
0x54a: {  	v37 =	vcombine.low v12, v11  }
0x54b: {  	v44 =	vadd.s32 v47, v2  }
0x54c: {  	v13 =	vor.u32 v37, v1;
	_ =	sdelay $0x1  }
0x54d: {  	v3 =	vmul.f32 v5, v3;
	_ =	sdelay $0x1  }
0x54e: {  	[tilespmem:v44+s15+$0x0] =	vst.idx.msk $0xffff, v3  }
0x54f: {  	v14 =	vsel vm0, v29, v16;
	v3 =	vld.idx.msk [tilespmem:v13+s25+$0x0], $0xffff;
	v13 =	vsel vm0, v15, v30  }
0x550: {  	v15 =	vcombine.low v14, v13  }
0x551: {  	v47 =	vadd.s32 v52, v2  }
0x552: {  	v15 =	vor.u32 v15, v1;
	_ =	sdelay $0x1  }
0x553: {  	v3 =	vmul.f32 v3, v5;
	_ =	sdelay $0x1  }
0x554: {  	[tilespmem:v47+s15+$0x0] =	vst.idx.msk $0xffff, v3  }
0x555: {  	v52 =	vsel vm0, v17, v20;
	v3 =	vld.idx.msk [tilespmem:v15+s25+$0x0], $0xffff;
	v15 =	vsel vm0, v19, v18  }
0x556: {  	v17 =	vcombine.low v52, v15  }
0x557: {  	v56 =	vadd.s32 v56, v2  }
0x558: {  	v17 =	vor.u32 v17, v1;
	_ =	sdelay $0x1  }
0x559: {  	v3 =	vmul.f32 v3, v5;
	_ =	sdelay $0x1  }
0x55a: {  	[tilespmem:v56+s15+$0x0] =	vst.idx.msk $0xffff, v3  }
0x55b: {  	v25 =	vsel vm0, v27, v25;
	v26 =	vsel vm0, v26, v28;
	v3 =	vld.idx.msk [tilespmem:v17+s25+$0x0], $0xffff  }
0x55c: {  	v27 =	vcombine.low v26, v25  }
0x55d: {  	v28 =	vadd.s32 v42, v2  }
0x55e: {  	v19 =	vor.u32 v27, v1;
	_ =	sdelay $0x1  }
0x55f: {  	v3 =	vmul.f32 v3, v5;
	_ =	sdelay $0x1  }
0x560: {  	[tilespmem:v28+s15+$0x0] =	vst.idx.msk $0xffff, v3  }
0x561: {  	v29 =	vsel vm0, v33, v32;
	v30 =	vsel vm0, v31, v34;
	v3 =	vld.idx.msk [tilespmem:v19+s25+$0x0], $0xffff  }
0x562: {  	v19 =	vcombine.low v30, v29  }
0x563: {  	v31 =	vadd.s32 v62, v2  }
0x564: {  	v19 =	vor.u32 v19, v1;
	_ =	sdelay $0x1  }
0x565: {  	v3 =	vmul.f32 v3, v5;
	_ =	sdelay $0x1  }
0x566: {  	[tilespmem:v31+s15+$0x0] =	vst.idx.msk $0xffff, v3  }
0x567: {  	v3 =	vld.idx.msk [tilespmem:v19+s25+$0x0], $0xffff  }
0x568: {  	v4 =	vcombine.low v4, v6  }
0x569: {  	v32 =	vadd.s32 v55, v2  }
0x56a: {  	v4 =	vor.u32 v4, v1;
	_ =	sdelay $0x1  }
0x56b: {  	v3 =	vmul.f32 v3, v5;
	_ =	sdelay $0x1  }
0x56c: {  	[tilespmem:v32+s15+$0x0] =	vst.idx.msk $0xffff, v3  }
0x56d: {  	v3 =	vld.idx.msk [tilespmem:v4+s25+$0x0], $0xffff  }
0x56e: {  	v33 =	vcombine.low v7, v8  }
0x56f: {  	v34 =	vadd.s32 v59, v2  }
0x570: {  	v4 =	vor.u32 v33, v1;
	_ =	sdelay $0x1  }
0x571: {  	v3 =	vmul.f32 v3, v5;
	_ =	sdelay $0x1  }
0x572: {  	[tilespmem:v34+s15+$0x0] =	vst.idx.msk $0xffff, v3  }
0x573: {  	v3 =	vld.idx.msk [tilespmem:v4+s25+$0x0], $0xffff  }
0x574: {  	v37 =	vcombine.low v9, v10  }
0x575: {  	v38 =	vadd.s32 v38, v2  }
0x576: {  	v4 =	vor.u32 v37, v1;
	_ =	sdelay $0x1  }
0x577: {  	v3 =	vmul.f32 v3, v5;
	_ =	sdelay $0x1  }
0x578: {  	[tilespmem:v38+s15+$0x0] =	vst.idx.msk $0xffff, v3  }
0x579: {  	v3 =	vld.idx.msk [tilespmem:v4+s25+$0x0], $0xffff  }
0x57a: {  	v42 =	vcombine.low v11, v12  }
0x57b: {  	v44 =	vadd.s32 v40, v2  }
0x57c: {  	v4 =	vor.u32 v42, v1;
	_ =	sdelay $0x1  }
0x57d: {  	v3 =	vmul.f32 v3, v5;
	_ =	sdelay $0x1  }
0x57e: {  	[tilespmem:v44+s15+$0x0] =	vst.idx.msk $0xffff, v3  }
0x57f: {  	v3 =	vld.idx.msk [tilespmem:v4+s25+$0x0], $0xffff  }
0x580: {  	v47 =	vcombine.low v13, v14  }
0x581: {  	v49 =	vadd.s32 v49, v2  }
0x582: {  	v21 =	vld [tilespmem:$0x1FA20];
	v4 =	vor.u32 v47, v1  }
0x583: {  	v23 =	vld [tilespmem:$0x1FA40]  }
0x584: {  	v55 =	vadd.s32 v57, v2;
	v57 =	vadd.s32 v53, v2;
	v53 =	vld [tilespmem:$0x1FA90];
	v3 =	vmul.f32 v3, v5  }
0x585: {  	v12 =	vld [tilespmem:$0x1F990]  }
0x586: {  	v40 =	vld [tilespmem:$0x1F9B0];
	[tilespmem:v49+s15+$0x0] =	vst.idx.msk $0xffff, v3  }
0x587: {  	v3 =	vld.idx.msk [tilespmem:v4+s25+$0x0], $0xffff  }
0x588: {  	v59 =	vadd.s32 v46, v2;
	v46 =	vld [tilespmem:$0x1FA10];
	v52 =	vcombine.low v15, v52  }
0x589: {  	v14 =	vld [tilespmem:$0x1F9A0]  }
0x58a: {  	v27 =	vld [tilespmem:$0x1FA80];
	v4 =	vor.u32 v52, v1  }
0x58b: {  	v15 =	vld [tilespmem:$0x1F9C0]  }
0x58c: {  	v56 =	vcombine.low v25, v26;
	v25 =	vld [tilespmem:$0x1FA60];
	v3 =	vmul.f32 v3, v5  }
0x58d: {  	v17 =	vld [tilespmem:$0x1F9E0]  }
0x58e: {  	v29 =	vld [tilespmem:$0x1FAA0];
	[tilespmem:v55+s15+$0x0] =	vst.idx.msk $0xffff, v3  }
0x58f: {  	v3 =	vld.idx.msk [tilespmem:v4+s25+$0x0], $0xffff  }
0x590: {  	v31 =	vld [tilespmem:$0x1FAB0]  }
0x591: {  	v19 =	vld [tilespmem:$0x1FA00]  }
0x592: {  	v33 =	vld [tilespmem:$0x1FAF0];
	v4 =	vor.u32 v56, v1  }
0x593: {  	v34 =	vld [tilespmem:$0x1FAD0]  }
0x594: {  	v38 =	vld [tilespmem:$0x1FE70];
	v3 =	vmul.f32 v3, v5  }
0x595: {  	v42 =	vld [tilespmem:$0x1F9D0]  }
0x596: {  	v44 =	vld [tilespmem:$0x1F9F0];
	[tilespmem:v57+s15+$0x0] =	vst.idx.msk $0xffff, v3  }
0x597: {  	v3 =	vld.idx.msk [tilespmem:v4+s25+$0x0], $0xffff  }
0x598: {  	v47 =	vld [tilespmem:$0x1FA30]  }
0x599: {  	v49 =	vld [tilespmem:$0x1FA50]  }
0x59a: {  	v62 =	vor.u32 v54, v1;
	v52 =	vld [tilespmem:$0x1FA70]  }
0x59b: {  	v7 =	vor.u32 v12, v1;
	v55 =	vld [tilespmem:$0x1FB20]  }
0x59c: {  	v13 =	vor.u32 v38, v1;
	v56 =	vld [tilespmem:$0x1FF40];
	v3 =	vmul.f32 v3, v5  }
0x59d: {  	v8 =	vor.u32 v14, v1;
	v57 =	vld [tilespmem:$0x1FAC0]  }
0x59e: {  	v6 =	vor.u32 v15, v1;
	[tilespmem:v59+s15+$0x0] =	vst.idx.msk $0xffff, v3;
	v59 =	vld [tilespmem:$0x1FAE0]  }
0x59f: {  	v16 =	vor.u32 v42, v1;
	v4 =	vld.idx.msk [tilespmem:v62+s25+$0x0], $0xffff  }
0x5a0: {  	v10 =	vor.u32 v17, v1;
	v7 =	vld.idx.msk [tilespmem:v7+s26+$0x0], $0xffff  }
0x5a1: {  	v18 =	vor.u32 v44, v1;
	v5 =	vld.idx.msk [tilespmem:v13+s25+$0x0], $0xffff  }
0x5a2: {  	v12 =	vor.u32 v19, v1;
	v8 =	vld.idx.msk [tilespmem:v8+s26+$0x0], $0xffff  }
0x5a3: {  	v20 =	vor.u32 v46, v1;
	v6 =	vld.idx.msk [tilespmem:v6+s26+$0x0], $0xffff  }
0x5a4: {  	v14 =	vor.u32 v21, v1;
	v9 =	vld.idx.msk [tilespmem:v16+s25+$0x0], $0xffff  }
0x5a5: {  	v22 =	vor.u32 v47, v1;
	v10 =	vld.idx.msk [tilespmem:v10+s26+$0x0], $0xffff  }
0x5a6: {  	v24 =	vor.u32 v49, v1;
	v11 =	vld.idx.msk [tilespmem:v18+s25+$0x0], $0xffff  }
0x5a7: {  	v26 =	vor.u32 v52, v1;
	v12 =	vld.idx.msk [tilespmem:v12+s26+$0x0], $0xffff  }
0x5a8: {  	v28 =	vor.u32 v53, v1;
	v13 =	vld.idx.msk [tilespmem:v20+s25+$0x0], $0xffff  }
0x5a9: {  	v30 =	vor.u32 v56, v1;
	v14 =	vld.idx.msk [tilespmem:v14+s26+$0x0], $0xffff  }
0x5aa: {  	v15 =	vld.idx.msk [tilespmem:v22+s25+$0x0], $0xffff  }
0x5ab: {  	v17 =	vld.idx.msk [tilespmem:v24+s25+$0x0], $0xffff  }
0x5ac: {  	v32 =	vor.u32 v57, v1;
	v19 =	vld.idx.msk [tilespmem:v26+s25+$0x0], $0xffff  }
0x5ad: {  	v21 =	vld.idx.msk [tilespmem:v28+s25+$0x0], $0xffff;
	v37 =	vor.u32 v59, v1  }
0x5ae: {  	v16 =	vor.u32 v23, v1;
	v23 =	vld.idx.msk [tilespmem:v30+s25+$0x0], $0xffff  }
0x5af: {  	v3 =	vor.u32 v40, v1;
	v62 =	vld [tilespmem:$0x1FB00]  }
0x5b0: {  	v26 =	vor.u32 v34, v1;
	v34 =	vld [tilespmem:$0x1FB10]  }
0x5b1: {  	v18 =	vor.u32 v25, v1;
	v25 =	vld.idx.msk [tilespmem:v32+s25+$0x0], $0xffff  }
0x5b2: {  	v20 =	vor.u32 v27, v1;
	v27 =	vld.idx.msk [tilespmem:v37+s25+$0x0], $0xffff  }
0x5b3: {  	v37 =	vld [tilespmem:$0x1FB30]  }
0x5b4: {  	v3 =	vld.idx.msk [tilespmem:v3+s25+$0x0], $0xffff  }
0x5b5: {  	v22 =	vor.u32 v29, v1;
	v16 =	vld.idx.msk [tilespmem:v16+s26+$0x0], $0xffff  }
0x5b6: {  	v24 =	vor.u32 v31, v1;
	v18 =	vld.idx.msk [tilespmem:v18+s26+$0x0], $0xffff  }
0x5b7: {  	v20 =	vld.idx.msk [tilespmem:v20+s26+$0x0], $0xffff  }
0x5b8: {  	v28 =	vor.u32 v33, v1;
	v32 =	vor.u32 v37, v1;
	v37 =	vld [tilespmem:$0x1FB40]  }
0x5b9: {  	v31 =	vor.u32 v55, v1;
	v30 =	vor.u32 v34, v1;
	v34 =	vld [tilespmem:$0x1FB50]  }
0x5ba: {  	v22 =	vld.idx.msk [tilespmem:v22+s26+$0x0], $0xffff;
	v29 =	vor.u32 v62, v1  }
0x5bb: {  	v24 =	vld.idx.msk [tilespmem:v24+s26+$0x0], $0xffff  }
0x5bc: {  	v26 =	vld.idx.msk [tilespmem:v26+s26+$0x0], $0xffff  }
0x5bd: {  	v28 =	vld.idx.msk [tilespmem:v28+s26+$0x0], $0xffff;
	v33 =	vor.u32 v37, v1  }
0x5be: {  	v4 =	vmul.f32 v7, v4;
	v5 =	vmul.f32 v8, v5;
	v8 =	vld.idx.msk [tilespmem:v31+s25+$0x0], $0xffff;
	v34 =	vor.u32 v34, v1  }
0x5bf: {  	v29 =	vld.idx.msk [tilespmem:v29+s25+$0x0], $0xffff  }
0x5c0: {  	v4 =	vadd.f32 $0.0e+00, v4;
	v7 =	vld.idx.msk [tilespmem:v30+s26+$0x0], $0xffff;
	v30 =	vmul.f32 v10, v9  }
0x5c1: {  	v5 =	vadd.f32 $0.0e+00, v5;
	v3 =	vmul.f32 v6, v3;
	v9 =	vmul.f32 v12, v11;
	v10 =	vld.idx.msk [tilespmem:v32+s26+$0x0], $0xffff  }
0x5c2: {  	v20 =	vmul.f32 v20, v19;
	v6 =	vadd.f32 $0.0e+00, v30;
	v30 =	vmul.f32 v14, v13;
	v31 =	vld.idx.msk [tilespmem:v33+s25+$0x0], $0xffff  }
0x5c3: {  	v3 =	vadd.f32 $0.0e+00, v3;
	v32 =	vmul.f32 v16, v15;
	v33 =	vmul.f32 v18, v17;
	v18 =	vld.idx.msk [tilespmem:v34+s26+$0x0], $0xffff  }
0x5c4: {  	v21 =	vmul.f32 v22, v21;
	v22 =	vmul.f32 v24, v23;
	v4 =	vadd.f32 v9, v4  }
0x5c5: {  	v23 =	vmul.f32 v26, v25;
	v5 =	vadd.f32 v30, v5;
	v3 =	vadd.f32 v32, v3  }
0x5c6: {  	v4 =	vadd.f32 v20, v4;
	v24 =	vmul.f32 v28, v27;
	v6 =	vadd.f32 v33, v6  }
0x5c7: {  	v7 =	vmul.f32 v7, v29;
	v5 =	vadd.f32 v21, v5;
	v3 =	vadd.f32 v22, v3  }
0x5c8: {  	v8 =	vmul.f32 v10, v8;
	v6 =	vadd.f32 v23, v6;
	v25 =	vmul.f32 v18, v31  }
0x5c9: {  	v4 =	vadd.f32 v24, v4;
	v5 =	vadd.f32 v7, v5  }
0x5ca: {  	v3 =	vadd.f32 v8, v3;
	v6 =	vadd.f32 v25, v6;
	_ =	sdelay $0x1  }
0x5cb: {  	v4 =	vadd.f32 v5, v4;
	v3 =	vadd.f32 v6, v3;
	_ =	sdelay $0x1  }
0x5cc: {  	v3 =	vadd.f32 v3, v4;
	_ =	sdelay $0x1  }
0x5cd: {  	v3 =	vmul.f32 $2.500000000e-01, v3;
	_ =	sdelay $0x1  }
0x5ce: {  	v3 =	vmax.f32 v3, $-5.000000000e+00  }
0x5cf: {  	v3 =	vmin.f32 v3, $5.000000000e+00  }
0x5d0: {  	v3 =	vmul.f32 $1.442695020e+00, v3;
	_ =	sdelay $0x1  }
0x5d1: {  	(erf) = vpow2.f32 v3;
	_ =	sdelay $0x2  }
0x5d2: {  	v15 =	vld [tilespmem:$0x1FDD0]  }
0x5d3: {  	v16 =	vld [tilespmem:$0x1FE00]  }
0x5d4: {  	v26 =	vor.u32 $0x60, v58;
	v17 =	vld [tilespmem:$0x1FE60];
	v3 =	vadd.s32 $0x42, v2  }
0x5d5: {  	v18 =	vld [tilespmem:$0x1FEC0];
	v4 =	vor.u32 v26, v1;
	_ =	sdelay $0x2  }
0x5d6: {  	v5 =	vpop (erf)  }
0x5d7: {  	v19 =	vld [tilespmem:$0x1FF00];
	[tilespmem:v3+s15+$0x0] =	vst.idx.msk $0xffff, v5  }
0x5d8: {  	v6 =	vsel vm0, v17, v16;
	v3 =	vld.idx.msk [tilespmem:v4+s25+$0x0], $0xffff;
	v4 =	vsel vm0, v18, v15  }
0x5d9: {  	v23 =	vld [tilespmem:$0x1FFB0];
	v27 =	vcombine.low v6, v4  }
0x5da: {  	v28 =	vadd.s32 v54, v2;
	v25 =	vld [tilespmem:$0x1FFC0]  }
0x5db: {  	v7 =	vor.u32 v27, v1;
	v27 =	vld [tilespmem:$0x1FFF0];
	_ =	sdelay $0x1  }
0x5dc: {  	v3 =	vmul.f32 v5, v3;
	_ =	sdelay $0x1  }
0x5dd: {  	[tilespmem:v28+s15+$0x0] =	vst.idx.msk $0xffff, v3  }
0x5de: {  	v3 =	vld.idx.msk [tilespmem:v7+s25+$0x0], $0xffff;
	v7 =	vsel vm0, v25, v19;
	v8 =	vsel vm0, v23, v27  }
0x5df: {  	v32 =	vld [tilespmem:$0x1FFD0];
	v29 =	vcombine.low v8, v7  }
0x5e0: {  	v30 =	vadd.s32 v38, v2;
	v33 =	vld [tilespmem:$0x1FF80]  }
0x5e1: {  	v31 =	vld [tilespmem:$0x1FF50];
	v9 =	vor.u32 v29, v1;
	_ =	sdelay $0x1  }
0x5e2: {  	v3 =	vmul.f32 v5, v3;
	_ =	sdelay $0x1  }
0x5e3: {  	[tilespmem:v30+s15+$0x0] =	vst.idx.msk $0xffff, v3  }
0x5e4: {  	v10 =	vsel vm0, v41, v33;
	v3 =	vld.idx.msk [tilespmem:v9+s25+$0x0], $0xffff;
	v9 =	vsel vm0, v31, v32  }
0x5e5: {  	v34 =	vcombine.low v10, v9  }
0x5e6: {  	v38 =	vadd.s32 v40, v2;
	v21 =	vld [tilespmem:$0x1FE40]  }
0x5e7: {  	v22 =	vld [tilespmem:$0x1FE90];
	v11 =	vor.u32 v34, v1;
	_ =	sdelay $0x1  }
0x5e8: {  	v3 =	vmul.f32 v5, v3;
	_ =	sdelay $0x1  }
0x5e9: {  	[tilespmem:v38+s15+$0x0] =	vst.idx.msk $0xffff, v3  }
0x5ea: {  	v12 =	vsel vm0, v21, v48;
	v3 =	vld.idx.msk [tilespmem:v11+s25+$0x0], $0xffff;
	v11 =	vsel vm0, v35, v22  }
0x5eb: {  	v40 =	vcombine.low v12, v11  }
0x5ec: {  	v42 =	vadd.s32 v42, v2  }
0x5ed: {  	v13 =	vor.u32 v40, v1;
	_ =	sdelay $0x1  }
0x5ee: {  	v3 =	vmul.f32 v5, v3;
	_ =	sdelay $0x1  }
0x5ef: {  	[tilespmem:v42+s15+$0x0] =	vst.idx.msk $0xffff, v3  }
0x5f0: {  	v14 =	vsel vm0, v15, v17;
	v3 =	vld.idx.msk [tilespmem:v13+s25+$0x0], $0xffff;
	v13 =	vsel vm0, v16, v18  }
0x5f1: {  	v15 =	vcombine.low v14, v13  }
0x5f2: {  	v44 =	vadd.s32 v44, v2  }
0x5f3: {  	v15 =	vor.u32 v15, v1;
	_ =	sdelay $0x1  }
0x5f4: {  	v3 =	vmul.f32 v3, v5;
	_ =	sdelay $0x1  }
0x5f5: {  	[tilespmem:v44+s15+$0x0] =	vst.idx.msk $0xffff, v3  }
0x5f6: {  	v28 =	vsel vm0, v19, v23;
	v27 =	vsel vm0, v27, v25;
	v3 =	vld.idx.msk [tilespmem:v15+s25+$0x0], $0xffff  }
0x5f7: {  	v29 =	vcombine.low v28, v27  }
0x5f8: {  	v30 =	vadd.s32 v46, v2  }
0x5f9: {  	v17 =	vor.u32 v29, v1;
	_ =	sdelay $0x1  }
0x5fa: {  	v3 =	vmul.f32 v3, v5;
	_ =	sdelay $0x1  }
0x5fb: {  	[tilespmem:v30+s15+$0x0] =	vst.idx.msk $0xffff, v3  }
0x5fc: {  	v31 =	vsel vm0, v33, v31;
	v32 =	vsel vm0, v32, v41;
	v3 =	vld.idx.msk [tilespmem:v17+s25+$0x0], $0xffff  }
0x5fd: {  	v33 =	vcombine.low v32, v31  }
0x5fe: {  	v34 =	vadd.s32 v47, v2  }
0x5ff: {  	v19 =	vor.u32 v33, v1;
	_ =	sdelay $0x1  }
0x600: {  	v3 =	vmul.f32 v3, v5;
	_ =	sdelay $0x1  }
0x601: {  	[tilespmem:v34+s15+$0x0] =	vst.idx.msk $0xffff, v3  }
0x602: {  	v38 =	vsel vm0, v48, v35;
	v40 =	vsel vm0, v22, v21;
	v3 =	vld.idx.msk [tilespmem:v19+s25+$0x0], $0xffff  }
0x603: {  	v19 =	vcombine.low v40, v38  }
0x604: {  	v42 =	vadd.s32 v49, v2  }
0x605: {  	v19 =	vor.u32 v19, v1;
	_ =	sdelay $0x1  }
0x606: {  	v3 =	vmul.f32 v3, v5;
	_ =	sdelay $0x1  }
0x607: {  	[tilespmem:v42+s15+$0x0] =	vst.idx.msk $0xffff, v3  }
0x608: {  	v3 =	vld.idx.msk [tilespmem:v19+s25+$0x0], $0xffff  }
0x609: {  	v4 =	vcombine.low v4, v6  }
0x60a: {  	v44 =	vadd.s32 v52, v2  }
0x60b: {  	v4 =	vor.u32 v4, v1;
	_ =	sdelay $0x1  }
0x60c: {  	v3 =	vmul.f32 v3, v5;
	_ =	sdelay $0x1  }
0x60d: {  	[tilespmem:v44+s15+$0x0] =	vst.idx.msk $0xffff, v3  }
0x60e: {  	v3 =	vld.idx.msk [tilespmem:v4+s25+$0x0], $0xffff  }
0x60f: {  	v46 =	vcombine.low v7, v8  }
0x610: {  	v47 =	vadd.s32 v53, v2  }
0x611: {  	v4 =	vor.u32 v46, v1;
	_ =	sdelay $0x1  }
0x612: {  	v3 =	vmul.f32 v3, v5;
	_ =	sdelay $0x1  }
0x613: {  	[tilespmem:v47+s15+$0x0] =	vst.idx.msk $0xffff, v3  }
0x614: {  	v3 =	vld.idx.msk [tilespmem:v4+s25+$0x0], $0xffff  }
0x615: {  	v49 =	vcombine.low v9, v10  }
0x616: {  	v52 =	vadd.s32 v56, v2  }
0x617: {  	v4 =	vor.u32 v49, v1;
	_ =	sdelay $0x1  }
0x618: {  	v3 =	vmul.f32 v3, v5;
	_ =	sdelay $0x1  }
0x619: {  	[tilespmem:v52+s15+$0x0] =	vst.idx.msk $0xffff, v3  }
0x61a: {  	v3 =	vld.idx.msk [tilespmem:v4+s25+$0x0], $0xffff  }
0x61b: {  	v53 =	vcombine.low v11, v12  }
0x61c: {  	v56 =	vadd.s32 v57, v2  }
0x61d: {  	v4 =	vor.u32 v53, v1;
	_ =	sdelay $0x1  }
0x61e: {  	v3 =	vmul.f32 v3, v5;
	_ =	sdelay $0x1  }
0x61f: {  	[tilespmem:v56+s15+$0x0] =	vst.idx.msk $0xffff, v3  }
0x620: {  	v3 =	vld.idx.msk [tilespmem:v4+s25+$0x0], $0xffff  }
0x621: {  	v57 =	vcombine.low v13, v14  }
0x622: {  	v59 =	vadd.s32 v59, v2  }
0x623: {  	v4 =	vor.u32 v57, v1;
	_ =	sdelay $0x1  }
0x624: {  	v3 =	vmul.f32 v3, v5  }
0x625: {  	v20 =	vld [tilespmem:$0x1FBD0]  }
0x626: {  	v24 =	vld [tilespmem:$0x1FC10];
	[tilespmem:v59+s15+$0x0] =	vst.idx.msk $0xffff, v3  }
0x627: {  	v3 =	vld.idx.msk [tilespmem:v4+s25+$0x0], $0xffff  }
0x628: {  	v26 =	vld [tilespmem:$0x1FC30];
	v9 =	vcombine.low v27, v28  }
0x629: {  	v12 =	vadd.s32 v55, v2;
	v55 =	vld [tilespmem:$0x1FC60];
	v10 =	vadd.s32 v62, v2  }
0x62a: {  	v11 =	vcombine.low v31, v32;
	v32 =	vld [tilespmem:$0x1FC90];
	v4 =	vor.u32 v9, v1  }
0x62b: {  	v22 =	vld [tilespmem:$0x1FBF0]  }
0x62c: {  	v28 =	vld [tilespmem:$0x1FC50];
	v3 =	vmul.f32 v3, v5  }
0x62d: {  	v18 =	vld [tilespmem:$0x1FBB0]  }
0x62e: {  	v13 =	vadd.s32 v37, v2;
	v37 =	vld [tilespmem:$0x1FC00];
	[tilespmem:v10+s15+$0x0] =	vst.idx.msk $0xffff, v3  }
0x62f: {  	v3 =	vld.idx.msk [tilespmem:v4+s25+$0x0], $0xffff  }
0x630: {  	v15 =	vld [tilespmem:$0x1FB70]  }
0x631: {  	v30 =	vld [tilespmem:$0x1FC70]  }
0x632: {  	v17 =	vld [tilespmem:$0x1FB90];
	v4 =	vor.u32 v11, v1  }
0x633: {  	v34 =	vld [tilespmem:$0x1FC20]  }
0x634: {  	v38 =	vld [tilespmem:$0x1FCB0];
	v3 =	vmul.f32 v3, v5  }
0x635: {  	v42 =	vld [tilespmem:$0x1FC80]  }
0x636: {  	v47 =	vld [tilespmem:$0x1FB80];
	[tilespmem:v12+s15+$0x0] =	vst.idx.msk $0xffff, v3  }
0x637: {  	v3 =	vld.idx.msk [tilespmem:v4+s25+$0x0], $0xffff  }
0x638: {  	v44 =	vld [tilespmem:$0x1FCD0]  }
0x639: {  	v46 =	vld [tilespmem:$0x1FC40]  }
0x63a: {  	v14 =	vor.u32 v61, v1;
	v56 =	vld [tilespmem:$0x1FBC0]  }
0x63b: {  	v7 =	vor.u32 v15, v1;
	v49 =	vld [tilespmem:$0x1FCA0]  }
0x63c: {  	v16 =	vor.u32 v47, v1;
	v52 =	vld [tilespmem:$0x1FBE0];
	v3 =	vmul.f32 v3, v5  }
0x63d: {  	v8 =	vor.u32 v17, v1;
	v53 =	vld [tilespmem:$0x1FBA0]  }
0x63e: {  	v6 =	vor.u32 v18, v1;
	v59 =	vld [tilespmem:$0x1FCF0];
	[tilespmem:v13+s15+$0x0] =	vst.idx.msk $0xffff, v3  }
0x63f: {  	v19 =	vor.u32 v56, v1;
	v4 =	vld.idx.msk [tilespmem:v14+s25+$0x0], $0xffff  }
0x640: {  	v10 =	vor.u32 v20, v1;
	v7 =	vld.idx.msk [tilespmem:v7+s26+$0x0], $0xffff  }
0x641: {  	v21 =	vor.u32 v52, v1;
	v5 =	vld.idx.msk [tilespmem:v16+s25+$0x0], $0xffff  }
0x642: {  	v12 =	vor.u32 v22, v1;
	v8 =	vld.idx.msk [tilespmem:v8+s26+$0x0], $0xffff  }
0x643: {  	v23 =	vor.u32 v37, v1;
	v6 =	vld.idx.msk [tilespmem:v6+s26+$0x0], $0xffff  }
0x644: {  	v25 =	vor.u32 v34, v1;
	v9 =	vld.idx.msk [tilespmem:v19+s25+$0x0], $0xffff  }
0x645: {  	v27 =	vor.u32 v46, v1;
	v10 =	vld.idx.msk [tilespmem:v10+s26+$0x0], $0xffff  }
0x646: {  	v18 =	vor.u32 v28, v1;
	v11 =	vld.idx.msk [tilespmem:v21+s25+$0x0], $0xffff  }
0x647: {  	v29 =	vor.u32 v55, v1;
	v12 =	vld.idx.msk [tilespmem:v12+s26+$0x0], $0xffff  }
0x648: {  	v20 =	vor.u32 v30, v1;
	v13 =	vld.idx.msk [tilespmem:v23+s25+$0x0], $0xffff  }
0x649: {  	v31 =	vor.u32 v42, v1;
	v15 =	vld.idx.msk [tilespmem:v25+s25+$0x0], $0xffff  }
0x64a: {  	v17 =	vld.idx.msk [tilespmem:v27+s25+$0x0], $0xffff  }
0x64b: {  	v22 =	vor.u32 v32, v1;
	v18 =	vld.idx.msk [tilespmem:v18+s26+$0x0], $0xffff  }
0x64c: {  	v33 =	vor.u32 v49, v1;
	v19 =	vld.idx.msk [tilespmem:v29+s25+$0x0], $0xffff  }
0x64d: {  	v40 =	vor.u32 v60, v1;
	v20 =	vld.idx.msk [tilespmem:v20+s26+$0x0], $0xffff  }
0x64e: {  	v21 =	vld.idx.msk [tilespmem:v31+s25+$0x0], $0xffff  }
0x64f: {  	v57 =	vor.u32 v63, v1;
	v16 =	vor.u32 v26, v1;
	v26 =	vor.u32 v44, v1;
	v44 =	vld [tilespmem:$0x1FD00]  }
0x650: {  	v22 =	vld.idx.msk [tilespmem:v22+s26+$0x0], $0xffff  }
0x651: {  	v23 =	vld.idx.msk [tilespmem:v33+s25+$0x0], $0xffff  }
0x652: {  	v3 =	vor.u32 v53, v1;
	v25 =	vld.idx.msk [tilespmem:v40+s25+$0x0], $0xffff  }
0x653: {  	v40 =	vld [tilespmem:$0x1FD10]  }
0x654: {  	v27 =	vld.idx.msk [tilespmem:v57+s25+$0x0], $0xffff;
	v62 =	vor.u32 v44, v1  }
0x655: {  	v57 =	vld [tilespmem:$0x1FD30]  }
0x656: {  	v14 =	vor.u32 v24, v1;
	v24 =	vor.u32 v38, v1;
	v38 =	vld [tilespmem:$0x1FD40]  }
0x657: {  	v3 =	vld.idx.msk [tilespmem:v3+s25+$0x0], $0xffff  }
0x658: {  	v30 =	vor.u32 v40, v1;
	v40 =	vld [tilespmem:$0x1FD20]  }
0x659: {  	v29 =	vld.idx.msk [tilespmem:v62+s25+$0x0], $0xffff  }
0x65a: {  	v28 =	vor.u32 v59, v1;
	v62 =	vld [tilespmem:$0x1FD50]  }
0x65b: {  	v14 =	vld.idx.msk [tilespmem:v14+s26+$0x0], $0xffff  }
0x65c: {  	v16 =	vld.idx.msk [tilespmem:v16+s26+$0x0], $0xffff;
	v32 =	vor.u32 v57, v1  }
0x65d: {  	v24 =	vld.idx.msk [tilespmem:v24+s26+$0x0], $0xffff;
	v59 =	vor.u32 v38, v1  }
0x65e: {  	v26 =	vld.idx.msk [tilespmem:v26+s26+$0x0], $0xffff;
	v31 =	vor.u32 v40, v1  }
0x65f: {  	v4 =	vmul.f32 v7, v4;
	v7 =	vld.idx.msk [tilespmem:v28+s26+$0x0], $0xffff;
	v33 =	vor.u32 v62, v1  }
0x660: {  	v11 =	vmul.f32 v12, v11;
	v12 =	vld.idx.msk [tilespmem:v30+s26+$0x0], $0xffff  }
0x661: {  	v5 =	vmul.f32 v8, v5;
	v4 =	vadd.f32 $0.0e+00, v4;
	v30 =	vmul.f32 v10, v9;
	v9 =	vld.idx.msk [tilespmem:v32+s26+$0x0], $0xffff  }
0x662: {  	v20 =	vmul.f32 v20, v19;
	v3 =	vmul.f32 v6, v3;
	v57 =	vld.idx.msk [tilespmem:v59+s25+$0x0], $0xffff  }
0x663: {  	v28 =	vmul.f32 v22, v21;
	v5 =	vadd.f32 $0.0e+00, v5;
	v4 =	vadd.f32 v11, v4;
	v8 =	vld.idx.msk [tilespmem:v31+s25+$0x0], $0xffff  }
0x664: {  	v32 =	vmul.f32 v16, v15;
	v3 =	vadd.f32 $0.0e+00, v3;
	v31 =	vmul.f32 v14, v13;
	v62 =	vld.idx.msk [tilespmem:v33+s26+$0x0], $0xffff  }
0x665: {  	v59 =	vmul.f32 v18, v17;
	v7 =	vmul.f32 v7, v27;
	v6 =	vadd.f32 $0.0e+00, v30  }
0x666: {  	v30 =	vmul.f32 v24, v23;
	v3 =	vadd.f32 v32, v3;
	v5 =	vadd.f32 v31, v5  }
0x667: {  	v4 =	vadd.f32 v20, v4;
	v6 =	vadd.f32 v59, v6;
	v31 =	vmul.f32 v26, v25  }
0x668: {  	v3 =	vadd.f32 v30, v3;
	v32 =	vmul.f32 v12, v29;
	v5 =	vadd.f32 v28, v5  }
0x669: {  	v6 =	vadd.f32 v31, v6;
	v8 =	vmul.f32 v9, v8;
	v33 =	vmul.f32 v62, v57  }
0x66a: {  	v4 =	vadd.f32 v7, v4;
	v5 =	vadd.f32 v32, v5  }
0x66b: {  	v3 =	vadd.f32 v8, v3;
	v6 =	vadd.f32 v33, v6;
	_ =	sdelay $0x1  }
0x66c: {  	v4 =	vadd.f32 v5, v4;
	v3 =	vadd.f32 v6, v3;
	_ =	sdelay $0x1  }
0x66d: {  	v3 =	vadd.f32 v3, v4;
	_ =	sdelay $0x1  }
0x66e: {  	v3 =	vmul.f32 $2.500000000e-01, v3;
	_ =	sdelay $0x1  }
0x66f: {  	v3 =	vmax.f32 v3, $-5.000000000e+00  }
0x670: {  	v3 =	vmin.f32 v3, $5.000000000e+00  }
0x671: {  	v3 =	vmul.f32 $1.442695020e+00, v3;
	_ =	sdelay $0x1  }
0x672: {  	(erf) = vpow2.f32 v3;
	_ =	sdelay $0x4  }
0x673: {  	v57 =	vor.u32 $0x70, v58;
	v3 =	vadd.s32 $0x43, v2  }
0x674: {  	v24 =	vld [tilespmem:$0x1FF60];
	v4 =	vor.u32 v57, v1  }
0x675: {  	v59 =	vld [tilespmem:$0x1FEA0]  }
0x676: {  	v25 =	vld [tilespmem:$0x1FF70]  }
0x677: {  	v62 =	vld [tilespmem:$0x1FF10];
	v5 =	vpop (erf)  }
0x678: {  	[tilespmem:v3+s15+$0x0] =	vst.idx.msk $0xffff, v5  }
0x679: {  	v3 =	vld.idx.msk [tilespmem:v4+s25+$0x0], $0xffff;
	_ =	sdelay $0x1  }
0x67a: {  	v23 =	vadd.s32 v61, v2  }
0x67b: {  	v6 =	vsel vm0, v62, v59;
	v4 =	vsel vm0, v24, v25  }
0x67c: {  	v27 =	vld [tilespmem:$0x1FEB0];
	v22 =	vcombine.low v6, v4  }
0x67d: {  	v26 =	vld [tilespmem:$0x1FDA0];
	v3 =	vmul.f32 v5, v3  }
0x67e: {  	v7 =	vor.u32 v22, v1;
	v22 =	vld [tilespmem:$0x1FF20]  }
0x67f: {  	[tilespmem:v23+s15+$0x0] =	vst.idx.msk $0xffff, v3;
	v23 =	vld [tilespmem:$0x1FF30];
	_ =	sdelay $0x4  }
0x680: {  	v8 =	vsel vm0, v27, v26;
	v3 =	vld.idx.msk [tilespmem:v7+s25+$0x0], $0xffff;
	v7 =	vsel vm0, v23, v22  }
0x681: {  	v28 =	vcombine.low v8, v7  }
0x682: {  	v29 =	vadd.s32 v47, v2;
	v30 =	vld [tilespmem:$0x1FED0]  }
0x683: {  	v31 =	vld [tilespmem:$0x1FEE0];
	v9 =	vor.u32 v28, v1;
	_ =	sdelay $0x1  }
0x684: {  	v3 =	vmul.f32 v5, v3;
	_ =	sdelay $0x1  }
0x685: {  	[tilespmem:v29+s15+$0x0] =	vst.idx.msk $0xffff, v3  }
0x686: {  	v10 =	vsel vm0, v50, v39;
	v3 =	vld.idx.msk [tilespmem:v9+s25+$0x0], $0xffff;
	v9 =	vsel vm0, v31, v30  }
0x687: {  	v32 =	vcombine.low v10, v9  }
0x688: {  	v33 =	vadd.s32 v53, v2  }
0x689: {  	v47 =	vld [tilespmem:$0x1FE50];
	v11 =	vor.u32 v32, v1;
	_ =	sdelay $0x1  }
0x68a: {  	v3 =	vmul.f32 v5, v3;
	_ =	sdelay $0x1  }
0x68b: {  	[tilespmem:v33+s15+$0x0] =	vst.idx.msk $0xffff, v3  }
0x68c: {  	v12 =	vsel vm0, v47, v45;
	v3 =	vld.idx.msk [tilespmem:v11+s25+$0x0], $0xffff;
	v11 =	vsel vm0, v51, v43  }
0x68d: {  	v53 =	vcombine.low v12, v11  }
0x68e: {  	v57 =	vadd.s32 v56, v2  }
0x68f: {  	v13 =	vor.u32 v53, v1;
	_ =	sdelay $0x1  }
0x690: {  	v3 =	vmul.f32 v5, v3;
	_ =	sdelay $0x1  }
0x691: {  	[tilespmem:v57+s15+$0x0] =	vst.idx.msk $0xffff, v3  }
0x692: {  	v59 =	vsel vm0, v59, v24;
	v62 =	vsel vm0, v25, v62;
	v3 =	vld.idx.msk [tilespmem:v13+s25+$0x0], $0xffff  }
0x693: {  	v15 =	vcombine.low v62, v59  }
0x694: {  	v24 =	vadd.s32 v52, v2  }
0x695: {  	v15 =	vor.u32 v15, v1;
	_ =	sdelay $0x1  }
0x696: {  	v3 =	vmul.f32 v3, v5;
	_ =	sdelay $0x1  }
0x697: {  	[tilespmem:v24+s15+$0x0] =	vst.idx.msk $0xffff, v3  }
0x698: {  	v25 =	vsel vm0, v26, v23;
	v26 =	vsel vm0, v22, v27;
	v3 =	vld.idx.msk [tilespmem:v15+s25+$0x0], $0xffff  }
0x699: {  	v17 =	vcombine.low v26, v25  }
0x69a: {  	v27 =	vadd.s32 v37, v2  }
0x69b: {  	v17 =	vor.u32 v17, v1;
	_ =	sdelay $0x1  }
0x69c: {  	v3 =	vmul.f32 v3, v5;
	_ =	sdelay $0x1  }
0x69d: {  	[tilespmem:v27+s15+$0x0] =	vst.idx.msk $0xffff, v3  }
0x69e: {  	v28 =	vsel vm0, v39, v31;
	v29 =	vsel vm0, v30, v50;
	v3 =	vld.idx.msk [tilespmem:v17+s25+$0x0], $0xffff  }
0x69f: {  	v19 =	vcombine.low v29, v28  }
0x6a0: {  	v30 =	vadd.s32 v34, v2  }
0x6a1: {  	v19 =	vor.u32 v19, v1;
	_ =	sdelay $0x1  }
0x6a2: {  	v3 =	vmul.f32 v3, v5;
	_ =	sdelay $0x1  }
0x6a3: {  	[tilespmem:v30+s15+$0x0] =	vst.idx.msk $0xffff, v3  }
0x6a4: {  	v31 =	vsel vm0, v45, v51;
	v32 =	vsel vm0, v43, v47;
	v3 =	vld.idx.msk [tilespmem:v19+s25+$0x0], $0xffff  }
0x6a5: {  	v19 =	vcombine.low v32, v31  }
0x6a6: {  	v33 =	vadd.s32 v46, v2  }
0x6a7: {  	v19 =	vor.u32 v19, v1;
	_ =	sdelay $0x1  }
0x6a8: {  	v3 =	vmul.f32 v3, v5;
	_ =	sdelay $0x1  }
0x6a9: {  	[tilespmem:v33+s15+$0x0] =	vst.idx.msk $0xffff, v3  }
0x6aa: {  	v3 =	vld.idx.msk [tilespmem:v19+s25+$0x0], $0xffff  }
0x6ab: {  	v4 =	vcombine.low v4, v6  }
0x6ac: {  	v34 =	vadd.s32 v55, v2  }
0x6ad: {  	v4 =	vor.u32 v4, v1;
	_ =	sdelay $0x1  }
0x6ae: {  	v3 =	vmul.f32 v3, v5;
	_ =	sdelay $0x1  }
0x6af: {  	[tilespmem:v34+s15+$0x0] =	vst.idx.msk $0xffff, v3  }
0x6b0: {  	v3 =	vld.idx.msk [tilespmem:v4+s25+$0x0], $0xffff  }
0x6b1: {  	v37 =	vcombine.low v7, v8  }
0x6b2: {  	v42 =	vadd.s32 v42, v2  }
0x6b3: {  	v4 =	vor.u32 v37, v1;
	_ =	sdelay $0x1  }
0x6b4: {  	v3 =	vmul.f32 v3, v5;
	_ =	sdelay $0x1  }
0x6b5: {  	[tilespmem:v42+s15+$0x0] =	vst.idx.msk $0xffff, v3  }
0x6b6: {  	v3 =	vld.idx.msk [tilespmem:v4+s25+$0x0], $0xffff  }
0x6b7: {  	v46 =	vcombine.low v9, v10  }
0x6b8: {  	v47 =	vadd.s32 v49, v2  }
0x6b9: {  	v4 =	vor.u32 v46, v1;
	_ =	sdelay $0x1  }
0x6ba: {  	v3 =	vmul.f32 v3, v5;
	_ =	sdelay $0x1  }
0x6bb: {  	[tilespmem:v47+s15+$0x0] =	vst.idx.msk $0xffff, v3  }
0x6bc: {  	v3 =	vld.idx.msk [tilespmem:v4+s25+$0x0], $0xffff  }
0x6bd: {  	v49 =	vcombine.low v11, v12  }
0x6be: {  	v52 =	vadd.s32 v60, v2  }
0x6bf: {  	v4 =	vor.u32 v49, v1;
	_ =	sdelay $0x1  }
0x6c0: {  	v3 =	vmul.f32 v3, v5;
	_ =	sdelay $0x1  }
0x6c1: {  	[tilespmem:v52+s15+$0x0] =	vst.idx.msk $0xffff, v3  }
0x6c2: {  	v3 =	vld.idx.msk [tilespmem:v4+s25+$0x0], $0xffff  }
0x6c3: {  	v53 =	vcombine.low v59, v62  }
0x6c4: {  	v55 =	vadd.s32 v63, v2  }
0x6c5: {  	v4 =	vor.u32 v53, v1;
	_ =	sdelay $0x1  }
0x6c6: {  	v3 =	vmul.f32 v3, v5;
	_ =	sdelay $0x1  }
0x6c7: {  	[tilespmem:v55+s15+$0x0] =	vst.idx.msk $0xffff, v3  }
0x6c8: {  	v3 =	vld.idx.msk [tilespmem:v4+s25+$0x0], $0xffff  }
0x6c9: {  	v56 =	vcombine.low v25, v26  }
0x6ca: {  	v57 =	vadd.s32 v44, v2  }
0x6cb: {  	v4 =	vor.u32 v56, v1;
	_ =	sdelay $0x1  }
0x6cc: {  	v3 =	vmul.f32 v3, v5;
	_ =	sdelay $0x1  }
0x6cd: {  	[tilespmem:v57+s15+$0x0] =	vst.idx.msk $0xffff, v3  }
0x6ce: {  	v3 =	vld.idx.msk [tilespmem:v4+s25+$0x0], $0xffff  }
0x6cf: {  	v59 =	vcombine.low v28, v29  }
0x6d0: {  	v62 =	vadd.s32 v40, v2  }
0x6d1: {  	v1 =	vor.u32 v59, v1;
	_ =	sdelay $0x1  }
0x6d2: {  	v3 =	vmul.f32 v3, v5;
	_ =	sdelay $0x1  }
0x6d3: {  	[tilespmem:v62+s15+$0x0] =	vst.idx.msk $0xffff, v3  }
0x6d4: {  	v1 =	vld.idx.msk [tilespmem:v1+s25+$0x0], $0xffff;
	_ =	sdelay $0x1  }
0x6d5: {  	p1 =	seq.s32 s1, $0x30;
	v2 =	vadd.s32 v38, v2  }
.Ltmp10:
0x6d6: {  	_ = 	snop;
	(pc) =	sbr.rel @!p1 .LBB2_14-.Ltmp10, $3  }
0x6d7: {  	_ = 	snop  }
0x6d8: {  	v1 =	vmul.f32 v1, v5;
	_ =	sdelay $0x1  }
0x6d9: {  	s1 =	sadd.s32 $0x10, s1;
	[tilespmem:v2+s15+$0x0] =	vst.idx.msk $0xffff, v1  }
0x6da: {  	s1 =	sshll.u32 s31, $0x7  }
0x6db: {  	s1 =	sand.u32 $0x3FFFFF80, s1  }
0x6dc: {  	v1 =	vld [tilespmem:s1+$0x5040];
	_ =	sdelay $0x4  }
0x6dd: {  	[tilespmem:$0xA000] =	vst v1  }
0x6de: {  	v1 =	vld [tilespmem:s1+$0x5050];
	_ =	sdelay $0x4  }
0x6df: {  	[tilespmem:$0xA010] =	vst v1  }
0x6e0: {  	v1 =	vld [tilespmem:s1+$0x5060];
	_ =	sdelay $0x4  }
0x6e1: {  	[tilespmem:$0xA020] =	vst v1  }
0x6e2: {  	v1 =	vld [tilespmem:s1+$0x5070];
	_ =	sdelay $0x4  }
0x6e3: {  	[tilespmem:$0xA030] =	vst v1  }
0x6e4: {  	[spmem:s3] =	stream.indirect.scatter.add.f32 [tilespmem:s15], [sflag:$0x5], $0x48, s21, s16, $0xb8;
	[tilespmem:$0x1E208] =	vst v63  }
0x6e5: {  	_ =	swait.ge [sflag:s13], $0x1200  }
.Ltmp11:
0x6e6: {  	v9 =	vmov v35;
	v35 =	vld [tilespmem:$0x1FDA0];
	(pc) =	sbr.rel .LBB2_16-.Ltmp11, $4  }
0x6e7: {  	v49 =	vld [tilespmem:$0x1FEB0]  }
0x6e8: {  	v56 =	vld [tilespmem:$0x1FED0]  }
0x6e9: {  	[sflag:s13] =	ssyncset.done $0x0;
	v21 =	vld [tilespmem:$0x1FEE0]  }
0x6ea: {  	v37 =	vmovc v41;
	v59 =	vmov v48;
	v47 =	vmov v39;
	v36 =	vmov v43;
	v42 =	vld [tilespmem:$0x1FE50];
	[sflag:s13] =	ssyncadd.s32 $0xFFFFEE00  }
.LBB2_17:
.Ltmp12:
0x6eb: {  	(pc) =	sbr.rel @p0 .LBB2_21-.Ltmp12, $3  }
0x6ec: {  	_ =	sdelay $0x1  }
0x6ed: {  	[bflag:$0x0] =	sbarrier.arrive $0xFFFF  }
0x6ee: {  	s2 =	simm.s32 $0x0  }
0x6ef: {  	s1 =	stileid.u32  }
0x6f0: {  	s1 =	sshll.u32 s1, $0x6  }
0x6f1: {  	s4 =	sadd.s32 s2, s12;
	s7 =	sshrl.u32 s11, $0x3;
	s1 =	sor.u32 $0x1C05, s1  }
0x6f2: {  	[hbm:s4@s28], [sflag:s1] =	dma.strided [spmem:s7@s29], $0x168, s19, $0x9   }
0x6f3: {  	s2 =	sadd.s32 $0x280, s2;
	s31 =	sadd.s32 $0xB40, s11;
	_ =	swait.ge [sflag:s13], $0x168  }
.LBB2_19:
0x6f4: {  	s4 =	sadd.s32 s2, s12;
	[sflag:s13] =	ssyncset.done $0x0;
	p1 =	sne.s32 s2, $0x3C00  }
.Ltmp13:
0x6f5: {  	s7 =	sshrl.u32 s31, $0x3;
	[sflag:s13] =	ssyncadd.s32 $0xFFFFFE98;
	(pc) =	sbr.rel @p1 .LBB2_19-.Ltmp13, $3  }
0x6f6: {  	[hbm:s4@s28], [sflag:s1] =	dma.strided [spmem:s7@s29], $0x168, s19, $0x9   }
0x6f7: {  	s2 =	sadd.s32 $0x280, s2;
	_ =	sdelay $0x1  }
0x6f8: {  	s31 =	sadd.s32 $0xB40, s31;
	_ =	swait.ge [sflag:s13], $0x168  }
.Ltmp14:
0x6f9: {  	_ = 	snop;
	(pc) =	sbr.rel .LBB2_20-.Ltmp14, $1  }
0x6fa: {  	_ =	sdelay $0x3  }
.LBB2_22:
0x6fb: {  	_ =	sfence.sel $0x180000  }
0x6fc: {  	[bflag:$0x0] =	sbarrier.arrive $0xFFFF  }
0x6fd: {  	_ =	strace $0x9000004D  }
0x6fe: {  	s0 =	stileid.u32;
	[bflag:$0x2] =	sbarrier.arrive $0xFFFF  }
0x6ff: {  	p0 =	sne.s32 s0, $0x0;
	s0 =	rddreg [dreg:$0x3]  }
0x700: {  	s0 =	sadd.s32 @!p0 $0x100000, s0  }
0x701: {  	[sflag:s0] =	ssyncadd.tile.s32 @!p0 $0x1;
	_ =	shalt  }
.Lfunc_end2:
_tile_overlayer_lowered:
.L_overlay_start_2:
0x702: {  	(tag) =	ssettag $0x2  }
0x703: {  	s0 =	rddreg [dreg:$0x0];
	s2 =	stileid.u32  }
0x704: {  	s1 =	rddreg [dreg:$0x1];
	p0 =	sne.s32 s2, $0x0  }
0x705: {  	s3 =	rddreg [dreg:$0x2];
	[bflag:$0x3] =	sbarrier.arrive $0xFFFF;
	s2 =	simm.s32 @!p0 $0x1C05  }
0x706: {  	[timem:s3], [sflag:s2] =	dma.local @!p0 [hbm:s0], s1  }
0x707: {  	s0 =	simm.s32 @!p0 $0x5  }
0x708: {  	_ =	swait.ge @!p0 [sflag:s0], s1  }
0x709: {  	s1 =	ssub.s32 @!p0 $0x0, s1;
	[sflag:s0] =	ssyncset.done @!p0 $0x0  }
0x70a: {  	[sflag:s0] =	ssyncadd.s32 @!p0 s1  }
0x70b: {  	[bflag:$0x3] =	sbarrier.arrive $0xFFFF  }
0x70c: {  	_ =	shalt  }

</sc_bundles>
